<compile_context>
chip_gen: v7x
topology: tpu7x:2x2x1
jax: 0.10.2.dev20260603
libtpu: 0.0.44.dev20260713+nightly
codegen_flags: <defaults>
</compile_context>

<pallas_src>
import functools

import jax
import jax.numpy as jnp
from jax import lax
from jax.experimental import pallas as pl
from jax.experimental.pallas import tpu as pltpu
from jax.experimental.pallas import tpu_sc as plsc

VOCAB = 1000000
D = 64
NW = 32
CHUNK = 128
NBUF = 4
LA = 3
PCHUNK = 128
PROWS_LO = 31256
PROWS_HI = VOCAB - 31 * PROWS_LO
PFULL_LO = PROWS_LO // PCHUNK
PFULL_HI = PROWS_HI // PCHUNK
PTAIL_LO = PROWS_LO - PFULL_LO * PCHUNK
PTAIL_HI = PROWS_HI - PFULL_HI * PCHUNK

_mesh = plsc.VectorSubcoreMesh(core_axis_name="c", subcore_axis_name="s")


def _copy_rows(src, dst, n):
    assert n % 8 == 0

    def body(i, _):
        r0 = i * 8
        for r in range(8):
            for k in range(4):
                dst[r0 + r, pl.ds(16 * k, 16)] = src[r0 + r, pl.ds(16 * k, 16)]
        return 0

    lax.fori_loop(0, n // 8, body, 0)


@functools.partial(
    pl.kernel,
    mesh=_mesh,
    out_type=jax.ShapeDtypeStruct((VOCAB, 2 * D), jnp.float32),
    scratch_types=[
        pltpu.VMEM((3, PCHUNK, D), jnp.float32),
        pltpu.VMEM((2, PCHUNK, 2 * D), jnp.float32),
        pltpu.SemaphoreType.DMA((3,)),
        pltpu.SemaphoreType.DMA((2,)),
    ],
    compiler_params=pltpu.CompilerParams(use_tc_tiling_on_sc=True),
)
def _padcopy(tab_hbm, tp_hbm, rbuf, wbuf, rsem, wsem):
    wid = lax.axis_index("s") * 2 + lax.axis_index("c")
    base = jnp.where(wid < 31, wid * PROWS_LO, 31 * PROWS_LO)
    nfull = jnp.where(wid < 31, PFULL_LO, PFULL_HI)

    def rd(j, b):
        pltpu.async_copy(
            tab_hbm.at[pl.ds(base + j * PCHUNK, PCHUNK), :], rbuf.at[b], rsem.at[b]
        )

    rd(0, 0)
    rd(1, 1)
    rd(2, 2)

    def step(j, _):
        b = lax.rem(j, 3)
        w = lax.rem(j, 2)
        pltpu.make_async_copy(
            tab_hbm.at[pl.ds(base + j * PCHUNK, PCHUNK), :], rbuf.at[b], rsem.at[b]
        ).wait()

        @pl.when(j >= 2)
        def _():
            pltpu.make_async_copy(
                wbuf.at[w], tp_hbm.at[pl.ds(base, PCHUNK), :], wsem.at[w]
            ).wait()

        _copy_rows(rbuf.at[b], wbuf.at[w], PCHUNK)

        @pl.when(j + 3 < nfull)
        def _():
            rd(j + 3, b)

        pltpu.async_copy(
            wbuf.at[w], tp_hbm.at[pl.ds(base + j * PCHUNK, PCHUNK), :], wsem.at[w]
        )
        return 0

    lax.fori_loop(0, nfull, step, 0)
    for k in range(2):
        w = lax.rem(nfull - 1 - k, 2)
        pltpu.make_async_copy(
            wbuf.at[w], tp_hbm.at[pl.ds(base, PCHUNK), :], wsem.at[w]
        ).wait()

    t0 = base + nfull * PCHUNK

    @pl.when(wid < 31)
    def _():
        pltpu.sync_copy(
            tab_hbm.at[pl.ds(t0, PTAIL_LO), :], rbuf.at[0, pl.ds(0, PTAIL_LO)]
        )
        _copy_rows(rbuf.at[0], wbuf.at[0], PTAIL_LO)
        pltpu.sync_copy(
            wbuf.at[0, pl.ds(0, PTAIL_LO)], tp_hbm.at[pl.ds(t0, PTAIL_LO), :]
        )

    @pl.when(wid == 31)
    def _():
        pltpu.sync_copy(
            tab_hbm.at[pl.ds(t0, PTAIL_HI), :], rbuf.at[0, pl.ds(0, PTAIL_HI)]
        )
        _copy_rows(rbuf.at[0], wbuf.at[0], PTAIL_HI)
        pltpu.sync_copy(
            wbuf.at[0, pl.ds(0, PTAIL_HI)], tp_hbm.at[pl.ds(t0, PTAIL_HI), :]
        )


def _make_gather(n_chunks):
    @functools.partial(
        pl.kernel,
        mesh=_mesh,
        out_type=jax.ShapeDtypeStruct((NW * n_chunks * CHUNK, D), jnp.float32),
        scratch_types=[
            pltpu.VMEM((n_chunks, CHUNK), jnp.int32),
            pltpu.VMEM((NBUF, CHUNK, 2 * D), jnp.float32),
            pltpu.VMEM((2, CHUNK, D), jnp.float32),
            pltpu.SemaphoreType.DMA((NBUF,)),
            pltpu.SemaphoreType.DMA((2,)),
        ],
        compiler_params=pltpu.CompilerParams(use_tc_tiling_on_sc=True),
    )
    def _gather(x_hbm, tp_hbm, out_hbm, idx_v, rows_v, cbuf, gsem, osem):
        wid = lax.axis_index("s") * 2 + lax.axis_index("c")
        base = wid * n_chunks
        pltpu.sync_copy(x_hbm.at[pl.ds(base, n_chunks), :], idx_v)

        def fire(s, b):
            pltpu.async_copy(tp_hbm.at[idx_v.at[s]], rows_v.at[b], gsem.at[b])

        for b in range(LA):
            fire(b, b)

        def outer(t, _):
            j0 = t * NBUF
            for b in range(NBUF):
                s = j0 + b
                c = b % 2
                pltpu.make_async_copy(
                    tp_hbm.at[idx_v.at[s]], rows_v.at[b], gsem.at[b]
                ).wait()

                @pl.when(s >= 2)
                def _():
                    pltpu.make_async_copy(
                        cbuf.at[c], out_hbm.at[pl.ds((base + s - 2) * CHUNK, CHUNK), :], osem.at[c]
                    ).wait()

                _copy_rows(rows_v.at[b], cbuf.at[c], CHUNK)
                pltpu.async_copy(cbuf.at[c], out_hbm.at[pl.ds((base + s) * CHUNK, CHUNK), :], osem.at[c])

                @pl.when(s + LA < n_chunks)
                def _():
                    fire(s + LA, (b + LA) % NBUF)
            return 0

        lax.fori_loop(0, n_chunks // NBUF, outer, 0)

        for s in (n_chunks - 2, n_chunks - 1):
            c = s % 2
            pltpu.make_async_copy(
                cbuf.at[c], out_hbm.at[pl.ds((base + s) * CHUNK, CHUNK), :], osem.at[c]
            ).wait()

    return _gather


@jax.jit
def _embed(x, table):
    bsz, hist = x.shape
    n_rows = bsz * hist
    n_chunks = n_rows // (NW * CHUNK)
    x2 = x.reshape(n_rows // CHUNK, CHUNK).astype(jnp.int32)
    t_pad = jnp.pad(table, ((0, 0), (0, D)))
    out = _make_gather(n_chunks)(x2, t_pad)
    return out.reshape(bsz, hist, D)


def kernel(x, table):
    return _embed(x, table)

# --- scband reference (transcript-rebuilt; emitter-appended) ---
"""Pipeline reference for scband-word-embedding-31164282700420 (READ-ONLY COPY).

The authoritative reference and input builder live on the scoring server;
editing this copy changes nothing except your own understanding.
"""

import jax, jax.numpy as jnp
import numpy as np

VOCAB = 1000000
EMB_DIM = 64
BATCH = 4096
HIST = 200
PADDING_IDX = 0


def setup_inputs(seed: int = 0) -> dict:
    key = jax.random.key(seed)
    k_tab, k_idx = jax.random.split(key)
    table = jax.random.normal(k_tab, (VOCAB, EMB_DIM), dtype=jnp.float32)
    # nn.Embedding with padding_idx zeroes that row at init
    table = table.at[PADDING_IDX].set(0.0)
    x = jax.random.randint(k_idx, (BATCH, HIST), 0, VOCAB)
    return {"x": x, "table": table}


def reference(x, table):
    # Faithful translation of nn.Embedding forward: row gather
    return jnp.take(table, x, axis=0)

if __name__ == "__main__":
    import jax
    _d = setup_inputs()
    print(jax.jit(kernel)(*tuple(_d.values())))

</pallas_src>

<mosaic_0001>
#map = affine_map<(d0, d1) -> (0, 0)>
module attributes {stable_mosaic.version = 14 : i64} {
  func.func @_gather(%arg0: i32, %arg1: i32, %arg2: memref<6400x128xi32, #tpu.memory_space<hbm>>, %arg3: memref<1000000x128xf32, #tpu.memory_space<hbm>>, %arg4: memref<819200x64xf32, #tpu.memory_space<hbm>>, %arg5: memref<200x128xi32, #tpu.memory_space<vmem>>, %arg6: memref<4x128x128xf32, #tpu.memory_space<vmem>>, %arg7: memref<2x128x64xf32, #tpu.memory_space<vmem>>, %arg8: memref<4x!tpu.dma_semaphore, #tpu.memory_space<semaphore_mem>>, %arg9: memref<2x!tpu.dma_semaphore, #tpu.memory_space<semaphore_mem>>) attributes {dimension_semantics = [#tpu.dimension_semantics<core_parallel>, #tpu.dimension_semantics<subcore_parallel>], iteration_bounds = array<i64: 2, 16>, scalar_prefetch = 0 : i64, scratch_operands = 5 : i64, tpu.core_type = #tpu.core_type<sc_vector_subcore>, window_params = [{transform_indices = #map}, {transform_indices = #map}, {transform_indices = #map}]} {
    %mul3A = arith.constant 2 : i32
    %mul3A_0 = arith.muli %arg1, %mul3A : i32
    %add3A = arith.addi %mul3A_0, %arg0 : i32
    %mul3A_1 = arith.constant 200 : i32
    %mul3A_2 = arith.muli %add3A, %mul3A_1 : i32
    "tpu.region"() ({
      %run_scoped3A = tpu.sem_alloc : memref<!tpu.dma_semaphore, #tpu.memory_space<semaphore_mem>>
      %dma_start3A_92 = arith.constant 0 : i32
      %dma_start3A_93 = tpu.memref_slice %arg2[%mul3A_2, %dma_start3A_92] : memref<6400x128xi32, #tpu.memory_space<hbm>> -> memref<200x128xi32, #tpu.memory_space<hbm>>
      %dma_start3A_94 = arith.constant 0 : i32
      %dma_start3A_95 = tpu.memref_slice %arg2[%mul3A_2, %dma_start3A_94] : memref<6400x128xi32, #tpu.memory_space<hbm>> -> memref<200x128xi32, #tpu.memory_space<hbm>>
      tpu.enqueue_dma source(%dma_start3A_95 : memref<200x128xi32, #tpu.memory_space<hbm>>) target(%arg5 : memref<200x128xi32, #tpu.memory_space<vmem>>) target_semaphore(%run_scoped3A : memref<!tpu.dma_semaphore, #tpu.memory_space<semaphore_mem>>)
      %dma_wait3A_96 = arith.constant 0 : i32
      %dma_wait3A_97 = tpu.memref_slice %arg2[%mul3A_2, %dma_wait3A_96] : memref<6400x128xi32, #tpu.memory_space<hbm>> -> memref<200x128xi32, #tpu.memory_space<hbm>>
      %dma_wait3A_98 = arith.constant 0 : i32
      %dma_wait3A_99 = tpu.memref_slice %arg2[%mul3A_2, %dma_wait3A_98] : memref<6400x128xi32, #tpu.memory_space<hbm>> -> memref<200x128xi32, #tpu.memory_space<hbm>>
      tpu.wait_dma2 semaphore(%run_scoped3A : memref<!tpu.dma_semaphore, #tpu.memory_space<semaphore_mem>>) src(%dma_wait3A_99 : memref<200x128xi32, #tpu.memory_space<hbm>>) dst(%arg5 : memref<200x128xi32, #tpu.memory_space<vmem>>)
      tpu.yield
    }) : () -> ()
    %dma_start3A = arith.constant 0 : i32
    %dma_start3A_3 = arith.constant 0 : i32
    %dma_start3A_4 = arith.constant 0 : i32
    %dma_start3A_5 = arith.constant 0 : i32
    %dma_start3A_6 = arith.constant 0 : i32
    %dma_start3A_7 = tpu.memref_slice %arg6[%dma_start3A_3, %dma_start3A_5, %dma_start3A_6] : memref<4x128x128xf32, #tpu.memory_space<vmem>> -> memref<1x128x128xf32, #tpu.memory_space<vmem>>
    %dma_start3A_8 = tpu.memref_squeeze %dma_start3A_7 : memref<1x128x128xf32, #tpu.memory_space<vmem>> -> memref<128x128xf32, #tpu.memory_space<vmem>>
    %dma_start3A_9 = arith.constant 0 : i32
    %dma_start3A_10 = tpu.memref_slice %arg5[%dma_start3A, %dma_start3A_9] : memref<200x128xi32, #tpu.memory_space<vmem>> -> memref<1x128xi32, #tpu.memory_space<vmem>>
    %dma_start3A_11 = tpu.memref_squeeze %dma_start3A_10 : memref<1x128xi32, #tpu.memory_space<vmem>> -> memref<128xi32, #tpu.memory_space<vmem>>
    %dma_start3A_12 = arith.constant 0 : i32
    %dma_start3A_13 = arith.constant 0 : i32
    %dma_start3A_14 = tpu.memref_slice %arg3[%dma_start3A_12, %dma_start3A_13] : memref<1000000x128xf32, #tpu.memory_space<hbm>> -> memref<1000000x128xf32, #tpu.memory_space<hbm>>
    %dma_start3A_15 = tpu.memref_slice %arg8[%dma_start3A_4] : memref<4x!tpu.dma_semaphore, #tpu.memory_space<semaphore_mem>> -> memref<1x!tpu.dma_semaphore, #tpu.memory_space<semaphore_mem>>
    %dma_start3A_16 = tpu.memref_squeeze %dma_start3A_15 : memref<1x!tpu.dma_semaphore, #tpu.memory_space<semaphore_mem>> -> memref<!tpu.dma_semaphore, #tpu.memory_space<semaphore_mem>>
    tpu.enqueue_indirect_dma source(%dma_start3A_14 : memref<1000000x128xf32, #tpu.memory_space<hbm>>) target(%dma_start3A_8 : memref<128x128xf32, #tpu.memory_space<vmem>>) offsets(%dma_start3A_11 : memref<128xi32, #tpu.memory_space<vmem>>) semaphore(%dma_start3A_16 : memref<!tpu.dma_semaphore, #tpu.memory_space<semaphore_mem>>)
    %dma_start3A_17 = arith.constant 1 : i32
    %dma_start3A_18 = arith.constant 1 : i32
    %dma_start3A_19 = arith.constant 1 : i32
    %dma_start3A_20 = arith.constant 0 : i32
    %dma_start3A_21 = arith.constant 0 : i32
    %dma_start3A_22 = tpu.memref_slice %arg6[%dma_start3A_18, %dma_start3A_20, %dma_start3A_21] : memref<4x128x128xf32, #tpu.memory_space<vmem>> -> memref<1x128x128xf32, #tpu.memory_space<vmem>>
    %dma_start3A_23 = tpu.memref_squeeze %dma_start3A_22 : memref<1x128x128xf32, #tpu.memory_space<vmem>> -> memref<128x128xf32, #tpu.memory_space<vmem>>
    %dma_start3A_24 = arith.constant 0 : i32
    %dma_start3A_25 = tpu.memref_slice %arg5[%dma_start3A_17, %dma_start3A_24] : memref<200x128xi32, #tpu.memory_space<vmem>> -> memref<1x128xi32, #tpu.memory_space<vmem>>
    %dma_start3A_26 = tpu.memref_squeeze %dma_start3A_25 : memref<1x128xi32, #tpu.memory_space<vmem>> -> memref<128xi32, #tpu.memory_space<vmem>>
    %dma_start3A_27 = arith.constant 0 : i32
    %dma_start3A_28 = arith.constant 0 : i32
    %dma_start3A_29 = tpu.memref_slice %arg3[%dma_start3A_27, %dma_start3A_28] : memref<1000000x128xf32, #tpu.memory_space<hbm>> -> memref<1000000x128xf32, #tpu.memory_space<hbm>>
    %dma_start3A_30 = tpu.memref_slice %arg8[%dma_start3A_19] : memref<4x!tpu.dma_semaphore, #tpu.memory_space<semaphore_mem>> -> memref<1x!tpu.dma_semaphore, #tpu.memory_space<semaphore_mem>>
    %dma_start3A_31 = tpu.memref_squeeze %dma_start3A_30 : memref<1x!tpu.dma_semaphore, #tpu.memory_space<semaphore_mem>> -> memref<!tpu.dma_semaphore, #tpu.memory_space<semaphore_mem>>
    tpu.enqueue_indirect_dma source(%dma_start3A_29 : memref<1000000x128xf32, #tpu.memory_space<hbm>>) target(%dma_start3A_23 : memref<128x128xf32, #tpu.memory_space<vmem>>) offsets(%dma_start3A_26 : memref<128xi32, #tpu.memory_space<vmem>>) semaphore(%dma_start3A_31 : memref<!tpu.dma_semaphore, #tpu.memory_space<semaphore_mem>>)
    %dma_start3A_32 = arith.constant 2 : i32
    %dma_start3A_33 = arith.constant 2 : i32
    %dma_start3A_34 = arith.constant 2 : i32
    %dma_start3A_35 = arith.constant 0 : i32
    %dma_start3A_36 = arith.constant 0 : i32
    %dma_start3A_37 = tpu.memref_slice %arg6[%dma_start3A_33, %dma_start3A_35, %dma_start3A_36] : memref<4x128x128xf32, #tpu.memory_space<vmem>> -> memref<1x128x128xf32, #tpu.memory_space<vmem>>
    %dma_start3A_38 = tpu.memref_squeeze %dma_start3A_37 : memref<1x128x128xf32, #tpu.memory_space<vmem>> -> memref<128x128xf32, #tpu.memory_space<vmem>>
    %dma_start3A_39 = arith.constant 0 : i32
    %dma_start3A_40 = tpu.memref_slice %arg5[%dma_start3A_32, %dma_start3A_39] : memref<200x128xi32, #tpu.memory_space<vmem>> -> memref<1x128xi32, #tpu.memory_space<vmem>>
    %dma_start3A_41 = tpu.memref_squeeze %dma_start3A_40 : memref<1x128xi32, #tpu.memory_space<vmem>> -> memref<128xi32, #tpu.memory_space<vmem>>
    %dma_start3A_42 = arith.constant 0 : i32
    %dma_start3A_43 = arith.constant 0 : i32
    %dma_start3A_44 = tpu.memref_slice %arg3[%dma_start3A_42, %dma_start3A_43] : memref<1000000x128xf32, #tpu.memory_space<hbm>> -> memref<1000000x128xf32, #tpu.memory_space<hbm>>
    %dma_start3A_45 = tpu.memref_slice %arg8[%dma_start3A_34] : memref<4x!tpu.dma_semaphore, #tpu.memory_space<semaphore_mem>> -> memref<1x!tpu.dma_semaphore, #tpu.memory_space<semaphore_mem>>
    %dma_start3A_46 = tpu.memref_squeeze %dma_start3A_45 : memref<1x!tpu.dma_semaphore, #tpu.memory_space<semaphore_mem>> -> memref<!tpu.dma_semaphore, #tpu.memory_space<semaphore_mem>>
    tpu.enqueue_indirect_dma source(%dma_start3A_44 : memref<1000000x128xf32, #tpu.memory_space<hbm>>) target(%dma_start3A_38 : memref<128x128xf32, #tpu.memory_space<vmem>>) offsets(%dma_start3A_41 : memref<128xi32, #tpu.memory_space<vmem>>) semaphore(%dma_start3A_46 : memref<!tpu.dma_semaphore, #tpu.memory_space<semaphore_mem>>)
    %scan3A = arith.constant 0 : i32
    %scan3A_47 = arith.constant 0 : i32
    %scan3A_48 = arith.constant 50 : i32
    %scan3A_49 = arith.addi %scan3A_47, %scan3A_48 : i32
    %scan3A_50 = arith.constant 1 : i32
    %scan3A_51 = scf.for %scan3A_92 = %scan3A_47 to %scan3A_49 step %scan3A_50 iter_args(%scan3A_93 = %scan3A) -> (i32)  : i32 {
      %mul3A_94 = arith.constant 4 : i32
      %mul3A_95 = arith.muli %scan3A_92, %mul3A_94 : i32
      %add3A_96 = arith.constant 0 : i32
      %add3A_97 = arith.addi %mul3A_95, %add3A_96 : i32
      %dma_wait3A_98 = arith.constant 0 : i32
      %dma_wait3A_99 = arith.constant 0 : i32
      %dma_wait3A_100 = arith.constant 0 : i32
      %dma_wait3A_101 = arith.constant 0 : i32
      %dma_wait3A_102 = tpu.memref_slice %arg6[%dma_wait3A_98, %dma_wait3A_100, %dma_wait3A_101] : memref<4x128x128xf32, #tpu.memory_space<vmem>> -> memref<1x128x128xf32, #tpu.memory_space<vmem>>
      %dma_wait3A_103 = tpu.memref_squeeze %dma_wait3A_102 : memref<1x128x128xf32, #tpu.memory_space<vmem>> -> memref<128x128xf32, #tpu.memory_space<vmem>>
      %dma_wait3A_104 = arith.constant 0 : i32
      %dma_wait3A_105 = tpu.memref_slice %arg5[%add3A_97, %dma_wait3A_104] : memref<200x128xi32, #tpu.memory_space<vmem>> -> memref<1x128xi32, #tpu.memory_space<vmem>>
      %dma_wait3A_106 = tpu.memref_squeeze %dma_wait3A_105 : memref<1x128xi32, #tpu.memory_space<vmem>> -> memref<128xi32, #tpu.memory_space<vmem>>
      %dma_wait3A_107 = arith.constant 0 : i32
      %dma_wait3A_108 = arith.constant 0 : i32
      %dma_wait3A_109 = tpu.memref_slice %arg3[%dma_wait3A_107, %dma_wait3A_108] : memref<1000000x128xf32, #tpu.memory_space<hbm>> -> memref<1000000x128xf32, #tpu.memory_space<hbm>>
      %dma_wait3A_110 = tpu.memref_slice %arg8[%dma_wait3A_99] : memref<4x!tpu.dma_semaphore, #tpu.memory_space<semaphore_mem>> -> memref<1x!tpu.dma_semaphore, #tpu.memory_space<semaphore_mem>>
      %dma_wait3A_111 = tpu.memref_squeeze %dma_wait3A_110 : memref<1x!tpu.dma_semaphore, #tpu.memory_space<semaphore_mem>> -> memref<!tpu.dma_semaphore, #tpu.memory_space<semaphore_mem>>
      tpu.wait_indirect_dma semaphore(%dma_wait3A_111 : memref<!tpu.dma_semaphore, #tpu.memory_space<semaphore_mem>>) src(%dma_wait3A_109 : memref<1000000x128xf32, #tpu.memory_space<hbm>>) dst(%dma_wait3A_103 : memref<128x128xf32, #tpu.memory_space<vmem>>)
      %ge3A = arith.constant 2 : i32
      %ge3A_112 = arith.cmpi sge, %add3A_97, %ge3A : i32
      %convert_element_type3A = arith.extui %ge3A_112 : i1 to i32
      %cond3A = arith.constant 0 : i32
      %cond3A_113 = arith.cmpi ne, %convert_element_type3A, %cond3A : i32
      scf.if %cond3A_113 {
        %add3A_317 = arith.addi %mul3A_2, %add3A_97 : i32
        %sub3A = arith.constant 2 : i32
        %sub3A_318 = arith.subi %add3A_317, %sub3A : i32
        %mul3A_319 = arith.constant 128 : i32
        %mul3A_320 = arith.muli %sub3A_318, %mul3A_319 : i32
        %dma_wait3A_321 = arith.constant 0 : i32
        %dma_wait3A_322 = arith.constant 0 : i32
        %dma_wait3A_323 = arith.constant 0 : i32
        %dma_wait3A_324 = arith.constant 0 : i32
        %dma_wait3A_325 = tpu.memref_slice %arg7[%dma_wait3A_321, %dma_wait3A_323, %dma_wait3A_324] : memref<2x128x64xf32, #tpu.memory_space<vmem>> -> memref<1x128x64xf32, #tpu.memory_space<vmem>>
        %dma_wait3A_326 = tpu.memref_squeeze %dma_wait3A_325 : memref<1x128x64xf32, #tpu.memory_space<vmem>> -> memref<128x64xf32, #tpu.memory_space<vmem>>
        %dma_wait3A_327 = arith.constant 0 : i32
        %dma_wait3A_328 = tpu.memref_slice %arg4[%mul3A_320, %dma_wait3A_327] : memref<819200x64xf32, #tpu.memory_space<hbm>> -> memref<128x64xf32, #tpu.memory_space<hbm>>
        %dma_wait3A_329 = tpu.memref_slice %arg9[%dma_wait3A_322] : memref<2x!tpu.dma_semaphore, #tpu.memory_space<semaphore_mem>> -> memref<1x!tpu.dma_semaphore, #tpu.memory_space<semaphore_mem>>
        %dma_wait3A_330 = tpu.memref_squeeze %dma_wait3A_329 : memref<1x!tpu.dma_semaphore, #tpu.memory_space<semaphore_mem>> -> memref<!tpu.dma_semaphore, #tpu.memory_space<semaphore_mem>>
        %dma_wait3A_331 = arith.constant 0 : i32
        %dma_wait3A_332 = tpu.memref_slice %arg4[%mul3A_320, %dma_wait3A_331] : memref<819200x64xf32, #tpu.memory_space<hbm>> -> memref<128x64xf32, #tpu.memory_space<hbm>>
        %dma_wait3A_333 = arith.constant 0 : i32
        %dma_wait3A_334 = arith.constant 0 : i32
        %dma_wait3A_335 = tpu.memref_slice %arg7[%dma_wait3A_321, %dma_wait3A_333, %dma_wait3A_334] : memref<2x128x64xf32, #tpu.memory_space<vmem>> -> memref<1x128x64xf32, #tpu.memory_space<vmem>>
        %dma_wait3A_336 = tpu.memref_squeeze %dma_wait3A_335 : memref<1x128x64xf32, #tpu.memory_space<vmem>> -> memref<128x64xf32, #tpu.memory_space<vmem>>
        tpu.wait_dma2 semaphore(%dma_wait3A_330 : memref<!tpu.dma_semaphore, #tpu.memory_space<semaphore_mem>>) src(%dma_wait3A_336 : memref<128x64xf32, #tpu.memory_space<vmem>>) dst(%dma_wait3A_332 : memref<128x64xf32, #tpu.memory_space<hbm>>)
      } else {
      }
      %scan3A_114 = arith.constant 0 : i32
      %scan3A_115 = arith.constant 0 : i32
      %scan3A_116 = arith.constant 0 : i32
      %scan3A_117 = arith.constant 0 : i32
      %scan3A_118 = arith.constant 16 : i32
      %scan3A_119 = arith.addi %scan3A_117, %scan3A_118 : i32
      %scan3A_120 = arith.constant 1 : i32
      %scan3A_121 = scf.for %scan3A_317 = %scan3A_117 to %scan3A_119 step %scan3A_120 iter_args(%scan3A_318 = %scan3A_116) -> (i32)  : i32 {
        %mul3A_319 = arith.constant 8 : i32
        %mul3A_320 = arith.muli %scan3A_317, %mul3A_319 : i32
        %add3A_321 = arith.constant 0 : i32
        %add3A_322 = arith.addi %mul3A_320, %add3A_321 : i32
        %get3A = arith.constant 0 : i32
        %get3A_323 = arith.constant 0 : i32
        %get3A_324 = tpu.memref_slice %arg6[%scan3A_114, %get3A, %get3A_323] : memref<4x128x128xf32, #tpu.memory_space<vmem>> -> memref<1x128x128xf32, #tpu.memory_space<vmem>>
        %get3A_325 = tpu.memref_squeeze %get3A_324 : memref<1x128x128xf32, #tpu.memory_space<vmem>> -> memref<128x128xf32, #tpu.memory_space<vmem>>
        %get3A_326 = arith.index_cast %add3A_322 : i32 to index
        %get3A_327 = arith.constant 0 : index
        %get3A_328 = tpu.vector_load %get3A_325[%get3A_326, %get3A_327] {strides = array<i32>} : memref<128x128xf32, #tpu.memory_space<vmem>>, vector<1x16xf32>,
        %get3A_329 = vector.shape_cast %get3A_328 : vector<1x16xf32> to vector<16xf32>
        %add3A_330 = arith.constant 0 : i32
        %add3A_331 = arith.addi %mul3A_320, %add3A_330 : i32
        %swap3A = arith.constant 0 : i32
        %swap3A_332 = arith.constant 0 : i32
        %swap3A_333 = tpu.memref_slice %arg7[%scan3A_115, %swap3A, %swap3A_332] : memref<2x128x64xf32, #tpu.memory_space<vmem>> -> memref<1x128x64xf32, #tpu.memory_space<vmem>>
        %swap3A_334 = tpu.memref_squeeze %swap3A_333 : memref<1x128x64xf32, #tpu.memory_space<vmem>> -> memref<128x64xf32, #tpu.memory_space<vmem>>
        %swap3A_335 = arith.index_cast %add3A_331 : i32 to index
        %swap3A_336 = arith.constant 0 : index
        %swap3A_337 = tpu.vector_load %swap3A_334[%swap3A_335, %swap3A_336] {strides = array<i32>} : memref<128x64xf32, #tpu.memory_space<vmem>>, vector<1x16xf32>,
        %swap3A_338 = vector.shape_cast %swap3A_337 : vector<1x16xf32> to vector<16xf32>
        %swap3A_339 = vector.shape_cast %get3A_329 : vector<16xf32> to vector<1x16xf32>
        tpu.vector_store %swap3A_334[%swap3A_335, %swap3A_336], %swap3A_339 {strides = array<i32>} : memref<128x64xf32, #tpu.memory_space<vmem>>, vector<1x16xf32>,
        %add3A_340 = arith.constant 0 : i32
        %add3A_341 = arith.addi %mul3A_320, %add3A_340 : i32
        %get3A_342 = arith.constant 0 : i32
        %get3A_343 = arith.constant 0 : i32
        %get3A_344 = tpu.memref_slice %arg6[%scan3A_114, %get3A_342, %get3A_343] : memref<4x128x128xf32, #tpu.memory_space<vmem>> -> memref<1x128x128xf32, #tpu.memory_space<vmem>>
        %get3A_345 = tpu.memref_squeeze %get3A_344 : memref<1x128x128xf32, #tpu.memory_space<vmem>> -> memref<128x128xf32, #tpu.memory_space<vmem>>
        %get3A_346 = arith.index_cast %add3A_341 : i32 to index
        %get3A_347 = arith.constant 16 : index
        %get3A_348 = tpu.vector_load %get3A_345[%get3A_346, %get3A_347] {strides = array<i32>} : memref<128x128xf32, #tpu.memory_space<vmem>>, vector<1x16xf32>,
        %get3A_349 = vector.shape_cast %get3A_348 : vector<1x16xf32> to vector<16xf32>
        %add3A_350 = arith.constant 0 : i32
        %add3A_351 = arith.addi %mul3A_320, %add3A_350 : i32
        %swap3A_352 = arith.constant 0 : i32
        %swap3A_353 = arith.constant 0 : i32
        %swap3A_354 = tpu.memref_slice %arg7[%scan3A_115, %swap3A_352, %swap3A_353] : memref<2x128x64xf32, #tpu.memory_space<vmem>> -> memref<1x128x64xf32, #tpu.memory_space<vmem>>
        %swap3A_355 = tpu.memref_squeeze %swap3A_354 : memref<1x128x64xf32, #tpu.memory_space<vmem>> -> memref<128x64xf32, #tpu.memory_space<vmem>>
        %swap3A_356 = arith.index_cast %add3A_351 : i32 to index
        %swap3A_357 = arith.constant 16 : index
        %swap3A_358 = tpu.vector_load %swap3A_355[%swap3A_356, %swap3A_357] {strides = array<i32>} : memref<128x64xf32, #tpu.memory_space<vmem>>, vector<1x16xf32>,
        %swap3A_359 = vector.shape_cast %swap3A_358 : vector<1x16xf32> to vector<16xf32>
        %swap3A_360 = vector.shape_cast %get3A_349 : vector<16xf32> to vector<1x16xf32>
        tpu.vector_store %swap3A_355[%swap3A_356, %swap3A_357], %swap3A_360 {strides = array<i32>} : memref<128x64xf32, #tpu.memory_space<vmem>>, vector<1x16xf32>,
        %add3A_361 = arith.constant 0 : i32
        %add3A_362 = arith.addi %mul3A_320, %add3A_361 : i32
        %get3A_363 = arith.constant 0 : i32
        %get3A_364 = arith.constant 0 : i32
        %get3A_365 = tpu.memref_slice %arg6[%scan3A_114, %get3A_363, %get3A_364] : memref<4x128x128xf32, #tpu.memory_space<vmem>> -> memref<1x128x128xf32, #tpu.memory_space<vmem>>
        %get3A_366 = tpu.memref_squeeze %get3A_365 : memref<1x128x128xf32, #tpu.memory_space<vmem>> -> memref<128x128xf32, #tpu.memory_space<vmem>>
        %get3A_367 = arith.index_cast %add3A_362 : i32 to index
        %get3A_368 = arith.constant 32 : index
        %get3A_369 = tpu.vector_load %get3A_366[%get3A_367, %get3A_368] {strides = array<i32>} : memref<128x128xf32, #tpu.memory_space<vmem>>, vector<1x16xf32>,
        %get3A_370 = vector.shape_cast %get3A_369 : vector<1x16xf32> to vector<16xf32>
        %add3A_371 = arith.constant 0 : i32
        %add3A_372 = arith.addi %mul3A_320, %add3A_371 : i32
        %swap3A_373 = arith.constant 0 : i32
        %swap3A_374 = arith.constant 0 : i32
        %swap3A_375 = tpu.memref_slice %arg7[%scan3A_115, %swap3A_373, %swap3A_374] : memref<2x128x64xf32, #tpu.memory_space<vmem>> -> memref<1x128x64xf32, #tpu.memory_space<vmem>>
        %swap3A_376 = tpu.memref_squeeze %swap3A_375 : memref<1x128x64xf32, #tpu.memory_space<vmem>> -> memref<128x64xf32, #tpu.memory_space<vmem>>
        %swap3A_377 = arith.index_cast %add3A_372 : i32 to index
        %swap3A_378 = arith.constant 32 : index
        %swap3A_379 = tpu.vector_load %swap3A_376[%swap3A_377, %swap3A_378] {strides = array<i32>} : memref<128x64xf32, #tpu.memory_space<vmem>>, vector<1x16xf32>,
        %swap3A_380 = vector.shape_cast %swap3A_379 : vector<1x16xf32> to vector<16xf32>
        %swap3A_381 = vector.shape_cast %get3A_370 : vector<16xf32> to vector<1x16xf32>
        tpu.vector_store %swap3A_376[%swap3A_377, %swap3A_378], %swap3A_381 {strides = array<i32>} : memref<128x64xf32, #tpu.memory_space<vmem>>, vector<1x16xf32>,
        %add3A_382 = arith.constant 0 : i32
        %add3A_383 = arith.addi %mul3A_320, %add3A_382 : i32
        %get3A_384 = arith.constant 0 : i32
        %get3A_385 = arith.constant 0 : i32
        %get3A_386 = tpu.memref_slice %arg6[%scan3A_114, %get3A_384, %get3A_385] : memref<4x128x128xf32, #tpu.memory_space<vmem>> -> memref<1x128x128xf32, #tpu.memory_space<vmem>>
        %get3A_387 = tpu.memref_squeeze %get3A_386 : memref<1x128x128xf32, #tpu.memory_space<vmem>> -> memref<128x128xf32, #tpu.memory_space<vmem>>
        %get3A_388 = arith.index_cast %add3A_383 : i32 to index
        %get3A_389 = arith.constant 48 : index
        %get3A_390 = tpu.vector_load %get3A_387[%get3A_388, %get3A_389] {strides = array<i32>} : memref<128x128xf32, #tpu.memory_space<vmem>>, vector<1x16xf32>,
        %get3A_391 = vector.shape_cast %get3A_390 : vector<1x16xf32> to vector<16xf32>
        %add3A_392 = arith.constant 0 : i32
        %add3A_393 = arith.addi %mul3A_320, %add3A_392 : i32
        %swap3A_394 = arith.constant 0 : i32
        %swap3A_395 = arith.constant 0 : i32
        %swap3A_396 = tpu.memref_slice %arg7[%scan3A_115, %swap3A_394, %swap3A_395] : memref<2x128x64xf32, #tpu.memory_space<vmem>> -> memref<1x128x64xf32, #tpu.memory_space<vmem>>
        %swap3A_397 = tpu.memref_squeeze %swap3A_396 : memref<1x128x64xf32, #tpu.memory_space<vmem>> -> memref<128x64xf32, #tpu.memory_space<vmem>>
        %swap3A_398 = arith.index_cast %add3A_393 : i32 to index
        %swap3A_399 = arith.constant 48 : index
        %swap3A_400 = tpu.vector_load %swap3A_397[%swap3A_398, %swap3A_399] {strides = array<i32>} : memref<128x64xf32, #tpu.memory_space<vmem>>, vector<1x16xf32>,
        %swap3A_401 = vector.shape_cast %swap3A_400 : vector<1x16xf32> to vector<16xf32>
        %swap3A_402 = vector.shape_cast %get3A_391 : vector<16xf32> to vector<1x16xf32>
        tpu.vector_store %swap3A_397[%swap3A_398, %swap3A_399], %swap3A_402 {strides = array<i32>} : memref<128x64xf32, #tpu.memory_space<vmem>>, vector<1x16xf32>,
        %add3A_403 = arith.constant 1 : i32
        %add3A_404 = arith.addi %mul3A_320, %add3A_403 : i32
        %get3A_405 = arith.constant 0 : i32
        %get3A_406 = arith.constant 0 : i32
        %get3A_407 = tpu.memref_slice %arg6[%scan3A_114, %get3A_405, %get3A_406] : memref<4x128x128xf32, #tpu.memory_space<vmem>> -> memref<1x128x128xf32, #tpu.memory_space<vmem>>
        %get3A_408 = tpu.memref_squeeze %get3A_407 : memref<1x128x128xf32, #tpu.memory_space<vmem>> -> memref<128x128xf32, #tpu.memory_space<vmem>>
        %get3A_409 = arith.index_cast %add3A_404 : i32 to index
        %get3A_410 = arith.constant 0 : index
        %get3A_411 = tpu.vector_load %get3A_408[%get3A_409, %get3A_410] {strides = array<i32>} : memref<128x128xf32, #tpu.memory_space<vmem>>, vector<1x16xf32>,
        %get3A_412 = vector.shape_cast %get3A_411 : vector<1x16xf32> to vector<16xf32>
        %add3A_413 = arith.constant 1 : i32
        %add3A_414 = arith.addi %mul3A_320, %add3A_413 : i32
        %swap3A_415 = arith.constant 0 : i32
        %swap3A_416 = arith.constant 0 : i32
        %swap3A_417 = tpu.memref_slice %arg7[%scan3A_115, %swap3A_415, %swap3A_416] : memref<2x128x64xf32, #tpu.memory_space<vmem>> -> memref<1x128x64xf32, #tpu.memory_space<vmem>>
        %swap3A_418 = tpu.memref_squeeze %swap3A_417 : memref<1x128x64xf32, #tpu.memory_space<vmem>> -> memref<128x64xf32, #tpu.memory_space<vmem>>
        %swap3A_419 = arith.index_cast %add3A_414 : i32 to index
        %swap3A_420 = arith.constant 0 : index
        %swap3A_421 = tpu.vector_load %swap3A_418[%swap3A_419, %swap3A_420] {strides = array<i32>} : memref<128x64xf32, #tpu.memory_space<vmem>>, vector<1x16xf32>,
        %swap3A_422 = vector.shape_cast %swap3A_421 : vector<1x16xf32> to vector<16xf32>
        %swap3A_423 = vector.shape_cast %get3A_412 : vector<16xf32> to vector<1x16xf32>
        tpu.vector_store %swap3A_418[%swap3A_419, %swap3A_420], %swap3A_423 {strides = array<i32>} : memref<128x64xf32, #tpu.memory_space<vmem>>, vector<1x16xf32>,
        %add3A_424 = arith.constant 1 : i32
        %add3A_425 = arith.addi %mul3A_320, %add3A_424 : i32
        %get3A_426 = arith.constant 0 : i32
        %get3A_427 = arith.constant 0 : i32
        %get3A_428 = tpu.memref_slice %arg6[%scan3A_114, %get3A_426, %get3A_427] : memref<4x128x128xf32, #tpu.memory_space<vmem>> -> memref<1x128x128xf32, #tpu.memory_space<vmem>>
        %get3A_429 = tpu.memref_squeeze %get3A_428 : memref<1x128x128xf32, #tpu.memory_space<vmem>> -> memref<128x128xf32, #tpu.memory_space<vmem>>
        %get3A_430 = arith.index_cast %add3A_425 : i32 to index
        %get3A_431 = arith.constant 16 : index
        %get3A_432 = tpu.vector_load %get3A_429[%get3A_430, %get3A_431] {strides = array<i32>} : memref<128x128xf32, #tpu.memory_space<vmem>>, vector<1x16xf32>,
        %get3A_433 = vector.shape_cast %get3A_432 : vector<1x16xf32> to vector<16xf32>
        %add3A_434 = arith.constant 1 : i32
        %add3A_435 = arith.addi %mul3A_320, %add3A_434 : i32
        %swap3A_436 = arith.constant 0 : i32
        %swap3A_437 = arith.constant 0 : i32
        %swap3A_438 = tpu.memref_slice %arg7[%scan3A_115, %swap3A_436, %swap3A_437] : memref<2x128x64xf32, #tpu.memory_space<vmem>> -> memref<1x128x64xf32, #tpu.memory_space<vmem>>
        %swap3A_439 = tpu.memref_squeeze %swap3A_438 : memref<1x128x64xf32, #tpu.memory_space<vmem>> -> memref<128x64xf32, #tpu.memory_space<vmem>>
        %swap3A_440 = arith.index_cast %add3A_435 : i32 to index
        %swap3A_441 = arith.constant 16 : index
        %swap3A_442 = tpu.vector_load %swap3A_439[%swap3A_440, %swap3A_441] {strides = array<i32>} : memref<128x64xf32, #tpu.memory_space<vmem>>, vector<1x16xf32>,
        %swap3A_443 = vector.shape_cast %swap3A_442 : vector<1x16xf32> to vector<16xf32>
        %swap3A_444 = vector.shape_cast %get3A_433 : vector<16xf32> to vector<1x16xf32>
        tpu.vector_store %swap3A_439[%swap3A_440, %swap3A_441], %swap3A_444 {strides = array<i32>} : memref<128x64xf32, #tpu.memory_space<vmem>>, vector<1x16xf32>,
        %add3A_445 = arith.constant 1 : i32
        %add3A_446 = arith.addi %mul3A_320, %add3A_445 : i32
        %get3A_447 = arith.constant 0 : i32
        %get3A_448 = arith.constant 0 : i32
        %get3A_449 = tpu.memref_slice %arg6[%scan3A_114, %get3A_447, %get3A_448] : memref<4x128x128xf32, #tpu.memory_space<vmem>> -> memref<1x128x128xf32, #tpu.memory_space<vmem>>
        %get3A_450 = tpu.memref_squeeze %get3A_449 : memref<1x128x128xf32, #tpu.memory_space<vmem>> -> memref<128x128xf32, #tpu.memory_space<vmem>>
        %get3A_451 = arith.index_cast %add3A_446 : i32 to index
        %get3A_452 = arith.constant 32 : index
        %get3A_453 = tpu.vector_load %get3A_450[%get3A_451, %get3A_452] {strides = array<i32>} : memref<128x128xf32, #tpu.memory_space<vmem>>, vector<1x16xf32>,
        %get3A_454 = vector.shape_cast %get3A_453 : vector<1x16xf32> to vector<16xf32>
        %add3A_455 = arith.constant 1 : i32
        %add3A_456 = arith.addi %mul3A_320, %add3A_455 : i32
        %swap3A_457 = arith.constant 0 : i32
        %swap3A_458 = arith.constant 0 : i32
        %swap3A_459 = tpu.memref_slice %arg7[%scan3A_115, %swap3A_457, %swap3A_458] : memref<2x128x64xf32, #tpu.memory_space<vmem>> -> memref<1x128x64xf32, #tpu.memory_space<vmem>>
        %swap3A_460 = tpu.memref_squeeze %swap3A_459 : memref<1x128x64xf32, #tpu.memory_space<vmem>> -> memref<128x64xf32, #tpu.memory_space<vmem>>
        %swap3A_461 = arith.index_cast %add3A_456 : i32 to index
        %swap3A_462 = arith.constant 32 : index
        %swap3A_463 = tpu.vector_load %swap3A_460[%swap3A_461, %swap3A_462] {strides = array<i32>} : memref<128x64xf32, #tpu.memory_space<vmem>>, vector<1x16xf32>,
        %swap3A_464 = vector.shape_cast %swap3A_463 : vector<1x16xf32> to vector<16xf32>
        %swap3A_465 = vector.shape_cast %get3A_454 : vector<16xf32> to vector<1x16xf32>
        tpu.vector_store %swap3A_460[%swap3A_461, %swap3A_462], %swap3A_465 {strides = array<i32>} : memref<128x64xf32, #tpu.memory_space<vmem>>, vector<1x16xf32>,
        %add3A_466 = arith.constant 1 : i32
        %add3A_467 = arith.addi %mul3A_320, %add3A_466 : i32
        %get3A_468 = arith.constant 0 : i32
        %get3A_469 = arith.constant 0 : i32
        %get3A_470 = tpu.memref_slice %arg6[%scan3A_114, %get3A_468, %get3A_469] : memref<4x128x128xf32, #tpu.memory_space<vmem>> -> memref<1x128x128xf32, #tpu.memory_space<vmem>>
        %get3A_471 = tpu.memref_squeeze %get3A_470 : memref<1x128x128xf32, #tpu.memory_space<vmem>> -> memref<128x128xf32, #tpu.memory_space<vmem>>
        %get3A_472 = arith.index_cast %add3A_467 : i32 to index
        %get3A_473 = arith.constant 48 : index
        %get3A_474 = tpu.vector_load %get3A_471[%get3A_472, %get3A_473] {strides = array<i32>} : memref<128x128xf32, #tpu.memory_space<vmem>>, vector<1x16xf32>,
        %get3A_475 = vector.shape_cast %get3A_474 : vector<1x16xf32> to vector<16xf32>
        %add3A_476 = arith.constant 1 : i32
        %add3A_477 = arith.addi %mul3A_320, %add3A_476 : i32
        %swap3A_478 = arith.constant 0 : i32
        %swap3A_479 = arith.constant 0 : i32
        %swap3A_480 = tpu.memref_slice %arg7[%scan3A_115, %swap3A_478, %swap3A_479] : memref<2x128x64xf32, #tpu.memory_space<vmem>> -> memref<1x128x64xf32, #tpu.memory_space<vmem>>
        %swap3A_481 = tpu.memref_squeeze %swap3A_480 : memref<1x128x64xf32, #tpu.memory_space<vmem>> -> memref<128x64xf32, #tpu.memory_space<vmem>>
        %swap3A_482 = arith.index_cast %add3A_477 : i32 to index
        %swap3A_483 = arith.constant 48 : index
        %swap3A_484 = tpu.vector_load %swap3A_481[%swap3A_482, %swap3A_483] {strides = array<i32>} : memref<128x64xf32, #tpu.memory_space<vmem>>, vector<1x16xf32>,
        %swap3A_485 = vector.shape_cast %swap3A_484 : vector<1x16xf32> to vector<16xf32>
        %swap3A_486 = vector.shape_cast %get3A_475 : vector<16xf32> to vector<1x16xf32>
        tpu.vector_store %swap3A_481[%swap3A_482, %swap3A_483], %swap3A_486 {strides = array<i32>} : memref<128x64xf32, #tpu.memory_space<vmem>>, vector<1x16xf32>,
        %add3A_487 = arith.constant 2 : i32
        %add3A_488 = arith.addi %mul3A_320, %add3A_487 : i32
        %get3A_489 = arith.constant 0 : i32
        %get3A_490 = arith.constant 0 : i32
        %get3A_491 = tpu.memref_slice %arg6[%scan3A_114, %get3A_489, %get3A_490] : memref<4x128x128xf32, #tpu.memory_space<vmem>> -> memref<1x128x128xf32, #tpu.memory_space<vmem>>
        %get3A_492 = tpu.memref_squeeze %get3A_491 : memref<1x128x128xf32, #tpu.memory_space<vmem>> -> memref<128x128xf32, #tpu.memory_space<vmem>>
        %get3A_493 = arith.index_cast %add3A_488 : i32 to index
        %get3A_494 = arith.constant 0 : index
        %get3A_495 = tpu.vector_load %get3A_492[%get3A_493, %get3A_494] {strides = array<i32>} : memref<128x128xf32, #tpu.memory_space<vmem>>, vector<1x16xf32>,
        %get3A_496 = vector.shape_cast %get3A_495 : vector<1x16xf32> to vector<16xf32>
        %add3A_497 = arith.constant 2 : i32
        %add3A_498 = arith.addi %mul3A_320, %add3A_497 : i32
        %swap3A_499 = arith.constant 0 : i32
        %swap3A_500 = arith.constant 0 : i32
        %swap3A_501 = tpu.memref_slice %arg7[%scan3A_115, %swap3A_499, %swap3A_500] : memref<2x128x64xf32, #tpu.memory_space<vmem>> -> memref<1x128x64xf32, #tpu.memory_space<vmem>>
        %swap3A_502 = tpu.memref_squeeze %swap3A_501 : memref<1x128x64xf32, #tpu.memory_space<vmem>> -> memref<128x64xf32, #tpu.memory_space<vmem>>
        %swap3A_503 = arith.index_cast %add3A_498 : i32 to index
        %swap3A_504 = arith.constant 0 : index
        %swap3A_505 = tpu.vector_load %swap3A_502[%swap3A_503, %swap3A_504] {strides = array<i32>} : memref<128x64xf32, #tpu.memory_space<vmem>>, vector<1x16xf32>,
        %swap3A_506 = vector.shape_cast %swap3A_505 : vector<1x16xf32> to vector<16xf32>
        %swap3A_507 = vector.shape_cast %get3A_496 : vector<16xf32> to vector<1x16xf32>
        tpu.vector_store %swap3A_502[%swap3A_503, %swap3A_504], %swap3A_507 {strides = array<i32>} : memref<128x64xf32, #tpu.memory_space<vmem>>, vector<1x16xf32>,
        %add3A_508 = arith.constant 2 : i32
        %add3A_509 = arith.addi %mul3A_320, %add3A_508 : i32
        %get3A_510 = arith.constant 0 : i32
        %get3A_511 = arith.constant 0 : i32
        %get3A_512 = tpu.memref_slice %arg6[%scan3A_114, %get3A_510, %get3A_511] : memref<4x128x128xf32, #tpu.memory_space<vmem>> -> memref<1x128x128xf32, #tpu.memory_space<vmem>>
        %get3A_513 = tpu.memref_squeeze %get3A_512 : memref<1x128x128xf32, #tpu.memory_space<vmem>> -> memref<128x128xf32, #tpu.memory_space<vmem>>
        %get3A_514 = arith.index_cast %add3A_509 : i32 to index
        %get3A_515 = arith.constant 16 : index
        %get3A_516 = tpu.vector_load %get3A_513[%get3A_514, %get3A_515] {strides = array<i32>} : memref<128x128xf32, #tpu.memory_space<vmem>>, vector<1x16xf32>,
        %get3A_517 = vector.shape_cast %get3A_516 : vector<1x16xf32> to vector<16xf32>
        %add3A_518 = arith.constant 2 : i32
        %add3A_519 = arith.addi %mul3A_320, %add3A_518 : i32
        %swap3A_520 = arith.constant 0 : i32
        %swap3A_521 = arith.constant 0 : i32
        %swap3A_522 = tpu.memref_slice %arg7[%scan3A_115, %swap3A_520, %swap3A_521] : memref<2x128x64xf32, #tpu.memory_space<vmem>> -> memref<1x128x64xf32, #tpu.memory_space<vmem>>
        %swap3A_523 = tpu.memref_squeeze %swap3A_522 : memref<1x128x64xf32, #tpu.memory_space<vmem>> -> memref<128x64xf32, #tpu.memory_space<vmem>>
        %swap3A_524 = arith.index_cast %add3A_519 : i32 to index
        %swap3A_525 = arith.constant 16 : index
        %swap3A_526 = tpu.vector_load %swap3A_523[%swap3A_524, %swap3A_525] {strides = array<i32>} : memref<128x64xf32, #tpu.memory_space<vmem>>, vector<1x16xf32>,
        %swap3A_527 = vector.shape_cast %swap3A_526 : vector<1x16xf32> to vector<16xf32>
        %swap3A_528 = vector.shape_cast %get3A_517 : vector<16xf32> to vector<1x16xf32>
        tpu.vector_store %swap3A_523[%swap3A_524, %swap3A_525], %swap3A_528 {strides = array<i32>} : memref<128x64xf32, #tpu.memory_space<vmem>>, vector<1x16xf32>,
        %add3A_529 = arith.constant 2 : i32
        %add3A_530 = arith.addi %mul3A_320, %add3A_529 : i32
        %get3A_531 = arith.constant 0 : i32
        %get3A_532 = arith.constant 0 : i32
        %get3A_533 = tpu.memref_slice %arg6[%scan3A_114, %get3A_531, %get3A_532] : memref<4x128x128xf32, #tpu.memory_space<vmem>> -> memref<1x128x128xf32, #tpu.memory_space<vmem>>
        %get3A_534 = tpu.memref_squeeze %get3A_533 : memref<1x128x128xf32, #tpu.memory_space<vmem>> -> memref<128x128xf32, #tpu.memory_space<vmem>>
        %get3A_535 = arith.index_cast %add3A_530 : i32 to index
        %get3A_536 = arith.constant 32 : index
        %get3A_537 = tpu.vector_load %get3A_534[%get3A_535, %get3A_536] {strides = array<i32>} : memref<128x128xf32, #tpu.memory_space<vmem>>, vector<1x16xf32>,
        %get3A_538 = vector.shape_cast %get3A_537 : vector<1x16xf32> to vector<16xf32>
        %add3A_539 = arith.constant 2 : i32
        %add3A_540 = arith.addi %mul3A_320, %add3A_539 : i32
        %swap3A_541 = arith.constant 0 : i32
        %swap3A_542 = arith.constant 0 : i32
        %swap3A_543 = tpu.memref_slice %arg7[%scan3A_115, %swap3A_541, %swap3A_542] : memref<2x128x64xf32, #tpu.memory_space<vmem>> -> memref<1x128x64xf32, #tpu.memory_space<vmem>>
        %swap3A_544 = tpu.memref_squeeze %swap3A_543 : memref<1x128x64xf32, #tpu.memory_space<vmem>> -> memref<128x64xf32, #tpu.memory_space<vmem>>
        %swap3A_545 = arith.index_cast %add3A_540 : i32 to index
        %swap3A_546 = arith.constant 32 : index
        %swap3A_547 = tpu.vector_load %swap3A_544[%swap3A_545, %swap3A_546] {strides = array<i32>} : memref<128x64xf32, #tpu.memory_space<vmem>>, vector<1x16xf32>,
        %swap3A_548 = vector.shape_cast %swap3A_547 : vector<1x16xf32> to vector<16xf32>
        %swap3A_549 = vector.shape_cast %get3A_538 : vector<16xf32> to vector<1x16xf32>
        tpu.vector_store %swap3A_544[%swap3A_545, %swap3A_546], %swap3A_549 {strides = array<i32>} : memref<128x64xf32, #tpu.memory_space<vmem>>, vector<1x16xf32>,
        %add3A_550 = arith.constant 2 : i32
        %add3A_551 = arith.addi %mul3A_320, %add3A_550 : i32
        %get3A_552 = arith.constant 0 : i32
        %get3A_553 = arith.constant 0 : i32
        %get3A_554 = tpu.memref_slice %arg6[%scan3A_114, %get3A_552, %get3A_553] : memref<4x128x128xf32, #tpu.memory_space<vmem>> -> memref<1x128x128xf32, #tpu.memory_space<vmem>>
        %get3A_555 = tpu.memref_squeeze %get3A_554 : memref<1x128x128xf32, #tpu.memory_space<vmem>> -> memref<128x128xf32, #tpu.memory_space<vmem>>
        %get3A_556 = arith.index_cast %add3A_551 : i32 to index
        %get3A_557 = arith.constant 48 : index
        %get3A_558 = tpu.vector_load %get3A_555[%get3A_556, %get3A_557] {strides = array<i32>} : memref<128x128xf32, #tpu.memory_space<vmem>>, vector<1x16xf32>,
        %get3A_559 = vector.shape_cast %get3A_558 : vector<1x16xf32> to vector<16xf32>
        %add3A_560 = arith.constant 2 : i32
        %add3A_561 = arith.addi %mul3A_320, %add3A_560 : i32
        %swap3A_562 = arith.constant 0 : i32
        %swap3A_563 = arith.constant 0 : i32
        %swap3A_564 = tpu.memref_slice %arg7[%scan3A_115, %swap3A_562, %swap3A_563] : memref<2x128x64xf32, #tpu.memory_space<vmem>> -> memref<1x128x64xf32, #tpu.memory_space<vmem>>
        %swap3A_565 = tpu.memref_squeeze %swap3A_564 : memref<1x128x64xf32, #tpu.memory_space<vmem>> -> memref<128x64xf32, #tpu.memory_space<vmem>>
        %swap3A_566 = arith.index_cast %add3A_561 : i32 to index
        %swap3A_567 = arith.constant 48 : index
        %swap3A_568 = tpu.vector_load %swap3A_565[%swap3A_566, %swap3A_567] {strides = array<i32>} : memref<128x64xf32, #tpu.memory_space<vmem>>, vector<1x16xf32>,
        %swap3A_569 = vector.shape_cast %swap3A_568 : vector<1x16xf32> to vector<16xf32>
        %swap3A_570 = vector.shape_cast %get3A_559 : vector<16xf32> to vector<1x16xf32>
        tpu.vector_store %swap3A_565[%swap3A_566, %swap3A_567], %swap3A_570 {strides = array<i32>} : memref<128x64xf32, #tpu.memory_space<vmem>>, vector<1x16xf32>,
        %add3A_571 = arith.constant 3 : i32
        %add3A_572 = arith.addi %mul3A_320, %add3A_571 : i32
        %get3A_573 = arith.constant 0 : i32
        %get3A_574 = arith.constant 0 : i32
        %get3A_575 = tpu.memref_slice %arg6[%scan3A_114, %get3A_573, %get3A_574] : memref<4x128x128xf32, #tpu.memory_space<vmem>> -> memref<1x128x128xf32, #tpu.memory_space<vmem>>
        %get3A_576 = tpu.memref_squeeze %get3A_575 : memref<1x128x128xf32, #tpu.memory_space<vmem>> -> memref<128x128xf32, #tpu.memory_space<vmem>>
        %get3A_577 = arith.index_cast %add3A_572 : i32 to index
        %get3A_578 = arith.constant 0 : index
        %get3A_579 = tpu.vector_load %get3A_576[%get3A_577, %get3A_578] {strides = array<i32>} : memref<128x128xf32, #tpu.memory_space<vmem>>, vector<1x16xf32>,
        %get3A_580 = vector.shape_cast %get3A_579 : vector<1x16xf32> to vector<16xf32>
        %add3A_581 = arith.constant 3 : i32
        %add3A_582 = arith.addi %mul3A_320, %add3A_581 : i32
        %swap3A_583 = arith.constant 0 : i32
        %swap3A_584 = arith.constant 0 : i32
        %swap3A_585 = tpu.memref_slice %arg7[%scan3A_115, %swap3A_583, %swap3A_584] : memref<2x128x64xf32, #tpu.memory_space<vmem>> -> memref<1x128x64xf32, #tpu.memory_space<vmem>>
        %swap3A_586 = tpu.memref_squeeze %swap3A_585 : memref<1x128x64xf32, #tpu.memory_space<vmem>> -> memref<128x64xf32, #tpu.memory_space<vmem>>
        %swap3A_587 = arith.index_cast %add3A_582 : i32 to index
        %swap3A_588 = arith.constant 0 : index
        %swap3A_589 = tpu.vector_load %swap3A_586[%swap3A_587, %swap3A_588] {strides = array<i32>} : memref<128x64xf32, #tpu.memory_space<vmem>>, vector<1x16xf32>,
        %swap3A_590 = vector.shape_cast %swap3A_589 : vector<1x16xf32> to vector<16xf32>
        %swap3A_591 = vector.shape_cast %get3A_580 : vector<16xf32> to vector<1x16xf32>
        tpu.vector_store %swap3A_586[%swap3A_587, %swap3A_588], %swap3A_591 {strides = array<i32>} : memref<128x64xf32, #tpu.memory_space<vmem>>, vector<1x16xf32>,
        %add3A_592 = arith.constant 3 : i32
        %add3A_593 = arith.addi %mul3A_320, %add3A_592 : i32
        %get3A_594 = arith.constant 0 : i32
        %get3A_595 = arith.constant 0 : i32
        %get3A_596 = tpu.memref_slice %arg6[%scan3A_114, %get3A_594, %get3A_595] : memref<4x128x128xf32, #tpu.memory_space<vmem>> -> memref<1x128x128xf32, #tpu.memory_space<vmem>>
        %get3A_597 = tpu.memref_squeeze %get3A_596 : memref<1x128x128xf32, #tpu.memory_space<vmem>> -> memref<128x128xf32, #tpu.memory_space<vmem>>
        %get3A_598 = arith.index_cast %add3A_593 : i32 to index
        %get3A_599 = arith.constant 16 : index
        %get3A_600 = tpu.vector_load %get3A_597[%get3A_598, %get3A_599] {strides = array<i32>} : memref<128x128xf32, #tpu.memory_space<vmem>>, vector<1x16xf32>,
        %get3A_601 = vector.shape_cast %get3A_600 : vector<1x16xf32> to vector<16xf32>
        %add3A_602 = arith.constant 3 : i32
        %add3A_603 = arith.addi %mul3A_320, %add3A_602 : i32
        %swap3A_604 = arith.constant 0 : i32
        %swap3A_605 = arith.constant 0 : i32
        %swap3A_606 = tpu.memref_slice %arg7[%scan3A_115, %swap3A_604, %swap3A_605] : memref<2x128x64xf32, #tpu.memory_space<vmem>> -> memref<1x128x64xf32, #tpu.memory_space<vmem>>
        %swap3A_607 = tpu.memref_squeeze %swap3A_606 : memref<1x128x64xf32, #tpu.memory_space<vmem>> -> memref<128x64xf32, #tpu.memory_space<vmem>>
        %swap3A_608 = arith.index_cast %add3A_603 : i32 to index
        %swap3A_609 = arith.constant 16 : index
        %swap3A_610 = tpu.vector_load %swap3A_607[%swap3A_608, %swap3A_609] {strides = array<i32>} : memref<128x64xf32, #tpu.memory_space<vmem>>, vector<1x16xf32>,
        %swap3A_611 = vector.shape_cast %swap3A_610 : vector<1x16xf32> to vector<16xf32>
        %swap3A_612 = vector.shape_cast %get3A_601 : vector<16xf32> to vector<1x16xf32>
        tpu.vector_store %swap3A_607[%swap3A_608, %swap3A_609], %swap3A_612 {strides = array<i32>} : memref<128x64xf32, #tpu.memory_space<vmem>>, vector<1x16xf32>,
        %add3A_613 = arith.constant 3 : i32
        %add3A_614 = arith.addi %mul3A_320, %add3A_613 : i32
        %get3A_615 = arith.constant 0 : i32
        %get3A_616 = arith.constant 0 : i32
        %get3A_617 = tpu.memref_slice %arg6[%scan3A_114, %get3A_615, %get3A_616] : memref<4x128x128xf32, #tpu.memory_space<vmem>> -> memref<1x128x128xf32, #tpu.memory_space<vmem>>
        %get3A_618 = tpu.memref_squeeze %get3A_617 : memref<1x128x128xf32, #tpu.memory_space<vmem>> -> memref<128x128xf32, #tpu.memory_space<vmem>>
        %get3A_619 = arith.index_cast %add3A_614 : i32 to index
        %get3A_620 = arith.constant 32 : index
        %get3A_621 = tpu.vector_load %get3A_618[%get3A_619, %get3A_620] {strides = array<i32>} : memref<128x128xf32, #tpu.memory_space<vmem>>, vector<1x16xf32>,
        %get3A_622 = vector.shape_cast %get3A_621 : vector<1x16xf32> to vector<16xf32>
        %add3A_623 = arith.constant 3 : i32
        %add3A_624 = arith.addi %mul3A_320, %add3A_623 : i32
        %swap3A_625 = arith.constant 0 : i32
        %swap3A_626 = arith.constant 0 : i32
        %swap3A_627 = tpu.memref_slice %arg7[%scan3A_115, %swap3A_625, %swap3A_626] : memref<2x128x64xf32, #tpu.memory_space<vmem>> -> memref<1x128x64xf32, #tpu.memory_space<vmem>>
        %swap3A_628 = tpu.memref_squeeze %swap3A_627 : memref<1x128x64xf32, #tpu.memory_space<vmem>> -> memref<128x64xf32, #tpu.memory_space<vmem>>
        %swap3A_629 = arith.index_cast %add3A_624 : i32 to index
        %swap3A_630 = arith.constant 32 : index
        %swap3A_631 = tpu.vector_load %swap3A_628[%swap3A_629, %swap3A_630] {strides = array<i32>} : memref<128x64xf32, #tpu.memory_space<vmem>>, vector<1x16xf32>,
        %swap3A_632 = vector.shape_cast %swap3A_631 : vector<1x16xf32> to vector<16xf32>
        %swap3A_633 = vector.shape_cast %get3A_622 : vector<16xf32> to vector<1x16xf32>
        tpu.vector_store %swap3A_628[%swap3A_629, %swap3A_630], %swap3A_633 {strides = array<i32>} : memref<128x64xf32, #tpu.memory_space<vmem>>, vector<1x16xf32>,
        %add3A_634 = arith.constant 3 : i32
        %add3A_635 = arith.addi %mul3A_320, %add3A_634 : i32
        %get3A_636 = arith.constant 0 : i32
        %get3A_637 = arith.constant 0 : i32
        %get3A_638 = tpu.memref_slice %arg6[%scan3A_114, %get3A_636, %get3A_637] : memref<4x128x128xf32, #tpu.memory_space<vmem>> -> memref<1x128x128xf32, #tpu.memory_space<vmem>>
        %get3A_639 = tpu.memref_squeeze %get3A_638 : memref<1x128x128xf32, #tpu.memory_space<vmem>> -> memref<128x128xf32, #tpu.memory_space<vmem>>
        %get3A_640 = arith.index_cast %add3A_635 : i32 to index
        %get3A_641 = arith.constant 48 : index
        %get3A_642 = tpu.vector_load %get3A_639[%get3A_640, %get3A_641] {strides = array<i32>} : memref<128x128xf32, #tpu.memory_space<vmem>>, vector<1x16xf32>,
        %get3A_643 = vector.shape_cast %get3A_642 : vector<1x16xf32> to vector<16xf32>
        %add3A_644 = arith.constant 3 : i32
        %add3A_645 = arith.addi %mul3A_320, %add3A_644 : i32
        %swap3A_646 = arith.constant 0 : i32
        %swap3A_647 = arith.constant 0 : i32
        %swap3A_648 = tpu.memref_slice %arg7[%scan3A_115, %swap3A_646, %swap3A_647] : memref<2x128x64xf32, #tpu.memory_space<vmem>> -> memref<1x128x64xf32, #tpu.memory_space<vmem>>
        %swap3A_649 = tpu.memref_squeeze %swap3A_648 : memref<1x128x64xf32, #tpu.memory_space<vmem>> -> memref<128x64xf32, #tpu.memory_space<vmem>>
        %swap3A_650 = arith.index_cast %add3A_645 : i32 to index
        %swap3A_651 = arith.constant 48 : index
        %swap3A_652 = tpu.vector_load %swap3A_649[%swap3A_650, %swap3A_651] {strides = array<i32>} : memref<128x64xf32, #tpu.memory_space<vmem>>, vector<1x16xf32>,
        %swap3A_653 = vector.shape_cast %swap3A_652 : vector<1x16xf32> to vector<16xf32>
        %swap3A_654 = vector.shape_cast %get3A_643 : vector<16xf32> to vector<1x16xf32>
        tpu.vector_store %swap3A_649[%swap3A_650, %swap3A_651], %swap3A_654 {strides = array<i32>} : memref<128x64xf32, #tpu.memory_space<vmem>>, vector<1x16xf32>,
        %add3A_655 = arith.constant 4 : i32
        %add3A_656 = arith.addi %mul3A_320, %add3A_655 : i32
        %get3A_657 = arith.constant 0 : i32
        %get3A_658 = arith.constant 0 : i32
        %get3A_659 = tpu.memref_slice %arg6[%scan3A_114, %get3A_657, %get3A_658] : memref<4x128x128xf32, #tpu.memory_space<vmem>> -> memref<1x128x128xf32, #tpu.memory_space<vmem>>
        %get3A_660 = tpu.memref_squeeze %get3A_659 : memref<1x128x128xf32, #tpu.memory_space<vmem>> -> memref<128x128xf32, #tpu.memory_space<vmem>>
        %get3A_661 = arith.index_cast %add3A_656 : i32 to index
        %get3A_662 = arith.constant 0 : index
        %get3A_663 = tpu.vector_load %get3A_660[%get3A_661, %get3A_662] {strides = array<i32>} : memref<128x128xf32, #tpu.memory_space<vmem>>, vector<1x16xf32>,
        %get3A_664 = vector.shape_cast %get3A_663 : vector<1x16xf32> to vector<16xf32>
        %add3A_665 = arith.constant 4 : i32
        %add3A_666 = arith.addi %mul3A_320, %add3A_665 : i32
        %swap3A_667 = arith.constant 0 : i32
        %swap3A_668 = arith.constant 0 : i32
        %swap3A_669 = tpu.memref_slice %arg7[%scan3A_115, %swap3A_667, %swap3A_668] : memref<2x128x64xf32, #tpu.memory_space<vmem>> -> memref<1x128x64xf32, #tpu.memory_space<vmem>>
        %swap3A_670 = tpu.memref_squeeze %swap3A_669 : memref<1x128x64xf32, #tpu.memory_space<vmem>> -> memref<128x64xf32, #tpu.memory_space<vmem>>
        %swap3A_671 = arith.index_cast %add3A_666 : i32 to index
        %swap3A_672 = arith.constant 0 : index
        %swap3A_673 = tpu.vector_load %swap3A_670[%swap3A_671, %swap3A_672] {strides = array<i32>} : memref<128x64xf32, #tpu.memory_space<vmem>>, vector<1x16xf32>,
        %swap3A_674 = vector.shape_cast %swap3A_673 : vector<1x16xf32> to vector<16xf32>
        %swap3A_675 = vector.shape_cast %get3A_664 : vector<16xf32> to vector<1x16xf32>
        tpu.vector_store %swap3A_670[%swap3A_671, %swap3A_672], %swap3A_675 {strides = array<i32>} : memref<128x64xf32, #tpu.memory_space<vmem>>, vector<1x16xf32>,
        %add3A_676 = arith.constant 4 : i32
        %add3A_677 = arith.addi %mul3A_320, %add3A_676 : i32
        %get3A_678 = arith.constant 0 : i32
        %get3A_679 = arith.constant 0 : i32
        %get3A_680 = tpu.memref_slice %arg6[%scan3A_114, %get3A_678, %get3A_679] : memref<4x128x128xf32, #tpu.memory_space<vmem>> -> memref<1x128x128xf32, #tpu.memory_space<vmem>>
        %get3A_681 = tpu.memref_squeeze %get3A_680 : memref<1x128x128xf32, #tpu.memory_space<vmem>> -> memref<128x128xf32, #tpu.memory_space<vmem>>
        %get3A_682 = arith.index_cast %add3A_677 : i32 to index
        %get3A_683 = arith.constant 16 : index
        %get3A_684 = tpu.vector_load %get3A_681[%get3A_682, %get3A_683] {strides = array<i32>} : memref<128x128xf32, #tpu.memory_space<vmem>>, vector<1x16xf32>,
        %get3A_685 = vector.shape_cast %get3A_684 : vector<1x16xf32> to vector<16xf32>
        %add3A_686 = arith.constant 4 : i32
        %add3A_687 = arith.addi %mul3A_320, %add3A_686 : i32
        %swap3A_688 = arith.constant 0 : i32
        %swap3A_689 = arith.constant 0 : i32
        %swap3A_690 = tpu.memref_slice %arg7[%scan3A_115, %swap3A_688, %swap3A_689] : memref<2x128x64xf32, #tpu.memory_space<vmem>> -> memref<1x128x64xf32, #tpu.memory_space<vmem>>
        %swap3A_691 = tpu.memref_squeeze %swap3A_690 : memref<1x128x64xf32, #tpu.memory_space<vmem>> -> memref<128x64xf32, #tpu.memory_space<vmem>>
        %swap3A_692 = arith.index_cast %add3A_687 : i32 to index
        %swap3A_693 = arith.constant 16 : index
        %swap3A_694 = tpu.vector_load %swap3A_691[%swap3A_692, %swap3A_693] {strides = array<i32>} : memref<128x64xf32, #tpu.memory_space<vmem>>, vector<1x16xf32>,
        %swap3A_695 = vector.shape_cast %swap3A_694 : vector<1x16xf32> to vector<16xf32>
        %swap3A_696 = vector.shape_cast %get3A_685 : vector<16xf32> to vector<1x16xf32>
        tpu.vector_store %swap3A_691[%swap3A_692, %swap3A_693], %swap3A_696 {strides = array<i32>} : memref<128x64xf32, #tpu.memory_space<vmem>>, vector<1x16xf32>,
        %add3A_697 = arith.constant 4 : i32
        %add3A_698 = arith.addi %mul3A_320, %add3A_697 : i32
        %get3A_699 = arith.constant 0 : i32
        %get3A_700 = arith.constant 0 : i32
        %get3A_701 = tpu.memref_slice %arg6[%scan3A_114, %get3A_699, %get3A_700] : memref<4x128x128xf32, #tpu.memory_space<vmem>> -> memref<1x128x128xf32, #tpu.memory_space<vmem>>
        %get3A_702 = tpu.memref_squeeze %get3A_701 : memref<1x128x128xf32, #tpu.memory_space<vmem>> -> memref<128x128xf32, #tpu.memory_space<vmem>>
        %get3A_703 = arith.index_cast %add3A_698 : i32 to index
        %get3A_704 = arith.constant 32 : index
        %get3A_705 = tpu.vector_load %get3A_702[%get3A_703, %get3A_704] {strides = array<i32>} : memref<128x128xf32, #tpu.memory_space<vmem>>, vector<1x16xf32>,
        %get3A_706 = vector.shape_cast %get3A_705 : vector<1x16xf32> to vector<16xf32>
        %add3A_707 = arith.constant 4 : i32
        %add3A_708 = arith.addi %mul3A_320, %add3A_707 : i32
        %swap3A_709 = arith.constant 0 : i32
        %swap3A_710 = arith.constant 0 : i32
        %swap3A_711 = tpu.memref_slice %arg7[%scan3A_115, %swap3A_709, %swap3A_710] : memref<2x128x64xf32, #tpu.memory_space<vmem>> -> memref<1x128x64xf32, #tpu.memory_space<vmem>>
        %swap3A_712 = tpu.memref_squeeze %swap3A_711 : memref<1x128x64xf32, #tpu.memory_space<vmem>> -> memref<128x64xf32, #tpu.memory_space<vmem>>
        %swap3A_713 = arith.index_cast %add3A_708 : i32 to index
        %swap3A_714 = arith.constant 32 : index
        %swap3A_715 = tpu.vector_load %swap3A_712[%swap3A_713, %swap3A_714] {strides = array<i32>} : memref<128x64xf32, #tpu.memory_space<vmem>>, vector<1x16xf32>,
        %swap3A_716 = vector.shape_cast %swap3A_715 : vector<1x16xf32> to vector<16xf32>
        %swap3A_717 = vector.shape_cast %get3A_706 : vector<16xf32> to vector<1x16xf32>
        tpu.vector_store %swap3A_712[%swap3A_713, %swap3A_714], %swap3A_717 {strides = array<i32>} : memref<128x64xf32, #tpu.memory_space<vmem>>, vector<1x16xf32>,
        %add3A_718 = arith.constant 4 : i32
        %add3A_719 = arith.addi %mul3A_320, %add3A_718 : i32
        %get3A_720 = arith.constant 0 : i32
        %get3A_721 = arith.constant 0 : i32
        %get3A_722 = tpu.memref_slice %arg6[%scan3A_114, %get3A_720, %get3A_721] : memref<4x128x128xf32, #tpu.memory_space<vmem>> -> memref<1x128x128xf32, #tpu.memory_space<vmem>>
        %get3A_723 = tpu.memref_squeeze %get3A_722 : memref<1x128x128xf32, #tpu.memory_space<vmem>> -> memref<128x128xf32, #tpu.memory_space<vmem>>
        %get3A_724 = arith.index_cast %add3A_719 : i32 to index
        %get3A_725 = arith.constant 48 : index
        %get3A_726 = tpu.vector_load %get3A_723[%get3A_724, %get3A_725] {strides = array<i32>} : memref<128x128xf32, #tpu.memory_space<vmem>>, vector<1x16xf32>,
        %get3A_727 = vector.shape_cast %get3A_726 : vector<1x16xf32> to vector<16xf32>
        %add3A_728 = arith.constant 4 : i32
        %add3A_729 = arith.addi %mul3A_320, %add3A_728 : i32
        %swap3A_730 = arith.constant 0 : i32
        %swap3A_731 = arith.constant 0 : i32
        %swap3A_732 = tpu.memref_slice %arg7[%scan3A_115, %swap3A_730, %swap3A_731] : memref<2x128x64xf32, #tpu.memory_space<vmem>> -> memref<1x128x64xf32, #tpu.memory_space<vmem>>
        %swap3A_733 = tpu.memref_squeeze %swap3A_732 : memref<1x128x64xf32, #tpu.memory_space<vmem>> -> memref<128x64xf32, #tpu.memory_space<vmem>>
        %swap3A_734 = arith.index_cast %add3A_729 : i32 to index
        %swap3A_735 = arith.constant 48 : index
        %swap3A_736 = tpu.vector_load %swap3A_733[%swap3A_734, %swap3A_735] {strides = array<i32>} : memref<128x64xf32, #tpu.memory_space<vmem>>, vector<1x16xf32>,
        %swap3A_737 = vector.shape_cast %swap3A_736 : vector<1x16xf32> to vector<16xf32>
        %swap3A_738 = vector.shape_cast %get3A_727 : vector<16xf32> to vector<1x16xf32>
        tpu.vector_store %swap3A_733[%swap3A_734, %swap3A_735], %swap3A_738 {strides = array<i32>} : memref<128x64xf32, #tpu.memory_space<vmem>>, vector<1x16xf32>,
        %add3A_739 = arith.constant 5 : i32
        %add3A_740 = arith.addi %mul3A_320, %add3A_739 : i32
        %get3A_741 = arith.constant 0 : i32
        %get3A_742 = arith.constant 0 : i32
        %get3A_743 = tpu.memref_slice %arg6[%scan3A_114, %get3A_741, %get3A_742] : memref<4x128x128xf32, #tpu.memory_space<vmem>> -> memref<1x128x128xf32, #tpu.memory_space<vmem>>
        %get3A_744 = tpu.memref_squeeze %get3A_743 : memref<1x128x128xf32, #tpu.memory_space<vmem>> -> memref<128x128xf32, #tpu.memory_space<vmem>>
        %get3A_745 = arith.index_cast %add3A_740 : i32 to index
        %get3A_746 = arith.constant 0 : index
        %get3A_747 = tpu.vector_load %get3A_744[%get3A_745, %get3A_746] {strides = array<i32>} : memref<128x128xf32, #tpu.memory_space<vmem>>, vector<1x16xf32>,
        %get3A_748 = vector.shape_cast %get3A_747 : vector<1x16xf32> to vector<16xf32>
        %add3A_749 = arith.constant 5 : i32
        %add3A_750 = arith.addi %mul3A_320, %add3A_749 : i32
        %swap3A_751 = arith.constant 0 : i32
        %swap3A_752 = arith.constant 0 : i32
        %swap3A_753 = tpu.memref_slice %arg7[%scan3A_115, %swap3A_751, %swap3A_752] : memref<2x128x64xf32, #tpu.memory_space<vmem>> -> memref<1x128x64xf32, #tpu.memory_space<vmem>>
        %swap3A_754 = tpu.memref_squeeze %swap3A_753 : memref<1x128x64xf32, #tpu.memory_space<vmem>> -> memref<128x64xf32, #tpu.memory_space<vmem>>
        %swap3A_755 = arith.index_cast %add3A_750 : i32 to index
        %swap3A_756 = arith.constant 0 : index
        %swap3A_757 = tpu.vector_load %swap3A_754[%swap3A_755, %swap3A_756] {strides = array<i32>} : memref<128x64xf32, #tpu.memory_space<vmem>>, vector<1x16xf32>,
        %swap3A_758 = vector.shape_cast %swap3A_757 : vector<1x16xf32> to vector<16xf32>
        %swap3A_759 = vector.shape_cast %get3A_748 : vector<16xf32> to vector<1x16xf32>
        tpu.vector_store %swap3A_754[%swap3A_755, %swap3A_756], %swap3A_759 {strides = array<i32>} : memref<128x64xf32, #tpu.memory_space<vmem>>, vector<1x16xf32>,
        %add3A_760 = arith.constant 5 : i32
        %add3A_761 = arith.addi %mul3A_320, %add3A_760 : i32
        %get3A_762 = arith.constant 0 : i32
        %get3A_763 = arith.constant 0 : i32
        %get3A_764 = tpu.memref_slice %arg6[%scan3A_114, %get3A_762, %get3A_763] : memref<4x128x128xf32, #tpu.memory_space<vmem>> -> memref<1x128x128xf32, #tpu.memory_space<vmem>>
        %get3A_765 = tpu.memref_squeeze %get3A_764 : memref<1x128x128xf32, #tpu.memory_space<vmem>> -> memref<128x128xf32, #tpu.memory_space<vmem>>
        %get3A_766 = arith.index_cast %add3A_761 : i32 to index
        %get3A_767 = arith.constant 16 : index
        %get3A_768 = tpu.vector_load %get3A_765[%get3A_766, %get3A_767] {strides = array<i32>} : memref<128x128xf32, #tpu.memory_space<vmem>>, vector<1x16xf32>,
        %get3A_769 = vector.shape_cast %get3A_768 : vector<1x16xf32> to vector<16xf32>
        %add3A_770 = arith.constant 5 : i32
        %add3A_771 = arith.addi %mul3A_320, %add3A_770 : i32
        %swap3A_772 = arith.constant 0 : i32
        %swap3A_773 = arith.constant 0 : i32
        %swap3A_774 = tpu.memref_slice %arg7[%scan3A_115, %swap3A_772, %swap3A_773] : memref<2x128x64xf32, #tpu.memory_space<vmem>> -> memref<1x128x64xf32, #tpu.memory_space<vmem>>
        %swap3A_775 = tpu.memref_squeeze %swap3A_774 : memref<1x128x64xf32, #tpu.memory_space<vmem>> -> memref<128x64xf32, #tpu.memory_space<vmem>>
        %swap3A_776 = arith.index_cast %add3A_771 : i32 to index
        %swap3A_777 = arith.constant 16 : index
        %swap3A_778 = tpu.vector_load %swap3A_775[%swap3A_776, %swap3A_777] {strides = array<i32>} : memref<128x64xf32, #tpu.memory_space<vmem>>, vector<1x16xf32>,
        %swap3A_779 = vector.shape_cast %swap3A_778 : vector<1x16xf32> to vector<16xf32>
        %swap3A_780 = vector.shape_cast %get3A_769 : vector<16xf32> to vector<1x16xf32>
        tpu.vector_store %swap3A_775[%swap3A_776, %swap3A_777], %swap3A_780 {strides = array<i32>} : memref<128x64xf32, #tpu.memory_space<vmem>>, vector<1x16xf32>,
        %add3A_781 = arith.constant 5 : i32
        %add3A_782 = arith.addi %mul3A_320, %add3A_781 : i32
        %get3A_783 = arith.constant 0 : i32
        %get3A_784 = arith.constant 0 : i32
        %get3A_785 = tpu.memref_slice %arg6[%scan3A_114, %get3A_783, %get3A_784] : memref<4x128x128xf32, #tpu.memory_space<vmem>> -> memref<1x128x128xf32, #tpu.memory_space<vmem>>
        %get3A_786 = tpu.memref_squeeze %get3A_785 : memref<1x128x128xf32, #tpu.memory_space<vmem>> -> memref<128x128xf32, #tpu.memory_space<vmem>>
        %get3A_787 = arith.index_cast %add3A_782 : i32 to index
        %get3A_788 = arith.constant 32 : index
        %get3A_789 = tpu.vector_load %get3A_786[%get3A_787, %get3A_788] {strides = array<i32>} : memref<128x128xf32, #tpu.memory_space<vmem>>, vector<1x16xf32>,
        %get3A_790 = vector.shape_cast %get3A_789 : vector<1x16xf32> to vector<16xf32>
        %add3A_791 = arith.constant 5 : i32
        %add3A_792 = arith.addi %mul3A_320, %add3A_791 : i32
        %swap3A_793 = arith.constant 0 : i32
        %swap3A_794 = arith.constant 0 : i32
        %swap3A_795 = tpu.memref_slice %arg7[%scan3A_115, %swap3A_793, %swap3A_794] : memref<2x128x64xf32, #tpu.memory_space<vmem>> -> memref<1x128x64xf32, #tpu.memory_space<vmem>>
        %swap3A_796 = tpu.memref_squeeze %swap3A_795 : memref<1x128x64xf32, #tpu.memory_space<vmem>> -> memref<128x64xf32, #tpu.memory_space<vmem>>
        %swap3A_797 = arith.index_cast %add3A_792 : i32 to index
        %swap3A_798 = arith.constant 32 : index
        %swap3A_799 = tpu.vector_load %swap3A_796[%swap3A_797, %swap3A_798] {strides = array<i32>} : memref<128x64xf32, #tpu.memory_space<vmem>>, vector<1x16xf32>,
        %swap3A_800 = vector.shape_cast %swap3A_799 : vector<1x16xf32> to vector<16xf32>
        %swap3A_801 = vector.shape_cast %get3A_790 : vector<16xf32> to vector<1x16xf32>
        tpu.vector_store %swap3A_796[%swap3A_797, %swap3A_798], %swap3A_801 {strides = array<i32>} : memref<128x64xf32, #tpu.memory_space<vmem>>, vector<1x16xf32>,
        %add3A_802 = arith.constant 5 : i32
        %add3A_803 = arith.addi %mul3A_320, %add3A_802 : i32
        %get3A_804 = arith.constant 0 : i32
        %get3A_805 = arith.constant 0 : i32
        %get3A_806 = tpu.memref_slice %arg6[%scan3A_114, %get3A_804, %get3A_805] : memref<4x128x128xf32, #tpu.memory_space<vmem>> -> memref<1x128x128xf32, #tpu.memory_space<vmem>>
        %get3A_807 = tpu.memref_squeeze %get3A_806 : memref<1x128x128xf32, #tpu.memory_space<vmem>> -> memref<128x128xf32, #tpu.memory_space<vmem>>
        %get3A_808 = arith.index_cast %add3A_803 : i32 to index
        %get3A_809 = arith.constant 48 : index
        %get3A_810 = tpu.vector_load %get3A_807[%get3A_808, %get3A_809] {strides = array<i32>} : memref<128x128xf32, #tpu.memory_space<vmem>>, vector<1x16xf32>,
        %get3A_811 = vector.shape_cast %get3A_810 : vector<1x16xf32> to vector<16xf32>
        %add3A_812 = arith.constant 5 : i32
        %add3A_813 = arith.addi %mul3A_320, %add3A_812 : i32
        %swap3A_814 = arith.constant 0 : i32
        %swap3A_815 = arith.constant 0 : i32
        %swap3A_816 = tpu.memref_slice %arg7[%scan3A_115, %swap3A_814, %swap3A_815] : memref<2x128x64xf32, #tpu.memory_space<vmem>> -> memref<1x128x64xf32, #tpu.memory_space<vmem>>
        %swap3A_817 = tpu.memref_squeeze %swap3A_816 : memref<1x128x64xf32, #tpu.memory_space<vmem>> -> memref<128x64xf32, #tpu.memory_space<vmem>>
        %swap3A_818 = arith.index_cast %add3A_813 : i32 to index
        %swap3A_819 = arith.constant 48 : index
        %swap3A_820 = tpu.vector_load %swap3A_817[%swap3A_818, %swap3A_819] {strides = array<i32>} : memref<128x64xf32, #tpu.memory_space<vmem>>, vector<1x16xf32>,
        %swap3A_821 = vector.shape_cast %swap3A_820 : vector<1x16xf32> to vector<16xf32>
        %swap3A_822 = vector.shape_cast %get3A_811 : vector<16xf32> to vector<1x16xf32>
        tpu.vector_store %swap3A_817[%swap3A_818, %swap3A_819], %swap3A_822 {strides = array<i32>} : memref<128x64xf32, #tpu.memory_space<vmem>>, vector<1x16xf32>,
        %add3A_823 = arith.constant 6 : i32
        %add3A_824 = arith.addi %mul3A_320, %add3A_823 : i32
        %get3A_825 = arith.constant 0 : i32
        %get3A_826 = arith.constant 0 : i32
        %get3A_827 = tpu.memref_slice %arg6[%scan3A_114, %get3A_825, %get3A_826] : memref<4x128x128xf32, #tpu.memory_space<vmem>> -> memref<1x128x128xf32, #tpu.memory_space<vmem>>
        %get3A_828 = tpu.memref_squeeze %get3A_827 : memref<1x128x128xf32, #tpu.memory_space<vmem>> -> memref<128x128xf32, #tpu.memory_space<vmem>>
        %get3A_829 = arith.index_cast %add3A_824 : i32 to index
        %get3A_830 = arith.constant 0 : index
        %get3A_831 = tpu.vector_load %get3A_828[%get3A_829, %get3A_830] {strides = array<i32>} : memref<128x128xf32, #tpu.memory_space<vmem>>, vector<1x16xf32>,
        %get3A_832 = vector.shape_cast %get3A_831 : vector<1x16xf32> to vector<16xf32>
        %add3A_833 = arith.constant 6 : i32
        %add3A_834 = arith.addi %mul3A_320, %add3A_833 : i32
        %swap3A_835 = arith.constant 0 : i32
        %swap3A_836 = arith.constant 0 : i32
        %swap3A_837 = tpu.memref_slice %arg7[%scan3A_115, %swap3A_835, %swap3A_836] : memref<2x128x64xf32, #tpu.memory_space<vmem>> -> memref<1x128x64xf32, #tpu.memory_space<vmem>>
        %swap3A_838 = tpu.memref_squeeze %swap3A_837 : memref<1x128x64xf32, #tpu.memory_space<vmem>> -> memref<128x64xf32, #tpu.memory_space<vmem>>
        %swap3A_839 = arith.index_cast %add3A_834 : i32 to index
        %swap3A_840 = arith.constant 0 : index
        %swap3A_841 = tpu.vector_load %swap3A_838[%swap3A_839, %swap3A_840] {strides = array<i32>} : memref<128x64xf32, #tpu.memory_space<vmem>>, vector<1x16xf32>,
        %swap3A_842 = vector.shape_cast %swap3A_841 : vector<1x16xf32> to vector<16xf32>
        %swap3A_843 = vector.shape_cast %get3A_832 : vector<16xf32> to vector<1x16xf32>
        tpu.vector_store %swap3A_838[%swap3A_839, %swap3A_840], %swap3A_843 {strides = array<i32>} : memref<128x64xf32, #tpu.memory_space<vmem>>, vector<1x16xf32>,
        %add3A_844 = arith.constant 6 : i32
        %add3A_845 = arith.addi %mul3A_320, %add3A_844 : i32
        %get3A_846 = arith.constant 0 : i32
        %get3A_847 = arith.constant 0 : i32
        %get3A_848 = tpu.memref_slice %arg6[%scan3A_114, %get3A_846, %get3A_847] : memref<4x128x128xf32, #tpu.memory_space<vmem>> -> memref<1x128x128xf32, #tpu.memory_space<vmem>>
        %get3A_849 = tpu.memref_squeeze %get3A_848 : memref<1x128x128xf32, #tpu.memory_space<vmem>> -> memref<128x128xf32, #tpu.memory_space<vmem>>
        %get3A_850 = arith.index_cast %add3A_845 : i32 to index
        %get3A_851 = arith.constant 16 : index
        %get3A_852 = tpu.vector_load %get3A_849[%get3A_850, %get3A_851] {strides = array<i32>} : memref<128x128xf32, #tpu.memory_space<vmem>>, vector<1x16xf32>,
        %get3A_853 = vector.shape_cast %get3A_852 : vector<1x16xf32> to vector<16xf32>
        %add3A_854 = arith.constant 6 : i32
        %add3A_855 = arith.addi %mul3A_320, %add3A_854 : i32
        %swap3A_856 = arith.constant 0 : i32
        %swap3A_857 = arith.constant 0 : i32
        %swap3A_858 = tpu.memref_slice %arg7[%scan3A_115, %swap3A_856, %swap3A_857] : memref<2x128x64xf32, #tpu.memory_space<vmem>> -> memref<1x128x64xf32, #tpu.memory_space<vmem>>
        %swap3A_859 = tpu.memref_squeeze %swap3A_858 : memref<1x128x64xf32, #tpu.memory_space<vmem>> -> memref<128x64xf32, #tpu.memory_space<vmem>>
        %swap3A_860 = arith.index_cast %add3A_855 : i32 to index
        %swap3A_861 = arith.constant 16 : index
        %swap3A_862 = tpu.vector_load %swap3A_859[%swap3A_860, %swap3A_861] {strides = array<i32>} : memref<128x64xf32, #tpu.memory_space<vmem>>, vector<1x16xf32>,
        %swap3A_863 = vector.shape_cast %swap3A_862 : vector<1x16xf32> to vector<16xf32>
        %swap3A_864 = vector.shape_cast %get3A_853 : vector<16xf32> to vector<1x16xf32>
        tpu.vector_store %swap3A_859[%swap3A_860, %swap3A_861], %swap3A_864 {strides = array<i32>} : memref<128x64xf32, #tpu.memory_space<vmem>>, vector<1x16xf32>,
        %add3A_865 = arith.constant 6 : i32
        %add3A_866 = arith.addi %mul3A_320, %add3A_865 : i32
        %get3A_867 = arith.constant 0 : i32
        %get3A_868 = arith.constant 0 : i32
        %get3A_869 = tpu.memref_slice %arg6[%scan3A_114, %get3A_867, %get3A_868] : memref<4x128x128xf32, #tpu.memory_space<vmem>> -> memref<1x128x128xf32, #tpu.memory_space<vmem>>
        %get3A_870 = tpu.memref_squeeze %get3A_869 : memref<1x128x128xf32, #tpu.memory_space<vmem>> -> memref<128x128xf32, #tpu.memory_space<vmem>>
        %get3A_871 = arith.index_cast %add3A_866 : i32 to index
        %get3A_872 = arith.constant 32 : index
        %get3A_873 = tpu.vector_load %get3A_870[%get3A_871, %get3A_872] {strides = array<i32>} : memref<128x128xf32, #tpu.memory_space<vmem>>, vector<1x16xf32>,
        %get3A_874 = vector.shape_cast %get3A_873 : vector<1x16xf32> to vector<16xf32>
        %add3A_875 = arith.constant 6 : i32
        %add3A_876 = arith.addi %mul3A_320, %add3A_875 : i32
        %swap3A_877 = arith.constant 0 : i32
        %swap3A_878 = arith.constant 0 : i32
        %swap3A_879 = tpu.memref_slice %arg7[%scan3A_115, %swap3A_877, %swap3A_878] : memref<2x128x64xf32, #tpu.memory_space<vmem>> -> memref<1x128x64xf32, #tpu.memory_space<vmem>>
        %swap3A_880 = tpu.memref_squeeze %swap3A_879 : memref<1x128x64xf32, #tpu.memory_space<vmem>> -> memref<128x64xf32, #tpu.memory_space<vmem>>
        %swap3A_881 = arith.index_cast %add3A_876 : i32 to index
        %swap3A_882 = arith.constant 32 : index
        %swap3A_883 = tpu.vector_load %swap3A_880[%swap3A_881, %swap3A_882] {strides = array<i32>} : memref<128x64xf32, #tpu.memory_space<vmem>>, vector<1x16xf32>,
        %swap3A_884 = vector.shape_cast %swap3A_883 : vector<1x16xf32> to vector<16xf32>
        %swap3A_885 = vector.shape_cast %get3A_874 : vector<16xf32> to vector<1x16xf32>
        tpu.vector_store %swap3A_880[%swap3A_881, %swap3A_882], %swap3A_885 {strides = array<i32>} : memref<128x64xf32, #tpu.memory_space<vmem>>, vector<1x16xf32>,
        %add3A_886 = arith.constant 6 : i32
        %add3A_887 = arith.addi %mul3A_320, %add3A_886 : i32
        %get3A_888 = arith.constant 0 : i32
        %get3A_889 = arith.constant 0 : i32
        %get3A_890 = tpu.memref_slice %arg6[%scan3A_114, %get3A_888, %get3A_889] : memref<4x128x128xf32, #tpu.memory_space<vmem>> -> memref<1x128x128xf32, #tpu.memory_space<vmem>>
        %get3A_891 = tpu.memref_squeeze %get3A_890 : memref<1x128x128xf32, #tpu.memory_space<vmem>> -> memref<128x128xf32, #tpu.memory_space<vmem>>
        %get3A_892 = arith.index_cast %add3A_887 : i32 to index
        %get3A_893 = arith.constant 48 : index
        %get3A_894 = tpu.vector_load %get3A_891[%get3A_892, %get3A_893] {strides = array<i32>} : memref<128x128xf32, #tpu.memory_space<vmem>>, vector<1x16xf32>,
        %get3A_895 = vector.shape_cast %get3A_894 : vector<1x16xf32> to vector<16xf32>
        %add3A_896 = arith.constant 6 : i32
        %add3A_897 = arith.addi %mul3A_320, %add3A_896 : i32
        %swap3A_898 = arith.constant 0 : i32
        %swap3A_899 = arith.constant 0 : i32
        %swap3A_900 = tpu.memref_slice %arg7[%scan3A_115, %swap3A_898, %swap3A_899] : memref<2x128x64xf32, #tpu.memory_space<vmem>> -> memref<1x128x64xf32, #tpu.memory_space<vmem>>
        %swap3A_901 = tpu.memref_squeeze %swap3A_900 : memref<1x128x64xf32, #tpu.memory_space<vmem>> -> memref<128x64xf32, #tpu.memory_space<vmem>>
        %swap3A_902 = arith.index_cast %add3A_897 : i32 to index
        %swap3A_903 = arith.constant 48 : index
        %swap3A_904 = tpu.vector_load %swap3A_901[%swap3A_902, %swap3A_903] {strides = array<i32>} : memref<128x64xf32, #tpu.memory_space<vmem>>, vector<1x16xf32>,
        %swap3A_905 = vector.shape_cast %swap3A_904 : vector<1x16xf32> to vector<16xf32>
        %swap3A_906 = vector.shape_cast %get3A_895 : vector<16xf32> to vector<1x16xf32>
        tpu.vector_store %swap3A_901[%swap3A_902, %swap3A_903], %swap3A_906 {strides = array<i32>} : memref<128x64xf32, #tpu.memory_space<vmem>>, vector<1x16xf32>,
        %add3A_907 = arith.constant 7 : i32
        %add3A_908 = arith.addi %mul3A_320, %add3A_907 : i32
        %get3A_909 = arith.constant 0 : i32
        %get3A_910 = arith.constant 0 : i32
        %get3A_911 = tpu.memref_slice %arg6[%scan3A_114, %get3A_909, %get3A_910] : memref<4x128x128xf32, #tpu.memory_space<vmem>> -> memref<1x128x128xf32, #tpu.memory_space<vmem>>
        %get3A_912 = tpu.memref_squeeze %get3A_911 : memref<1x128x128xf32, #tpu.memory_space<vmem>> -> memref<128x128xf32, #tpu.memory_space<vmem>>
        %get3A_913 = arith.index_cast %add3A_908 : i32 to index
        %get3A_914 = arith.constant 0 : index
        %get3A_915 = tpu.vector_load %get3A_912[%get3A_913, %get3A_914] {strides = array<i32>} : memref<128x128xf32, #tpu.memory_space<vmem>>, vector<1x16xf32>,
        %get3A_916 = vector.shape_cast %get3A_915 : vector<1x16xf32> to vector<16xf32>
        %add3A_917 = arith.constant 7 : i32
        %add3A_918 = arith.addi %mul3A_320, %add3A_917 : i32
        %swap3A_919 = arith.constant 0 : i32
        %swap3A_920 = arith.constant 0 : i32
        %swap3A_921 = tpu.memref_slice %arg7[%scan3A_115, %swap3A_919, %swap3A_920] : memref<2x128x64xf32, #tpu.memory_space<vmem>> -> memref<1x128x64xf32, #tpu.memory_space<vmem>>
        %swap3A_922 = tpu.memref_squeeze %swap3A_921 : memref<1x128x64xf32, #tpu.memory_space<vmem>> -> memref<128x64xf32, #tpu.memory_space<vmem>>
        %swap3A_923 = arith.index_cast %add3A_918 : i32 to index
        %swap3A_924 = arith.constant 0 : index
        %swap3A_925 = tpu.vector_load %swap3A_922[%swap3A_923, %swap3A_924] {strides = array<i32>} : memref<128x64xf32, #tpu.memory_space<vmem>>, vector<1x16xf32>,
        %swap3A_926 = vector.shape_cast %swap3A_925 : vector<1x16xf32> to vector<16xf32>
        %swap3A_927 = vector.shape_cast %get3A_916 : vector<16xf32> to vector<1x16xf32>
        tpu.vector_store %swap3A_922[%swap3A_923, %swap3A_924], %swap3A_927 {strides = array<i32>} : memref<128x64xf32, #tpu.memory_space<vmem>>, vector<1x16xf32>,
        %add3A_928 = arith.constant 7 : i32
        %add3A_929 = arith.addi %mul3A_320, %add3A_928 : i32
        %get3A_930 = arith.constant 0 : i32
        %get3A_931 = arith.constant 0 : i32
        %get3A_932 = tpu.memref_slice %arg6[%scan3A_114, %get3A_930, %get3A_931] : memref<4x128x128xf32, #tpu.memory_space<vmem>> -> memref<1x128x128xf32, #tpu.memory_space<vmem>>
        %get3A_933 = tpu.memref_squeeze %get3A_932 : memref<1x128x128xf32, #tpu.memory_space<vmem>> -> memref<128x128xf32, #tpu.memory_space<vmem>>
        %get3A_934 = arith.index_cast %add3A_929 : i32 to index
        %get3A_935 = arith.constant 16 : index
        %get3A_936 = tpu.vector_load %get3A_933[%get3A_934, %get3A_935] {strides = array<i32>} : memref<128x128xf32, #tpu.memory_space<vmem>>, vector<1x16xf32>,
        %get3A_937 = vector.shape_cast %get3A_936 : vector<1x16xf32> to vector<16xf32>
        %add3A_938 = arith.constant 7 : i32
        %add3A_939 = arith.addi %mul3A_320, %add3A_938 : i32
        %swap3A_940 = arith.constant 0 : i32
        %swap3A_941 = arith.constant 0 : i32
        %swap3A_942 = tpu.memref_slice %arg7[%scan3A_115, %swap3A_940, %swap3A_941] : memref<2x128x64xf32, #tpu.memory_space<vmem>> -> memref<1x128x64xf32, #tpu.memory_space<vmem>>
        %swap3A_943 = tpu.memref_squeeze %swap3A_942 : memref<1x128x64xf32, #tpu.memory_space<vmem>> -> memref<128x64xf32, #tpu.memory_space<vmem>>
        %swap3A_944 = arith.index_cast %add3A_939 : i32 to index
        %swap3A_945 = arith.constant 16 : index
        %swap3A_946 = tpu.vector_load %swap3A_943[%swap3A_944, %swap3A_945] {strides = array<i32>} : memref<128x64xf32, #tpu.memory_space<vmem>>, vector<1x16xf32>,
        %swap3A_947 = vector.shape_cast %swap3A_946 : vector<1x16xf32> to vector<16xf32>
        %swap3A_948 = vector.shape_cast %get3A_937 : vector<16xf32> to vector<1x16xf32>
        tpu.vector_store %swap3A_943[%swap3A_944, %swap3A_945], %swap3A_948 {strides = array<i32>} : memref<128x64xf32, #tpu.memory_space<vmem>>, vector<1x16xf32>,
        %add3A_949 = arith.constant 7 : i32
        %add3A_950 = arith.addi %mul3A_320, %add3A_949 : i32
        %get3A_951 = arith.constant 0 : i32
        %get3A_952 = arith.constant 0 : i32
        %get3A_953 = tpu.memref_slice %arg6[%scan3A_114, %get3A_951, %get3A_952] : memref<4x128x128xf32, #tpu.memory_space<vmem>> -> memref<1x128x128xf32, #tpu.memory_space<vmem>>
        %get3A_954 = tpu.memref_squeeze %get3A_953 : memref<1x128x128xf32, #tpu.memory_space<vmem>> -> memref<128x128xf32, #tpu.memory_space<vmem>>
        %get3A_955 = arith.index_cast %add3A_950 : i32 to index
        %get3A_956 = arith.constant 32 : index
        %get3A_957 = tpu.vector_load %get3A_954[%get3A_955, %get3A_956] {strides = array<i32>} : memref<128x128xf32, #tpu.memory_space<vmem>>, vector<1x16xf32>,
        %get3A_958 = vector.shape_cast %get3A_957 : vector<1x16xf32> to vector<16xf32>
        %add3A_959 = arith.constant 7 : i32
        %add3A_960 = arith.addi %mul3A_320, %add3A_959 : i32
        %swap3A_961 = arith.constant 0 : i32
        %swap3A_962 = arith.constant 0 : i32
        %swap3A_963 = tpu.memref_slice %arg7[%scan3A_115, %swap3A_961, %swap3A_962] : memref<2x128x64xf32, #tpu.memory_space<vmem>> -> memref<1x128x64xf32, #tpu.memory_space<vmem>>
        %swap3A_964 = tpu.memref_squeeze %swap3A_963 : memref<1x128x64xf32, #tpu.memory_space<vmem>> -> memref<128x64xf32, #tpu.memory_space<vmem>>
        %swap3A_965 = arith.index_cast %add3A_960 : i32 to index
        %swap3A_966 = arith.constant 32 : index
        %swap3A_967 = tpu.vector_load %swap3A_964[%swap3A_965, %swap3A_966] {strides = array<i32>} : memref<128x64xf32, #tpu.memory_space<vmem>>, vector<1x16xf32>,
        %swap3A_968 = vector.shape_cast %swap3A_967 : vector<1x16xf32> to vector<16xf32>
        %swap3A_969 = vector.shape_cast %get3A_958 : vector<16xf32> to vector<1x16xf32>
        tpu.vector_store %swap3A_964[%swap3A_965, %swap3A_966], %swap3A_969 {strides = array<i32>} : memref<128x64xf32, #tpu.memory_space<vmem>>, vector<1x16xf32>,
        %add3A_970 = arith.constant 7 : i32
        %add3A_971 = arith.addi %mul3A_320, %add3A_970 : i32
        %get3A_972 = arith.constant 0 : i32
        %get3A_973 = arith.constant 0 : i32
        %get3A_974 = tpu.memref_slice %arg6[%scan3A_114, %get3A_972, %get3A_973] : memref<4x128x128xf32, #tpu.memory_space<vmem>> -> memref<1x128x128xf32, #tpu.memory_space<vmem>>
        %get3A_975 = tpu.memref_squeeze %get3A_974 : memref<1x128x128xf32, #tpu.memory_space<vmem>> -> memref<128x128xf32, #tpu.memory_space<vmem>>
        %get3A_976 = arith.index_cast %add3A_971 : i32 to index
        %get3A_977 = arith.constant 48 : index
        %get3A_978 = tpu.vector_load %get3A_975[%get3A_976, %get3A_977] {strides = array<i32>} : memref<128x128xf32, #tpu.memory_space<vmem>>, vector<1x16xf32>,
        %get3A_979 = vector.shape_cast %get3A_978 : vector<1x16xf32> to vector<16xf32>
        %add3A_980 = arith.constant 7 : i32
        %add3A_981 = arith.addi %mul3A_320, %add3A_980 : i32
        %swap3A_982 = arith.constant 0 : i32
        %swap3A_983 = arith.constant 0 : i32
        %swap3A_984 = tpu.memref_slice %arg7[%scan3A_115, %swap3A_982, %swap3A_983] : memref<2x128x64xf32, #tpu.memory_space<vmem>> -> memref<1x128x64xf32, #tpu.memory_space<vmem>>
        %swap3A_985 = tpu.memref_squeeze %swap3A_984 : memref<1x128x64xf32, #tpu.memory_space<vmem>> -> memref<128x64xf32, #tpu.memory_space<vmem>>
        %swap3A_986 = arith.index_cast %add3A_981 : i32 to index
        %swap3A_987 = arith.constant 48 : index
        %swap3A_988 = tpu.vector_load %swap3A_985[%swap3A_986, %swap3A_987] {strides = array<i32>} : memref<128x64xf32, #tpu.memory_space<vmem>>, vector<1x16xf32>,
        %swap3A_989 = vector.shape_cast %swap3A_988 : vector<1x16xf32> to vector<16xf32>
        %swap3A_990 = vector.shape_cast %get3A_979 : vector<16xf32> to vector<1x16xf32>
        tpu.vector_store %swap3A_985[%swap3A_986, %swap3A_987], %swap3A_990 {strides = array<i32>} : memref<128x64xf32, #tpu.memory_space<vmem>>, vector<1x16xf32>,
        %scan3A_991 = arith.constant 0 : i32
        scf.yield %scan3A_991 : i32
      }
      %scan3A_122 = arith.constant 16 : i32
      %add3A_123 = arith.addi %mul3A_2, %add3A_97 : i32
      %mul3A_124 = arith.constant 128 : i32
      %mul3A_125 = arith.muli %add3A_123, %mul3A_124 : i32
      %dma_start3A_126 = arith.constant 0 : i32
      %dma_start3A_127 = arith.constant 0 : i32
      %dma_start3A_128 = arith.constant 0 : i32
      %dma_start3A_129 = arith.constant 0 : i32
      %dma_start3A_130 = tpu.memref_slice %arg7[%dma_start3A_126, %dma_start3A_128, %dma_start3A_129] : memref<2x128x64xf32, #tpu.memory_space<vmem>> -> memref<1x128x64xf32, #tpu.memory_space<vmem>>
      %dma_start3A_131 = tpu.memref_squeeze %dma_start3A_130 : memref<1x128x64xf32, #tpu.memory_space<vmem>> -> memref<128x64xf32, #tpu.memory_space<vmem>>
      %dma_start3A_132 = arith.constant 0 : i32
      %dma_start3A_133 = tpu.memref_slice %arg4[%mul3A_125, %dma_start3A_132] : memref<819200x64xf32, #tpu.memory_space<hbm>> -> memref<128x64xf32, #tpu.memory_space<hbm>>
      %dma_start3A_134 = tpu.memref_slice %arg9[%dma_start3A_127] : memref<2x!tpu.dma_semaphore, #tpu.memory_space<semaphore_mem>> -> memref<1x!tpu.dma_semaphore, #tpu.memory_space<semaphore_mem>>
      %dma_start3A_135 = tpu.memref_squeeze %dma_start3A_134 : memref<1x!tpu.dma_semaphore, #tpu.memory_space<semaphore_mem>> -> memref<!tpu.dma_semaphore, #tpu.memory_space<semaphore_mem>>
      %dma_start3A_136 = arith.constant 0 : i32
      %dma_start3A_137 = tpu.memref_slice %arg4[%mul3A_125, %dma_start3A_136] : memref<819200x64xf32, #tpu.memory_space<hbm>> -> memref<128x64xf32, #tpu.memory_space<hbm>>
      %dma_start3A_138 = arith.constant 0 : i32
      %dma_start3A_139 = arith.constant 0 : i32
      %dma_start3A_140 = tpu.memref_slice %arg7[%dma_start3A_126, %dma_start3A_138, %dma_start3A_139] : memref<2x128x64xf32, #tpu.memory_space<vmem>> -> memref<1x128x64xf32, #tpu.memory_space<vmem>>
      %dma_start3A_141 = tpu.memref_squeeze %dma_start3A_140 : memref<1x128x64xf32, #tpu.memory_space<vmem>> -> memref<128x64xf32, #tpu.memory_space<vmem>>
      tpu.enqueue_dma source(%dma_start3A_141 : memref<128x64xf32, #tpu.memory_space<vmem>>) target(%dma_start3A_137 : memref<128x64xf32, #tpu.memory_space<hbm>>) target_semaphore(%dma_start3A_135 : memref<!tpu.dma_semaphore, #tpu.memory_space<semaphore_mem>>)
      %add3A_142 = arith.constant 3 : i32
      %add3A_143 = arith.addi %add3A_97, %add3A_142 : i32
      %lt3A = arith.constant 200 : i32
      %lt3A_144 = arith.cmpi slt, %add3A_143, %lt3A : i32
      %convert_element_type3A_145 = arith.extui %lt3A_144 : i1 to i32
      %cond3A_146 = arith.constant 0 : i32
      %cond3A_147 = arith.cmpi ne, %convert_element_type3A_145, %cond3A_146 : i32
      scf.if %cond3A_147 {
        %add3A_317 = arith.constant 3 : i32
        %add3A_318 = arith.addi %add3A_97, %add3A_317 : i32
        %dma_start3A_319 = arith.constant 3 : i32
        %dma_start3A_320 = arith.constant 3 : i32
        %dma_start3A_321 = arith.constant 0 : i32
        %dma_start3A_322 = arith.constant 0 : i32
        %dma_start3A_323 = tpu.memref_slice %arg6[%dma_start3A_319, %dma_start3A_321, %dma_start3A_322] : memref<4x128x128xf32, #tpu.memory_space<vmem>> -> memref<1x128x128xf32, #tpu.memory_space<vmem>>
        %dma_start3A_324 = tpu.memref_squeeze %dma_start3A_323 : memref<1x128x128xf32, #tpu.memory_space<vmem>> -> memref<128x128xf32, #tpu.memory_space<vmem>>
        %dma_start3A_325 = arith.constant 0 : i32
        %dma_start3A_326 = tpu.memref_slice %arg5[%add3A_318, %dma_start3A_325] : memref<200x128xi32, #tpu.memory_space<vmem>> -> memref<1x128xi32, #tpu.memory_space<vmem>>
        %dma_start3A_327 = tpu.memref_squeeze %dma_start3A_326 : memref<1x128xi32, #tpu.memory_space<vmem>> -> memref<128xi32, #tpu.memory_space<vmem>>
        %dma_start3A_328 = arith.constant 0 : i32
        %dma_start3A_329 = arith.constant 0 : i32
        %dma_start3A_330 = tpu.memref_slice %arg3[%dma_start3A_328, %dma_start3A_329] : memref<1000000x128xf32, #tpu.memory_space<hbm>> -> memref<1000000x128xf32, #tpu.memory_space<hbm>>
        %dma_start3A_331 = tpu.memref_slice %arg8[%dma_start3A_320] : memref<4x!tpu.dma_semaphore, #tpu.memory_space<semaphore_mem>> -> memref<1x!tpu.dma_semaphore, #tpu.memory_space<semaphore_mem>>
        %dma_start3A_332 = tpu.memref_squeeze %dma_start3A_331 : memref<1x!tpu.dma_semaphore, #tpu.memory_space<semaphore_mem>> -> memref<!tpu.dma_semaphore, #tpu.memory_space<semaphore_mem>>
        tpu.enqueue_indirect_dma source(%dma_start3A_330 : memref<1000000x128xf32, #tpu.memory_space<hbm>>) target(%dma_start3A_324 : memref<128x128xf32, #tpu.memory_space<vmem>>) offsets(%dma_start3A_327 : memref<128xi32, #tpu.memory_space<vmem>>) semaphore(%dma_start3A_332 : memref<!tpu.dma_semaphore, #tpu.memory_space<semaphore_mem>>)
      } else {
      }
      %add3A_148 = arith.constant 1 : i32
      %add3A_149 = arith.addi %mul3A_95, %add3A_148 : i32
      %dma_wait3A_150 = arith.constant 1 : i32
      %dma_wait3A_151 = arith.constant 1 : i32
      %dma_wait3A_152 = arith.constant 0 : i32
      %dma_wait3A_153 = arith.constant 0 : i32
      %dma_wait3A_154 = tpu.memref_slice %arg6[%dma_wait3A_150, %dma_wait3A_152, %dma_wait3A_153] : memref<4x128x128xf32, #tpu.memory_space<vmem>> -> memref<1x128x128xf32, #tpu.memory_space<vmem>>
      %dma_wait3A_155 = tpu.memref_squeeze %dma_wait3A_154 : memref<1x128x128xf32, #tpu.memory_space<vmem>> -> memref<128x128xf32, #tpu.memory_space<vmem>>
      %dma_wait3A_156 = arith.constant 0 : i32
      %dma_wait3A_157 = tpu.memref_slice %arg5[%add3A_149, %dma_wait3A_156] : memref<200x128xi32, #tpu.memory_space<vmem>> -> memref<1x128xi32, #tpu.memory_space<vmem>>
      %dma_wait3A_158 = tpu.memref_squeeze %dma_wait3A_157 : memref<1x128xi32, #tpu.memory_space<vmem>> -> memref<128xi32, #tpu.memory_space<vmem>>
      %dma_wait3A_159 = arith.constant 0 : i32
      %dma_wait3A_160 = arith.constant 0 : i32
      %dma_wait3A_161 = tpu.memref_slice %arg3[%dma_wait3A_159, %dma_wait3A_160] : memref<1000000x128xf32, #tpu.memory_space<hbm>> -> memref<1000000x128xf32, #tpu.memory_space<hbm>>
      %dma_wait3A_162 = tpu.memref_slice %arg8[%dma_wait3A_151] : memref<4x!tpu.dma_semaphore, #tpu.memory_space<semaphore_mem>> -> memref<1x!tpu.dma_semaphore, #tpu.memory_space<semaphore_mem>>
      %dma_wait3A_163 = tpu.memref_squeeze %dma_wait3A_162 : memref<1x!tpu.dma_semaphore, #tpu.memory_space<semaphore_mem>> -> memref<!tpu.dma_semaphore, #tpu.memory_space<semaphore_mem>>
      tpu.wait_indirect_dma semaphore(%dma_wait3A_163 : memref<!tpu.dma_semaphore, #tpu.memory_space<semaphore_mem>>) src(%dma_wait3A_161 : memref<1000000x128xf32, #tpu.memory_space<hbm>>) dst(%dma_wait3A_155 : memref<128x128xf32, #tpu.memory_space<vmem>>)
      %ge3A_164 = arith.constant 2 : i32
      %ge3A_165 = arith.cmpi sge, %add3A_149, %ge3A_164 : i32
      %convert_element_type3A_166 = arith.extui %ge3A_165 : i1 to i32
      %cond3A_167 = arith.constant 0 : i32
      %cond3A_168 = arith.cmpi ne, %convert_element_type3A_166, %cond3A_167 : i32
      scf.if %cond3A_168 {
        %add3A_317 = arith.addi %mul3A_2, %add3A_149 : i32
        %sub3A = arith.constant 2 : i32
        %sub3A_318 = arith.subi %add3A_317, %sub3A : i32
        %mul3A_319 = arith.constant 128 : i32
        %mul3A_320 = arith.muli %sub3A_318, %mul3A_319 : i32
        %dma_wait3A_321 = arith.constant 1 : i32
        %dma_wait3A_322 = arith.constant 1 : i32
        %dma_wait3A_323 = arith.constant 0 : i32
        %dma_wait3A_324 = arith.constant 0 : i32
        %dma_wait3A_325 = tpu.memref_slice %arg7[%dma_wait3A_321, %dma_wait3A_323, %dma_wait3A_324] : memref<2x128x64xf32, #tpu.memory_space<vmem>> -> memref<1x128x64xf32, #tpu.memory_space<vmem>>
        %dma_wait3A_326 = tpu.memref_squeeze %dma_wait3A_325 : memref<1x128x64xf32, #tpu.memory_space<vmem>> -> memref<128x64xf32, #tpu.memory_space<vmem>>
        %dma_wait3A_327 = arith.constant 0 : i32
        %dma_wait3A_328 = tpu.memref_slice %arg4[%mul3A_320, %dma_wait3A_327] : memref<819200x64xf32, #tpu.memory_space<hbm>> -> memref<128x64xf32, #tpu.memory_space<hbm>>
        %dma_wait3A_329 = tpu.memref_slice %arg9[%dma_wait3A_322] : memref<2x!tpu.dma_semaphore, #tpu.memory_space<semaphore_mem>> -> memref<1x!tpu.dma_semaphore, #tpu.memory_space<semaphore_mem>>
        %dma_wait3A_330 = tpu.memref_squeeze %dma_wait3A_329 : memref<1x!tpu.dma_semaphore, #tpu.memory_space<semaphore_mem>> -> memref<!tpu.dma_semaphore, #tpu.memory_space<semaphore_mem>>
        %dma_wait3A_331 = arith.constant 0 : i32
        %dma_wait3A_332 = tpu.memref_slice %arg4[%mul3A_320, %dma_wait3A_331] : memref<819200x64xf32, #tpu.memory_space<hbm>> -> memref<128x64xf32, #tpu.memory_space<hbm>>
        %dma_wait3A_333 = arith.constant 0 : i32
        %dma_wait3A_334 = arith.constant 0 : i32
        %dma_wait3A_335 = tpu.memref_slice %arg7[%dma_wait3A_321, %dma_wait3A_333, %dma_wait3A_334] : memref<2x128x64xf32, #tpu.memory_space<vmem>> -> memref<1x128x64xf32, #tpu.memory_space<vmem>>
        %dma_wait3A_336 = tpu.memref_squeeze %dma_wait3A_335 : memref<1x128x64xf32, #tpu.memory_space<vmem>> -> memref<128x64xf32, #tpu.memory_space<vmem>>
        tpu.wait_dma2 semaphore(%dma_wait3A_330 : memref<!tpu.dma_semaphore, #tpu.memory_space<semaphore_mem>>) src(%dma_wait3A_336 : memref<128x64xf32, #tpu.memory_space<vmem>>) dst(%dma_wait3A_332 : memref<128x64xf32, #tpu.memory_space<hbm>>)
      } else {
      }
      %scan3A_169 = arith.constant 1 : i32
      %scan3A_170 = arith.constant 1 : i32
      %scan3A_171 = arith.constant 0 : i32
      %scan3A_172 = arith.constant 0 : i32
      %scan3A_173 = arith.constant 16 : i32
      %scan3A_174 = arith.addi %scan3A_172, %scan3A_173 : i32
      %scan3A_175 = arith.constant 1 : i32
      %scan3A_176 = scf.for %scan3A_317 = %scan3A_172 to %scan3A_174 step %scan3A_175 iter_args(%scan3A_318 = %scan3A_171) -> (i32)  : i32 {
        %mul3A_319 = arith.constant 8 : i32
        %mul3A_320 = arith.muli %scan3A_317, %mul3A_319 : i32
        %add3A_321 = arith.constant 0 : i32
        %add3A_322 = arith.addi %mul3A_320, %add3A_321 : i32
        %get3A = arith.constant 0 : i32
        %get3A_323 = arith.constant 0 : i32
        %get3A_324 = tpu.memref_slice %arg6[%scan3A_169, %get3A, %get3A_323] : memref<4x128x128xf32, #tpu.memory_space<vmem>> -> memref<1x128x128xf32, #tpu.memory_space<vmem>>
        %get3A_325 = tpu.memref_squeeze %get3A_324 : memref<1x128x128xf32, #tpu.memory_space<vmem>> -> memref<128x128xf32, #tpu.memory_space<vmem>>
        %get3A_326 = arith.index_cast %add3A_322 : i32 to index
        %get3A_327 = arith.constant 0 : index
        %get3A_328 = tpu.vector_load %get3A_325[%get3A_326, %get3A_327] {strides = array<i32>} : memref<128x128xf32, #tpu.memory_space<vmem>>, vector<1x16xf32>,
        %get3A_329 = vector.shape_cast %get3A_328 : vector<1x16xf32> to vector<16xf32>
        %add3A_330 = arith.constant 0 : i32
        %add3A_331 = arith.addi %mul3A_320, %add3A_330 : i32
        %swap3A = arith.constant 0 : i32
        %swap3A_332 = arith.constant 0 : i32
        %swap3A_333 = tpu.memref_slice %arg7[%scan3A_170, %swap3A, %swap3A_332] : memref<2x128x64xf32, #tpu.memory_space<vmem>> -> memref<1x128x64xf32, #tpu.memory_space<vmem>>
        %swap3A_334 = tpu.memref_squeeze %swap3A_333 : memref<1x128x64xf32, #tpu.memory_space<vmem>> -> memref<128x64xf32, #tpu.memory_space<vmem>>
        %swap3A_335 = arith.index_cast %add3A_331 : i32 to index
        %swap3A_336 = arith.constant 0 : index
        %swap3A_337 = tpu.vector_load %swap3A_334[%swap3A_335, %swap3A_336] {strides = array<i32>} : memref<128x64xf32, #tpu.memory_space<vmem>>, vector<1x16xf32>,
        %swap3A_338 = vector.shape_cast %swap3A_337 : vector<1x16xf32> to vector<16xf32>
        %swap3A_339 = vector.shape_cast %get3A_329 : vector<16xf32> to vector<1x16xf32>
        tpu.vector_store %swap3A_334[%swap3A_335, %swap3A_336], %swap3A_339 {strides = array<i32>} : memref<128x64xf32, #tpu.memory_space<vmem>>, vector<1x16xf32>,
        %add3A_340 = arith.constant 0 : i32
        %add3A_341 = arith.addi %mul3A_320, %add3A_340 : i32
        %get3A_342 = arith.constant 0 : i32
        %get3A_343 = arith.constant 0 : i32
        %get3A_344 = tpu.memref_slice %arg6[%scan3A_169, %get3A_342, %get3A_343] : memref<4x128x128xf32, #tpu.memory_space<vmem>> -> memref<1x128x128xf32, #tpu.memory_space<vmem>>
        %get3A_345 = tpu.memref_squeeze %get3A_344 : memref<1x128x128xf32, #tpu.memory_space<vmem>> -> memref<128x128xf32, #tpu.memory_space<vmem>>
        %get3A_346 = arith.index_cast %add3A_341 : i32 to index
        %get3A_347 = arith.constant 16 : index
        %get3A_348 = tpu.vector_load %get3A_345[%get3A_346, %get3A_347] {strides = array<i32>} : memref<128x128xf32, #tpu.memory_space<vmem>>, vector<1x16xf32>,
        %get3A_349 = vector.shape_cast %get3A_348 : vector<1x16xf32> to vector<16xf32>
        %add3A_350 = arith.constant 0 : i32
        %add3A_351 = arith.addi %mul3A_320, %add3A_350 : i32
        %swap3A_352 = arith.constant 0 : i32
        %swap3A_353 = arith.constant 0 : i32
        %swap3A_354 = tpu.memref_slice %arg7[%scan3A_170, %swap3A_352, %swap3A_353] : memref<2x128x64xf32, #tpu.memory_space<vmem>> -> memref<1x128x64xf32, #tpu.memory_space<vmem>>
        %swap3A_355 = tpu.memref_squeeze %swap3A_354 : memref<1x128x64xf32, #tpu.memory_space<vmem>> -> memref<128x64xf32, #tpu.memory_space<vmem>>
        %swap3A_356 = arith.index_cast %add3A_351 : i32 to index
        %swap3A_357 = arith.constant 16 : index
        %swap3A_358 = tpu.vector_load %swap3A_355[%swap3A_356, %swap3A_357] {strides = array<i32>} : memref<128x64xf32, #tpu.memory_space<vmem>>, vector<1x16xf32>,
        %swap3A_359 = vector.shape_cast %swap3A_358 : vector<1x16xf32> to vector<16xf32>
        %swap3A_360 = vector.shape_cast %get3A_349 : vector<16xf32> to vector<1x16xf32>
        tpu.vector_store %swap3A_355[%swap3A_356, %swap3A_357], %swap3A_360 {strides = array<i32>} : memref<128x64xf32, #tpu.memory_space<vmem>>, vector<1x16xf32>,
        %add3A_361 = arith.constant 0 : i32
        %add3A_362 = arith.addi %mul3A_320, %add3A_361 : i32
        %get3A_363 = arith.constant 0 : i32
        %get3A_364 = arith.constant 0 : i32
        %get3A_365 = tpu.memref_slice %arg6[%scan3A_169, %get3A_363, %get3A_364] : memref<4x128x128xf32, #tpu.memory_space<vmem>> -> memref<1x128x128xf32, #tpu.memory_space<vmem>>
        %get3A_366 = tpu.memref_squeeze %get3A_365 : memref<1x128x128xf32, #tpu.memory_space<vmem>> -> memref<128x128xf32, #tpu.memory_space<vmem>>
        %get3A_367 = arith.index_cast %add3A_362 : i32 to index
        %get3A_368 = arith.constant 32 : index
        %get3A_369 = tpu.vector_load %get3A_366[%get3A_367, %get3A_368] {strides = array<i32>} : memref<128x128xf32, #tpu.memory_space<vmem>>, vector<1x16xf32>,
        %get3A_370 = vector.shape_cast %get3A_369 : vector<1x16xf32> to vector<16xf32>
        %add3A_371 = arith.constant 0 : i32
        %add3A_372 = arith.addi %mul3A_320, %add3A_371 : i32
        %swap3A_373 = arith.constant 0 : i32
        %swap3A_374 = arith.constant 0 : i32
        %swap3A_375 = tpu.memref_slice %arg7[%scan3A_170, %swap3A_373, %swap3A_374] : memref<2x128x64xf32, #tpu.memory_space<vmem>> -> memref<1x128x64xf32, #tpu.memory_space<vmem>>
        %swap3A_376 = tpu.memref_squeeze %swap3A_375 : memref<1x128x64xf32, #tpu.memory_space<vmem>> -> memref<128x64xf32, #tpu.memory_space<vmem>>
        %swap3A_377 = arith.index_cast %add3A_372 : i32 to index
        %swap3A_378 = arith.constant 32 : index
        %swap3A_379 = tpu.vector_load %swap3A_376[%swap3A_377, %swap3A_378] {strides = array<i32>} : memref<128x64xf32, #tpu.memory_space<vmem>>, vector<1x16xf32>,
        %swap3A_380 = vector.shape_cast %swap3A_379 : vector<1x16xf32> to vector<16xf32>
        %swap3A_381 = vector.shape_cast %get3A_370 : vector<16xf32> to vector<1x16xf32>
        tpu.vector_store %swap3A_376[%swap3A_377, %swap3A_378], %swap3A_381 {strides = array<i32>} : memref<128x64xf32, #tpu.memory_space<vmem>>, vector<1x16xf32>,
        %add3A_382 = arith.constant 0 : i32
        %add3A_383 = arith.addi %mul3A_320, %add3A_382 : i32
        %get3A_384 = arith.constant 0 : i32
        %get3A_385 = arith.constant 0 : i32
        %get3A_386 = tpu.memref_slice %arg6[%scan3A_169, %get3A_384, %get3A_385] : memref<4x128x128xf32, #tpu.memory_space<vmem>> -> memref<1x128x128xf32, #tpu.memory_space<vmem>>
        %get3A_387 = tpu.memref_squeeze %get3A_386 : memref<1x128x128xf32, #tpu.memory_space<vmem>> -> memref<128x128xf32, #tpu.memory_space<vmem>>
        %get3A_388 = arith.index_cast %add3A_383 : i32 to index
        %get3A_389 = arith.constant 48 : index
        %get3A_390 = tpu.vector_load %get3A_387[%get3A_388, %get3A_389] {strides = array<i32>} : memref<128x128xf32, #tpu.memory_space<vmem>>, vector<1x16xf32>,
        %get3A_391 = vector.shape_cast %get3A_390 : vector<1x16xf32> to vector<16xf32>
        %add3A_392 = arith.constant 0 : i32
        %add3A_393 = arith.addi %mul3A_320, %add3A_392 : i32
        %swap3A_394 = arith.constant 0 : i32
        %swap3A_395 = arith.constant 0 : i32
        %swap3A_396 = tpu.memref_slice %arg7[%scan3A_170, %swap3A_394, %swap3A_395] : memref<2x128x64xf32, #tpu.memory_space<vmem>> -> memref<1x128x64xf32, #tpu.memory_space<vmem>>
        %swap3A_397 = tpu.memref_squeeze %swap3A_396 : memref<1x128x64xf32, #tpu.memory_space<vmem>> -> memref<128x64xf32, #tpu.memory_space<vmem>>
        %swap3A_398 = arith.index_cast %add3A_393 : i32 to index
        %swap3A_399 = arith.constant 48 : index
        %swap3A_400 = tpu.vector_load %swap3A_397[%swap3A_398, %swap3A_399] {strides = array<i32>} : memref<128x64xf32, #tpu.memory_space<vmem>>, vector<1x16xf32>,
        %swap3A_401 = vector.shape_cast %swap3A_400 : vector<1x16xf32> to vector<16xf32>
        %swap3A_402 = vector.shape_cast %get3A_391 : vector<16xf32> to vector<1x16xf32>
        tpu.vector_store %swap3A_397[%swap3A_398, %swap3A_399], %swap3A_402 {strides = array<i32>} : memref<128x64xf32, #tpu.memory_space<vmem>>, vector<1x16xf32>,
        %add3A_403 = arith.constant 1 : i32
        %add3A_404 = arith.addi %mul3A_320, %add3A_403 : i32
        %get3A_405 = arith.constant 0 : i32
        %get3A_406 = arith.constant 0 : i32
        %get3A_407 = tpu.memref_slice %arg6[%scan3A_169, %get3A_405, %get3A_406] : memref<4x128x128xf32, #tpu.memory_space<vmem>> -> memref<1x128x128xf32, #tpu.memory_space<vmem>>
        %get3A_408 = tpu.memref_squeeze %get3A_407 : memref<1x128x128xf32, #tpu.memory_space<vmem>> -> memref<128x128xf32, #tpu.memory_space<vmem>>
        %get3A_409 = arith.index_cast %add3A_404 : i32 to index
        %get3A_410 = arith.constant 0 : index
        %get3A_411 = tpu.vector_load %get3A_408[%get3A_409, %get3A_410] {strides = array<i32>} : memref<128x128xf32, #tpu.memory_space<vmem>>, vector<1x16xf32>,
        %get3A_412 = vector.shape_cast %get3A_411 : vector<1x16xf32> to vector<16xf32>
        %add3A_413 = arith.constant 1 : i32
        %add3A_414 = arith.addi %mul3A_320, %add3A_413 : i32
        %swap3A_415 = arith.constant 0 : i32
        %swap3A_416 = arith.constant 0 : i32
        %swap3A_417 = tpu.memref_slice %arg7[%scan3A_170, %swap3A_415, %swap3A_416] : memref<2x128x64xf32, #tpu.memory_space<vmem>> -> memref<1x128x64xf32, #tpu.memory_space<vmem>>
        %swap3A_418 = tpu.memref_squeeze %swap3A_417 : memref<1x128x64xf32, #tpu.memory_space<vmem>> -> memref<128x64xf32, #tpu.memory_space<vmem>>
        %swap3A_419 = arith.index_cast %add3A_414 : i32 to index
        %swap3A_420 = arith.constant 0 : index
        %swap3A_421 = tpu.vector_load %swap3A_418[%swap3A_419, %swap3A_420] {strides = array<i32>} : memref<128x64xf32, #tpu.memory_space<vmem>>, vector<1x16xf32>,
        %swap3A_422 = vector.shape_cast %swap3A_421 : vector<1x16xf32> to vector<16xf32>
        %swap3A_423 = vector.shape_cast %get3A_412 : vector<16xf32> to vector<1x16xf32>
        tpu.vector_store %swap3A_418[%swap3A_419, %swap3A_420], %swap3A_423 {strides = array<i32>} : memref<128x64xf32, #tpu.memory_space<vmem>>, vector<1x16xf32>,
        %add3A_424 = arith.constant 1 : i32
        %add3A_425 = arith.addi %mul3A_320, %add3A_424 : i32
        %get3A_426 = arith.constant 0 : i32
        %get3A_427 = arith.constant 0 : i32
        %get3A_428 = tpu.memref_slice %arg6[%scan3A_169, %get3A_426, %get3A_427] : memref<4x128x128xf32, #tpu.memory_space<vmem>> -> memref<1x128x128xf32, #tpu.memory_space<vmem>>
        %get3A_429 = tpu.memref_squeeze %get3A_428 : memref<1x128x128xf32, #tpu.memory_space<vmem>> -> memref<128x128xf32, #tpu.memory_space<vmem>>
        %get3A_430 = arith.index_cast %add3A_425 : i32 to index
        %get3A_431 = arith.constant 16 : index
        %get3A_432 = tpu.vector_load %get3A_429[%get3A_430, %get3A_431] {strides = array<i32>} : memref<128x128xf32, #tpu.memory_space<vmem>>, vector<1x16xf32>,
        %get3A_433 = vector.shape_cast %get3A_432 : vector<1x16xf32> to vector<16xf32>
        %add3A_434 = arith.constant 1 : i32
        %add3A_435 = arith.addi %mul3A_320, %add3A_434 : i32
        %swap3A_436 = arith.constant 0 : i32
        %swap3A_437 = arith.constant 0 : i32
        %swap3A_438 = tpu.memref_slice %arg7[%scan3A_170, %swap3A_436, %swap3A_437] : memref<2x128x64xf32, #tpu.memory_space<vmem>> -> memref<1x128x64xf32, #tpu.memory_space<vmem>>
        %swap3A_439 = tpu.memref_squeeze %swap3A_438 : memref<1x128x64xf32, #tpu.memory_space<vmem>> -> memref<128x64xf32, #tpu.memory_space<vmem>>
        %swap3A_440 = arith.index_cast %add3A_435 : i32 to index
        %swap3A_441 = arith.constant 16 : index
        %swap3A_442 = tpu.vector_load %swap3A_439[%swap3A_440, %swap3A_441] {strides = array<i32>} : memref<128x64xf32, #tpu.memory_space<vmem>>, vector<1x16xf32>,
        %swap3A_443 = vector.shape_cast %swap3A_442 : vector<1x16xf32> to vector<16xf32>
        %swap3A_444 = vector.shape_cast %get3A_433 : vector<16xf32> to vector<1x16xf32>
        tpu.vector_store %swap3A_439[%swap3A_440, %swap3A_441], %swap3A_444 {strides = array<i32>} : memref<128x64xf32, #tpu.memory_space<vmem>>, vector<1x16xf32>,
        %add3A_445 = arith.constant 1 : i32
        %add3A_446 = arith.addi %mul3A_320, %add3A_445 : i32
        %get3A_447 = arith.constant 0 : i32
        %get3A_448 = arith.constant 0 : i32
        %get3A_449 = tpu.memref_slice %arg6[%scan3A_169, %get3A_447, %get3A_448] : memref<4x128x128xf32, #tpu.memory_space<vmem>> -> memref<1x128x128xf32, #tpu.memory_space<vmem>>
        %get3A_450 = tpu.memref_squeeze %get3A_449 : memref<1x128x128xf32, #tpu.memory_space<vmem>> -> memref<128x128xf32, #tpu.memory_space<vmem>>
        %get3A_451 = arith.index_cast %add3A_446 : i32 to index
        %get3A_452 = arith.constant 32 : index
        %get3A_453 = tpu.vector_load %get3A_450[%get3A_451, %get3A_452] {strides = array<i32>} : memref<128x128xf32, #tpu.memory_space<vmem>>, vector<1x16xf32>,
        %get3A_454 = vector.shape_cast %get3A_453 : vector<1x16xf32> to vector<16xf32>
        %add3A_455 = arith.constant 1 : i32
        %add3A_456 = arith.addi %mul3A_320, %add3A_455 : i32
        %swap3A_457 = arith.constant 0 : i32
        %swap3A_458 = arith.constant 0 : i32
        %swap3A_459 = tpu.memref_slice %arg7[%scan3A_170, %swap3A_457, %swap3A_458] : memref<2x128x64xf32, #tpu.memory_space<vmem>> -> memref<1x128x64xf32, #tpu.memory_space<vmem>>
        %swap3A_460 = tpu.memref_squeeze %swap3A_459 : memref<1x128x64xf32, #tpu.memory_space<vmem>> -> memref<128x64xf32, #tpu.memory_space<vmem>>
        %swap3A_461 = arith.index_cast %add3A_456 : i32 to index
        %swap3A_462 = arith.constant 32 : index
        %swap3A_463 = tpu.vector_load %swap3A_460[%swap3A_461, %swap3A_462] {strides = array<i32>} : memref<128x64xf32, #tpu.memory_space<vmem>>, vector<1x16xf32>,
        %swap3A_464 = vector.shape_cast %swap3A_463 : vector<1x16xf32> to vector<16xf32>
        %swap3A_465 = vector.shape_cast %get3A_454 : vector<16xf32> to vector<1x16xf32>
        tpu.vector_store %swap3A_460[%swap3A_461, %swap3A_462], %swap3A_465 {strides = array<i32>} : memref<128x64xf32, #tpu.memory_space<vmem>>, vector<1x16xf32>,
        %add3A_466 = arith.constant 1 : i32
        %add3A_467 = arith.addi %mul3A_320, %add3A_466 : i32
        %get3A_468 = arith.constant 0 : i32
        %get3A_469 = arith.constant 0 : i32
        %get3A_470 = tpu.memref_slice %arg6[%scan3A_169, %get3A_468, %get3A_469] : memref<4x128x128xf32, #tpu.memory_space<vmem>> -> memref<1x128x128xf32, #tpu.memory_space<vmem>>
        %get3A_471 = tpu.memref_squeeze %get3A_470 : memref<1x128x128xf32, #tpu.memory_space<vmem>> -> memref<128x128xf32, #tpu.memory_space<vmem>>
        %get3A_472 = arith.index_cast %add3A_467 : i32 to index
        %get3A_473 = arith.constant 48 : index
        %get3A_474 = tpu.vector_load %get3A_471[%get3A_472, %get3A_473] {strides = array<i32>} : memref<128x128xf32, #tpu.memory_space<vmem>>, vector<1x16xf32>,
        %get3A_475 = vector.shape_cast %get3A_474 : vector<1x16xf32> to vector<16xf32>
        %add3A_476 = arith.constant 1 : i32
        %add3A_477 = arith.addi %mul3A_320, %add3A_476 : i32
        %swap3A_478 = arith.constant 0 : i32
        %swap3A_479 = arith.constant 0 : i32
        %swap3A_480 = tpu.memref_slice %arg7[%scan3A_170, %swap3A_478, %swap3A_479] : memref<2x128x64xf32, #tpu.memory_space<vmem>> -> memref<1x128x64xf32, #tpu.memory_space<vmem>>
        %swap3A_481 = tpu.memref_squeeze %swap3A_480 : memref<1x128x64xf32, #tpu.memory_space<vmem>> -> memref<128x64xf32, #tpu.memory_space<vmem>>
        %swap3A_482 = arith.index_cast %add3A_477 : i32 to index
        %swap3A_483 = arith.constant 48 : index
        %swap3A_484 = tpu.vector_load %swap3A_481[%swap3A_482, %swap3A_483] {strides = array<i32>} : memref<128x64xf32, #tpu.memory_space<vmem>>, vector<1x16xf32>,
        %swap3A_485 = vector.shape_cast %swap3A_484 : vector<1x16xf32> to vector<16xf32>
        %swap3A_486 = vector.shape_cast %get3A_475 : vector<16xf32> to vector<1x16xf32>
        tpu.vector_store %swap3A_481[%swap3A_482, %swap3A_483], %swap3A_486 {strides = array<i32>} : memref<128x64xf32, #tpu.memory_space<vmem>>, vector<1x16xf32>,
        %add3A_487 = arith.constant 2 : i32
        %add3A_488 = arith.addi %mul3A_320, %add3A_487 : i32
        %get3A_489 = arith.constant 0 : i32
        %get3A_490 = arith.constant 0 : i32
        %get3A_491 = tpu.memref_slice %arg6[%scan3A_169, %get3A_489, %get3A_490] : memref<4x128x128xf32, #tpu.memory_space<vmem>> -> memref<1x128x128xf32, #tpu.memory_space<vmem>>
        %get3A_492 = tpu.memref_squeeze %get3A_491 : memref<1x128x128xf32, #tpu.memory_space<vmem>> -> memref<128x128xf32, #tpu.memory_space<vmem>>
        %get3A_493 = arith.index_cast %add3A_488 : i32 to index
        %get3A_494 = arith.constant 0 : index
        %get3A_495 = tpu.vector_load %get3A_492[%get3A_493, %get3A_494] {strides = array<i32>} : memref<128x128xf32, #tpu.memory_space<vmem>>, vector<1x16xf32>,
        %get3A_496 = vector.shape_cast %get3A_495 : vector<1x16xf32> to vector<16xf32>
        %add3A_497 = arith.constant 2 : i32
        %add3A_498 = arith.addi %mul3A_320, %add3A_497 : i32
        %swap3A_499 = arith.constant 0 : i32
        %swap3A_500 = arith.constant 0 : i32
        %swap3A_501 = tpu.memref_slice %arg7[%scan3A_170, %swap3A_499, %swap3A_500] : memref<2x128x64xf32, #tpu.memory_space<vmem>> -> memref<1x128x64xf32, #tpu.memory_space<vmem>>
        %swap3A_502 = tpu.memref_squeeze %swap3A_501 : memref<1x128x64xf32, #tpu.memory_space<vmem>> -> memref<128x64xf32, #tpu.memory_space<vmem>>
        %swap3A_503 = arith.index_cast %add3A_498 : i32 to index
        %swap3A_504 = arith.constant 0 : index
        %swap3A_505 = tpu.vector_load %swap3A_502[%swap3A_503, %swap3A_504] {strides = array<i32>} : memref<128x64xf32, #tpu.memory_space<vmem>>, vector<1x16xf32>,
        %swap3A_506 = vector.shape_cast %swap3A_505 : vector<1x16xf32> to vector<16xf32>
        %swap3A_507 = vector.shape_cast %get3A_496 : vector<16xf32> to vector<1x16xf32>
        tpu.vector_store %swap3A_502[%swap3A_503, %swap3A_504], %swap3A_507 {strides = array<i32>} : memref<128x64xf32, #tpu.memory_space<vmem>>, vector<1x16xf32>,
        %add3A_508 = arith.constant 2 : i32
        %add3A_509 = arith.addi %mul3A_320, %add3A_508 : i32
        %get3A_510 = arith.constant 0 : i32
        %get3A_511 = arith.constant 0 : i32
        %get3A_512 = tpu.memref_slice %arg6[%scan3A_169, %get3A_510, %get3A_511] : memref<4x128x128xf32, #tpu.memory_space<vmem>> -> memref<1x128x128xf32, #tpu.memory_space<vmem>>
        %get3A_513 = tpu.memref_squeeze %get3A_512 : memref<1x128x128xf32, #tpu.memory_space<vmem>> -> memref<128x128xf32, #tpu.memory_space<vmem>>
        %get3A_514 = arith.index_cast %add3A_509 : i32 to index
        %get3A_515 = arith.constant 16 : index
        %get3A_516 = tpu.vector_load %get3A_513[%get3A_514, %get3A_515] {strides = array<i32>} : memref<128x128xf32, #tpu.memory_space<vmem>>, vector<1x16xf32>,
        %get3A_517 = vector.shape_cast %get3A_516 : vector<1x16xf32> to vector<16xf32>
        %add3A_518 = arith.constant 2 : i32
        %add3A_519 = arith.addi %mul3A_320, %add3A_518 : i32
        %swap3A_520 = arith.constant 0 : i32
        %swap3A_521 = arith.constant 0 : i32
        %swap3A_522 = tpu.memref_slice %arg7[%scan3A_170, %swap3A_520, %swap3A_521] : memref<2x128x64xf32, #tpu.memory_space<vmem>> -> memref<1x128x64xf32, #tpu.memory_space<vmem>>
        %swap3A_523 = tpu.memref_squeeze %swap3A_522 : memref<1x128x64xf32, #tpu.memory_space<vmem>> -> memref<128x64xf32, #tpu.memory_space<vmem>>
        %swap3A_524 = arith.index_cast %add3A_519 : i32 to index
        %swap3A_525 = arith.constant 16 : index
        %swap3A_526 = tpu.vector_load %swap3A_523[%swap3A_524, %swap3A_525] {strides = array<i32>} : memref<128x64xf32, #tpu.memory_space<vmem>>, vector<1x16xf32>,
        %swap3A_527 = vector.shape_cast %swap3A_526 : vector<1x16xf32> to vector<16xf32>
        %swap3A_528 = vector.shape_cast %get3A_517 : vector<16xf32> to vector<1x16xf32>
        tpu.vector_store %swap3A_523[%swap3A_524, %swap3A_525], %swap3A_528 {strides = array<i32>} : memref<128x64xf32, #tpu.memory_space<vmem>>, vector<1x16xf32>,
        %add3A_529 = arith.constant 2 : i32
        %add3A_530 = arith.addi %mul3A_320, %add3A_529 : i32
        %get3A_531 = arith.constant 0 : i32
        %get3A_532 = arith.constant 0 : i32
        %get3A_533 = tpu.memref_slice %arg6[%scan3A_169, %get3A_531, %get3A_532] : memref<4x128x128xf32, #tpu.memory_space<vmem>> -> memref<1x128x128xf32, #tpu.memory_space<vmem>>
        %get3A_534 = tpu.memref_squeeze %get3A_533 : memref<1x128x128xf32, #tpu.memory_space<vmem>> -> memref<128x128xf32, #tpu.memory_space<vmem>>
        %get3A_535 = arith.index_cast %add3A_530 : i32 to index
        %get3A_536 = arith.constant 32 : index
        %get3A_537 = tpu.vector_load %get3A_534[%get3A_535, %get3A_536] {strides = array<i32>} : memref<128x128xf32, #tpu.memory_space<vmem>>, vector<1x16xf32>,
        %get3A_538 = vector.shape_cast %get3A_537 : vector<1x16xf32> to vector<16xf32>
        %add3A_539 = arith.constant 2 : i32
        %add3A_540 = arith.addi %mul3A_320, %add3A_539 : i32
        %swap3A_541 = arith.constant 0 : i32
        %swap3A_542 = arith.constant 0 : i32
        %swap3A_543 = tpu.memref_slice %arg7[%scan3A_170, %swap3A_541, %swap3A_542] : memref<2x128x64xf32, #tpu.memory_space<vmem>> -> memref<1x128x64xf32, #tpu.memory_space<vmem>>
        %swap3A_544 = tpu.memref_squeeze %swap3A_543 : memref<1x128x64xf32, #tpu.memory_space<vmem>> -> memref<128x64xf32, #tpu.memory_space<vmem>>
        %swap3A_545 = arith.index_cast %add3A_540 : i32 to index
        %swap3A_546 = arith.constant 32 : index
        %swap3A_547 = tpu.vector_load %swap3A_544[%swap3A_545, %swap3A_546] {strides = array<i32>} : memref<128x64xf32, #tpu.memory_space<vmem>>, vector<1x16xf32>,
        %swap3A_548 = vector.shape_cast %swap3A_547 : vector<1x16xf32> to vector<16xf32>
        %swap3A_549 = vector.shape_cast %get3A_538 : vector<16xf32> to vector<1x16xf32>
        tpu.vector_store %swap3A_544[%swap3A_545, %swap3A_546], %swap3A_549 {strides = array<i32>} : memref<128x64xf32, #tpu.memory_space<vmem>>, vector<1x16xf32>,
        %add3A_550 = arith.constant 2 : i32
        %add3A_551 = arith.addi %mul3A_320, %add3A_550 : i32
        %get3A_552 = arith.constant 0 : i32
        %get3A_553 = arith.constant 0 : i32
        %get3A_554 = tpu.memref_slice %arg6[%scan3A_169, %get3A_552, %get3A_553] : memref<4x128x128xf32, #tpu.memory_space<vmem>> -> memref<1x128x128xf32, #tpu.memory_space<vmem>>
        %get3A_555 = tpu.memref_squeeze %get3A_554 : memref<1x128x128xf32, #tpu.memory_space<vmem>> -> memref<128x128xf32, #tpu.memory_space<vmem>>
        %get3A_556 = arith.index_cast %add3A_551 : i32 to index
        %get3A_557 = arith.constant 48 : index
        %get3A_558 = tpu.vector_load %get3A_555[%get3A_556, %get3A_557] {strides = array<i32>} : memref<128x128xf32, #tpu.memory_space<vmem>>, vector<1x16xf32>,
        %get3A_559 = vector.shape_cast %get3A_558 : vector<1x16xf32> to vector<16xf32>
        %add3A_560 = arith.constant 2 : i32
        %add3A_561 = arith.addi %mul3A_320, %add3A_560 : i32
        %swap3A_562 = arith.constant 0 : i32
        %swap3A_563 = arith.constant 0 : i32
        %swap3A_564 = tpu.memref_slice %arg7[%scan3A_170, %swap3A_562, %swap3A_563] : memref<2x128x64xf32, #tpu.memory_space<vmem>> -> memref<1x128x64xf32, #tpu.memory_space<vmem>>
        %swap3A_565 = tpu.memref_squeeze %swap3A_564 : memref<1x128x64xf32, #tpu.memory_space<vmem>> -> memref<128x64xf32, #tpu.memory_space<vmem>>
        %swap3A_566 = arith.index_cast %add3A_561 : i32 to index
        %swap3A_567 = arith.constant 48 : index
        %swap3A_568 = tpu.vector_load %swap3A_565[%swap3A_566, %swap3A_567] {strides = array<i32>} : memref<128x64xf32, #tpu.memory_space<vmem>>, vector<1x16xf32>,
        %swap3A_569 = vector.shape_cast %swap3A_568 : vector<1x16xf32> to vector<16xf32>
        %swap3A_570 = vector.shape_cast %get3A_559 : vector<16xf32> to vector<1x16xf32>
        tpu.vector_store %swap3A_565[%swap3A_566, %swap3A_567], %swap3A_570 {strides = array<i32>} : memref<128x64xf32, #tpu.memory_space<vmem>>, vector<1x16xf32>,
        %add3A_571 = arith.constant 3 : i32
        %add3A_572 = arith.addi %mul3A_320, %add3A_571 : i32
        %get3A_573 = arith.constant 0 : i32
        %get3A_574 = arith.constant 0 : i32
        %get3A_575 = tpu.memref_slice %arg6[%scan3A_169, %get3A_573, %get3A_574] : memref<4x128x128xf32, #tpu.memory_space<vmem>> -> memref<1x128x128xf32, #tpu.memory_space<vmem>>
        %get3A_576 = tpu.memref_squeeze %get3A_575 : memref<1x128x128xf32, #tpu.memory_space<vmem>> -> memref<128x128xf32, #tpu.memory_space<vmem>>
        %get3A_577 = arith.index_cast %add3A_572 : i32 to index
        %get3A_578 = arith.constant 0 : index
        %get3A_579 = tpu.vector_load %get3A_576[%get3A_577, %get3A_578] {strides = array<i32>} : memref<128x128xf32, #tpu.memory_space<vmem>>, vector<1x16xf32>,
        %get3A_580 = vector.shape_cast %get3A_579 : vector<1x16xf32> to vector<16xf32>
        %add3A_581 = arith.constant 3 : i32
        %add3A_582 = arith.addi %mul3A_320, %add3A_581 : i32
        %swap3A_583 = arith.constant 0 : i32
        %swap3A_584 = arith.constant 0 : i32
        %swap3A_585 = tpu.memref_slice %arg7[%scan3A_170, %swap3A_583, %swap3A_584] : memref<2x128x64xf32, #tpu.memory_space<vmem>> -> memref<1x128x64xf32, #tpu.memory_space<vmem>>
        %swap3A_586 = tpu.memref_squeeze %swap3A_585 : memref<1x128x64xf32, #tpu.memory_space<vmem>> -> memref<128x64xf32, #tpu.memory_space<vmem>>
        %swap3A_587 = arith.index_cast %add3A_582 : i32 to index
        %swap3A_588 = arith.constant 0 : index
        %swap3A_589 = tpu.vector_load %swap3A_586[%swap3A_587, %swap3A_588] {strides = array<i32>} : memref<128x64xf32, #tpu.memory_space<vmem>>, vector<1x16xf32>,
        %swap3A_590 = vector.shape_cast %swap3A_589 : vector<1x16xf32> to vector<16xf32>
        %swap3A_591 = vector.shape_cast %get3A_580 : vector<16xf32> to vector<1x16xf32>
        tpu.vector_store %swap3A_586[%swap3A_587, %swap3A_588], %swap3A_591 {strides = array<i32>} : memref<128x64xf32, #tpu.memory_space<vmem>>, vector<1x16xf32>,
        %add3A_592 = arith.constant 3 : i32
        %add3A_593 = arith.addi %mul3A_320, %add3A_592 : i32
        %get3A_594 = arith.constant 0 : i32
        %get3A_595 = arith.constant 0 : i32
        %get3A_596 = tpu.memref_slice %arg6[%scan3A_169, %get3A_594, %get3A_595] : memref<4x128x128xf32, #tpu.memory_space<vmem>> -> memref<1x128x128xf32, #tpu.memory_space<vmem>>
        %get3A_597 = tpu.memref_squeeze %get3A_596 : memref<1x128x128xf32, #tpu.memory_space<vmem>> -> memref<128x128xf32, #tpu.memory_space<vmem>>
        %get3A_598 = arith.index_cast %add3A_593 : i32 to index
        %get3A_599 = arith.constant 16 : index
        %get3A_600 = tpu.vector_load %get3A_597[%get3A_598, %get3A_599] {strides = array<i32>} : memref<128x128xf32, #tpu.memory_space<vmem>>, vector<1x16xf32>,
        %get3A_601 = vector.shape_cast %get3A_600 : vector<1x16xf32> to vector<16xf32>
        %add3A_602 = arith.constant 3 : i32
        %add3A_603 = arith.addi %mul3A_320, %add3A_602 : i32
        %swap3A_604 = arith.constant 0 : i32
        %swap3A_605 = arith.constant 0 : i32
        %swap3A_606 = tpu.memref_slice %arg7[%scan3A_170, %swap3A_604, %swap3A_605] : memref<2x128x64xf32, #tpu.memory_space<vmem>> -> memref<1x128x64xf32, #tpu.memory_space<vmem>>
        %swap3A_607 = tpu.memref_squeeze %swap3A_606 : memref<1x128x64xf32, #tpu.memory_space<vmem>> -> memref<128x64xf32, #tpu.memory_space<vmem>>
        %swap3A_608 = arith.index_cast %add3A_603 : i32 to index
        %swap3A_609 = arith.constant 16 : index
        %swap3A_610 = tpu.vector_load %swap3A_607[%swap3A_608, %swap3A_609] {strides = array<i32>} : memref<128x64xf32, #tpu.memory_space<vmem>>, vector<1x16xf32>,
        %swap3A_611 = vector.shape_cast %swap3A_610 : vector<1x16xf32> to vector<16xf32>
        %swap3A_612 = vector.shape_cast %get3A_601 : vector<16xf32> to vector<1x16xf32>
        tpu.vector_store %swap3A_607[%swap3A_608, %swap3A_609], %swap3A_612 {strides = array<i32>} : memref<128x64xf32, #tpu.memory_space<vmem>>, vector<1x16xf32>,
        %add3A_613 = arith.constant 3 : i32
        %add3A_614 = arith.addi %mul3A_320, %add3A_613 : i32
        %get3A_615 = arith.constant 0 : i32
        %get3A_616 = arith.constant 0 : i32
        %get3A_617 = tpu.memref_slice %arg6[%scan3A_169, %get3A_615, %get3A_616] : memref<4x128x128xf32, #tpu.memory_space<vmem>> -> memref<1x128x128xf32, #tpu.memory_space<vmem>>
        %get3A_618 = tpu.memref_squeeze %get3A_617 : memref<1x128x128xf32, #tpu.memory_space<vmem>> -> memref<128x128xf32, #tpu.memory_space<vmem>>
        %get3A_619 = arith.index_cast %add3A_614 : i32 to index
        %get3A_620 = arith.constant 32 : index
        %get3A_621 = tpu.vector_load %get3A_618[%get3A_619, %get3A_620] {strides = array<i32>} : memref<128x128xf32, #tpu.memory_space<vmem>>, vector<1x16xf32>,
        %get3A_622 = vector.shape_cast %get3A_621 : vector<1x16xf32> to vector<16xf32>
        %add3A_623 = arith.constant 3 : i32
        %add3A_624 = arith.addi %mul3A_320, %add3A_623 : i32
        %swap3A_625 = arith.constant 0 : i32
        %swap3A_626 = arith.constant 0 : i32
        %swap3A_627 = tpu.memref_slice %arg7[%scan3A_170, %swap3A_625, %swap3A_626] : memref<2x128x64xf32, #tpu.memory_space<vmem>> -> memref<1x128x64xf32, #tpu.memory_space<vmem>>
        %swap3A_628 = tpu.memref_squeeze %swap3A_627 : memref<1x128x64xf32, #tpu.memory_space<vmem>> -> memref<128x64xf32, #tpu.memory_space<vmem>>
        %swap3A_629 = arith.index_cast %add3A_624 : i32 to index
        %swap3A_630 = arith.constant 32 : index
        %swap3A_631 = tpu.vector_load %swap3A_628[%swap3A_629, %swap3A_630] {strides = array<i32>} : memref<128x64xf32, #tpu.memory_space<vmem>>, vector<1x16xf32>,
        %swap3A_632 = vector.shape_cast %swap3A_631 : vector<1x16xf32> to vector<16xf32>
        %swap3A_633 = vector.shape_cast %get3A_622 : vector<16xf32> to vector<1x16xf32>
        tpu.vector_store %swap3A_628[%swap3A_629, %swap3A_630], %swap3A_633 {strides = array<i32>} : memref<128x64xf32, #tpu.memory_space<vmem>>, vector<1x16xf32>,
        %add3A_634 = arith.constant 3 : i32
        %add3A_635 = arith.addi %mul3A_320, %add3A_634 : i32
        %get3A_636 = arith.constant 0 : i32
        %get3A_637 = arith.constant 0 : i32
        %get3A_638 = tpu.memref_slice %arg6[%scan3A_169, %get3A_636, %get3A_637] : memref<4x128x128xf32, #tpu.memory_space<vmem>> -> memref<1x128x128xf32, #tpu.memory_space<vmem>>
        %get3A_639 = tpu.memref_squeeze %get3A_638 : memref<1x128x128xf32, #tpu.memory_space<vmem>> -> memref<128x128xf32, #tpu.memory_space<vmem>>
        %get3A_640 = arith.index_cast %add3A_635 : i32 to index
        %get3A_641 = arith.constant 48 : index
        %get3A_642 = tpu.vector_load %get3A_639[%get3A_640, %get3A_641] {strides = array<i32>} : memref<128x128xf32, #tpu.memory_space<vmem>>, vector<1x16xf32>,
        %get3A_643 = vector.shape_cast %get3A_642 : vector<1x16xf32> to vector<16xf32>
        %add3A_644 = arith.constant 3 : i32
        %add3A_645 = arith.addi %mul3A_320, %add3A_644 : i32
        %swap3A_646 = arith.constant 0 : i32
        %swap3A_647 = arith.constant 0 : i32
        %swap3A_648 = tpu.memref_slice %arg7[%scan3A_170, %swap3A_646, %swap3A_647] : memref<2x128x64xf32, #tpu.memory_space<vmem>> -> memref<1x128x64xf32, #tpu.memory_space<vmem>>
        %swap3A_649 = tpu.memref_squeeze %swap3A_648 : memref<1x128x64xf32, #tpu.memory_space<vmem>> -> memref<128x64xf32, #tpu.memory_space<vmem>>
        %swap3A_650 = arith.index_cast %add3A_645 : i32 to index
        %swap3A_651 = arith.constant 48 : index
        %swap3A_652 = tpu.vector_load %swap3A_649[%swap3A_650, %swap3A_651] {strides = array<i32>} : memref<128x64xf32, #tpu.memory_space<vmem>>, vector<1x16xf32>,
        %swap3A_653 = vector.shape_cast %swap3A_652 : vector<1x16xf32> to vector<16xf32>
        %swap3A_654 = vector.shape_cast %get3A_643 : vector<16xf32> to vector<1x16xf32>
        tpu.vector_store %swap3A_649[%swap3A_650, %swap3A_651], %swap3A_654 {strides = array<i32>} : memref<128x64xf32, #tpu.memory_space<vmem>>, vector<1x16xf32>,
        %add3A_655 = arith.constant 4 : i32
        %add3A_656 = arith.addi %mul3A_320, %add3A_655 : i32
        %get3A_657 = arith.constant 0 : i32
        %get3A_658 = arith.constant 0 : i32
        %get3A_659 = tpu.memref_slice %arg6[%scan3A_169, %get3A_657, %get3A_658] : memref<4x128x128xf32, #tpu.memory_space<vmem>> -> memref<1x128x128xf32, #tpu.memory_space<vmem>>
        %get3A_660 = tpu.memref_squeeze %get3A_659 : memref<1x128x128xf32, #tpu.memory_space<vmem>> -> memref<128x128xf32, #tpu.memory_space<vmem>>
        %get3A_661 = arith.index_cast %add3A_656 : i32 to index
        %get3A_662 = arith.constant 0 : index
        %get3A_663 = tpu.vector_load %get3A_660[%get3A_661, %get3A_662] {strides = array<i32>} : memref<128x128xf32, #tpu.memory_space<vmem>>, vector<1x16xf32>,
        %get3A_664 = vector.shape_cast %get3A_663 : vector<1x16xf32> to vector<16xf32>
        %add3A_665 = arith.constant 4 : i32
        %add3A_666 = arith.addi %mul3A_320, %add3A_665 : i32
        %swap3A_667 = arith.constant 0 : i32
        %swap3A_668 = arith.constant 0 : i32
        %swap3A_669 = tpu.memref_slice %arg7[%scan3A_170, %swap3A_667, %swap3A_668] : memref<2x128x64xf32, #tpu.memory_space<vmem>> -> memref<1x128x64xf32, #tpu.memory_space<vmem>>
        %swap3A_670 = tpu.memref_squeeze %swap3A_669 : memref<1x128x64xf32, #tpu.memory_space<vmem>> -> memref<128x64xf32, #tpu.memory_space<vmem>>
        %swap3A_671 = arith.index_cast %add3A_666 : i32 to index
        %swap3A_672 = arith.constant 0 : index
        %swap3A_673 = tpu.vector_load %swap3A_670[%swap3A_671, %swap3A_672] {strides = array<i32>} : memref<128x64xf32, #tpu.memory_space<vmem>>, vector<1x16xf32>,
        %swap3A_674 = vector.shape_cast %swap3A_673 : vector<1x16xf32> to vector<16xf32>
        %swap3A_675 = vector.shape_cast %get3A_664 : vector<16xf32> to vector<1x16xf32>
        tpu.vector_store %swap3A_670[%swap3A_671, %swap3A_672], %swap3A_675 {strides = array<i32>} : memref<128x64xf32, #tpu.memory_space<vmem>>, vector<1x16xf32>,
        %add3A_676 = arith.constant 4 : i32
        %add3A_677 = arith.addi %mul3A_320, %add3A_676 : i32
        %get3A_678 = arith.constant 0 : i32
        %get3A_679 = arith.constant 0 : i32
        %get3A_680 = tpu.memref_slice %arg6[%scan3A_169, %get3A_678, %get3A_679] : memref<4x128x128xf32, #tpu.memory_space<vmem>> -> memref<1x128x128xf32, #tpu.memory_space<vmem>>
        %get3A_681 = tpu.memref_squeeze %get3A_680 : memref<1x128x128xf32, #tpu.memory_space<vmem>> -> memref<128x128xf32, #tpu.memory_space<vmem>>
        %get3A_682 = arith.index_cast %add3A_677 : i32 to index
        %get3A_683 = arith.constant 16 : index
        %get3A_684 = tpu.vector_load %get3A_681[%get3A_682, %get3A_683] {strides = array<i32>} : memref<128x128xf32, #tpu.memory_space<vmem>>, vector<1x16xf32>,
        %get3A_685 = vector.shape_cast %get3A_684 : vector<1x16xf32> to vector<16xf32>
        %add3A_686 = arith.constant 4 : i32
        %add3A_687 = arith.addi %mul3A_320, %add3A_686 : i32
        %swap3A_688 = arith.constant 0 : i32
        %swap3A_689 = arith.constant 0 : i32
        %swap3A_690 = tpu.memref_slice %arg7[%scan3A_170, %swap3A_688, %swap3A_689] : memref<2x128x64xf32, #tpu.memory_space<vmem>> -> memref<1x128x64xf32, #tpu.memory_space<vmem>>
        %swap3A_691 = tpu.memref_squeeze %swap3A_690 : memref<1x128x64xf32, #tpu.memory_space<vmem>> -> memref<128x64xf32, #tpu.memory_space<vmem>>
        %swap3A_692 = arith.index_cast %add3A_687 : i32 to index
        %swap3A_693 = arith.constant 16 : index
        %swap3A_694 = tpu.vector_load %swap3A_691[%swap3A_692, %swap3A_693] {strides = array<i32>} : memref<128x64xf32, #tpu.memory_space<vmem>>, vector<1x16xf32>,
        %swap3A_695 = vector.shape_cast %swap3A_694 : vector<1x16xf32> to vector<16xf32>
        %swap3A_696 = vector.shape_cast %get3A_685 : vector<16xf32> to vector<1x16xf32>
        tpu.vector_store %swap3A_691[%swap3A_692, %swap3A_693], %swap3A_696 {strides = array<i32>} : memref<128x64xf32, #tpu.memory_space<vmem>>, vector<1x16xf32>,
        %add3A_697 = arith.constant 4 : i32
        %add3A_698 = arith.addi %mul3A_320, %add3A_697 : i32
        %get3A_699 = arith.constant 0 : i32
        %get3A_700 = arith.constant 0 : i32
        %get3A_701 = tpu.memref_slice %arg6[%scan3A_169, %get3A_699, %get3A_700] : memref<4x128x128xf32, #tpu.memory_space<vmem>> -> memref<1x128x128xf32, #tpu.memory_space<vmem>>
        %get3A_702 = tpu.memref_squeeze %get3A_701 : memref<1x128x128xf32, #tpu.memory_space<vmem>> -> memref<128x128xf32, #tpu.memory_space<vmem>>
        %get3A_703 = arith.index_cast %add3A_698 : i32 to index
        %get3A_704 = arith.constant 32 : index
        %get3A_705 = tpu.vector_load %get3A_702[%get3A_703, %get3A_704] {strides = array<i32>} : memref<128x128xf32, #tpu.memory_space<vmem>>, vector<1x16xf32>,
        %get3A_706 = vector.shape_cast %get3A_705 : vector<1x16xf32> to vector<16xf32>
        %add3A_707 = arith.constant 4 : i32
        %add3A_708 = arith.addi %mul3A_320, %add3A_707 : i32
        %swap3A_709 = arith.constant 0 : i32
        %swap3A_710 = arith.constant 0 : i32
        %swap3A_711 = tpu.memref_slice %arg7[%scan3A_170, %swap3A_709, %swap3A_710] : memref<2x128x64xf32, #tpu.memory_space<vmem>> -> memref<1x128x64xf32, #tpu.memory_space<vmem>>
        %swap3A_712 = tpu.memref_squeeze %swap3A_711 : memref<1x128x64xf32, #tpu.memory_space<vmem>> -> memref<128x64xf32, #tpu.memory_space<vmem>>
        %swap3A_713 = arith.index_cast %add3A_708 : i32 to index
        %swap3A_714 = arith.constant 32 : index
        %swap3A_715 = tpu.vector_load %swap3A_712[%swap3A_713, %swap3A_714] {strides = array<i32>} : memref<128x64xf32, #tpu.memory_space<vmem>>, vector<1x16xf32>,
        %swap3A_716 = vector.shape_cast %swap3A_715 : vector<1x16xf32> to vector<16xf32>
        %swap3A_717 = vector.shape_cast %get3A_706 : vector<16xf32> to vector<1x16xf32>
        tpu.vector_store %swap3A_712[%swap3A_713, %swap3A_714], %swap3A_717 {strides = array<i32>} : memref<128x64xf32, #tpu.memory_space<vmem>>, vector<1x16xf32>,
        %add3A_718 = arith.constant 4 : i32
        %add3A_719 = arith.addi %mul3A_320, %add3A_718 : i32
        %get3A_720 = arith.constant 0 : i32
        %get3A_721 = arith.constant 0 : i32
        %get3A_722 = tpu.memref_slice %arg6[%scan3A_169, %get3A_720, %get3A_721] : memref<4x128x128xf32, #tpu.memory_space<vmem>> -> memref<1x128x128xf32, #tpu.memory_space<vmem>>
        %get3A_723 = tpu.memref_squeeze %get3A_722 : memref<1x128x128xf32, #tpu.memory_space<vmem>> -> memref<128x128xf32, #tpu.memory_space<vmem>>
        %get3A_724 = arith.index_cast %add3A_719 : i32 to index
        %get3A_725 = arith.constant 48 : index
        %get3A_726 = tpu.vector_load %get3A_723[%get3A_724, %get3A_725] {strides = array<i32>} : memref<128x128xf32, #tpu.memory_space<vmem>>, vector<1x16xf32>,
        %get3A_727 = vector.shape_cast %get3A_726 : vector<1x16xf32> to vector<16xf32>
        %add3A_728 = arith.constant 4 : i32
        %add3A_729 = arith.addi %mul3A_320, %add3A_728 : i32
        %swap3A_730 = arith.constant 0 : i32
        %swap3A_731 = arith.constant 0 : i32
        %swap3A_732 = tpu.memref_slice %arg7[%scan3A_170, %swap3A_730, %swap3A_731] : memref<2x128x64xf32, #tpu.memory_space<vmem>> -> memref<1x128x64xf32, #tpu.memory_space<vmem>>
        %swap3A_733 = tpu.memref_squeeze %swap3A_732 : memref<1x128x64xf32, #tpu.memory_space<vmem>> -> memref<128x64xf32, #tpu.memory_space<vmem>>
        %swap3A_734 = arith.index_cast %add3A_729 : i32 to index
        %swap3A_735 = arith.constant 48 : index
        %swap3A_736 = tpu.vector_load %swap3A_733[%swap3A_734, %swap3A_735] {strides = array<i32>} : memref<128x64xf32, #tpu.memory_space<vmem>>, vector<1x16xf32>,
        %swap3A_737 = vector.shape_cast %swap3A_736 : vector<1x16xf32> to vector<16xf32>
        %swap3A_738 = vector.shape_cast %get3A_727 : vector<16xf32> to vector<1x16xf32>
        tpu.vector_store %swap3A_733[%swap3A_734, %swap3A_735], %swap3A_738 {strides = array<i32>} : memref<128x64xf32, #tpu.memory_space<vmem>>, vector<1x16xf32>,
        %add3A_739 = arith.constant 5 : i32
        %add3A_740 = arith.addi %mul3A_320, %add3A_739 : i32
        %get3A_741 = arith.constant 0 : i32
        %get3A_742 = arith.constant 0 : i32
        %get3A_743 = tpu.memref_slice %arg6[%scan3A_169, %get3A_741, %get3A_742] : memref<4x128x128xf32, #tpu.memory_space<vmem>> -> memref<1x128x128xf32, #tpu.memory_space<vmem>>
        %get3A_744 = tpu.memref_squeeze %get3A_743 : memref<1x128x128xf32, #tpu.memory_space<vmem>> -> memref<128x128xf32, #tpu.memory_space<vmem>>
        %get3A_745 = arith.index_cast %add3A_740 : i32 to index
        %get3A_746 = arith.constant 0 : index
        %get3A_747 = tpu.vector_load %get3A_744[%get3A_745, %get3A_746] {strides = array<i32>} : memref<128x128xf32, #tpu.memory_space<vmem>>, vector<1x16xf32>,
        %get3A_748 = vector.shape_cast %get3A_747 : vector<1x16xf32> to vector<16xf32>
        %add3A_749 = arith.constant 5 : i32
        %add3A_750 = arith.addi %mul3A_320, %add3A_749 : i32
        %swap3A_751 = arith.constant 0 : i32
        %swap3A_752 = arith.constant 0 : i32
        %swap3A_753 = tpu.memref_slice %arg7[%scan3A_170, %swap3A_751, %swap3A_752] : memref<2x128x64xf32, #tpu.memory_space<vmem>> -> memref<1x128x64xf32, #tpu.memory_space<vmem>>
        %swap3A_754 = tpu.memref_squeeze %swap3A_753 : memref<1x128x64xf32, #tpu.memory_space<vmem>> -> memref<128x64xf32, #tpu.memory_space<vmem>>
        %swap3A_755 = arith.index_cast %add3A_750 : i32 to index
        %swap3A_756 = arith.constant 0 : index
        %swap3A_757 = tpu.vector_load %swap3A_754[%swap3A_755, %swap3A_756] {strides = array<i32>} : memref<128x64xf32, #tpu.memory_space<vmem>>, vector<1x16xf32>,
        %swap3A_758 = vector.shape_cast %swap3A_757 : vector<1x16xf32> to vector<16xf32>
        %swap3A_759 = vector.shape_cast %get3A_748 : vector<16xf32> to vector<1x16xf32>
        tpu.vector_store %swap3A_754[%swap3A_755, %swap3A_756], %swap3A_759 {strides = array<i32>} : memref<128x64xf32, #tpu.memory_space<vmem>>, vector<1x16xf32>,
        %add3A_760 = arith.constant 5 : i32
        %add3A_761 = arith.addi %mul3A_320, %add3A_760 : i32
        %get3A_762 = arith.constant 0 : i32
        %get3A_763 = arith.constant 0 : i32
        %get3A_764 = tpu.memref_slice %arg6[%scan3A_169, %get3A_762, %get3A_763] : memref<4x128x128xf32, #tpu.memory_space<vmem>> -> memref<1x128x128xf32, #tpu.memory_space<vmem>>
        %get3A_765 = tpu.memref_squeeze %get3A_764 : memref<1x128x128xf32, #tpu.memory_space<vmem>> -> memref<128x128xf32, #tpu.memory_space<vmem>>
        %get3A_766 = arith.index_cast %add3A_761 : i32 to index
        %get3A_767 = arith.constant 16 : index
        %get3A_768 = tpu.vector_load %get3A_765[%get3A_766, %get3A_767] {strides = array<i32>} : memref<128x128xf32, #tpu.memory_space<vmem>>, vector<1x16xf32>,
        %get3A_769 = vector.shape_cast %get3A_768 : vector<1x16xf32> to vector<16xf32>
        %add3A_770 = arith.constant 5 : i32
        %add3A_771 = arith.addi %mul3A_320, %add3A_770 : i32
        %swap3A_772 = arith.constant 0 : i32
        %swap3A_773 = arith.constant 0 : i32
        %swap3A_774 = tpu.memref_slice %arg7[%scan3A_170, %swap3A_772, %swap3A_773] : memref<2x128x64xf32, #tpu.memory_space<vmem>> -> memref<1x128x64xf32, #tpu.memory_space<vmem>>
        %swap3A_775 = tpu.memref_squeeze %swap3A_774 : memref<1x128x64xf32, #tpu.memory_space<vmem>> -> memref<128x64xf32, #tpu.memory_space<vmem>>
        %swap3A_776 = arith.index_cast %add3A_771 : i32 to index
        %swap3A_777 = arith.constant 16 : index
        %swap3A_778 = tpu.vector_load %swap3A_775[%swap3A_776, %swap3A_777] {strides = array<i32>} : memref<128x64xf32, #tpu.memory_space<vmem>>, vector<1x16xf32>,
        %swap3A_779 = vector.shape_cast %swap3A_778 : vector<1x16xf32> to vector<16xf32>
        %swap3A_780 = vector.shape_cast %get3A_769 : vector<16xf32> to vector<1x16xf32>
        tpu.vector_store %swap3A_775[%swap3A_776, %swap3A_777], %swap3A_780 {strides = array<i32>} : memref<128x64xf32, #tpu.memory_space<vmem>>, vector<1x16xf32>,
        %add3A_781 = arith.constant 5 : i32
        %add3A_782 = arith.addi %mul3A_320, %add3A_781 : i32
        %get3A_783 = arith.constant 0 : i32
        %get3A_784 = arith.constant 0 : i32
        %get3A_785 = tpu.memref_slice %arg6[%scan3A_169, %get3A_783, %get3A_784] : memref<4x128x128xf32, #tpu.memory_space<vmem>> -> memref<1x128x128xf32, #tpu.memory_space<vmem>>
        %get3A_786 = tpu.memref_squeeze %get3A_785 : memref<1x128x128xf32, #tpu.memory_space<vmem>> -> memref<128x128xf32, #tpu.memory_space<vmem>>
        %get3A_787 = arith.index_cast %add3A_782 : i32 to index
        %get3A_788 = arith.constant 32 : index
        %get3A_789 = tpu.vector_load %get3A_786[%get3A_787, %get3A_788] {strides = array<i32>} : memref<128x128xf32, #tpu.memory_space<vmem>>, vector<1x16xf32>,
        %get3A_790 = vector.shape_cast %get3A_789 : vector<1x16xf32> to vector<16xf32>
        %add3A_791 = arith.constant 5 : i32
        %add3A_792 = arith.addi %mul3A_320, %add3A_791 : i32
        %swap3A_793 = arith.constant 0 : i32
        %swap3A_794 = arith.constant 0 : i32
        %swap3A_795 = tpu.memref_slice %arg7[%scan3A_170, %swap3A_793, %swap3A_794] : memref<2x128x64xf32, #tpu.memory_space<vmem>> -> memref<1x128x64xf32, #tpu.memory_space<vmem>>
        %swap3A_796 = tpu.memref_squeeze %swap3A_795 : memref<1x128x64xf32, #tpu.memory_space<vmem>> -> memref<128x64xf32, #tpu.memory_space<vmem>>
        %swap3A_797 = arith.index_cast %add3A_792 : i32 to index
        %swap3A_798 = arith.constant 32 : index
        %swap3A_799 = tpu.vector_load %swap3A_796[%swap3A_797, %swap3A_798] {strides = array<i32>} : memref<128x64xf32, #tpu.memory_space<vmem>>, vector<1x16xf32>,
        %swap3A_800 = vector.shape_cast %swap3A_799 : vector<1x16xf32> to vector<16xf32>
        %swap3A_801 = vector.shape_cast %get3A_790 : vector<16xf32> to vector<1x16xf32>
        tpu.vector_store %swap3A_796[%swap3A_797, %swap3A_798], %swap3A_801 {strides = array<i32>} : memref<128x64xf32, #tpu.memory_space<vmem>>, vector<1x16xf32>,
        %add3A_802 = arith.constant 5 : i32
        %add3A_803 = arith.addi %mul3A_320, %add3A_802 : i32
        %get3A_804 = arith.constant 0 : i32
        %get3A_805 = arith.constant 0 : i32
        %get3A_806 = tpu.memref_slice %arg6[%scan3A_169, %get3A_804, %get3A_805] : memref<4x128x128xf32, #tpu.memory_space<vmem>> -> memref<1x128x128xf32, #tpu.memory_space<vmem>>
        %get3A_807 = tpu.memref_squeeze %get3A_806 : memref<1x128x128xf32, #tpu.memory_space<vmem>> -> memref<128x128xf32, #tpu.memory_space<vmem>>
        %get3A_808 = arith.index_cast %add3A_803 : i32 to index
        %get3A_809 = arith.constant 48 : index
        %get3A_810 = tpu.vector_load %get3A_807[%get3A_808, %get3A_809] {strides = array<i32>} : memref<128x128xf32, #tpu.memory_space<vmem>>, vector<1x16xf32>,
        %get3A_811 = vector.shape_cast %get3A_810 : vector<1x16xf32> to vector<16xf32>
        %add3A_812 = arith.constant 5 : i32
        %add3A_813 = arith.addi %mul3A_320, %add3A_812 : i32
        %swap3A_814 = arith.constant 0 : i32
        %swap3A_815 = arith.constant 0 : i32
        %swap3A_816 = tpu.memref_slice %arg7[%scan3A_170, %swap3A_814, %swap3A_815] : memref<2x128x64xf32, #tpu.memory_space<vmem>> -> memref<1x128x64xf32, #tpu.memory_space<vmem>>
        %swap3A_817 = tpu.memref_squeeze %swap3A_816 : memref<1x128x64xf32, #tpu.memory_space<vmem>> -> memref<128x64xf32, #tpu.memory_space<vmem>>
        %swap3A_818 = arith.index_cast %add3A_813 : i32 to index
        %swap3A_819 = arith.constant 48 : index
        %swap3A_820 = tpu.vector_load %swap3A_817[%swap3A_818, %swap3A_819] {strides = array<i32>} : memref<128x64xf32, #tpu.memory_space<vmem>>, vector<1x16xf32>,
        %swap3A_821 = vector.shape_cast %swap3A_820 : vector<1x16xf32> to vector<16xf32>
        %swap3A_822 = vector.shape_cast %get3A_811 : vector<16xf32> to vector<1x16xf32>
        tpu.vector_store %swap3A_817[%swap3A_818, %swap3A_819], %swap3A_822 {strides = array<i32>} : memref<128x64xf32, #tpu.memory_space<vmem>>, vector<1x16xf32>,
        %add3A_823 = arith.constant 6 : i32
        %add3A_824 = arith.addi %mul3A_320, %add3A_823 : i32
        %get3A_825 = arith.constant 0 : i32
        %get3A_826 = arith.constant 0 : i32
        %get3A_827 = tpu.memref_slice %arg6[%scan3A_169, %get3A_825, %get3A_826] : memref<4x128x128xf32, #tpu.memory_space<vmem>> -> memref<1x128x128xf32, #tpu.memory_space<vmem>>
        %get3A_828 = tpu.memref_squeeze %get3A_827 : memref<1x128x128xf32, #tpu.memory_space<vmem>> -> memref<128x128xf32, #tpu.memory_space<vmem>>
        %get3A_829 = arith.index_cast %add3A_824 : i32 to index
        %get3A_830 = arith.constant 0 : index
        %get3A_831 = tpu.vector_load %get3A_828[%get3A_829, %get3A_830] {strides = array<i32>} : memref<128x128xf32, #tpu.memory_space<vmem>>, vector<1x16xf32>,
        %get3A_832 = vector.shape_cast %get3A_831 : vector<1x16xf32> to vector<16xf32>
        %add3A_833 = arith.constant 6 : i32
        %add3A_834 = arith.addi %mul3A_320, %add3A_833 : i32
        %swap3A_835 = arith.constant 0 : i32
        %swap3A_836 = arith.constant 0 : i32
        %swap3A_837 = tpu.memref_slice %arg7[%scan3A_170, %swap3A_835, %swap3A_836] : memref<2x128x64xf32, #tpu.memory_space<vmem>> -> memref<1x128x64xf32, #tpu.memory_space<vmem>>
        %swap3A_838 = tpu.memref_squeeze %swap3A_837 : memref<1x128x64xf32, #tpu.memory_space<vmem>> -> memref<128x64xf32, #tpu.memory_space<vmem>>
        %swap3A_839 = arith.index_cast %add3A_834 : i32 to index
        %swap3A_840 = arith.constant 0 : index
        %swap3A_841 = tpu.vector_load %swap3A_838[%swap3A_839, %swap3A_840] {strides = array<i32>} : memref<128x64xf32, #tpu.memory_space<vmem>>, vector<1x16xf32>,
        %swap3A_842 = vector.shape_cast %swap3A_841 : vector<1x16xf32> to vector<16xf32>
        %swap3A_843 = vector.shape_cast %get3A_832 : vector<16xf32> to vector<1x16xf32>
        tpu.vector_store %swap3A_838[%swap3A_839, %swap3A_840], %swap3A_843 {strides = array<i32>} : memref<128x64xf32, #tpu.memory_space<vmem>>, vector<1x16xf32>,
        %add3A_844 = arith.constant 6 : i32
        %add3A_845 = arith.addi %mul3A_320, %add3A_844 : i32
        %get3A_846 = arith.constant 0 : i32
        %get3A_847 = arith.constant 0 : i32
        %get3A_848 = tpu.memref_slice %arg6[%scan3A_169, %get3A_846, %get3A_847] : memref<4x128x128xf32, #tpu.memory_space<vmem>> -> memref<1x128x128xf32, #tpu.memory_space<vmem>>
        %get3A_849 = tpu.memref_squeeze %get3A_848 : memref<1x128x128xf32, #tpu.memory_space<vmem>> -> memref<128x128xf32, #tpu.memory_space<vmem>>
        %get3A_850 = arith.index_cast %add3A_845 : i32 to index
        %get3A_851 = arith.constant 16 : index
        %get3A_852 = tpu.vector_load %get3A_849[%get3A_850, %get3A_851] {strides = array<i32>} : memref<128x128xf32, #tpu.memory_space<vmem>>, vector<1x16xf32>,
        %get3A_853 = vector.shape_cast %get3A_852 : vector<1x16xf32> to vector<16xf32>
        %add3A_854 = arith.constant 6 : i32
        %add3A_855 = arith.addi %mul3A_320, %add3A_854 : i32
        %swap3A_856 = arith.constant 0 : i32
        %swap3A_857 = arith.constant 0 : i32
        %swap3A_858 = tpu.memref_slice %arg7[%scan3A_170, %swap3A_856, %swap3A_857] : memref<2x128x64xf32, #tpu.memory_space<vmem>> -> memref<1x128x64xf32, #tpu.memory_space<vmem>>
        %swap3A_859 = tpu.memref_squeeze %swap3A_858 : memref<1x128x64xf32, #tpu.memory_space<vmem>> -> memref<128x64xf32, #tpu.memory_space<vmem>>
        %swap3A_860 = arith.index_cast %add3A_855 : i32 to index
        %swap3A_861 = arith.constant 16 : index
        %swap3A_862 = tpu.vector_load %swap3A_859[%swap3A_860, %swap3A_861] {strides = array<i32>} : memref<128x64xf32, #tpu.memory_space<vmem>>, vector<1x16xf32>,
        %swap3A_863 = vector.shape_cast %swap3A_862 : vector<1x16xf32> to vector<16xf32>
        %swap3A_864 = vector.shape_cast %get3A_853 : vector<16xf32> to vector<1x16xf32>
        tpu.vector_store %swap3A_859[%swap3A_860, %swap3A_861], %swap3A_864 {strides = array<i32>} : memref<128x64xf32, #tpu.memory_space<vmem>>, vector<1x16xf32>,
        %add3A_865 = arith.constant 6 : i32
        %add3A_866 = arith.addi %mul3A_320, %add3A_865 : i32
        %get3A_867 = arith.constant 0 : i32
        %get3A_868 = arith.constant 0 : i32
        %get3A_869 = tpu.memref_slice %arg6[%scan3A_169, %get3A_867, %get3A_868] : memref<4x128x128xf32, #tpu.memory_space<vmem>> -> memref<1x128x128xf32, #tpu.memory_space<vmem>>
        %get3A_870 = tpu.memref_squeeze %get3A_869 : memref<1x128x128xf32, #tpu.memory_space<vmem>> -> memref<128x128xf32, #tpu.memory_space<vmem>>
        %get3A_871 = arith.index_cast %add3A_866 : i32 to index
        %get3A_872 = arith.constant 32 : index
        %get3A_873 = tpu.vector_load %get3A_870[%get3A_871, %get3A_872] {strides = array<i32>} : memref<128x128xf32, #tpu.memory_space<vmem>>, vector<1x16xf32>,
        %get3A_874 = vector.shape_cast %get3A_873 : vector<1x16xf32> to vector<16xf32>
        %add3A_875 = arith.constant 6 : i32
        %add3A_876 = arith.addi %mul3A_320, %add3A_875 : i32
        %swap3A_877 = arith.constant 0 : i32
        %swap3A_878 = arith.constant 0 : i32
        %swap3A_879 = tpu.memref_slice %arg7[%scan3A_170, %swap3A_877, %swap3A_878] : memref<2x128x64xf32, #tpu.memory_space<vmem>> -> memref<1x128x64xf32, #tpu.memory_space<vmem>>
        %swap3A_880 = tpu.memref_squeeze %swap3A_879 : memref<1x128x64xf32, #tpu.memory_space<vmem>> -> memref<128x64xf32, #tpu.memory_space<vmem>>
        %swap3A_881 = arith.index_cast %add3A_876 : i32 to index
        %swap3A_882 = arith.constant 32 : index
        %swap3A_883 = tpu.vector_load %swap3A_880[%swap3A_881, %swap3A_882] {strides = array<i32>} : memref<128x64xf32, #tpu.memory_space<vmem>>, vector<1x16xf32>,
        %swap3A_884 = vector.shape_cast %swap3A_883 : vector<1x16xf32> to vector<16xf32>
        %swap3A_885 = vector.shape_cast %get3A_874 : vector<16xf32> to vector<1x16xf32>
        tpu.vector_store %swap3A_880[%swap3A_881, %swap3A_882], %swap3A_885 {strides = array<i32>} : memref<128x64xf32, #tpu.memory_space<vmem>>, vector<1x16xf32>,
        %add3A_886 = arith.constant 6 : i32
        %add3A_887 = arith.addi %mul3A_320, %add3A_886 : i32
        %get3A_888 = arith.constant 0 : i32
        %get3A_889 = arith.constant 0 : i32
        %get3A_890 = tpu.memref_slice %arg6[%scan3A_169, %get3A_888, %get3A_889] : memref<4x128x128xf32, #tpu.memory_space<vmem>> -> memref<1x128x128xf32, #tpu.memory_space<vmem>>
        %get3A_891 = tpu.memref_squeeze %get3A_890 : memref<1x128x128xf32, #tpu.memory_space<vmem>> -> memref<128x128xf32, #tpu.memory_space<vmem>>
        %get3A_892 = arith.index_cast %add3A_887 : i32 to index
        %get3A_893 = arith.constant 48 : index
        %get3A_894 = tpu.vector_load %get3A_891[%get3A_892, %get3A_893] {strides = array<i32>} : memref<128x128xf32, #tpu.memory_space<vmem>>, vector<1x16xf32>,
        %get3A_895 = vector.shape_cast %get3A_894 : vector<1x16xf32> to vector<16xf32>
        %add3A_896 = arith.constant 6 : i32
        %add3A_897 = arith.addi %mul3A_320, %add3A_896 : i32
        %swap3A_898 = arith.constant 0 : i32
        %swap3A_899 = arith.constant 0 : i32
        %swap3A_900 = tpu.memref_slice %arg7[%scan3A_170, %swap3A_898, %swap3A_899] : memref<2x128x64xf32, #tpu.memory_space<vmem>> -> memref<1x128x64xf32, #tpu.memory_space<vmem>>
        %swap3A_901 = tpu.memref_squeeze %swap3A_900 : memref<1x128x64xf32, #tpu.memory_space<vmem>> -> memref<128x64xf32, #tpu.memory_space<vmem>>
        %swap3A_902 = arith.index_cast %add3A_897 : i32 to index
        %swap3A_903 = arith.constant 48 : index
        %swap3A_904 = tpu.vector_load %swap3A_901[%swap3A_902, %swap3A_903] {strides = array<i32>} : memref<128x64xf32, #tpu.memory_space<vmem>>, vector<1x16xf32>,
        %swap3A_905 = vector.shape_cast %swap3A_904 : vector<1x16xf32> to vector<16xf32>
        %swap3A_906 = vector.shape_cast %get3A_895 : vector<16xf32> to vector<1x16xf32>
        tpu.vector_store %swap3A_901[%swap3A_902, %swap3A_903], %swap3A_906 {strides = array<i32>} : memref<128x64xf32, #tpu.memory_space<vmem>>, vector<1x16xf32>,
        %add3A_907 = arith.constant 7 : i32
        %add3A_908 = arith.addi %mul3A_320, %add3A_907 : i32
        %get3A_909 = arith.constant 0 : i32
        %get3A_910 = arith.constant 0 : i32
        %get3A_911 = tpu.memref_slice %arg6[%scan3A_169, %get3A_909, %get3A_910] : memref<4x128x128xf32, #tpu.memory_space<vmem>> -> memref<1x128x128xf32, #tpu.memory_space<vmem>>
        %get3A_912 = tpu.memref_squeeze %get3A_911 : memref<1x128x128xf32, #tpu.memory_space<vmem>> -> memref<128x128xf32, #tpu.memory_space<vmem>>
        %get3A_913 = arith.index_cast %add3A_908 : i32 to index
        %get3A_914 = arith.constant 0 : index
        %get3A_915 = tpu.vector_load %get3A_912[%get3A_913, %get3A_914] {strides = array<i32>} : memref<128x128xf32, #tpu.memory_space<vmem>>, vector<1x16xf32>,
        %get3A_916 = vector.shape_cast %get3A_915 : vector<1x16xf32> to vector<16xf32>
        %add3A_917 = arith.constant 7 : i32
        %add3A_918 = arith.addi %mul3A_320, %add3A_917 : i32
        %swap3A_919 = arith.constant 0 : i32
        %swap3A_920 = arith.constant 0 : i32
        %swap3A_921 = tpu.memref_slice %arg7[%scan3A_170, %swap3A_919, %swap3A_920] : memref<2x128x64xf32, #tpu.memory_space<vmem>> -> memref<1x128x64xf32, #tpu.memory_space<vmem>>
        %swap3A_922 = tpu.memref_squeeze %swap3A_921 : memref<1x128x64xf32, #tpu.memory_space<vmem>> -> memref<128x64xf32, #tpu.memory_space<vmem>>
        %swap3A_923 = arith.index_cast %add3A_918 : i32 to index
        %swap3A_924 = arith.constant 0 : index
        %swap3A_925 = tpu.vector_load %swap3A_922[%swap3A_923, %swap3A_924] {strides = array<i32>} : memref<128x64xf32, #tpu.memory_space<vmem>>, vector<1x16xf32>,
        %swap3A_926 = vector.shape_cast %swap3A_925 : vector<1x16xf32> to vector<16xf32>
        %swap3A_927 = vector.shape_cast %get3A_916 : vector<16xf32> to vector<1x16xf32>
        tpu.vector_store %swap3A_922[%swap3A_923, %swap3A_924], %swap3A_927 {strides = array<i32>} : memref<128x64xf32, #tpu.memory_space<vmem>>, vector<1x16xf32>,
        %add3A_928 = arith.constant 7 : i32
        %add3A_929 = arith.addi %mul3A_320, %add3A_928 : i32
        %get3A_930 = arith.constant 0 : i32
        %get3A_931 = arith.constant 0 : i32
        %get3A_932 = tpu.memref_slice %arg6[%scan3A_169, %get3A_930, %get3A_931] : memref<4x128x128xf32, #tpu.memory_space<vmem>> -> memref<1x128x128xf32, #tpu.memory_space<vmem>>
        %get3A_933 = tpu.memref_squeeze %get3A_932 : memref<1x128x128xf32, #tpu.memory_space<vmem>> -> memref<128x128xf32, #tpu.memory_space<vmem>>
        %get3A_934 = arith.index_cast %add3A_929 : i32 to index
        %get3A_935 = arith.constant 16 : index
        %get3A_936 = tpu.vector_load %get3A_933[%get3A_934, %get3A_935] {strides = array<i32>} : memref<128x128xf32, #tpu.memory_space<vmem>>, vector<1x16xf32>,
        %get3A_937 = vector.shape_cast %get3A_936 : vector<1x16xf32> to vector<16xf32>
        %add3A_938 = arith.constant 7 : i32
        %add3A_939 = arith.addi %mul3A_320, %add3A_938 : i32
        %swap3A_940 = arith.constant 0 : i32
        %swap3A_941 = arith.constant 0 : i32
        %swap3A_942 = tpu.memref_slice %arg7[%scan3A_170, %swap3A_940, %swap3A_941] : memref<2x128x64xf32, #tpu.memory_space<vmem>> -> memref<1x128x64xf32, #tpu.memory_space<vmem>>
        %swap3A_943 = tpu.memref_squeeze %swap3A_942 : memref<1x128x64xf32, #tpu.memory_space<vmem>> -> memref<128x64xf32, #tpu.memory_space<vmem>>
        %swap3A_944 = arith.index_cast %add3A_939 : i32 to index
        %swap3A_945 = arith.constant 16 : index
        %swap3A_946 = tpu.vector_load %swap3A_943[%swap3A_944, %swap3A_945] {strides = array<i32>} : memref<128x64xf32, #tpu.memory_space<vmem>>, vector<1x16xf32>,
        %swap3A_947 = vector.shape_cast %swap3A_946 : vector<1x16xf32> to vector<16xf32>
        %swap3A_948 = vector.shape_cast %get3A_937 : vector<16xf32> to vector<1x16xf32>
        tpu.vector_store %swap3A_943[%swap3A_944, %swap3A_945], %swap3A_948 {strides = array<i32>} : memref<128x64xf32, #tpu.memory_space<vmem>>, vector<1x16xf32>,
        %add3A_949 = arith.constant 7 : i32
        %add3A_950 = arith.addi %mul3A_320, %add3A_949 : i32
        %get3A_951 = arith.constant 0 : i32
        %get3A_952 = arith.constant 0 : i32
        %get3A_953 = tpu.memref_slice %arg6[%scan3A_169, %get3A_951, %get3A_952] : memref<4x128x128xf32, #tpu.memory_space<vmem>> -> memref<1x128x128xf32, #tpu.memory_space<vmem>>
        %get3A_954 = tpu.memref_squeeze %get3A_953 : memref<1x128x128xf32, #tpu.memory_space<vmem>> -> memref<128x128xf32, #tpu.memory_space<vmem>>
        %get3A_955 = arith.index_cast %add3A_950 : i32 to index
        %get3A_956 = arith.constant 32 : index
        %get3A_957 = tpu.vector_load %get3A_954[%get3A_955, %get3A_956] {strides = array<i32>} : memref<128x128xf32, #tpu.memory_space<vmem>>, vector<1x16xf32>,
        %get3A_958 = vector.shape_cast %get3A_957 : vector<1x16xf32> to vector<16xf32>
        %add3A_959 = arith.constant 7 : i32
        %add3A_960 = arith.addi %mul3A_320, %add3A_959 : i32
        %swap3A_961 = arith.constant 0 : i32
        %swap3A_962 = arith.constant 0 : i32
        %swap3A_963 = tpu.memref_slice %arg7[%scan3A_170, %swap3A_961, %swap3A_962] : memref<2x128x64xf32, #tpu.memory_space<vmem>> -> memref<1x128x64xf32, #tpu.memory_space<vmem>>
        %swap3A_964 = tpu.memref_squeeze %swap3A_963 : memref<1x128x64xf32, #tpu.memory_space<vmem>> -> memref<128x64xf32, #tpu.memory_space<vmem>>
        %swap3A_965 = arith.index_cast %add3A_960 : i32 to index
        %swap3A_966 = arith.constant 32 : index
        %swap3A_967 = tpu.vector_load %swap3A_964[%swap3A_965, %swap3A_966] {strides = array<i32>} : memref<128x64xf32, #tpu.memory_space<vmem>>, vector<1x16xf32>,
        %swap3A_968 = vector.shape_cast %swap3A_967 : vector<1x16xf32> to vector<16xf32>
        %swap3A_969 = vector.shape_cast %get3A_958 : vector<16xf32> to vector<1x16xf32>
        tpu.vector_store %swap3A_964[%swap3A_965, %swap3A_966], %swap3A_969 {strides = array<i32>} : memref<128x64xf32, #tpu.memory_space<vmem>>, vector<1x16xf32>,
        %add3A_970 = arith.constant 7 : i32
        %add3A_971 = arith.addi %mul3A_320, %add3A_970 : i32
        %get3A_972 = arith.constant 0 : i32
        %get3A_973 = arith.constant 0 : i32
        %get3A_974 = tpu.memref_slice %arg6[%scan3A_169, %get3A_972, %get3A_973] : memref<4x128x128xf32, #tpu.memory_space<vmem>> -> memref<1x128x128xf32, #tpu.memory_space<vmem>>
        %get3A_975 = tpu.memref_squeeze %get3A_974 : memref<1x128x128xf32, #tpu.memory_space<vmem>> -> memref<128x128xf32, #tpu.memory_space<vmem>>
        %get3A_976 = arith.index_cast %add3A_971 : i32 to index
        %get3A_977 = arith.constant 48 : index
        %get3A_978 = tpu.vector_load %get3A_975[%get3A_976, %get3A_977] {strides = array<i32>} : memref<128x128xf32, #tpu.memory_space<vmem>>, vector<1x16xf32>,
        %get3A_979 = vector.shape_cast %get3A_978 : vector<1x16xf32> to vector<16xf32>
        %add3A_980 = arith.constant 7 : i32
        %add3A_981 = arith.addi %mul3A_320, %add3A_980 : i32
        %swap3A_982 = arith.constant 0 : i32
        %swap3A_983 = arith.constant 0 : i32
        %swap3A_984 = tpu.memref_slice %arg7[%scan3A_170, %swap3A_982, %swap3A_983] : memref<2x128x64xf32, #tpu.memory_space<vmem>> -> memref<1x128x64xf32, #tpu.memory_space<vmem>>
        %swap3A_985 = tpu.memref_squeeze %swap3A_984 : memref<1x128x64xf32, #tpu.memory_space<vmem>> -> memref<128x64xf32, #tpu.memory_space<vmem>>
        %swap3A_986 = arith.index_cast %add3A_981 : i32 to index
        %swap3A_987 = arith.constant 48 : index
        %swap3A_988 = tpu.vector_load %swap3A_985[%swap3A_986, %swap3A_987] {strides = array<i32>} : memref<128x64xf32, #tpu.memory_space<vmem>>, vector<1x16xf32>,
        %swap3A_989 = vector.shape_cast %swap3A_988 : vector<1x16xf32> to vector<16xf32>
        %swap3A_990 = vector.shape_cast %get3A_979 : vector<16xf32> to vector<1x16xf32>
        tpu.vector_store %swap3A_985[%swap3A_986, %swap3A_987], %swap3A_990 {strides = array<i32>} : memref<128x64xf32, #tpu.memory_space<vmem>>, vector<1x16xf32>,
        %scan3A_991 = arith.constant 0 : i32
        scf.yield %scan3A_991 : i32
      }
      %scan3A_177 = arith.constant 16 : i32
      %add3A_178 = arith.addi %mul3A_2, %add3A_149 : i32
      %mul3A_179 = arith.constant 128 : i32
      %mul3A_180 = arith.muli %add3A_178, %mul3A_179 : i32
      %dma_start3A_181 = arith.constant 1 : i32
      %dma_start3A_182 = arith.constant 1 : i32
      %dma_start3A_183 = arith.constant 0 : i32
      %dma_start3A_184 = arith.constant 0 : i32
      %dma_start3A_185 = tpu.memref_slice %arg7[%dma_start3A_181, %dma_start3A_183, %dma_start3A_184] : memref<2x128x64xf32, #tpu.memory_space<vmem>> -> memref<1x128x64xf32, #tpu.memory_space<vmem>>
      %dma_start3A_186 = tpu.memref_squeeze %dma_start3A_185 : memref<1x128x64xf32, #tpu.memory_space<vmem>> -> memref<128x64xf32, #tpu.memory_space<vmem>>
      %dma_start3A_187 = arith.constant 0 : i32
      %dma_start3A_188 = tpu.memref_slice %arg4[%mul3A_180, %dma_start3A_187] : memref<819200x64xf32, #tpu.memory_space<hbm>> -> memref<128x64xf32, #tpu.memory_space<hbm>>
      %dma_start3A_189 = tpu.memref_slice %arg9[%dma_start3A_182] : memref<2x!tpu.dma_semaphore, #tpu.memory_space<semaphore_mem>> -> memref<1x!tpu.dma_semaphore, #tpu.memory_space<semaphore_mem>>
      %dma_start3A_190 = tpu.memref_squeeze %dma_start3A_189 : memref<1x!tpu.dma_semaphore, #tpu.memory_space<semaphore_mem>> -> memref<!tpu.dma_semaphore, #tpu.memory_space<semaphore_mem>>
      %dma_start3A_191 = arith.constant 0 : i32
      %dma_start3A_192 = tpu.memref_slice %arg4[%mul3A_180, %dma_start3A_191] : memref<819200x64xf32, #tpu.memory_space<hbm>> -> memref<128x64xf32, #tpu.memory_space<hbm>>
      %dma_start3A_193 = arith.constant 0 : i32
      %dma_start3A_194 = arith.constant 0 : i32
      %dma_start3A_195 = tpu.memref_slice %arg7[%dma_start3A_181, %dma_start3A_193, %dma_start3A_194] : memref<2x128x64xf32, #tpu.memory_space<vmem>> -> memref<1x128x64xf32, #tpu.memory_space<vmem>>
      %dma_start3A_196 = tpu.memref_squeeze %dma_start3A_195 : memref<1x128x64xf32, #tpu.memory_space<vmem>> -> memref<128x64xf32, #tpu.memory_space<vmem>>
      tpu.enqueue_dma source(%dma_start3A_196 : memref<128x64xf32, #tpu.memory_space<vmem>>) target(%dma_start3A_192 : memref<128x64xf32, #tpu.memory_space<hbm>>) target_semaphore(%dma_start3A_190 : memref<!tpu.dma_semaphore, #tpu.memory_space<semaphore_mem>>)
      %add3A_197 = arith.constant 3 : i32
      %add3A_198 = arith.addi %add3A_149, %add3A_197 : i32
      %lt3A_199 = arith.constant 200 : i32
      %lt3A_200 = arith.cmpi slt, %add3A_198, %lt3A_199 : i32
      %convert_element_type3A_201 = arith.extui %lt3A_200 : i1 to i32
      %cond3A_202 = arith.constant 0 : i32
      %cond3A_203 = arith.cmpi ne, %convert_element_type3A_201, %cond3A_202 : i32
      scf.if %cond3A_203 {
        %add3A_317 = arith.constant 3 : i32
        %add3A_318 = arith.addi %add3A_149, %add3A_317 : i32
        %dma_start3A_319 = arith.constant 0 : i32
        %dma_start3A_320 = arith.constant 0 : i32
        %dma_start3A_321 = arith.constant 0 : i32
        %dma_start3A_322 = arith.constant 0 : i32
        %dma_start3A_323 = tpu.memref_slice %arg6[%dma_start3A_319, %dma_start3A_321, %dma_start3A_322] : memref<4x128x128xf32, #tpu.memory_space<vmem>> -> memref<1x128x128xf32, #tpu.memory_space<vmem>>
        %dma_start3A_324 = tpu.memref_squeeze %dma_start3A_323 : memref<1x128x128xf32, #tpu.memory_space<vmem>> -> memref<128x128xf32, #tpu.memory_space<vmem>>
        %dma_start3A_325 = arith.constant 0 : i32
        %dma_start3A_326 = tpu.memref_slice %arg5[%add3A_318, %dma_start3A_325] : memref<200x128xi32, #tpu.memory_space<vmem>> -> memref<1x128xi32, #tpu.memory_space<vmem>>
        %dma_start3A_327 = tpu.memref_squeeze %dma_start3A_326 : memref<1x128xi32, #tpu.memory_space<vmem>> -> memref<128xi32, #tpu.memory_space<vmem>>
        %dma_start3A_328 = arith.constant 0 : i32
        %dma_start3A_329 = arith.constant 0 : i32
        %dma_start3A_330 = tpu.memref_slice %arg3[%dma_start3A_328, %dma_start3A_329] : memref<1000000x128xf32, #tpu.memory_space<hbm>> -> memref<1000000x128xf32, #tpu.memory_space<hbm>>
        %dma_start3A_331 = tpu.memref_slice %arg8[%dma_start3A_320] : memref<4x!tpu.dma_semaphore, #tpu.memory_space<semaphore_mem>> -> memref<1x!tpu.dma_semaphore, #tpu.memory_space<semaphore_mem>>
        %dma_start3A_332 = tpu.memref_squeeze %dma_start3A_331 : memref<1x!tpu.dma_semaphore, #tpu.memory_space<semaphore_mem>> -> memref<!tpu.dma_semaphore, #tpu.memory_space<semaphore_mem>>
        tpu.enqueue_indirect_dma source(%dma_start3A_330 : memref<1000000x128xf32, #tpu.memory_space<hbm>>) target(%dma_start3A_324 : memref<128x128xf32, #tpu.memory_space<vmem>>) offsets(%dma_start3A_327 : memref<128xi32, #tpu.memory_space<vmem>>) semaphore(%dma_start3A_332 : memref<!tpu.dma_semaphore, #tpu.memory_space<semaphore_mem>>)
      } else {
      }
      %add3A_204 = arith.constant 2 : i32
      %add3A_205 = arith.addi %mul3A_95, %add3A_204 : i32
      %dma_wait3A_206 = arith.constant 2 : i32
      %dma_wait3A_207 = arith.constant 2 : i32
      %dma_wait3A_208 = arith.constant 0 : i32
      %dma_wait3A_209 = arith.constant 0 : i32
      %dma_wait3A_210 = tpu.memref_slice %arg6[%dma_wait3A_206, %dma_wait3A_208, %dma_wait3A_209] : memref<4x128x128xf32, #tpu.memory_space<vmem>> -> memref<1x128x128xf32, #tpu.memory_space<vmem>>
      %dma_wait3A_211 = tpu.memref_squeeze %dma_wait3A_210 : memref<1x128x128xf32, #tpu.memory_space<vmem>> -> memref<128x128xf32, #tpu.memory_space<vmem>>
      %dma_wait3A_212 = arith.constant 0 : i32
      %dma_wait3A_213 = tpu.memref_slice %arg5[%add3A_205, %dma_wait3A_212] : memref<200x128xi32, #tpu.memory_space<vmem>> -> memref<1x128xi32, #tpu.memory_space<vmem>>
      %dma_wait3A_214 = tpu.memref_squeeze %dma_wait3A_213 : memref<1x128xi32, #tpu.memory_space<vmem>> -> memref<128xi32, #tpu.memory_space<vmem>>
      %dma_wait3A_215 = arith.constant 0 : i32
      %dma_wait3A_216 = arith.constant 0 : i32
      %dma_wait3A_217 = tpu.memref_slice %arg3[%dma_wait3A_215, %dma_wait3A_216] : memref<1000000x128xf32, #tpu.memory_space<hbm>> -> memref<1000000x128xf32, #tpu.memory_space<hbm>>
      %dma_wait3A_218 = tpu.memref_slice %arg8[%dma_wait3A_207] : memref<4x!tpu.dma_semaphore, #tpu.memory_space<semaphore_mem>> -> memref<1x!tpu.dma_semaphore, #tpu.memory_space<semaphore_mem>>
      %dma_wait3A_219 = tpu.memref_squeeze %dma_wait3A_218 : memref<1x!tpu.dma_semaphore, #tpu.memory_space<semaphore_mem>> -> memref<!tpu.dma_semaphore, #tpu.memory_space<semaphore_mem>>
      tpu.wait_indirect_dma semaphore(%dma_wait3A_219 : memref<!tpu.dma_semaphore, #tpu.memory_space<semaphore_mem>>) src(%dma_wait3A_217 : memref<1000000x128xf32, #tpu.memory_space<hbm>>) dst(%dma_wait3A_211 : memref<128x128xf32, #tpu.memory_space<vmem>>)
      %ge3A_220 = arith.constant 2 : i32
      %ge3A_221 = arith.cmpi sge, %add3A_205, %ge3A_220 : i32
      %convert_element_type3A_222 = arith.extui %ge3A_221 : i1 to i32
      %cond3A_223 = arith.constant 0 : i32
      %cond3A_224 = arith.cmpi ne, %convert_element_type3A_222, %cond3A_223 : i32
      scf.if %cond3A_224 {
        %add3A_317 = arith.addi %mul3A_2, %add3A_205 : i32
        %sub3A = arith.constant 2 : i32
        %sub3A_318 = arith.subi %add3A_317, %sub3A : i32
        %mul3A_319 = arith.constant 128 : i32
        %mul3A_320 = arith.muli %sub3A_318, %mul3A_319 : i32
        %dma_wait3A_321 = arith.constant 0 : i32
        %dma_wait3A_322 = arith.constant 0 : i32
        %dma_wait3A_323 = arith.constant 0 : i32
        %dma_wait3A_324 = arith.constant 0 : i32
        %dma_wait3A_325 = tpu.memref_slice %arg7[%dma_wait3A_321, %dma_wait3A_323, %dma_wait3A_324] : memref<2x128x64xf32, #tpu.memory_space<vmem>> -> memref<1x128x64xf32, #tpu.memory_space<vmem>>
        %dma_wait3A_326 = tpu.memref_squeeze %dma_wait3A_325 : memref<1x128x64xf32, #tpu.memory_space<vmem>> -> memref<128x64xf32, #tpu.memory_space<vmem>>
        %dma_wait3A_327 = arith.constant 0 : i32
        %dma_wait3A_328 = tpu.memref_slice %arg4[%mul3A_320, %dma_wait3A_327] : memref<819200x64xf32, #tpu.memory_space<hbm>> -> memref<128x64xf32, #tpu.memory_space<hbm>>
        %dma_wait3A_329 = tpu.memref_slice %arg9[%dma_wait3A_322] : memref<2x!tpu.dma_semaphore, #tpu.memory_space<semaphore_mem>> -> memref<1x!tpu.dma_semaphore, #tpu.memory_space<semaphore_mem>>
        %dma_wait3A_330 = tpu.memref_squeeze %dma_wait3A_329 : memref<1x!tpu.dma_semaphore, #tpu.memory_space<semaphore_mem>> -> memref<!tpu.dma_semaphore, #tpu.memory_space<semaphore_mem>>
        %dma_wait3A_331 = arith.constant 0 : i32
        %dma_wait3A_332 = tpu.memref_slice %arg4[%mul3A_320, %dma_wait3A_331] : memref<819200x64xf32, #tpu.memory_space<hbm>> -> memref<128x64xf32, #tpu.memory_space<hbm>>
        %dma_wait3A_333 = arith.constant 0 : i32
        %dma_wait3A_334 = arith.constant 0 : i32
        %dma_wait3A_335 = tpu.memref_slice %arg7[%dma_wait3A_321, %dma_wait3A_333, %dma_wait3A_334] : memref<2x128x64xf32, #tpu.memory_space<vmem>> -> memref<1x128x64xf32, #tpu.memory_space<vmem>>
        %dma_wait3A_336 = tpu.memref_squeeze %dma_wait3A_335 : memref<1x128x64xf32, #tpu.memory_space<vmem>> -> memref<128x64xf32, #tpu.memory_space<vmem>>
        tpu.wait_dma2 semaphore(%dma_wait3A_330 : memref<!tpu.dma_semaphore, #tpu.memory_space<semaphore_mem>>) src(%dma_wait3A_336 : memref<128x64xf32, #tpu.memory_space<vmem>>) dst(%dma_wait3A_332 : memref<128x64xf32, #tpu.memory_space<hbm>>)
      } else {
      }
      %scan3A_225 = arith.constant 2 : i32
      %scan3A_226 = arith.constant 0 : i32
      %scan3A_227 = arith.constant 0 : i32
      %scan3A_228 = arith.constant 0 : i32
      %scan3A_229 = arith.constant 16 : i32
      %scan3A_230 = arith.addi %scan3A_228, %scan3A_229 : i32
      %scan3A_231 = arith.constant 1 : i32
      %scan3A_232 = scf.for %scan3A_317 = %scan3A_228 to %scan3A_230 step %scan3A_231 iter_args(%scan3A_318 = %scan3A_227) -> (i32)  : i32 {
        %mul3A_319 = arith.constant 8 : i32
        %mul3A_320 = arith.muli %scan3A_317, %mul3A_319 : i32
        %add3A_321 = arith.constant 0 : i32
        %add3A_322 = arith.addi %mul3A_320, %add3A_321 : i32
        %get3A = arith.constant 0 : i32
        %get3A_323 = arith.constant 0 : i32
        %get3A_324 = tpu.memref_slice %arg6[%scan3A_225, %get3A, %get3A_323] : memref<4x128x128xf32, #tpu.memory_space<vmem>> -> memref<1x128x128xf32, #tpu.memory_space<vmem>>
        %get3A_325 = tpu.memref_squeeze %get3A_324 : memref<1x128x128xf32, #tpu.memory_space<vmem>> -> memref<128x128xf32, #tpu.memory_space<vmem>>
        %get3A_326 = arith.index_cast %add3A_322 : i32 to index
        %get3A_327 = arith.constant 0 : index
        %get3A_328 = tpu.vector_load %get3A_325[%get3A_326, %get3A_327] {strides = array<i32>} : memref<128x128xf32, #tpu.memory_space<vmem>>, vector<1x16xf32>,
        %get3A_329 = vector.shape_cast %get3A_328 : vector<1x16xf32> to vector<16xf32>
        %add3A_330 = arith.constant 0 : i32
        %add3A_331 = arith.addi %mul3A_320, %add3A_330 : i32
        %swap3A = arith.constant 0 : i32
        %swap3A_332 = arith.constant 0 : i32
        %swap3A_333 = tpu.memref_slice %arg7[%scan3A_226, %swap3A, %swap3A_332] : memref<2x128x64xf32, #tpu.memory_space<vmem>> -> memref<1x128x64xf32, #tpu.memory_space<vmem>>
        %swap3A_334 = tpu.memref_squeeze %swap3A_333 : memref<1x128x64xf32, #tpu.memory_space<vmem>> -> memref<128x64xf32, #tpu.memory_space<vmem>>
        %swap3A_335 = arith.index_cast %add3A_331 : i32 to index
        %swap3A_336 = arith.constant 0 : index
        %swap3A_337 = tpu.vector_load %swap3A_334[%swap3A_335, %swap3A_336] {strides = array<i32>} : memref<128x64xf32, #tpu.memory_space<vmem>>, vector<1x16xf32>,
        %swap3A_338 = vector.shape_cast %swap3A_337 : vector<1x16xf32> to vector<16xf32>
        %swap3A_339 = vector.shape_cast %get3A_329 : vector<16xf32> to vector<1x16xf32>
        tpu.vector_store %swap3A_334[%swap3A_335, %swap3A_336], %swap3A_339 {strides = array<i32>} : memref<128x64xf32, #tpu.memory_space<vmem>>, vector<1x16xf32>,
        %add3A_340 = arith.constant 0 : i32
        %add3A_341 = arith.addi %mul3A_320, %add3A_340 : i32
        %get3A_342 = arith.constant 0 : i32
        %get3A_343 = arith.constant 0 : i32
        %get3A_344 = tpu.memref_slice %arg6[%scan3A_225, %get3A_342, %get3A_343] : memref<4x128x128xf32, #tpu.memory_space<vmem>> -> memref<1x128x128xf32, #tpu.memory_space<vmem>>
        %get3A_345 = tpu.memref_squeeze %get3A_344 : memref<1x128x128xf32, #tpu.memory_space<vmem>> -> memref<128x128xf32, #tpu.memory_space<vmem>>
        %get3A_346 = arith.index_cast %add3A_341 : i32 to index
        %get3A_347 = arith.constant 16 : index
        %get3A_348 = tpu.vector_load %get3A_345[%get3A_346, %get3A_347] {strides = array<i32>} : memref<128x128xf32, #tpu.memory_space<vmem>>, vector<1x16xf32>,
        %get3A_349 = vector.shape_cast %get3A_348 : vector<1x16xf32> to vector<16xf32>
        %add3A_350 = arith.constant 0 : i32
        %add3A_351 = arith.addi %mul3A_320, %add3A_350 : i32
        %swap3A_352 = arith.constant 0 : i32
        %swap3A_353 = arith.constant 0 : i32
        %swap3A_354 = tpu.memref_slice %arg7[%scan3A_226, %swap3A_352, %swap3A_353] : memref<2x128x64xf32, #tpu.memory_space<vmem>> -> memref<1x128x64xf32, #tpu.memory_space<vmem>>
        %swap3A_355 = tpu.memref_squeeze %swap3A_354 : memref<1x128x64xf32, #tpu.memory_space<vmem>> -> memref<128x64xf32, #tpu.memory_space<vmem>>
        %swap3A_356 = arith.index_cast %add3A_351 : i32 to index
        %swap3A_357 = arith.constant 16 : index
        %swap3A_358 = tpu.vector_load %swap3A_355[%swap3A_356, %swap3A_357] {strides = array<i32>} : memref<128x64xf32, #tpu.memory_space<vmem>>, vector<1x16xf32>,
        %swap3A_359 = vector.shape_cast %swap3A_358 : vector<1x16xf32> to vector<16xf32>
        %swap3A_360 = vector.shape_cast %get3A_349 : vector<16xf32> to vector<1x16xf32>
        tpu.vector_store %swap3A_355[%swap3A_356, %swap3A_357], %swap3A_360 {strides = array<i32>} : memref<128x64xf32, #tpu.memory_space<vmem>>, vector<1x16xf32>,
        %add3A_361 = arith.constant 0 : i32
        %add3A_362 = arith.addi %mul3A_320, %add3A_361 : i32
        %get3A_363 = arith.constant 0 : i32
        %get3A_364 = arith.constant 0 : i32
        %get3A_365 = tpu.memref_slice %arg6[%scan3A_225, %get3A_363, %get3A_364] : memref<4x128x128xf32, #tpu.memory_space<vmem>> -> memref<1x128x128xf32, #tpu.memory_space<vmem>>
        %get3A_366 = tpu.memref_squeeze %get3A_365 : memref<1x128x128xf32, #tpu.memory_space<vmem>> -> memref<128x128xf32, #tpu.memory_space<vmem>>
        %get3A_367 = arith.index_cast %add3A_362 : i32 to index
        %get3A_368 = arith.constant 32 : index
        %get3A_369 = tpu.vector_load %get3A_366[%get3A_367, %get3A_368] {strides = array<i32>} : memref<128x128xf32, #tpu.memory_space<vmem>>, vector<1x16xf32>,
        %get3A_370 = vector.shape_cast %get3A_369 : vector<1x16xf32> to vector<16xf32>
        %add3A_371 = arith.constant 0 : i32
        %add3A_372 = arith.addi %mul3A_320, %add3A_371 : i32
        %swap3A_373 = arith.constant 0 : i32
        %swap3A_374 = arith.constant 0 : i32
        %swap3A_375 = tpu.memref_slice %arg7[%scan3A_226, %swap3A_373, %swap3A_374] : memref<2x128x64xf32, #tpu.memory_space<vmem>> -> memref<1x128x64xf32, #tpu.memory_space<vmem>>
        %swap3A_376 = tpu.memref_squeeze %swap3A_375 : memref<1x128x64xf32, #tpu.memory_space<vmem>> -> memref<128x64xf32, #tpu.memory_space<vmem>>
        %swap3A_377 = arith.index_cast %add3A_372 : i32 to index
        %swap3A_378 = arith.constant 32 : index
        %swap3A_379 = tpu.vector_load %swap3A_376[%swap3A_377, %swap3A_378] {strides = array<i32>} : memref<128x64xf32, #tpu.memory_space<vmem>>, vector<1x16xf32>,
        %swap3A_380 = vector.shape_cast %swap3A_379 : vector<1x16xf32> to vector<16xf32>
        %swap3A_381 = vector.shape_cast %get3A_370 : vector<16xf32> to vector<1x16xf32>
        tpu.vector_store %swap3A_376[%swap3A_377, %swap3A_378], %swap3A_381 {strides = array<i32>} : memref<128x64xf32, #tpu.memory_space<vmem>>, vector<1x16xf32>,
        %add3A_382 = arith.constant 0 : i32
        %add3A_383 = arith.addi %mul3A_320, %add3A_382 : i32
        %get3A_384 = arith.constant 0 : i32
        %get3A_385 = arith.constant 0 : i32
        %get3A_386 = tpu.memref_slice %arg6[%scan3A_225, %get3A_384, %get3A_385] : memref<4x128x128xf32, #tpu.memory_space<vmem>> -> memref<1x128x128xf32, #tpu.memory_space<vmem>>
        %get3A_387 = tpu.memref_squeeze %get3A_386 : memref<1x128x128xf32, #tpu.memory_space<vmem>> -> memref<128x128xf32, #tpu.memory_space<vmem>>
        %get3A_388 = arith.index_cast %add3A_383 : i32 to index
        %get3A_389 = arith.constant 48 : index
        %get3A_390 = tpu.vector_load %get3A_387[%get3A_388, %get3A_389] {strides = array<i32>} : memref<128x128xf32, #tpu.memory_space<vmem>>, vector<1x16xf32>,
        %get3A_391 = vector.shape_cast %get3A_390 : vector<1x16xf32> to vector<16xf32>
        %add3A_392 = arith.constant 0 : i32
        %add3A_393 = arith.addi %mul3A_320, %add3A_392 : i32
        %swap3A_394 = arith.constant 0 : i32
        %swap3A_395 = arith.constant 0 : i32
        %swap3A_396 = tpu.memref_slice %arg7[%scan3A_226, %swap3A_394, %swap3A_395] : memref<2x128x64xf32, #tpu.memory_space<vmem>> -> memref<1x128x64xf32, #tpu.memory_space<vmem>>
        %swap3A_397 = tpu.memref_squeeze %swap3A_396 : memref<1x128x64xf32, #tpu.memory_space<vmem>> -> memref<128x64xf32, #tpu.memory_space<vmem>>
        %swap3A_398 = arith.index_cast %add3A_393 : i32 to index
        %swap3A_399 = arith.constant 48 : index
        %swap3A_400 = tpu.vector_load %swap3A_397[%swap3A_398, %swap3A_399] {strides = array<i32>} : memref<128x64xf32, #tpu.memory_space<vmem>>, vector<1x16xf32>,
        %swap3A_401 = vector.shape_cast %swap3A_400 : vector<1x16xf32> to vector<16xf32>
        %swap3A_402 = vector.shape_cast %get3A_391 : vector<16xf32> to vector<1x16xf32>
        tpu.vector_store %swap3A_397[%swap3A_398, %swap3A_399], %swap3A_402 {strides = array<i32>} : memref<128x64xf32, #tpu.memory_space<vmem>>, vector<1x16xf32>,
        %add3A_403 = arith.constant 1 : i32
        %add3A_404 = arith.addi %mul3A_320, %add3A_403 : i32
        %get3A_405 = arith.constant 0 : i32
        %get3A_406 = arith.constant 0 : i32
        %get3A_407 = tpu.memref_slice %arg6[%scan3A_225, %get3A_405, %get3A_406] : memref<4x128x128xf32, #tpu.memory_space<vmem>> -> memref<1x128x128xf32, #tpu.memory_space<vmem>>
        %get3A_408 = tpu.memref_squeeze %get3A_407 : memref<1x128x128xf32, #tpu.memory_space<vmem>> -> memref<128x128xf32, #tpu.memory_space<vmem>>
        %get3A_409 = arith.index_cast %add3A_404 : i32 to index
        %get3A_410 = arith.constant 0 : index
        %get3A_411 = tpu.vector_load %get3A_408[%get3A_409, %get3A_410] {strides = array<i32>} : memref<128x128xf32, #tpu.memory_space<vmem>>, vector<1x16xf32>,
        %get3A_412 = vector.shape_cast %get3A_411 : vector<1x16xf32> to vector<16xf32>
        %add3A_413 = arith.constant 1 : i32
        %add3A_414 = arith.addi %mul3A_320, %add3A_413 : i32
        %swap3A_415 = arith.constant 0 : i32
        %swap3A_416 = arith.constant 0 : i32
        %swap3A_417 = tpu.memref_slice %arg7[%scan3A_226, %swap3A_415, %swap3A_416] : memref<2x128x64xf32, #tpu.memory_space<vmem>> -> memref<1x128x64xf32, #tpu.memory_space<vmem>>
        %swap3A_418 = tpu.memref_squeeze %swap3A_417 : memref<1x128x64xf32, #tpu.memory_space<vmem>> -> memref<128x64xf32, #tpu.memory_space<vmem>>
        %swap3A_419 = arith.index_cast %add3A_414 : i32 to index
        %swap3A_420 = arith.constant 0 : index
        %swap3A_421 = tpu.vector_load %swap3A_418[%swap3A_419, %swap3A_420] {strides = array<i32>} : memref<128x64xf32, #tpu.memory_space<vmem>>, vector<1x16xf32>,
        %swap3A_422 = vector.shape_cast %swap3A_421 : vector<1x16xf32> to vector<16xf32>
        %swap3A_423 = vector.shape_cast %get3A_412 : vector<16xf32> to vector<1x16xf32>
        tpu.vector_store %swap3A_418[%swap3A_419, %swap3A_420], %swap3A_423 {strides = array<i32>} : memref<128x64xf32, #tpu.memory_space<vmem>>, vector<1x16xf32>,
        %add3A_424 = arith.constant 1 : i32
        %add3A_425 = arith.addi %mul3A_320, %add3A_424 : i32
        %get3A_426 = arith.constant 0 : i32
        %get3A_427 = arith.constant 0 : i32
        %get3A_428 = tpu.memref_slice %arg6[%scan3A_225, %get3A_426, %get3A_427] : memref<4x128x128xf32, #tpu.memory_space<vmem>> -> memref<1x128x128xf32, #tpu.memory_space<vmem>>
        %get3A_429 = tpu.memref_squeeze %get3A_428 : memref<1x128x128xf32, #tpu.memory_space<vmem>> -> memref<128x128xf32, #tpu.memory_space<vmem>>
        %get3A_430 = arith.index_cast %add3A_425 : i32 to index
        %get3A_431 = arith.constant 16 : index
        %get3A_432 = tpu.vector_load %get3A_429[%get3A_430, %get3A_431] {strides = array<i32>} : memref<128x128xf32, #tpu.memory_space<vmem>>, vector<1x16xf32>,
        %get3A_433 = vector.shape_cast %get3A_432 : vector<1x16xf32> to vector<16xf32>
        %add3A_434 = arith.constant 1 : i32
        %add3A_435 = arith.addi %mul3A_320, %add3A_434 : i32
        %swap3A_436 = arith.constant 0 : i32
        %swap3A_437 = arith.constant 0 : i32
        %swap3A_438 = tpu.memref_slice %arg7[%scan3A_226, %swap3A_436, %swap3A_437] : memref<2x128x64xf32, #tpu.memory_space<vmem>> -> memref<1x128x64xf32, #tpu.memory_space<vmem>>
        %swap3A_439 = tpu.memref_squeeze %swap3A_438 : memref<1x128x64xf32, #tpu.memory_space<vmem>> -> memref<128x64xf32, #tpu.memory_space<vmem>>
        %swap3A_440 = arith.index_cast %add3A_435 : i32 to index
        %swap3A_441 = arith.constant 16 : index
        %swap3A_442 = tpu.vector_load %swap3A_439[%swap3A_440, %swap3A_441] {strides = array<i32>} : memref<128x64xf32, #tpu.memory_space<vmem>>, vector<1x16xf32>,
        %swap3A_443 = vector.shape_cast %swap3A_442 : vector<1x16xf32> to vector<16xf32>
        %swap3A_444 = vector.shape_cast %get3A_433 : vector<16xf32> to vector<1x16xf32>
        tpu.vector_store %swap3A_439[%swap3A_440, %swap3A_441], %swap3A_444 {strides = array<i32>} : memref<128x64xf32, #tpu.memory_space<vmem>>, vector<1x16xf32>,
        %add3A_445 = arith.constant 1 : i32
        %add3A_446 = arith.addi %mul3A_320, %add3A_445 : i32
        %get3A_447 = arith.constant 0 : i32
        %get3A_448 = arith.constant 0 : i32
        %get3A_449 = tpu.memref_slice %arg6[%scan3A_225, %get3A_447, %get3A_448] : memref<4x128x128xf32, #tpu.memory_space<vmem>> -> memref<1x128x128xf32, #tpu.memory_space<vmem>>
        %get3A_450 = tpu.memref_squeeze %get3A_449 : memref<1x128x128xf32, #tpu.memory_space<vmem>> -> memref<128x128xf32, #tpu.memory_space<vmem>>
        %get3A_451 = arith.index_cast %add3A_446 : i32 to index
        %get3A_452 = arith.constant 32 : index
        %get3A_453 = tpu.vector_load %get3A_450[%get3A_451, %get3A_452] {strides = array<i32>} : memref<128x128xf32, #tpu.memory_space<vmem>>, vector<1x16xf32>,
        %get3A_454 = vector.shape_cast %get3A_453 : vector<1x16xf32> to vector<16xf32>
        %add3A_455 = arith.constant 1 : i32
        %add3A_456 = arith.addi %mul3A_320, %add3A_455 : i32
        %swap3A_457 = arith.constant 0 : i32
        %swap3A_458 = arith.constant 0 : i32
        %swap3A_459 = tpu.memref_slice %arg7[%scan3A_226, %swap3A_457, %swap3A_458] : memref<2x128x64xf32, #tpu.memory_space<vmem>> -> memref<1x128x64xf32, #tpu.memory_space<vmem>>
        %swap3A_460 = tpu.memref_squeeze %swap3A_459 : memref<1x128x64xf32, #tpu.memory_space<vmem>> -> memref<128x64xf32, #tpu.memory_space<vmem>>
        %swap3A_461 = arith.index_cast %add3A_456 : i32 to index
        %swap3A_462 = arith.constant 32 : index
        %swap3A_463 = tpu.vector_load %swap3A_460[%swap3A_461, %swap3A_462] {strides = array<i32>} : memref<128x64xf32, #tpu.memory_space<vmem>>, vector<1x16xf32>,
        %swap3A_464 = vector.shape_cast %swap3A_463 : vector<1x16xf32> to vector<16xf32>
        %swap3A_465 = vector.shape_cast %get3A_454 : vector<16xf32> to vector<1x16xf32>
        tpu.vector_store %swap3A_460[%swap3A_461, %swap3A_462], %swap3A_465 {strides = array<i32>} : memref<128x64xf32, #tpu.memory_space<vmem>>, vector<1x16xf32>,
        %add3A_466 = arith.constant 1 : i32
        %add3A_467 = arith.addi %mul3A_320, %add3A_466 : i32
        %get3A_468 = arith.constant 0 : i32
        %get3A_469 = arith.constant 0 : i32
        %get3A_470 = tpu.memref_slice %arg6[%scan3A_225, %get3A_468, %get3A_469] : memref<4x128x128xf32, #tpu.memory_space<vmem>> -> memref<1x128x128xf32, #tpu.memory_space<vmem>>
        %get3A_471 = tpu.memref_squeeze %get3A_470 : memref<1x128x128xf32, #tpu.memory_space<vmem>> -> memref<128x128xf32, #tpu.memory_space<vmem>>
        %get3A_472 = arith.index_cast %add3A_467 : i32 to index
        %get3A_473 = arith.constant 48 : index
        %get3A_474 = tpu.vector_load %get3A_471[%get3A_472, %get3A_473] {strides = array<i32>} : memref<128x128xf32, #tpu.memory_space<vmem>>, vector<1x16xf32>,
        %get3A_475 = vector.shape_cast %get3A_474 : vector<1x16xf32> to vector<16xf32>
        %add3A_476 = arith.constant 1 : i32
        %add3A_477 = arith.addi %mul3A_320, %add3A_476 : i32
        %swap3A_478 = arith.constant 0 : i32
        %swap3A_479 = arith.constant 0 : i32
        %swap3A_480 = tpu.memref_slice %arg7[%scan3A_226, %swap3A_478, %swap3A_479] : memref<2x128x64xf32, #tpu.memory_space<vmem>> -> memref<1x128x64xf32, #tpu.memory_space<vmem>>
        %swap3A_481 = tpu.memref_squeeze %swap3A_480 : memref<1x128x64xf32, #tpu.memory_space<vmem>> -> memref<128x64xf32, #tpu.memory_space<vmem>>
        %swap3A_482 = arith.index_cast %add3A_477 : i32 to index
        %swap3A_483 = arith.constant 48 : index
        %swap3A_484 = tpu.vector_load %swap3A_481[%swap3A_482, %swap3A_483] {strides = array<i32>} : memref<128x64xf32, #tpu.memory_space<vmem>>, vector<1x16xf32>,
        %swap3A_485 = vector.shape_cast %swap3A_484 : vector<1x16xf32> to vector<16xf32>
        %swap3A_486 = vector.shape_cast %get3A_475 : vector<16xf32> to vector<1x16xf32>
        tpu.vector_store %swap3A_481[%swap3A_482, %swap3A_483], %swap3A_486 {strides = array<i32>} : memref<128x64xf32, #tpu.memory_space<vmem>>, vector<1x16xf32>,
        %add3A_487 = arith.constant 2 : i32
        %add3A_488 = arith.addi %mul3A_320, %add3A_487 : i32
        %get3A_489 = arith.constant 0 : i32
        %get3A_490 = arith.constant 0 : i32
        %get3A_491 = tpu.memref_slice %arg6[%scan3A_225, %get3A_489, %get3A_490] : memref<4x128x128xf32, #tpu.memory_space<vmem>> -> memref<1x128x128xf32, #tpu.memory_space<vmem>>
        %get3A_492 = tpu.memref_squeeze %get3A_491 : memref<1x128x128xf32, #tpu.memory_space<vmem>> -> memref<128x128xf32, #tpu.memory_space<vmem>>
        %get3A_493 = arith.index_cast %add3A_488 : i32 to index
        %get3A_494 = arith.constant 0 : index
        %get3A_495 = tpu.vector_load %get3A_492[%get3A_493, %get3A_494] {strides = array<i32>} : memref<128x128xf32, #tpu.memory_space<vmem>>, vector<1x16xf32>,
        %get3A_496 = vector.shape_cast %get3A_495 : vector<1x16xf32> to vector<16xf32>
        %add3A_497 = arith.constant 2 : i32
        %add3A_498 = arith.addi %mul3A_320, %add3A_497 : i32
        %swap3A_499 = arith.constant 0 : i32
        %swap3A_500 = arith.constant 0 : i32
        %swap3A_501 = tpu.memref_slice %arg7[%scan3A_226, %swap3A_499, %swap3A_500] : memref<2x128x64xf32, #tpu.memory_space<vmem>> -> memref<1x128x64xf32, #tpu.memory_space<vmem>>
        %swap3A_502 = tpu.memref_squeeze %swap3A_501 : memref<1x128x64xf32, #tpu.memory_space<vmem>> -> memref<128x64xf32, #tpu.memory_space<vmem>>
        %swap3A_503 = arith.index_cast %add3A_498 : i32 to index
        %swap3A_504 = arith.constant 0 : index
        %swap3A_505 = tpu.vector_load %swap3A_502[%swap3A_503, %swap3A_504] {strides = array<i32>} : memref<128x64xf32, #tpu.memory_space<vmem>>, vector<1x16xf32>,
        %swap3A_506 = vector.shape_cast %swap3A_505 : vector<1x16xf32> to vector<16xf32>
        %swap3A_507 = vector.shape_cast %get3A_496 : vector<16xf32> to vector<1x16xf32>
        tpu.vector_store %swap3A_502[%swap3A_503, %swap3A_504], %swap3A_507 {strides = array<i32>} : memref<128x64xf32, #tpu.memory_space<vmem>>, vector<1x16xf32>,
        %add3A_508 = arith.constant 2 : i32
        %add3A_509 = arith.addi %mul3A_320, %add3A_508 : i32
        %get3A_510 = arith.constant 0 : i32
        %get3A_511 = arith.constant 0 : i32
        %get3A_512 = tpu.memref_slice %arg6[%scan3A_225, %get3A_510, %get3A_511] : memref<4x128x128xf32, #tpu.memory_space<vmem>> -> memref<1x128x128xf32, #tpu.memory_space<vmem>>
        %get3A_513 = tpu.memref_squeeze %get3A_512 : memref<1x128x128xf32, #tpu.memory_space<vmem>> -> memref<128x128xf32, #tpu.memory_space<vmem>>
        %get3A_514 = arith.index_cast %add3A_509 : i32 to index
        %get3A_515 = arith.constant 16 : index
        %get3A_516 = tpu.vector_load %get3A_513[%get3A_514, %get3A_515] {strides = array<i32>} : memref<128x128xf32, #tpu.memory_space<vmem>>, vector<1x16xf32>,
        %get3A_517 = vector.shape_cast %get3A_516 : vector<1x16xf32> to vector<16xf32>
        %add3A_518 = arith.constant 2 : i32
        %add3A_519 = arith.addi %mul3A_320, %add3A_518 : i32
        %swap3A_520 = arith.constant 0 : i32
        %swap3A_521 = arith.constant 0 : i32
        %swap3A_522 = tpu.memref_slice %arg7[%scan3A_226, %swap3A_520, %swap3A_521] : memref<2x128x64xf32, #tpu.memory_space<vmem>> -> memref<1x128x64xf32, #tpu.memory_space<vmem>>
        %swap3A_523 = tpu.memref_squeeze %swap3A_522 : memref<1x128x64xf32, #tpu.memory_space<vmem>> -> memref<128x64xf32, #tpu.memory_space<vmem>>
        %swap3A_524 = arith.index_cast %add3A_519 : i32 to index
        %swap3A_525 = arith.constant 16 : index
        %swap3A_526 = tpu.vector_load %swap3A_523[%swap3A_524, %swap3A_525] {strides = array<i32>} : memref<128x64xf32, #tpu.memory_space<vmem>>, vector<1x16xf32>,
        %swap3A_527 = vector.shape_cast %swap3A_526 : vector<1x16xf32> to vector<16xf32>
        %swap3A_528 = vector.shape_cast %get3A_517 : vector<16xf32> to vector<1x16xf32>
        tpu.vector_store %swap3A_523[%swap3A_524, %swap3A_525], %swap3A_528 {strides = array<i32>} : memref<128x64xf32, #tpu.memory_space<vmem>>, vector<1x16xf32>,
        %add3A_529 = arith.constant 2 : i32
        %add3A_530 = arith.addi %mul3A_320, %add3A_529 : i32
        %get3A_531 = arith.constant 0 : i32
        %get3A_532 = arith.constant 0 : i32
        %get3A_533 = tpu.memref_slice %arg6[%scan3A_225, %get3A_531, %get3A_532] : memref<4x128x128xf32, #tpu.memory_space<vmem>> -> memref<1x128x128xf32, #tpu.memory_space<vmem>>
        %get3A_534 = tpu.memref_squeeze %get3A_533 : memref<1x128x128xf32, #tpu.memory_space<vmem>> -> memref<128x128xf32, #tpu.memory_space<vmem>>
        %get3A_535 = arith.index_cast %add3A_530 : i32 to index
        %get3A_536 = arith.constant 32 : index
        %get3A_537 = tpu.vector_load %get3A_534[%get3A_535, %get3A_536] {strides = array<i32>} : memref<128x128xf32, #tpu.memory_space<vmem>>, vector<1x16xf32>,
        %get3A_538 = vector.shape_cast %get3A_537 : vector<1x16xf32> to vector<16xf32>
        %add3A_539 = arith.constant 2 : i32
        %add3A_540 = arith.addi %mul3A_320, %add3A_539 : i32
        %swap3A_541 = arith.constant 0 : i32
        %swap3A_542 = arith.constant 0 : i32
        %swap3A_543 = tpu.memref_slice %arg7[%scan3A_226, %swap3A_541, %swap3A_542] : memref<2x128x64xf32, #tpu.memory_space<vmem>> -> memref<1x128x64xf32, #tpu.memory_space<vmem>>
        %swap3A_544 = tpu.memref_squeeze %swap3A_543 : memref<1x128x64xf32, #tpu.memory_space<vmem>> -> memref<128x64xf32, #tpu.memory_space<vmem>>
        %swap3A_545 = arith.index_cast %add3A_540 : i32 to index
        %swap3A_546 = arith.constant 32 : index
        %swap3A_547 = tpu.vector_load %swap3A_544[%swap3A_545, %swap3A_546] {strides = array<i32>} : memref<128x64xf32, #tpu.memory_space<vmem>>, vector<1x16xf32>,
        %swap3A_548 = vector.shape_cast %swap3A_547 : vector<1x16xf32> to vector<16xf32>
        %swap3A_549 = vector.shape_cast %get3A_538 : vector<16xf32> to vector<1x16xf32>
        tpu.vector_store %swap3A_544[%swap3A_545, %swap3A_546], %swap3A_549 {strides = array<i32>} : memref<128x64xf32, #tpu.memory_space<vmem>>, vector<1x16xf32>,
        %add3A_550 = arith.constant 2 : i32
        %add3A_551 = arith.addi %mul3A_320, %add3A_550 : i32
        %get3A_552 = arith.constant 0 : i32
        %get3A_553 = arith.constant 0 : i32
        %get3A_554 = tpu.memref_slice %arg6[%scan3A_225, %get3A_552, %get3A_553] : memref<4x128x128xf32, #tpu.memory_space<vmem>> -> memref<1x128x128xf32, #tpu.memory_space<vmem>>
        %get3A_555 = tpu.memref_squeeze %get3A_554 : memref<1x128x128xf32, #tpu.memory_space<vmem>> -> memref<128x128xf32, #tpu.memory_space<vmem>>
        %get3A_556 = arith.index_cast %add3A_551 : i32 to index
        %get3A_557 = arith.constant 48 : index
        %get3A_558 = tpu.vector_load %get3A_555[%get3A_556, %get3A_557] {strides = array<i32>} : memref<128x128xf32, #tpu.memory_space<vmem>>, vector<1x16xf32>,
        %get3A_559 = vector.shape_cast %get3A_558 : vector<1x16xf32> to vector<16xf32>
        %add3A_560 = arith.constant 2 : i32
        %add3A_561 = arith.addi %mul3A_320, %add3A_560 : i32
        %swap3A_562 = arith.constant 0 : i32
        %swap3A_563 = arith.constant 0 : i32
        %swap3A_564 = tpu.memref_slice %arg7[%scan3A_226, %swap3A_562, %swap3A_563] : memref<2x128x64xf32, #tpu.memory_space<vmem>> -> memref<1x128x64xf32, #tpu.memory_space<vmem>>
        %swap3A_565 = tpu.memref_squeeze %swap3A_564 : memref<1x128x64xf32, #tpu.memory_space<vmem>> -> memref<128x64xf32, #tpu.memory_space<vmem>>
        %swap3A_566 = arith.index_cast %add3A_561 : i32 to index
        %swap3A_567 = arith.constant 48 : index
        %swap3A_568 = tpu.vector_load %swap3A_565[%swap3A_566, %swap3A_567] {strides = array<i32>} : memref<128x64xf32, #tpu.memory_space<vmem>>, vector<1x16xf32>,
        %swap3A_569 = vector.shape_cast %swap3A_568 : vector<1x16xf32> to vector<16xf32>
        %swap3A_570 = vector.shape_cast %get3A_559 : vector<16xf32> to vector<1x16xf32>
        tpu.vector_store %swap3A_565[%swap3A_566, %swap3A_567], %swap3A_570 {strides = array<i32>} : memref<128x64xf32, #tpu.memory_space<vmem>>, vector<1x16xf32>,
        %add3A_571 = arith.constant 3 : i32
        %add3A_572 = arith.addi %mul3A_320, %add3A_571 : i32
        %get3A_573 = arith.constant 0 : i32
        %get3A_574 = arith.constant 0 : i32
        %get3A_575 = tpu.memref_slice %arg6[%scan3A_225, %get3A_573, %get3A_574] : memref<4x128x128xf32, #tpu.memory_space<vmem>> -> memref<1x128x128xf32, #tpu.memory_space<vmem>>
        %get3A_576 = tpu.memref_squeeze %get3A_575 : memref<1x128x128xf32, #tpu.memory_space<vmem>> -> memref<128x128xf32, #tpu.memory_space<vmem>>
        %get3A_577 = arith.index_cast %add3A_572 : i32 to index
        %get3A_578 = arith.constant 0 : index
        %get3A_579 = tpu.vector_load %get3A_576[%get3A_577, %get3A_578] {strides = array<i32>} : memref<128x128xf32, #tpu.memory_space<vmem>>, vector<1x16xf32>,
        %get3A_580 = vector.shape_cast %get3A_579 : vector<1x16xf32> to vector<16xf32>
        %add3A_581 = arith.constant 3 : i32
        %add3A_582 = arith.addi %mul3A_320, %add3A_581 : i32
        %swap3A_583 = arith.constant 0 : i32
        %swap3A_584 = arith.constant 0 : i32
        %swap3A_585 = tpu.memref_slice %arg7[%scan3A_226, %swap3A_583, %swap3A_584] : memref<2x128x64xf32, #tpu.memory_space<vmem>> -> memref<1x128x64xf32, #tpu.memory_space<vmem>>
        %swap3A_586 = tpu.memref_squeeze %swap3A_585 : memref<1x128x64xf32, #tpu.memory_space<vmem>> -> memref<128x64xf32, #tpu.memory_space<vmem>>
        %swap3A_587 = arith.index_cast %add3A_582 : i32 to index
        %swap3A_588 = arith.constant 0 : index
        %swap3A_589 = tpu.vector_load %swap3A_586[%swap3A_587, %swap3A_588] {strides = array<i32>} : memref<128x64xf32, #tpu.memory_space<vmem>>, vector<1x16xf32>,
        %swap3A_590 = vector.shape_cast %swap3A_589 : vector<1x16xf32> to vector<16xf32>
        %swap3A_591 = vector.shape_cast %get3A_580 : vector<16xf32> to vector<1x16xf32>
        tpu.vector_store %swap3A_586[%swap3A_587, %swap3A_588], %swap3A_591 {strides = array<i32>} : memref<128x64xf32, #tpu.memory_space<vmem>>, vector<1x16xf32>,
        %add3A_592 = arith.constant 3 : i32
        %add3A_593 = arith.addi %mul3A_320, %add3A_592 : i32
        %get3A_594 = arith.constant 0 : i32
        %get3A_595 = arith.constant 0 : i32
        %get3A_596 = tpu.memref_slice %arg6[%scan3A_225, %get3A_594, %get3A_595] : memref<4x128x128xf32, #tpu.memory_space<vmem>> -> memref<1x128x128xf32, #tpu.memory_space<vmem>>
        %get3A_597 = tpu.memref_squeeze %get3A_596 : memref<1x128x128xf32, #tpu.memory_space<vmem>> -> memref<128x128xf32, #tpu.memory_space<vmem>>
        %get3A_598 = arith.index_cast %add3A_593 : i32 to index
        %get3A_599 = arith.constant 16 : index
        %get3A_600 = tpu.vector_load %get3A_597[%get3A_598, %get3A_599] {strides = array<i32>} : memref<128x128xf32, #tpu.memory_space<vmem>>, vector<1x16xf32>,
        %get3A_601 = vector.shape_cast %get3A_600 : vector<1x16xf32> to vector<16xf32>
        %add3A_602 = arith.constant 3 : i32
        %add3A_603 = arith.addi %mul3A_320, %add3A_602 : i32
        %swap3A_604 = arith.constant 0 : i32
        %swap3A_605 = arith.constant 0 : i32
        %swap3A_606 = tpu.memref_slice %arg7[%scan3A_226, %swap3A_604, %swap3A_605] : memref<2x128x64xf32, #tpu.memory_space<vmem>> -> memref<1x128x64xf32, #tpu.memory_space<vmem>>
        %swap3A_607 = tpu.memref_squeeze %swap3A_606 : memref<1x128x64xf32, #tpu.memory_space<vmem>> -> memref<128x64xf32, #tpu.memory_space<vmem>>
        %swap3A_608 = arith.index_cast %add3A_603 : i32 to index
        %swap3A_609 = arith.constant 16 : index
        %swap3A_610 = tpu.vector_load %swap3A_607[%swap3A_608, %swap3A_609] {strides = array<i32>} : memref<128x64xf32, #tpu.memory_space<vmem>>, vector<1x16xf32>,
        %swap3A_611 = vector.shape_cast %swap3A_610 : vector<1x16xf32> to vector<16xf32>
        %swap3A_612 = vector.shape_cast %get3A_601 : vector<16xf32> to vector<1x16xf32>
        tpu.vector_store %swap3A_607[%swap3A_608, %swap3A_609], %swap3A_612 {strides = array<i32>} : memref<128x64xf32, #tpu.memory_space<vmem>>, vector<1x16xf32>,
        %add3A_613 = arith.constant 3 : i32
        %add3A_614 = arith.addi %mul3A_320, %add3A_613 : i32
        %get3A_615 = arith.constant 0 : i32
        %get3A_616 = arith.constant 0 : i32
        %get3A_617 = tpu.memref_slice %arg6[%scan3A_225, %get3A_615, %get3A_616] : memref<4x128x128xf32, #tpu.memory_space<vmem>> -> memref<1x128x128xf32, #tpu.memory_space<vmem>>
        %get3A_618 = tpu.memref_squeeze %get3A_617 : memref<1x128x128xf32, #tpu.memory_space<vmem>> -> memref<128x128xf32, #tpu.memory_space<vmem>>
        %get3A_619 = arith.index_cast %add3A_614 : i32 to index
        %get3A_620 = arith.constant 32 : index
        %get3A_621 = tpu.vector_load %get3A_618[%get3A_619, %get3A_620] {strides = array<i32>} : memref<128x128xf32, #tpu.memory_space<vmem>>, vector<1x16xf32>,
        %get3A_622 = vector.shape_cast %get3A_621 : vector<1x16xf32> to vector<16xf32>
        %add3A_623 = arith.constant 3 : i32
        %add3A_624 = arith.addi %mul3A_320, %add3A_623 : i32
        %swap3A_625 = arith.constant 0 : i32
        %swap3A_626 = arith.constant 0 : i32
        %swap3A_627 = tpu.memref_slice %arg7[%scan3A_226, %swap3A_625, %swap3A_626] : memref<2x128x64xf32, #tpu.memory_space<vmem>> -> memref<1x128x64xf32, #tpu.memory_space<vmem>>
        %swap3A_628 = tpu.memref_squeeze %swap3A_627 : memref<1x128x64xf32, #tpu.memory_space<vmem>> -> memref<128x64xf32, #tpu.memory_space<vmem>>
        %swap3A_629 = arith.index_cast %add3A_624 : i32 to index
        %swap3A_630 = arith.constant 32 : index
        %swap3A_631 = tpu.vector_load %swap3A_628[%swap3A_629, %swap3A_630] {strides = array<i32>} : memref<128x64xf32, #tpu.memory_space<vmem>>, vector<1x16xf32>,
        %swap3A_632 = vector.shape_cast %swap3A_631 : vector<1x16xf32> to vector<16xf32>
        %swap3A_633 = vector.shape_cast %get3A_622 : vector<16xf32> to vector<1x16xf32>
        tpu.vector_store %swap3A_628[%swap3A_629, %swap3A_630], %swap3A_633 {strides = array<i32>} : memref<128x64xf32, #tpu.memory_space<vmem>>, vector<1x16xf32>,
        %add3A_634 = arith.constant 3 : i32
        %add3A_635 = arith.addi %mul3A_320, %add3A_634 : i32
        %get3A_636 = arith.constant 0 : i32
        %get3A_637 = arith.constant 0 : i32
        %get3A_638 = tpu.memref_slice %arg6[%scan3A_225, %get3A_636, %get3A_637] : memref<4x128x128xf32, #tpu.memory_space<vmem>> -> memref<1x128x128xf32, #tpu.memory_space<vmem>>
        %get3A_639 = tpu.memref_squeeze %get3A_638 : memref<1x128x128xf32, #tpu.memory_space<vmem>> -> memref<128x128xf32, #tpu.memory_space<vmem>>
        %get3A_640 = arith.index_cast %add3A_635 : i32 to index
        %get3A_641 = arith.constant 48 : index
        %get3A_642 = tpu.vector_load %get3A_639[%get3A_640, %get3A_641] {strides = array<i32>} : memref<128x128xf32, #tpu.memory_space<vmem>>, vector<1x16xf32>,
        %get3A_643 = vector.shape_cast %get3A_642 : vector<1x16xf32> to vector<16xf32>
        %add3A_644 = arith.constant 3 : i32
        %add3A_645 = arith.addi %mul3A_320, %add3A_644 : i32
        %swap3A_646 = arith.constant 0 : i32
        %swap3A_647 = arith.constant 0 : i32
        %swap3A_648 = tpu.memref_slice %arg7[%scan3A_226, %swap3A_646, %swap3A_647] : memref<2x128x64xf32, #tpu.memory_space<vmem>> -> memref<1x128x64xf32, #tpu.memory_space<vmem>>
        %swap3A_649 = tpu.memref_squeeze %swap3A_648 : memref<1x128x64xf32, #tpu.memory_space<vmem>> -> memref<128x64xf32, #tpu.memory_space<vmem>>
        %swap3A_650 = arith.index_cast %add3A_645 : i32 to index
        %swap3A_651 = arith.constant 48 : index
        %swap3A_652 = tpu.vector_load %swap3A_649[%swap3A_650, %swap3A_651] {strides = array<i32>} : memref<128x64xf32, #tpu.memory_space<vmem>>, vector<1x16xf32>,
        %swap3A_653 = vector.shape_cast %swap3A_652 : vector<1x16xf32> to vector<16xf32>
        %swap3A_654 = vector.shape_cast %get3A_643 : vector<16xf32> to vector<1x16xf32>
        tpu.vector_store %swap3A_649[%swap3A_650, %swap3A_651], %swap3A_654 {strides = array<i32>} : memref<128x64xf32, #tpu.memory_space<vmem>>, vector<1x16xf32>,
        %add3A_655 = arith.constant 4 : i32
        %add3A_656 = arith.addi %mul3A_320, %add3A_655 : i32
        %get3A_657 = arith.constant 0 : i32
        %get3A_658 = arith.constant 0 : i32
        %get3A_659 = tpu.memref_slice %arg6[%scan3A_225, %get3A_657, %get3A_658] : memref<4x128x128xf32, #tpu.memory_space<vmem>> -> memref<1x128x128xf32, #tpu.memory_space<vmem>>
        %get3A_660 = tpu.memref_squeeze %get3A_659 : memref<1x128x128xf32, #tpu.memory_space<vmem>> -> memref<128x128xf32, #tpu.memory_space<vmem>>
        %get3A_661 = arith.index_cast %add3A_656 : i32 to index
        %get3A_662 = arith.constant 0 : index
        %get3A_663 = tpu.vector_load %get3A_660[%get3A_661, %get3A_662] {strides = array<i32>} : memref<128x128xf32, #tpu.memory_space<vmem>>, vector<1x16xf32>,
        %get3A_664 = vector.shape_cast %get3A_663 : vector<1x16xf32> to vector<16xf32>
        %add3A_665 = arith.constant 4 : i32
        %add3A_666 = arith.addi %mul3A_320, %add3A_665 : i32
        %swap3A_667 = arith.constant 0 : i32
        %swap3A_668 = arith.constant 0 : i32
        %swap3A_669 = tpu.memref_slice %arg7[%scan3A_226, %swap3A_667, %swap3A_668] : memref<2x128x64xf32, #tpu.memory_space<vmem>> -> memref<1x128x64xf32, #tpu.memory_space<vmem>>
        %swap3A_670 = tpu.memref_squeeze %swap3A_669 : memref<1x128x64xf32, #tpu.memory_space<vmem>> -> memref<128x64xf32, #tpu.memory_space<vmem>>
        %swap3A_671 = arith.index_cast %add3A_666 : i32 to index
        %swap3A_672 = arith.constant 0 : index
        %swap3A_673 = tpu.vector_load %swap3A_670[%swap3A_671, %swap3A_672] {strides = array<i32>} : memref<128x64xf32, #tpu.memory_space<vmem>>, vector<1x16xf32>,
        %swap3A_674 = vector.shape_cast %swap3A_673 : vector<1x16xf32> to vector<16xf32>
        %swap3A_675 = vector.shape_cast %get3A_664 : vector<16xf32> to vector<1x16xf32>
        tpu.vector_store %swap3A_670[%swap3A_671, %swap3A_672], %swap3A_675 {strides = array<i32>} : memref<128x64xf32, #tpu.memory_space<vmem>>, vector<1x16xf32>,
        %add3A_676 = arith.constant 4 : i32
        %add3A_677 = arith.addi %mul3A_320, %add3A_676 : i32
        %get3A_678 = arith.constant 0 : i32
        %get3A_679 = arith.constant 0 : i32
        %get3A_680 = tpu.memref_slice %arg6[%scan3A_225, %get3A_678, %get3A_679] : memref<4x128x128xf32, #tpu.memory_space<vmem>> -> memref<1x128x128xf32, #tpu.memory_space<vmem>>
        %get3A_681 = tpu.memref_squeeze %get3A_680 : memref<1x128x128xf32, #tpu.memory_space<vmem>> -> memref<128x128xf32, #tpu.memory_space<vmem>>
        %get3A_682 = arith.index_cast %add3A_677 : i32 to index
        %get3A_683 = arith.constant 16 : index
        %get3A_684 = tpu.vector_load %get3A_681[%get3A_682, %get3A_683] {strides = array<i32>} : memref<128x128xf32, #tpu.memory_space<vmem>>, vector<1x16xf32>,
        %get3A_685 = vector.shape_cast %get3A_684 : vector<1x16xf32> to vector<16xf32>
        %add3A_686 = arith.constant 4 : i32
        %add3A_687 = arith.addi %mul3A_320, %add3A_686 : i32
        %swap3A_688 = arith.constant 0 : i32
        %swap3A_689 = arith.constant 0 : i32
        %swap3A_690 = tpu.memref_slice %arg7[%scan3A_226, %swap3A_688, %swap3A_689] : memref<2x128x64xf32, #tpu.memory_space<vmem>> -> memref<1x128x64xf32, #tpu.memory_space<vmem>>
        %swap3A_691 = tpu.memref_squeeze %swap3A_690 : memref<1x128x64xf32, #tpu.memory_space<vmem>> -> memref<128x64xf32, #tpu.memory_space<vmem>>
        %swap3A_692 = arith.index_cast %add3A_687 : i32 to index
        %swap3A_693 = arith.constant 16 : index
        %swap3A_694 = tpu.vector_load %swap3A_691[%swap3A_692, %swap3A_693] {strides = array<i32>} : memref<128x64xf32, #tpu.memory_space<vmem>>, vector<1x16xf32>,
        %swap3A_695 = vector.shape_cast %swap3A_694 : vector<1x16xf32> to vector<16xf32>
        %swap3A_696 = vector.shape_cast %get3A_685 : vector<16xf32> to vector<1x16xf32>
        tpu.vector_store %swap3A_691[%swap3A_692, %swap3A_693], %swap3A_696 {strides = array<i32>} : memref<128x64xf32, #tpu.memory_space<vmem>>, vector<1x16xf32>,
        %add3A_697 = arith.constant 4 : i32
        %add3A_698 = arith.addi %mul3A_320, %add3A_697 : i32
        %get3A_699 = arith.constant 0 : i32
        %get3A_700 = arith.constant 0 : i32
        %get3A_701 = tpu.memref_slice %arg6[%scan3A_225, %get3A_699, %get3A_700] : memref<4x128x128xf32, #tpu.memory_space<vmem>> -> memref<1x128x128xf32, #tpu.memory_space<vmem>>
        %get3A_702 = tpu.memref_squeeze %get3A_701 : memref<1x128x128xf32, #tpu.memory_space<vmem>> -> memref<128x128xf32, #tpu.memory_space<vmem>>
        %get3A_703 = arith.index_cast %add3A_698 : i32 to index
        %get3A_704 = arith.constant 32 : index
        %get3A_705 = tpu.vector_load %get3A_702[%get3A_703, %get3A_704] {strides = array<i32>} : memref<128x128xf32, #tpu.memory_space<vmem>>, vector<1x16xf32>,
        %get3A_706 = vector.shape_cast %get3A_705 : vector<1x16xf32> to vector<16xf32>
        %add3A_707 = arith.constant 4 : i32
        %add3A_708 = arith.addi %mul3A_320, %add3A_707 : i32
        %swap3A_709 = arith.constant 0 : i32
        %swap3A_710 = arith.constant 0 : i32
        %swap3A_711 = tpu.memref_slice %arg7[%scan3A_226, %swap3A_709, %swap3A_710] : memref<2x128x64xf32, #tpu.memory_space<vmem>> -> memref<1x128x64xf32, #tpu.memory_space<vmem>>
        %swap3A_712 = tpu.memref_squeeze %swap3A_711 : memref<1x128x64xf32, #tpu.memory_space<vmem>> -> memref<128x64xf32, #tpu.memory_space<vmem>>
        %swap3A_713 = arith.index_cast %add3A_708 : i32 to index
        %swap3A_714 = arith.constant 32 : index
        %swap3A_715 = tpu.vector_load %swap3A_712[%swap3A_713, %swap3A_714] {strides = array<i32>} : memref<128x64xf32, #tpu.memory_space<vmem>>, vector<1x16xf32>,
        %swap3A_716 = vector.shape_cast %swap3A_715 : vector<1x16xf32> to vector<16xf32>
        %swap3A_717 = vector.shape_cast %get3A_706 : vector<16xf32> to vector<1x16xf32>
        tpu.vector_store %swap3A_712[%swap3A_713, %swap3A_714], %swap3A_717 {strides = array<i32>} : memref<128x64xf32, #tpu.memory_space<vmem>>, vector<1x16xf32>,
        %add3A_718 = arith.constant 4 : i32
        %add3A_719 = arith.addi %mul3A_320, %add3A_718 : i32
        %get3A_720 = arith.constant 0 : i32
        %get3A_721 = arith.constant 0 : i32
        %get3A_722 = tpu.memref_slice %arg6[%scan3A_225, %get3A_720, %get3A_721] : memref<4x128x128xf32, #tpu.memory_space<vmem>> -> memref<1x128x128xf32, #tpu.memory_space<vmem>>
        %get3A_723 = tpu.memref_squeeze %get3A_722 : memref<1x128x128xf32, #tpu.memory_space<vmem>> -> memref<128x128xf32, #tpu.memory_space<vmem>>
        %get3A_724 = arith.index_cast %add3A_719 : i32 to index
        %get3A_725 = arith.constant 48 : index
        %get3A_726 = tpu.vector_load %get3A_723[%get3A_724, %get3A_725] {strides = array<i32>} : memref<128x128xf32, #tpu.memory_space<vmem>>, vector<1x16xf32>,
        %get3A_727 = vector.shape_cast %get3A_726 : vector<1x16xf32> to vector<16xf32>
        %add3A_728 = arith.constant 4 : i32
        %add3A_729 = arith.addi %mul3A_320, %add3A_728 : i32
        %swap3A_730 = arith.constant 0 : i32
        %swap3A_731 = arith.constant 0 : i32
        %swap3A_732 = tpu.memref_slice %arg7[%scan3A_226, %swap3A_730, %swap3A_731] : memref<2x128x64xf32, #tpu.memory_space<vmem>> -> memref<1x128x64xf32, #tpu.memory_space<vmem>>
        %swap3A_733 = tpu.memref_squeeze %swap3A_732 : memref<1x128x64xf32, #tpu.memory_space<vmem>> -> memref<128x64xf32, #tpu.memory_space<vmem>>
        %swap3A_734 = arith.index_cast %add3A_729 : i32 to index
        %swap3A_735 = arith.constant 48 : index
        %swap3A_736 = tpu.vector_load %swap3A_733[%swap3A_734, %swap3A_735] {strides = array<i32>} : memref<128x64xf32, #tpu.memory_space<vmem>>, vector<1x16xf32>,
        %swap3A_737 = vector.shape_cast %swap3A_736 : vector<1x16xf32> to vector<16xf32>
        %swap3A_738 = vector.shape_cast %get3A_727 : vector<16xf32> to vector<1x16xf32>
        tpu.vector_store %swap3A_733[%swap3A_734, %swap3A_735], %swap3A_738 {strides = array<i32>} : memref<128x64xf32, #tpu.memory_space<vmem>>, vector<1x16xf32>,
        %add3A_739 = arith.constant 5 : i32
        %add3A_740 = arith.addi %mul3A_320, %add3A_739 : i32
        %get3A_741 = arith.constant 0 : i32
        %get3A_742 = arith.constant 0 : i32
        %get3A_743 = tpu.memref_slice %arg6[%scan3A_225, %get3A_741, %get3A_742] : memref<4x128x128xf32, #tpu.memory_space<vmem>> -> memref<1x128x128xf32, #tpu.memory_space<vmem>>
        %get3A_744 = tpu.memref_squeeze %get3A_743 : memref<1x128x128xf32, #tpu.memory_space<vmem>> -> memref<128x128xf32, #tpu.memory_space<vmem>>
        %get3A_745 = arith.index_cast %add3A_740 : i32 to index
        %get3A_746 = arith.constant 0 : index
        %get3A_747 = tpu.vector_load %get3A_744[%get3A_745, %get3A_746] {strides = array<i32>} : memref<128x128xf32, #tpu.memory_space<vmem>>, vector<1x16xf32>,
        %get3A_748 = vector.shape_cast %get3A_747 : vector<1x16xf32> to vector<16xf32>
        %add3A_749 = arith.constant 5 : i32
        %add3A_750 = arith.addi %mul3A_320, %add3A_749 : i32
        %swap3A_751 = arith.constant 0 : i32
        %swap3A_752 = arith.constant 0 : i32
        %swap3A_753 = tpu.memref_slice %arg7[%scan3A_226, %swap3A_751, %swap3A_752] : memref<2x128x64xf32, #tpu.memory_space<vmem>> -> memref<1x128x64xf32, #tpu.memory_space<vmem>>
        %swap3A_754 = tpu.memref_squeeze %swap3A_753 : memref<1x128x64xf32, #tpu.memory_space<vmem>> -> memref<128x64xf32, #tpu.memory_space<vmem>>
        %swap3A_755 = arith.index_cast %add3A_750 : i32 to index
        %swap3A_756 = arith.constant 0 : index
        %swap3A_757 = tpu.vector_load %swap3A_754[%swap3A_755, %swap3A_756] {strides = array<i32>} : memref<128x64xf32, #tpu.memory_space<vmem>>, vector<1x16xf32>,
        %swap3A_758 = vector.shape_cast %swap3A_757 : vector<1x16xf32> to vector<16xf32>
        %swap3A_759 = vector.shape_cast %get3A_748 : vector<16xf32> to vector<1x16xf32>
        tpu.vector_store %swap3A_754[%swap3A_755, %swap3A_756], %swap3A_759 {strides = array<i32>} : memref<128x64xf32, #tpu.memory_space<vmem>>, vector<1x16xf32>,
        %add3A_760 = arith.constant 5 : i32
        %add3A_761 = arith.addi %mul3A_320, %add3A_760 : i32
        %get3A_762 = arith.constant 0 : i32
        %get3A_763 = arith.constant 0 : i32
        %get3A_764 = tpu.memref_slice %arg6[%scan3A_225, %get3A_762, %get3A_763] : memref<4x128x128xf32, #tpu.memory_space<vmem>> -> memref<1x128x128xf32, #tpu.memory_space<vmem>>
        %get3A_765 = tpu.memref_squeeze %get3A_764 : memref<1x128x128xf32, #tpu.memory_space<vmem>> -> memref<128x128xf32, #tpu.memory_space<vmem>>
        %get3A_766 = arith.index_cast %add3A_761 : i32 to index
        %get3A_767 = arith.constant 16 : index
        %get3A_768 = tpu.vector_load %get3A_765[%get3A_766, %get3A_767] {strides = array<i32>} : memref<128x128xf32, #tpu.memory_space<vmem>>, vector<1x16xf32>,
        %get3A_769 = vector.shape_cast %get3A_768 : vector<1x16xf32> to vector<16xf32>
        %add3A_770 = arith.constant 5 : i32
        %add3A_771 = arith.addi %mul3A_320, %add3A_770 : i32
        %swap3A_772 = arith.constant 0 : i32
        %swap3A_773 = arith.constant 0 : i32
        %swap3A_774 = tpu.memref_slice %arg7[%scan3A_226, %swap3A_772, %swap3A_773] : memref<2x128x64xf32, #tpu.memory_space<vmem>> -> memref<1x128x64xf32, #tpu.memory_space<vmem>>
        %swap3A_775 = tpu.memref_squeeze %swap3A_774 : memref<1x128x64xf32, #tpu.memory_space<vmem>> -> memref<128x64xf32, #tpu.memory_space<vmem>>
        %swap3A_776 = arith.index_cast %add3A_771 : i32 to index
        %swap3A_777 = arith.constant 16 : index
        %swap3A_778 = tpu.vector_load %swap3A_775[%swap3A_776, %swap3A_777] {strides = array<i32>} : memref<128x64xf32, #tpu.memory_space<vmem>>, vector<1x16xf32>,
        %swap3A_779 = vector.shape_cast %swap3A_778 : vector<1x16xf32> to vector<16xf32>
        %swap3A_780 = vector.shape_cast %get3A_769 : vector<16xf32> to vector<1x16xf32>
        tpu.vector_store %swap3A_775[%swap3A_776, %swap3A_777], %swap3A_780 {strides = array<i32>} : memref<128x64xf32, #tpu.memory_space<vmem>>, vector<1x16xf32>,
        %add3A_781 = arith.constant 5 : i32
        %add3A_782 = arith.addi %mul3A_320, %add3A_781 : i32
        %get3A_783 = arith.constant 0 : i32
        %get3A_784 = arith.constant 0 : i32
        %get3A_785 = tpu.memref_slice %arg6[%scan3A_225, %get3A_783, %get3A_784] : memref<4x128x128xf32, #tpu.memory_space<vmem>> -> memref<1x128x128xf32, #tpu.memory_space<vmem>>
        %get3A_786 = tpu.memref_squeeze %get3A_785 : memref<1x128x128xf32, #tpu.memory_space<vmem>> -> memref<128x128xf32, #tpu.memory_space<vmem>>
        %get3A_787 = arith.index_cast %add3A_782 : i32 to index
        %get3A_788 = arith.constant 32 : index
        %get3A_789 = tpu.vector_load %get3A_786[%get3A_787, %get3A_788] {strides = array<i32>} : memref<128x128xf32, #tpu.memory_space<vmem>>, vector<1x16xf32>,
        %get3A_790 = vector.shape_cast %get3A_789 : vector<1x16xf32> to vector<16xf32>
        %add3A_791 = arith.constant 5 : i32
        %add3A_792 = arith.addi %mul3A_320, %add3A_791 : i32
        %swap3A_793 = arith.constant 0 : i32
        %swap3A_794 = arith.constant 0 : i32
        %swap3A_795 = tpu.memref_slice %arg7[%scan3A_226, %swap3A_793, %swap3A_794] : memref<2x128x64xf32, #tpu.memory_space<vmem>> -> memref<1x128x64xf32, #tpu.memory_space<vmem>>
        %swap3A_796 = tpu.memref_squeeze %swap3A_795 : memref<1x128x64xf32, #tpu.memory_space<vmem>> -> memref<128x64xf32, #tpu.memory_space<vmem>>
        %swap3A_797 = arith.index_cast %add3A_792 : i32 to index
        %swap3A_798 = arith.constant 32 : index
        %swap3A_799 = tpu.vector_load %swap3A_796[%swap3A_797, %swap3A_798] {strides = array<i32>} : memref<128x64xf32, #tpu.memory_space<vmem>>, vector<1x16xf32>,
        %swap3A_800 = vector.shape_cast %swap3A_799 : vector<1x16xf32> to vector<16xf32>
        %swap3A_801 = vector.shape_cast %get3A_790 : vector<16xf32> to vector<1x16xf32>
        tpu.vector_store %swap3A_796[%swap3A_797, %swap3A_798], %swap3A_801 {strides = array<i32>} : memref<128x64xf32, #tpu.memory_space<vmem>>, vector<1x16xf32>,
        %add3A_802 = arith.constant 5 : i32
        %add3A_803 = arith.addi %mul3A_320, %add3A_802 : i32
        %get3A_804 = arith.constant 0 : i32
        %get3A_805 = arith.constant 0 : i32
        %get3A_806 = tpu.memref_slice %arg6[%scan3A_225, %get3A_804, %get3A_805] : memref<4x128x128xf32, #tpu.memory_space<vmem>> -> memref<1x128x128xf32, #tpu.memory_space<vmem>>
        %get3A_807 = tpu.memref_squeeze %get3A_806 : memref<1x128x128xf32, #tpu.memory_space<vmem>> -> memref<128x128xf32, #tpu.memory_space<vmem>>
        %get3A_808 = arith.index_cast %add3A_803 : i32 to index
        %get3A_809 = arith.constant 48 : index
        %get3A_810 = tpu.vector_load %get3A_807[%get3A_808, %get3A_809] {strides = array<i32>} : memref<128x128xf32, #tpu.memory_space<vmem>>, vector<1x16xf32>,
        %get3A_811 = vector.shape_cast %get3A_810 : vector<1x16xf32> to vector<16xf32>
        %add3A_812 = arith.constant 5 : i32
        %add3A_813 = arith.addi %mul3A_320, %add3A_812 : i32
        %swap3A_814 = arith.constant 0 : i32
        %swap3A_815 = arith.constant 0 : i32
        %swap3A_816 = tpu.memref_slice %arg7[%scan3A_226, %swap3A_814, %swap3A_815] : memref<2x128x64xf32, #tpu.memory_space<vmem>> -> memref<1x128x64xf32, #tpu.memory_space<vmem>>
        %swap3A_817 = tpu.memref_squeeze %swap3A_816 : memref<1x128x64xf32, #tpu.memory_space<vmem>> -> memref<128x64xf32, #tpu.memory_space<vmem>>
        %swap3A_818 = arith.index_cast %add3A_813 : i32 to index
        %swap3A_819 = arith.constant 48 : index
        %swap3A_820 = tpu.vector_load %swap3A_817[%swap3A_818, %swap3A_819] {strides = array<i32>} : memref<128x64xf32, #tpu.memory_space<vmem>>, vector<1x16xf32>,
        %swap3A_821 = vector.shape_cast %swap3A_820 : vector<1x16xf32> to vector<16xf32>
        %swap3A_822 = vector.shape_cast %get3A_811 : vector<16xf32> to vector<1x16xf32>
        tpu.vector_store %swap3A_817[%swap3A_818, %swap3A_819], %swap3A_822 {strides = array<i32>} : memref<128x64xf32, #tpu.memory_space<vmem>>, vector<1x16xf32>,
        %add3A_823 = arith.constant 6 : i32
        %add3A_824 = arith.addi %mul3A_320, %add3A_823 : i32
        %get3A_825 = arith.constant 0 : i32
        %get3A_826 = arith.constant 0 : i32
        %get3A_827 = tpu.memref_slice %arg6[%scan3A_225, %get3A_825, %get3A_826] : memref<4x128x128xf32, #tpu.memory_space<vmem>> -> memref<1x128x128xf32, #tpu.memory_space<vmem>>
        %get3A_828 = tpu.memref_squeeze %get3A_827 : memref<1x128x128xf32, #tpu.memory_space<vmem>> -> memref<128x128xf32, #tpu.memory_space<vmem>>
        %get3A_829 = arith.index_cast %add3A_824 : i32 to index
        %get3A_830 = arith.constant 0 : index
        %get3A_831 = tpu.vector_load %get3A_828[%get3A_829, %get3A_830] {strides = array<i32>} : memref<128x128xf32, #tpu.memory_space<vmem>>, vector<1x16xf32>,
        %get3A_832 = vector.shape_cast %get3A_831 : vector<1x16xf32> to vector<16xf32>
        %add3A_833 = arith.constant 6 : i32
        %add3A_834 = arith.addi %mul3A_320, %add3A_833 : i32
        %swap3A_835 = arith.constant 0 : i32
        %swap3A_836 = arith.constant 0 : i32
        %swap3A_837 = tpu.memref_slice %arg7[%scan3A_226, %swap3A_835, %swap3A_836] : memref<2x128x64xf32, #tpu.memory_space<vmem>> -> memref<1x128x64xf32, #tpu.memory_space<vmem>>
        %swap3A_838 = tpu.memref_squeeze %swap3A_837 : memref<1x128x64xf32, #tpu.memory_space<vmem>> -> memref<128x64xf32, #tpu.memory_space<vmem>>
        %swap3A_839 = arith.index_cast %add3A_834 : i32 to index
        %swap3A_840 = arith.constant 0 : index
        %swap3A_841 = tpu.vector_load %swap3A_838[%swap3A_839, %swap3A_840] {strides = array<i32>} : memref<128x64xf32, #tpu.memory_space<vmem>>, vector<1x16xf32>,
        %swap3A_842 = vector.shape_cast %swap3A_841 : vector<1x16xf32> to vector<16xf32>
        %swap3A_843 = vector.shape_cast %get3A_832 : vector<16xf32> to vector<1x16xf32>
        tpu.vector_store %swap3A_838[%swap3A_839, %swap3A_840], %swap3A_843 {strides = array<i32>} : memref<128x64xf32, #tpu.memory_space<vmem>>, vector<1x16xf32>,
        %add3A_844 = arith.constant 6 : i32
        %add3A_845 = arith.addi %mul3A_320, %add3A_844 : i32
        %get3A_846 = arith.constant 0 : i32
        %get3A_847 = arith.constant 0 : i32
        %get3A_848 = tpu.memref_slice %arg6[%scan3A_225, %get3A_846, %get3A_847] : memref<4x128x128xf32, #tpu.memory_space<vmem>> -> memref<1x128x128xf32, #tpu.memory_space<vmem>>
        %get3A_849 = tpu.memref_squeeze %get3A_848 : memref<1x128x128xf32, #tpu.memory_space<vmem>> -> memref<128x128xf32, #tpu.memory_space<vmem>>
        %get3A_850 = arith.index_cast %add3A_845 : i32 to index
        %get3A_851 = arith.constant 16 : index
        %get3A_852 = tpu.vector_load %get3A_849[%get3A_850, %get3A_851] {strides = array<i32>} : memref<128x128xf32, #tpu.memory_space<vmem>>, vector<1x16xf32>,
        %get3A_853 = vector.shape_cast %get3A_852 : vector<1x16xf32> to vector<16xf32>
        %add3A_854 = arith.constant 6 : i32
        %add3A_855 = arith.addi %mul3A_320, %add3A_854 : i32
        %swap3A_856 = arith.constant 0 : i32
        %swap3A_857 = arith.constant 0 : i32
        %swap3A_858 = tpu.memref_slice %arg7[%scan3A_226, %swap3A_856, %swap3A_857] : memref<2x128x64xf32, #tpu.memory_space<vmem>> -> memref<1x128x64xf32, #tpu.memory_space<vmem>>
        %swap3A_859 = tpu.memref_squeeze %swap3A_858 : memref<1x128x64xf32, #tpu.memory_space<vmem>> -> memref<128x64xf32, #tpu.memory_space<vmem>>
        %swap3A_860 = arith.index_cast %add3A_855 : i32 to index
        %swap3A_861 = arith.constant 16 : index
        %swap3A_862 = tpu.vector_load %swap3A_859[%swap3A_860, %swap3A_861] {strides = array<i32>} : memref<128x64xf32, #tpu.memory_space<vmem>>, vector<1x16xf32>,
        %swap3A_863 = vector.shape_cast %swap3A_862 : vector<1x16xf32> to vector<16xf32>
        %swap3A_864 = vector.shape_cast %get3A_853 : vector<16xf32> to vector<1x16xf32>
        tpu.vector_store %swap3A_859[%swap3A_860, %swap3A_861], %swap3A_864 {strides = array<i32>} : memref<128x64xf32, #tpu.memory_space<vmem>>, vector<1x16xf32>,
        %add3A_865 = arith.constant 6 : i32
        %add3A_866 = arith.addi %mul3A_320, %add3A_865 : i32
        %get3A_867 = arith.constant 0 : i32
        %get3A_868 = arith.constant 0 : i32
        %get3A_869 = tpu.memref_slice %arg6[%scan3A_225, %get3A_867, %get3A_868] : memref<4x128x128xf32, #tpu.memory_space<vmem>> -> memref<1x128x128xf32, #tpu.memory_space<vmem>>
        %get3A_870 = tpu.memref_squeeze %get3A_869 : memref<1x128x128xf32, #tpu.memory_space<vmem>> -> memref<128x128xf32, #tpu.memory_space<vmem>>
        %get3A_871 = arith.index_cast %add3A_866 : i32 to index
        %get3A_872 = arith.constant 32 : index
        %get3A_873 = tpu.vector_load %get3A_870[%get3A_871, %get3A_872] {strides = array<i32>} : memref<128x128xf32, #tpu.memory_space<vmem>>, vector<1x16xf32>,
        %get3A_874 = vector.shape_cast %get3A_873 : vector<1x16xf32> to vector<16xf32>
        %add3A_875 = arith.constant 6 : i32
        %add3A_876 = arith.addi %mul3A_320, %add3A_875 : i32
        %swap3A_877 = arith.constant 0 : i32
        %swap3A_878 = arith.constant 0 : i32
        %swap3A_879 = tpu.memref_slice %arg7[%scan3A_226, %swap3A_877, %swap3A_878] : memref<2x128x64xf32, #tpu.memory_space<vmem>> -> memref<1x128x64xf32, #tpu.memory_space<vmem>>
        %swap3A_880 = tpu.memref_squeeze %swap3A_879 : memref<1x128x64xf32, #tpu.memory_space<vmem>> -> memref<128x64xf32, #tpu.memory_space<vmem>>
        %swap3A_881 = arith.index_cast %add3A_876 : i32 to index
        %swap3A_882 = arith.constant 32 : index
        %swap3A_883 = tpu.vector_load %swap3A_880[%swap3A_881, %swap3A_882] {strides = array<i32>} : memref<128x64xf32, #tpu.memory_space<vmem>>, vector<1x16xf32>,
        %swap3A_884 = vector.shape_cast %swap3A_883 : vector<1x16xf32> to vector<16xf32>
        %swap3A_885 = vector.shape_cast %get3A_874 : vector<16xf32> to vector<1x16xf32>
        tpu.vector_store %swap3A_880[%swap3A_881, %swap3A_882], %swap3A_885 {strides = array<i32>} : memref<128x64xf32, #tpu.memory_space<vmem>>, vector<1x16xf32>,
        %add3A_886 = arith.constant 6 : i32
        %add3A_887 = arith.addi %mul3A_320, %add3A_886 : i32
        %get3A_888 = arith.constant 0 : i32
        %get3A_889 = arith.constant 0 : i32
        %get3A_890 = tpu.memref_slice %arg6[%scan3A_225, %get3A_888, %get3A_889] : memref<4x128x128xf32, #tpu.memory_space<vmem>> -> memref<1x128x128xf32, #tpu.memory_space<vmem>>
        %get3A_891 = tpu.memref_squeeze %get3A_890 : memref<1x128x128xf32, #tpu.memory_space<vmem>> -> memref<128x128xf32, #tpu.memory_space<vmem>>
        %get3A_892 = arith.index_cast %add3A_887 : i32 to index
        %get3A_893 = arith.constant 48 : index
        %get3A_894 = tpu.vector_load %get3A_891[%get3A_892, %get3A_893] {strides = array<i32>} : memref<128x128xf32, #tpu.memory_space<vmem>>, vector<1x16xf32>,
        %get3A_895 = vector.shape_cast %get3A_894 : vector<1x16xf32> to vector<16xf32>
        %add3A_896 = arith.constant 6 : i32
        %add3A_897 = arith.addi %mul3A_320, %add3A_896 : i32
        %swap3A_898 = arith.constant 0 : i32
        %swap3A_899 = arith.constant 0 : i32
        %swap3A_900 = tpu.memref_slice %arg7[%scan3A_226, %swap3A_898, %swap3A_899] : memref<2x128x64xf32, #tpu.memory_space<vmem>> -> memref<1x128x64xf32, #tpu.memory_space<vmem>>
        %swap3A_901 = tpu.memref_squeeze %swap3A_900 : memref<1x128x64xf32, #tpu.memory_space<vmem>> -> memref<128x64xf32, #tpu.memory_space<vmem>>
        %swap3A_902 = arith.index_cast %add3A_897 : i32 to index
        %swap3A_903 = arith.constant 48 : index
        %swap3A_904 = tpu.vector_load %swap3A_901[%swap3A_902, %swap3A_903] {strides = array<i32>} : memref<128x64xf32, #tpu.memory_space<vmem>>, vector<1x16xf32>,
        %swap3A_905 = vector.shape_cast %swap3A_904 : vector<1x16xf32> to vector<16xf32>
        %swap3A_906 = vector.shape_cast %get3A_895 : vector<16xf32> to vector<1x16xf32>
        tpu.vector_store %swap3A_901[%swap3A_902, %swap3A_903], %swap3A_906 {strides = array<i32>} : memref<128x64xf32, #tpu.memory_space<vmem>>, vector<1x16xf32>,
        %add3A_907 = arith.constant 7 : i32
        %add3A_908 = arith.addi %mul3A_320, %add3A_907 : i32
        %get3A_909 = arith.constant 0 : i32
        %get3A_910 = arith.constant 0 : i32
        %get3A_911 = tpu.memref_slice %arg6[%scan3A_225, %get3A_909, %get3A_910] : memref<4x128x128xf32, #tpu.memory_space<vmem>> -> memref<1x128x128xf32, #tpu.memory_space<vmem>>
        %get3A_912 = tpu.memref_squeeze %get3A_911 : memref<1x128x128xf32, #tpu.memory_space<vmem>> -> memref<128x128xf32, #tpu.memory_space<vmem>>
        %get3A_913 = arith.index_cast %add3A_908 : i32 to index
        %get3A_914 = arith.constant 0 : index
        %get3A_915 = tpu.vector_load %get3A_912[%get3A_913, %get3A_914] {strides = array<i32>} : memref<128x128xf32, #tpu.memory_space<vmem>>, vector<1x16xf32>,
        %get3A_916 = vector.shape_cast %get3A_915 : vector<1x16xf32> to vector<16xf32>
        %add3A_917 = arith.constant 7 : i32
        %add3A_918 = arith.addi %mul3A_320, %add3A_917 : i32
        %swap3A_919 = arith.constant 0 : i32
        %swap3A_920 = arith.constant 0 : i32
        %swap3A_921 = tpu.memref_slice %arg7[%scan3A_226, %swap3A_919, %swap3A_920] : memref<2x128x64xf32, #tpu.memory_space<vmem>> -> memref<1x128x64xf32, #tpu.memory_space<vmem>>
        %swap3A_922 = tpu.memref_squeeze %swap3A_921 : memref<1x128x64xf32, #tpu.memory_space<vmem>> -> memref<128x64xf32, #tpu.memory_space<vmem>>
        %swap3A_923 = arith.index_cast %add3A_918 : i32 to index
        %swap3A_924 = arith.constant 0 : index
        %swap3A_925 = tpu.vector_load %swap3A_922[%swap3A_923, %swap3A_924] {strides = array<i32>} : memref<128x64xf32, #tpu.memory_space<vmem>>, vector<1x16xf32>,
        %swap3A_926 = vector.shape_cast %swap3A_925 : vector<1x16xf32> to vector<16xf32>
        %swap3A_927 = vector.shape_cast %get3A_916 : vector<16xf32> to vector<1x16xf32>
        tpu.vector_store %swap3A_922[%swap3A_923, %swap3A_924], %swap3A_927 {strides = array<i32>} : memref<128x64xf32, #tpu.memory_space<vmem>>, vector<1x16xf32>,
        %add3A_928 = arith.constant 7 : i32
        %add3A_929 = arith.addi %mul3A_320, %add3A_928 : i32
        %get3A_930 = arith.constant 0 : i32
        %get3A_931 = arith.constant 0 : i32
        %get3A_932 = tpu.memref_slice %arg6[%scan3A_225, %get3A_930, %get3A_931] : memref<4x128x128xf32, #tpu.memory_space<vmem>> -> memref<1x128x128xf32, #tpu.memory_space<vmem>>
        %get3A_933 = tpu.memref_squeeze %get3A_932 : memref<1x128x128xf32, #tpu.memory_space<vmem>> -> memref<128x128xf32, #tpu.memory_space<vmem>>
        %get3A_934 = arith.index_cast %add3A_929 : i32 to index
        %get3A_935 = arith.constant 16 : index
        %get3A_936 = tpu.vector_load %get3A_933[%get3A_934, %get3A_935] {strides = array<i32>} : memref<128x128xf32, #tpu.memory_space<vmem>>, vector<1x16xf32>,
        %get3A_937 = vector.shape_cast %get3A_936 : vector<1x16xf32> to vector<16xf32>
        %add3A_938 = arith.constant 7 : i32
        %add3A_939 = arith.addi %mul3A_320, %add3A_938 : i32
        %swap3A_940 = arith.constant 0 : i32
        %swap3A_941 = arith.constant 0 : i32
        %swap3A_942 = tpu.memref_slice %arg7[%scan3A_226, %swap3A_940, %swap3A_941] : memref<2x128x64xf32, #tpu.memory_space<vmem>> -> memref<1x128x64xf32, #tpu.memory_space<vmem>>
        %swap3A_943 = tpu.memref_squeeze %swap3A_942 : memref<1x128x64xf32, #tpu.memory_space<vmem>> -> memref<128x64xf32, #tpu.memory_space<vmem>>
        %swap3A_944 = arith.index_cast %add3A_939 : i32 to index
        %swap3A_945 = arith.constant 16 : index
        %swap3A_946 = tpu.vector_load %swap3A_943[%swap3A_944, %swap3A_945] {strides = array<i32>} : memref<128x64xf32, #tpu.memory_space<vmem>>, vector<1x16xf32>,
        %swap3A_947 = vector.shape_cast %swap3A_946 : vector<1x16xf32> to vector<16xf32>
        %swap3A_948 = vector.shape_cast %get3A_937 : vector<16xf32> to vector<1x16xf32>
        tpu.vector_store %swap3A_943[%swap3A_944, %swap3A_945], %swap3A_948 {strides = array<i32>} : memref<128x64xf32, #tpu.memory_space<vmem>>, vector<1x16xf32>,
        %add3A_949 = arith.constant 7 : i32
        %add3A_950 = arith.addi %mul3A_320, %add3A_949 : i32
        %get3A_951 = arith.constant 0 : i32
        %get3A_952 = arith.constant 0 : i32
        %get3A_953 = tpu.memref_slice %arg6[%scan3A_225, %get3A_951, %get3A_952] : memref<4x128x128xf32, #tpu.memory_space<vmem>> -> memref<1x128x128xf32, #tpu.memory_space<vmem>>
        %get3A_954 = tpu.memref_squeeze %get3A_953 : memref<1x128x128xf32, #tpu.memory_space<vmem>> -> memref<128x128xf32, #tpu.memory_space<vmem>>
        %get3A_955 = arith.index_cast %add3A_950 : i32 to index
        %get3A_956 = arith.constant 32 : index
        %get3A_957 = tpu.vector_load %get3A_954[%get3A_955, %get3A_956] {strides = array<i32>} : memref<128x128xf32, #tpu.memory_space<vmem>>, vector<1x16xf32>,
        %get3A_958 = vector.shape_cast %get3A_957 : vector<1x16xf32> to vector<16xf32>
        %add3A_959 = arith.constant 7 : i32
        %add3A_960 = arith.addi %mul3A_320, %add3A_959 : i32
        %swap3A_961 = arith.constant 0 : i32
        %swap3A_962 = arith.constant 0 : i32
        %swap3A_963 = tpu.memref_slice %arg7[%scan3A_226, %swap3A_961, %swap3A_962] : memref<2x128x64xf32, #tpu.memory_space<vmem>> -> memref<1x128x64xf32, #tpu.memory_space<vmem>>
        %swap3A_964 = tpu.memref_squeeze %swap3A_963 : memref<1x128x64xf32, #tpu.memory_space<vmem>> -> memref<128x64xf32, #tpu.memory_space<vmem>>
        %swap3A_965 = arith.index_cast %add3A_960 : i32 to index
        %swap3A_966 = arith.constant 32 : index
        %swap3A_967 = tpu.vector_load %swap3A_964[%swap3A_965, %swap3A_966] {strides = array<i32>} : memref<128x64xf32, #tpu.memory_space<vmem>>, vector<1x16xf32>,
        %swap3A_968 = vector.shape_cast %swap3A_967 : vector<1x16xf32> to vector<16xf32>
        %swap3A_969 = vector.shape_cast %get3A_958 : vector<16xf32> to vector<1x16xf32>
        tpu.vector_store %swap3A_964[%swap3A_965, %swap3A_966], %swap3A_969 {strides = array<i32>} : memref<128x64xf32, #tpu.memory_space<vmem>>, vector<1x16xf32>,
        %add3A_970 = arith.constant 7 : i32
        %add3A_971 = arith.addi %mul3A_320, %add3A_970 : i32
        %get3A_972 = arith.constant 0 : i32
        %get3A_973 = arith.constant 0 : i32
        %get3A_974 = tpu.memref_slice %arg6[%scan3A_225, %get3A_972, %get3A_973] : memref<4x128x128xf32, #tpu.memory_space<vmem>> -> memref<1x128x128xf32, #tpu.memory_space<vmem>>
        %get3A_975 = tpu.memref_squeeze %get3A_974 : memref<1x128x128xf32, #tpu.memory_space<vmem>> -> memref<128x128xf32, #tpu.memory_space<vmem>>
        %get3A_976 = arith.index_cast %add3A_971 : i32 to index
        %get3A_977 = arith.constant 48 : index
        %get3A_978 = tpu.vector_load %get3A_975[%get3A_976, %get3A_977] {strides = array<i32>} : memref<128x128xf32, #tpu.memory_space<vmem>>, vector<1x16xf32>,
        %get3A_979 = vector.shape_cast %get3A_978 : vector<1x16xf32> to vector<16xf32>
        %add3A_980 = arith.constant 7 : i32
        %add3A_981 = arith.addi %mul3A_320, %add3A_980 : i32
        %swap3A_982 = arith.constant 0 : i32
        %swap3A_983 = arith.constant 0 : i32
        %swap3A_984 = tpu.memref_slice %arg7[%scan3A_226, %swap3A_982, %swap3A_983] : memref<2x128x64xf32, #tpu.memory_space<vmem>> -> memref<1x128x64xf32, #tpu.memory_space<vmem>>
        %swap3A_985 = tpu.memref_squeeze %swap3A_984 : memref<1x128x64xf32, #tpu.memory_space<vmem>> -> memref<128x64xf32, #tpu.memory_space<vmem>>
        %swap3A_986 = arith.index_cast %add3A_981 : i32 to index
        %swap3A_987 = arith.constant 48 : index
        %swap3A_988 = tpu.vector_load %swap3A_985[%swap3A_986, %swap3A_987] {strides = array<i32>} : memref<128x64xf32, #tpu.memory_space<vmem>>, vector<1x16xf32>,
        %swap3A_989 = vector.shape_cast %swap3A_988 : vector<1x16xf32> to vector<16xf32>
        %swap3A_990 = vector.shape_cast %get3A_979 : vector<16xf32> to vector<1x16xf32>
        tpu.vector_store %swap3A_985[%swap3A_986, %swap3A_987], %swap3A_990 {strides = array<i32>} : memref<128x64xf32, #tpu.memory_space<vmem>>, vector<1x16xf32>,
        %scan3A_991 = arith.constant 0 : i32
        scf.yield %scan3A_991 : i32
      }
      %scan3A_233 = arith.constant 16 : i32
      %add3A_234 = arith.addi %mul3A_2, %add3A_205 : i32
      %mul3A_235 = arith.constant 128 : i32
      %mul3A_236 = arith.muli %add3A_234, %mul3A_235 : i32
      %dma_start3A_237 = arith.constant 0 : i32
      %dma_start3A_238 = arith.constant 0 : i32
      %dma_start3A_239 = arith.constant 0 : i32
      %dma_start3A_240 = arith.constant 0 : i32
      %dma_start3A_241 = tpu.memref_slice %arg7[%dma_start3A_237, %dma_start3A_239, %dma_start3A_240] : memref<2x128x64xf32, #tpu.memory_space<vmem>> -> memref<1x128x64xf32, #tpu.memory_space<vmem>>
      %dma_start3A_242 = tpu.memref_squeeze %dma_start3A_241 : memref<1x128x64xf32, #tpu.memory_space<vmem>> -> memref<128x64xf32, #tpu.memory_space<vmem>>
      %dma_start3A_243 = arith.constant 0 : i32
      %dma_start3A_244 = tpu.memref_slice %arg4[%mul3A_236, %dma_start3A_243] : memref<819200x64xf32, #tpu.memory_space<hbm>> -> memref<128x64xf32, #tpu.memory_space<hbm>>
      %dma_start3A_245 = tpu.memref_slice %arg9[%dma_start3A_238] : memref<2x!tpu.dma_semaphore, #tpu.memory_space<semaphore_mem>> -> memref<1x!tpu.dma_semaphore, #tpu.memory_space<semaphore_mem>>
      %dma_start3A_246 = tpu.memref_squeeze %dma_start3A_245 : memref<1x!tpu.dma_semaphore, #tpu.memory_space<semaphore_mem>> -> memref<!tpu.dma_semaphore, #tpu.memory_space<semaphore_mem>>
      %dma_start3A_247 = arith.constant 0 : i32
      %dma_start3A_248 = tpu.memref_slice %arg4[%mul3A_236, %dma_start3A_247] : memref<819200x64xf32, #tpu.memory_space<hbm>> -> memref<128x64xf32, #tpu.memory_space<hbm>>
      %dma_start3A_249 = arith.constant 0 : i32
      %dma_start3A_250 = arith.constant 0 : i32
      %dma_start3A_251 = tpu.memref_slice %arg7[%dma_start3A_237, %dma_start3A_249, %dma_start3A_250] : memref<2x128x64xf32, #tpu.memory_space<vmem>> -> memref<1x128x64xf32, #tpu.memory_space<vmem>>
      %dma_start3A_252 = tpu.memref_squeeze %dma_start3A_251 : memref<1x128x64xf32, #tpu.memory_space<vmem>> -> memref<128x64xf32, #tpu.memory_space<vmem>>
      tpu.enqueue_dma source(%dma_start3A_252 : memref<128x64xf32, #tpu.memory_space<vmem>>) target(%dma_start3A_248 : memref<128x64xf32, #tpu.memory_space<hbm>>) target_semaphore(%dma_start3A_246 : memref<!tpu.dma_semaphore, #tpu.memory_space<semaphore_mem>>)
      %add3A_253 = arith.constant 3 : i32
      %add3A_254 = arith.addi %add3A_205, %add3A_253 : i32
      %lt3A_255 = arith.constant 200 : i32
      %lt3A_256 = arith.cmpi slt, %add3A_254, %lt3A_255 : i32
      %convert_element_type3A_257 = arith.extui %lt3A_256 : i1 to i32
      %cond3A_258 = arith.constant 0 : i32
      %cond3A_259 = arith.cmpi ne, %convert_element_type3A_257, %cond3A_258 : i32
      scf.if %cond3A_259 {
        %add3A_317 = arith.constant 3 : i32
        %add3A_318 = arith.addi %add3A_205, %add3A_317 : i32
        %dma_start3A_319 = arith.constant 1 : i32
        %dma_start3A_320 = arith.constant 1 : i32
        %dma_start3A_321 = arith.constant 0 : i32
        %dma_start3A_322 = arith.constant 0 : i32
        %dma_start3A_323 = tpu.memref_slice %arg6[%dma_start3A_319, %dma_start3A_321, %dma_start3A_322] : memref<4x128x128xf32, #tpu.memory_space<vmem>> -> memref<1x128x128xf32, #tpu.memory_space<vmem>>
        %dma_start3A_324 = tpu.memref_squeeze %dma_start3A_323 : memref<1x128x128xf32, #tpu.memory_space<vmem>> -> memref<128x128xf32, #tpu.memory_space<vmem>>
        %dma_start3A_325 = arith.constant 0 : i32
        %dma_start3A_326 = tpu.memref_slice %arg5[%add3A_318, %dma_start3A_325] : memref<200x128xi32, #tpu.memory_space<vmem>> -> memref<1x128xi32, #tpu.memory_space<vmem>>
        %dma_start3A_327 = tpu.memref_squeeze %dma_start3A_326 : memref<1x128xi32, #tpu.memory_space<vmem>> -> memref<128xi32, #tpu.memory_space<vmem>>
        %dma_start3A_328 = arith.constant 0 : i32
        %dma_start3A_329 = arith.constant 0 : i32
        %dma_start3A_330 = tpu.memref_slice %arg3[%dma_start3A_328, %dma_start3A_329] : memref<1000000x128xf32, #tpu.memory_space<hbm>> -> memref<1000000x128xf32, #tpu.memory_space<hbm>>
        %dma_start3A_331 = tpu.memref_slice %arg8[%dma_start3A_320] : memref<4x!tpu.dma_semaphore, #tpu.memory_space<semaphore_mem>> -> memref<1x!tpu.dma_semaphore, #tpu.memory_space<semaphore_mem>>
        %dma_start3A_332 = tpu.memref_squeeze %dma_start3A_331 : memref<1x!tpu.dma_semaphore, #tpu.memory_space<semaphore_mem>> -> memref<!tpu.dma_semaphore, #tpu.memory_space<semaphore_mem>>
        tpu.enqueue_indirect_dma source(%dma_start3A_330 : memref<1000000x128xf32, #tpu.memory_space<hbm>>) target(%dma_start3A_324 : memref<128x128xf32, #tpu.memory_space<vmem>>) offsets(%dma_start3A_327 : memref<128xi32, #tpu.memory_space<vmem>>) semaphore(%dma_start3A_332 : memref<!tpu.dma_semaphore, #tpu.memory_space<semaphore_mem>>)
      } else {
      }
      %add3A_260 = arith.constant 3 : i32
      %add3A_261 = arith.addi %mul3A_95, %add3A_260 : i32
      %dma_wait3A_262 = arith.constant 3 : i32
      %dma_wait3A_263 = arith.constant 3 : i32
      %dma_wait3A_264 = arith.constant 0 : i32
      %dma_wait3A_265 = arith.constant 0 : i32
      %dma_wait3A_266 = tpu.memref_slice %arg6[%dma_wait3A_262, %dma_wait3A_264, %dma_wait3A_265] : memref<4x128x128xf32, #tpu.memory_space<vmem>> -> memref<1x128x128xf32, #tpu.memory_space<vmem>>
      %dma_wait3A_267 = tpu.memref_squeeze %dma_wait3A_266 : memref<1x128x128xf32, #tpu.memory_space<vmem>> -> memref<128x128xf32, #tpu.memory_space<vmem>>
      %dma_wait3A_268 = arith.constant 0 : i32
      %dma_wait3A_269 = tpu.memref_slice %arg5[%add3A_261, %dma_wait3A_268] : memref<200x128xi32, #tpu.memory_space<vmem>> -> memref<1x128xi32, #tpu.memory_space<vmem>>
      %dma_wait3A_270 = tpu.memref_squeeze %dma_wait3A_269 : memref<1x128xi32, #tpu.memory_space<vmem>> -> memref<128xi32, #tpu.memory_space<vmem>>
      %dma_wait3A_271 = arith.constant 0 : i32
      %dma_wait3A_272 = arith.constant 0 : i32
      %dma_wait3A_273 = tpu.memref_slice %arg3[%dma_wait3A_271, %dma_wait3A_272] : memref<1000000x128xf32, #tpu.memory_space<hbm>> -> memref<1000000x128xf32, #tpu.memory_space<hbm>>
      %dma_wait3A_274 = tpu.memref_slice %arg8[%dma_wait3A_263] : memref<4x!tpu.dma_semaphore, #tpu.memory_space<semaphore_mem>> -> memref<1x!tpu.dma_semaphore, #tpu.memory_space<semaphore_mem>>
      %dma_wait3A_275 = tpu.memref_squeeze %dma_wait3A_274 : memref<1x!tpu.dma_semaphore, #tpu.memory_space<semaphore_mem>> -> memref<!tpu.dma_semaphore, #tpu.memory_space<semaphore_mem>>
      tpu.wait_indirect_dma semaphore(%dma_wait3A_275 : memref<!tpu.dma_semaphore, #tpu.memory_space<semaphore_mem>>) src(%dma_wait3A_273 : memref<1000000x128xf32, #tpu.memory_space<hbm>>) dst(%dma_wait3A_267 : memref<128x128xf32, #tpu.memory_space<vmem>>)
      %ge3A_276 = arith.constant 2 : i32
      %ge3A_277 = arith.cmpi sge, %add3A_261, %ge3A_276 : i32
      %convert_element_type3A_278 = arith.extui %ge3A_277 : i1 to i32
      %cond3A_279 = arith.constant 0 : i32
      %cond3A_280 = arith.cmpi ne, %convert_element_type3A_278, %cond3A_279 : i32
      scf.if %cond3A_280 {
        %add3A_317 = arith.addi %mul3A_2, %add3A_261 : i32
        %sub3A = arith.constant 2 : i32
        %sub3A_318 = arith.subi %add3A_317, %sub3A : i32
        %mul3A_319 = arith.constant 128 : i32
        %mul3A_320 = arith.muli %sub3A_318, %mul3A_319 : i32
        %dma_wait3A_321 = arith.constant 1 : i32
        %dma_wait3A_322 = arith.constant 1 : i32
        %dma_wait3A_323 = arith.constant 0 : i32
        %dma_wait3A_324 = arith.constant 0 : i32
        %dma_wait3A_325 = tpu.memref_slice %arg7[%dma_wait3A_321, %dma_wait3A_323, %dma_wait3A_324] : memref<2x128x64xf32, #tpu.memory_space<vmem>> -> memref<1x128x64xf32, #tpu.memory_space<vmem>>
        %dma_wait3A_326 = tpu.memref_squeeze %dma_wait3A_325 : memref<1x128x64xf32, #tpu.memory_space<vmem>> -> memref<128x64xf32, #tpu.memory_space<vmem>>
        %dma_wait3A_327 = arith.constant 0 : i32
        %dma_wait3A_328 = tpu.memref_slice %arg4[%mul3A_320, %dma_wait3A_327] : memref<819200x64xf32, #tpu.memory_space<hbm>> -> memref<128x64xf32, #tpu.memory_space<hbm>>
        %dma_wait3A_329 = tpu.memref_slice %arg9[%dma_wait3A_322] : memref<2x!tpu.dma_semaphore, #tpu.memory_space<semaphore_mem>> -> memref<1x!tpu.dma_semaphore, #tpu.memory_space<semaphore_mem>>
        %dma_wait3A_330 = tpu.memref_squeeze %dma_wait3A_329 : memref<1x!tpu.dma_semaphore, #tpu.memory_space<semaphore_mem>> -> memref<!tpu.dma_semaphore, #tpu.memory_space<semaphore_mem>>
        %dma_wait3A_331 = arith.constant 0 : i32
        %dma_wait3A_332 = tpu.memref_slice %arg4[%mul3A_320, %dma_wait3A_331] : memref<819200x64xf32, #tpu.memory_space<hbm>> -> memref<128x64xf32, #tpu.memory_space<hbm>>
        %dma_wait3A_333 = arith.constant 0 : i32
        %dma_wait3A_334 = arith.constant 0 : i32
        %dma_wait3A_335 = tpu.memref_slice %arg7[%dma_wait3A_321, %dma_wait3A_333, %dma_wait3A_334] : memref<2x128x64xf32, #tpu.memory_space<vmem>> -> memref<1x128x64xf32, #tpu.memory_space<vmem>>
        %dma_wait3A_336 = tpu.memref_squeeze %dma_wait3A_335 : memref<1x128x64xf32, #tpu.memory_space<vmem>> -> memref<128x64xf32, #tpu.memory_space<vmem>>
        tpu.wait_dma2 semaphore(%dma_wait3A_330 : memref<!tpu.dma_semaphore, #tpu.memory_space<semaphore_mem>>) src(%dma_wait3A_336 : memref<128x64xf32, #tpu.memory_space<vmem>>) dst(%dma_wait3A_332 : memref<128x64xf32, #tpu.memory_space<hbm>>)
      } else {
      }
      %scan3A_281 = arith.constant 3 : i32
      %scan3A_282 = arith.constant 1 : i32
      %scan3A_283 = arith.constant 0 : i32
      %scan3A_284 = arith.constant 0 : i32
      %scan3A_285 = arith.constant 16 : i32
      %scan3A_286 = arith.addi %scan3A_284, %scan3A_285 : i32
      %scan3A_287 = arith.constant 1 : i32
      %scan3A_288 = scf.for %scan3A_317 = %scan3A_284 to %scan3A_286 step %scan3A_287 iter_args(%scan3A_318 = %scan3A_283) -> (i32)  : i32 {
        %mul3A_319 = arith.constant 8 : i32
        %mul3A_320 = arith.muli %scan3A_317, %mul3A_319 : i32
        %add3A_321 = arith.constant 0 : i32
        %add3A_322 = arith.addi %mul3A_320, %add3A_321 : i32
        %get3A = arith.constant 0 : i32
        %get3A_323 = arith.constant 0 : i32
        %get3A_324 = tpu.memref_slice %arg6[%scan3A_281, %get3A, %get3A_323] : memref<4x128x128xf32, #tpu.memory_space<vmem>> -> memref<1x128x128xf32, #tpu.memory_space<vmem>>
        %get3A_325 = tpu.memref_squeeze %get3A_324 : memref<1x128x128xf32, #tpu.memory_space<vmem>> -> memref<128x128xf32, #tpu.memory_space<vmem>>
        %get3A_326 = arith.index_cast %add3A_322 : i32 to index
        %get3A_327 = arith.constant 0 : index
        %get3A_328 = tpu.vector_load %get3A_325[%get3A_326, %get3A_327] {strides = array<i32>} : memref<128x128xf32, #tpu.memory_space<vmem>>, vector<1x16xf32>,
        %get3A_329 = vector.shape_cast %get3A_328 : vector<1x16xf32> to vector<16xf32>
        %add3A_330 = arith.constant 0 : i32
        %add3A_331 = arith.addi %mul3A_320, %add3A_330 : i32
        %swap3A = arith.constant 0 : i32
        %swap3A_332 = arith.constant 0 : i32
        %swap3A_333 = tpu.memref_slice %arg7[%scan3A_282, %swap3A, %swap3A_332] : memref<2x128x64xf32, #tpu.memory_space<vmem>> -> memref<1x128x64xf32, #tpu.memory_space<vmem>>
        %swap3A_334 = tpu.memref_squeeze %swap3A_333 : memref<1x128x64xf32, #tpu.memory_space<vmem>> -> memref<128x64xf32, #tpu.memory_space<vmem>>
        %swap3A_335 = arith.index_cast %add3A_331 : i32 to index
        %swap3A_336 = arith.constant 0 : index
        %swap3A_337 = tpu.vector_load %swap3A_334[%swap3A_335, %swap3A_336] {strides = array<i32>} : memref<128x64xf32, #tpu.memory_space<vmem>>, vector<1x16xf32>,
        %swap3A_338 = vector.shape_cast %swap3A_337 : vector<1x16xf32> to vector<16xf32>
        %swap3A_339 = vector.shape_cast %get3A_329 : vector<16xf32> to vector<1x16xf32>
        tpu.vector_store %swap3A_334[%swap3A_335, %swap3A_336], %swap3A_339 {strides = array<i32>} : memref<128x64xf32, #tpu.memory_space<vmem>>, vector<1x16xf32>,
        %add3A_340 = arith.constant 0 : i32
        %add3A_341 = arith.addi %mul3A_320, %add3A_340 : i32
        %get3A_342 = arith.constant 0 : i32
        %get3A_343 = arith.constant 0 : i32
        %get3A_344 = tpu.memref_slice %arg6[%scan3A_281, %get3A_342, %get3A_343] : memref<4x128x128xf32, #tpu.memory_space<vmem>> -> memref<1x128x128xf32, #tpu.memory_space<vmem>>
        %get3A_345 = tpu.memref_squeeze %get3A_344 : memref<1x128x128xf32, #tpu.memory_space<vmem>> -> memref<128x128xf32, #tpu.memory_space<vmem>>
        %get3A_346 = arith.index_cast %add3A_341 : i32 to index
        %get3A_347 = arith.constant 16 : index
        %get3A_348 = tpu.vector_load %get3A_345[%get3A_346, %get3A_347] {strides = array<i32>} : memref<128x128xf32, #tpu.memory_space<vmem>>, vector<1x16xf32>,
        %get3A_349 = vector.shape_cast %get3A_348 : vector<1x16xf32> to vector<16xf32>
        %add3A_350 = arith.constant 0 : i32
        %add3A_351 = arith.addi %mul3A_320, %add3A_350 : i32
        %swap3A_352 = arith.constant 0 : i32
        %swap3A_353 = arith.constant 0 : i32
        %swap3A_354 = tpu.memref_slice %arg7[%scan3A_282, %swap3A_352, %swap3A_353] : memref<2x128x64xf32, #tpu.memory_space<vmem>> -> memref<1x128x64xf32, #tpu.memory_space<vmem>>
        %swap3A_355 = tpu.memref_squeeze %swap3A_354 : memref<1x128x64xf32, #tpu.memory_space<vmem>> -> memref<128x64xf32, #tpu.memory_space<vmem>>
        %swap3A_356 = arith.index_cast %add3A_351 : i32 to index
        %swap3A_357 = arith.constant 16 : index
        %swap3A_358 = tpu.vector_load %swap3A_355[%swap3A_356, %swap3A_357] {strides = array<i32>} : memref<128x64xf32, #tpu.memory_space<vmem>>, vector<1x16xf32>,
        %swap3A_359 = vector.shape_cast %swap3A_358 : vector<1x16xf32> to vector<16xf32>
        %swap3A_360 = vector.shape_cast %get3A_349 : vector<16xf32> to vector<1x16xf32>
        tpu.vector_store %swap3A_355[%swap3A_356, %swap3A_357], %swap3A_360 {strides = array<i32>} : memref<128x64xf32, #tpu.memory_space<vmem>>, vector<1x16xf32>,
        %add3A_361 = arith.constant 0 : i32
        %add3A_362 = arith.addi %mul3A_320, %add3A_361 : i32
        %get3A_363 = arith.constant 0 : i32
        %get3A_364 = arith.constant 0 : i32
        %get3A_365 = tpu.memref_slice %arg6[%scan3A_281, %get3A_363, %get3A_364] : memref<4x128x128xf32, #tpu.memory_space<vmem>> -> memref<1x128x128xf32, #tpu.memory_space<vmem>>
        %get3A_366 = tpu.memref_squeeze %get3A_365 : memref<1x128x128xf32, #tpu.memory_space<vmem>> -> memref<128x128xf32, #tpu.memory_space<vmem>>
        %get3A_367 = arith.index_cast %add3A_362 : i32 to index
        %get3A_368 = arith.constant 32 : index
        %get3A_369 = tpu.vector_load %get3A_366[%get3A_367, %get3A_368] {strides = array<i32>} : memref<128x128xf32, #tpu.memory_space<vmem>>, vector<1x16xf32>,
        %get3A_370 = vector.shape_cast %get3A_369 : vector<1x16xf32> to vector<16xf32>
        %add3A_371 = arith.constant 0 : i32
        %add3A_372 = arith.addi %mul3A_320, %add3A_371 : i32
        %swap3A_373 = arith.constant 0 : i32
        %swap3A_374 = arith.constant 0 : i32
        %swap3A_375 = tpu.memref_slice %arg7[%scan3A_282, %swap3A_373, %swap3A_374] : memref<2x128x64xf32, #tpu.memory_space<vmem>> -> memref<1x128x64xf32, #tpu.memory_space<vmem>>
        %swap3A_376 = tpu.memref_squeeze %swap3A_375 : memref<1x128x64xf32, #tpu.memory_space<vmem>> -> memref<128x64xf32, #tpu.memory_space<vmem>>
        %swap3A_377 = arith.index_cast %add3A_372 : i32 to index
        %swap3A_378 = arith.constant 32 : index
        %swap3A_379 = tpu.vector_load %swap3A_376[%swap3A_377, %swap3A_378] {strides = array<i32>} : memref<128x64xf32, #tpu.memory_space<vmem>>, vector<1x16xf32>,
        %swap3A_380 = vector.shape_cast %swap3A_379 : vector<1x16xf32> to vector<16xf32>
        %swap3A_381 = vector.shape_cast %get3A_370 : vector<16xf32> to vector<1x16xf32>
        tpu.vector_store %swap3A_376[%swap3A_377, %swap3A_378], %swap3A_381 {strides = array<i32>} : memref<128x64xf32, #tpu.memory_space<vmem>>, vector<1x16xf32>,
        %add3A_382 = arith.constant 0 : i32
        %add3A_383 = arith.addi %mul3A_320, %add3A_382 : i32
        %get3A_384 = arith.constant 0 : i32
        %get3A_385 = arith.constant 0 : i32
        %get3A_386 = tpu.memref_slice %arg6[%scan3A_281, %get3A_384, %get3A_385] : memref<4x128x128xf32, #tpu.memory_space<vmem>> -> memref<1x128x128xf32, #tpu.memory_space<vmem>>
        %get3A_387 = tpu.memref_squeeze %get3A_386 : memref<1x128x128xf32, #tpu.memory_space<vmem>> -> memref<128x128xf32, #tpu.memory_space<vmem>>
        %get3A_388 = arith.index_cast %add3A_383 : i32 to index
        %get3A_389 = arith.constant 48 : index
        %get3A_390 = tpu.vector_load %get3A_387[%get3A_388, %get3A_389] {strides = array<i32>} : memref<128x128xf32, #tpu.memory_space<vmem>>, vector<1x16xf32>,
        %get3A_391 = vector.shape_cast %get3A_390 : vector<1x16xf32> to vector<16xf32>
        %add3A_392 = arith.constant 0 : i32
        %add3A_393 = arith.addi %mul3A_320, %add3A_392 : i32
        %swap3A_394 = arith.constant 0 : i32
        %swap3A_395 = arith.constant 0 : i32
        %swap3A_396 = tpu.memref_slice %arg7[%scan3A_282, %swap3A_394, %swap3A_395] : memref<2x128x64xf32, #tpu.memory_space<vmem>> -> memref<1x128x64xf32, #tpu.memory_space<vmem>>
        %swap3A_397 = tpu.memref_squeeze %swap3A_396 : memref<1x128x64xf32, #tpu.memory_space<vmem>> -> memref<128x64xf32, #tpu.memory_space<vmem>>
        %swap3A_398 = arith.index_cast %add3A_393 : i32 to index
        %swap3A_399 = arith.constant 48 : index
        %swap3A_400 = tpu.vector_load %swap3A_397[%swap3A_398, %swap3A_399] {strides = array<i32>} : memref<128x64xf32, #tpu.memory_space<vmem>>, vector<1x16xf32>,
        %swap3A_401 = vector.shape_cast %swap3A_400 : vector<1x16xf32> to vector<16xf32>
        %swap3A_402 = vector.shape_cast %get3A_391 : vector<16xf32> to vector<1x16xf32>
        tpu.vector_store %swap3A_397[%swap3A_398, %swap3A_399], %swap3A_402 {strides = array<i32>} : memref<128x64xf32, #tpu.memory_space<vmem>>, vector<1x16xf32>,
        %add3A_403 = arith.constant 1 : i32
        %add3A_404 = arith.addi %mul3A_320, %add3A_403 : i32
        %get3A_405 = arith.constant 0 : i32
        %get3A_406 = arith.constant 0 : i32
        %get3A_407 = tpu.memref_slice %arg6[%scan3A_281, %get3A_405, %get3A_406] : memref<4x128x128xf32, #tpu.memory_space<vmem>> -> memref<1x128x128xf32, #tpu.memory_space<vmem>>
        %get3A_408 = tpu.memref_squeeze %get3A_407 : memref<1x128x128xf32, #tpu.memory_space<vmem>> -> memref<128x128xf32, #tpu.memory_space<vmem>>
        %get3A_409 = arith.index_cast %add3A_404 : i32 to index
        %get3A_410 = arith.constant 0 : index
        %get3A_411 = tpu.vector_load %get3A_408[%get3A_409, %get3A_410] {strides = array<i32>} : memref<128x128xf32, #tpu.memory_space<vmem>>, vector<1x16xf32>,
        %get3A_412 = vector.shape_cast %get3A_411 : vector<1x16xf32> to vector<16xf32>
        %add3A_413 = arith.constant 1 : i32
        %add3A_414 = arith.addi %mul3A_320, %add3A_413 : i32
        %swap3A_415 = arith.constant 0 : i32
        %swap3A_416 = arith.constant 0 : i32
        %swap3A_417 = tpu.memref_slice %arg7[%scan3A_282, %swap3A_415, %swap3A_416] : memref<2x128x64xf32, #tpu.memory_space<vmem>> -> memref<1x128x64xf32, #tpu.memory_space<vmem>>
        %swap3A_418 = tpu.memref_squeeze %swap3A_417 : memref<1x128x64xf32, #tpu.memory_space<vmem>> -> memref<128x64xf32, #tpu.memory_space<vmem>>
        %swap3A_419 = arith.index_cast %add3A_414 : i32 to index
        %swap3A_420 = arith.constant 0 : index
        %swap3A_421 = tpu.vector_load %swap3A_418[%swap3A_419, %swap3A_420] {strides = array<i32>} : memref<128x64xf32, #tpu.memory_space<vmem>>, vector<1x16xf32>,
        %swap3A_422 = vector.shape_cast %swap3A_421 : vector<1x16xf32> to vector<16xf32>
        %swap3A_423 = vector.shape_cast %get3A_412 : vector<16xf32> to vector<1x16xf32>
        tpu.vector_store %swap3A_418[%swap3A_419, %swap3A_420], %swap3A_423 {strides = array<i32>} : memref<128x64xf32, #tpu.memory_space<vmem>>, vector<1x16xf32>,
        %add3A_424 = arith.constant 1 : i32
        %add3A_425 = arith.addi %mul3A_320, %add3A_424 : i32
        %get3A_426 = arith.constant 0 : i32
        %get3A_427 = arith.constant 0 : i32
        %get3A_428 = tpu.memref_slice %arg6[%scan3A_281, %get3A_426, %get3A_427] : memref<4x128x128xf32, #tpu.memory_space<vmem>> -> memref<1x128x128xf32, #tpu.memory_space<vmem>>
        %get3A_429 = tpu.memref_squeeze %get3A_428 : memref<1x128x128xf32, #tpu.memory_space<vmem>> -> memref<128x128xf32, #tpu.memory_space<vmem>>
        %get3A_430 = arith.index_cast %add3A_425 : i32 to index
        %get3A_431 = arith.constant 16 : index
        %get3A_432 = tpu.vector_load %get3A_429[%get3A_430, %get3A_431] {strides = array<i32>} : memref<128x128xf32, #tpu.memory_space<vmem>>, vector<1x16xf32>,
        %get3A_433 = vector.shape_cast %get3A_432 : vector<1x16xf32> to vector<16xf32>
        %add3A_434 = arith.constant 1 : i32
        %add3A_435 = arith.addi %mul3A_320, %add3A_434 : i32
        %swap3A_436 = arith.constant 0 : i32
        %swap3A_437 = arith.constant 0 : i32
        %swap3A_438 = tpu.memref_slice %arg7[%scan3A_282, %swap3A_436, %swap3A_437] : memref<2x128x64xf32, #tpu.memory_space<vmem>> -> memref<1x128x64xf32, #tpu.memory_space<vmem>>
        %swap3A_439 = tpu.memref_squeeze %swap3A_438 : memref<1x128x64xf32, #tpu.memory_space<vmem>> -> memref<128x64xf32, #tpu.memory_space<vmem>>
        %swap3A_440 = arith.index_cast %add3A_435 : i32 to index
        %swap3A_441 = arith.constant 16 : index
        %swap3A_442 = tpu.vector_load %swap3A_439[%swap3A_440, %swap3A_441] {strides = array<i32>} : memref<128x64xf32, #tpu.memory_space<vmem>>, vector<1x16xf32>,
        %swap3A_443 = vector.shape_cast %swap3A_442 : vector<1x16xf32> to vector<16xf32>
        %swap3A_444 = vector.shape_cast %get3A_433 : vector<16xf32> to vector<1x16xf32>
        tpu.vector_store %swap3A_439[%swap3A_440, %swap3A_441], %swap3A_444 {strides = array<i32>} : memref<128x64xf32, #tpu.memory_space<vmem>>, vector<1x16xf32>,
        %add3A_445 = arith.constant 1 : i32
        %add3A_446 = arith.addi %mul3A_320, %add3A_445 : i32
        %get3A_447 = arith.constant 0 : i32
        %get3A_448 = arith.constant 0 : i32
        %get3A_449 = tpu.memref_slice %arg6[%scan3A_281, %get3A_447, %get3A_448] : memref<4x128x128xf32, #tpu.memory_space<vmem>> -> memref<1x128x128xf32, #tpu.memory_space<vmem>>
        %get3A_450 = tpu.memref_squeeze %get3A_449 : memref<1x128x128xf32, #tpu.memory_space<vmem>> -> memref<128x128xf32, #tpu.memory_space<vmem>>
        %get3A_451 = arith.index_cast %add3A_446 : i32 to index
        %get3A_452 = arith.constant 32 : index
        %get3A_453 = tpu.vector_load %get3A_450[%get3A_451, %get3A_452] {strides = array<i32>} : memref<128x128xf32, #tpu.memory_space<vmem>>, vector<1x16xf32>,
        %get3A_454 = vector.shape_cast %get3A_453 : vector<1x16xf32> to vector<16xf32>
        %add3A_455 = arith.constant 1 : i32
        %add3A_456 = arith.addi %mul3A_320, %add3A_455 : i32
        %swap3A_457 = arith.constant 0 : i32
        %swap3A_458 = arith.constant 0 : i32
        %swap3A_459 = tpu.memref_slice %arg7[%scan3A_282, %swap3A_457, %swap3A_458] : memref<2x128x64xf32, #tpu.memory_space<vmem>> -> memref<1x128x64xf32, #tpu.memory_space<vmem>>
        %swap3A_460 = tpu.memref_squeeze %swap3A_459 : memref<1x128x64xf32, #tpu.memory_space<vmem>> -> memref<128x64xf32, #tpu.memory_space<vmem>>
        %swap3A_461 = arith.index_cast %add3A_456 : i32 to index
        %swap3A_462 = arith.constant 32 : index
        %swap3A_463 = tpu.vector_load %swap3A_460[%swap3A_461, %swap3A_462] {strides = array<i32>} : memref<128x64xf32, #tpu.memory_space<vmem>>, vector<1x16xf32>,
        %swap3A_464 = vector.shape_cast %swap3A_463 : vector<1x16xf32> to vector<16xf32>
        %swap3A_465 = vector.shape_cast %get3A_454 : vector<16xf32> to vector<1x16xf32>
        tpu.vector_store %swap3A_460[%swap3A_461, %swap3A_462], %swap3A_465 {strides = array<i32>} : memref<128x64xf32, #tpu.memory_space<vmem>>, vector<1x16xf32>,
        %add3A_466 = arith.constant 1 : i32
        %add3A_467 = arith.addi %mul3A_320, %add3A_466 : i32
        %get3A_468 = arith.constant 0 : i32
        %get3A_469 = arith.constant 0 : i32
        %get3A_470 = tpu.memref_slice %arg6[%scan3A_281, %get3A_468, %get3A_469] : memref<4x128x128xf32, #tpu.memory_space<vmem>> -> memref<1x128x128xf32, #tpu.memory_space<vmem>>
        %get3A_471 = tpu.memref_squeeze %get3A_470 : memref<1x128x128xf32, #tpu.memory_space<vmem>> -> memref<128x128xf32, #tpu.memory_space<vmem>>
        %get3A_472 = arith.index_cast %add3A_467 : i32 to index
        %get3A_473 = arith.constant 48 : index
        %get3A_474 = tpu.vector_load %get3A_471[%get3A_472, %get3A_473] {strides = array<i32>} : memref<128x128xf32, #tpu.memory_space<vmem>>, vector<1x16xf32>,
        %get3A_475 = vector.shape_cast %get3A_474 : vector<1x16xf32> to vector<16xf32>
        %add3A_476 = arith.constant 1 : i32
        %add3A_477 = arith.addi %mul3A_320, %add3A_476 : i32
        %swap3A_478 = arith.constant 0 : i32
        %swap3A_479 = arith.constant 0 : i32
        %swap3A_480 = tpu.memref_slice %arg7[%scan3A_282, %swap3A_478, %swap3A_479] : memref<2x128x64xf32, #tpu.memory_space<vmem>> -> memref<1x128x64xf32, #tpu.memory_space<vmem>>
        %swap3A_481 = tpu.memref_squeeze %swap3A_480 : memref<1x128x64xf32, #tpu.memory_space<vmem>> -> memref<128x64xf32, #tpu.memory_space<vmem>>
        %swap3A_482 = arith.index_cast %add3A_477 : i32 to index
        %swap3A_483 = arith.constant 48 : index
        %swap3A_484 = tpu.vector_load %swap3A_481[%swap3A_482, %swap3A_483] {strides = array<i32>} : memref<128x64xf32, #tpu.memory_space<vmem>>, vector<1x16xf32>,
        %swap3A_485 = vector.shape_cast %swap3A_484 : vector<1x16xf32> to vector<16xf32>
        %swap3A_486 = vector.shape_cast %get3A_475 : vector<16xf32> to vector<1x16xf32>
        tpu.vector_store %swap3A_481[%swap3A_482, %swap3A_483], %swap3A_486 {strides = array<i32>} : memref<128x64xf32, #tpu.memory_space<vmem>>, vector<1x16xf32>,
        %add3A_487 = arith.constant 2 : i32
        %add3A_488 = arith.addi %mul3A_320, %add3A_487 : i32
        %get3A_489 = arith.constant 0 : i32
        %get3A_490 = arith.constant 0 : i32
        %get3A_491 = tpu.memref_slice %arg6[%scan3A_281, %get3A_489, %get3A_490] : memref<4x128x128xf32, #tpu.memory_space<vmem>> -> memref<1x128x128xf32, #tpu.memory_space<vmem>>
        %get3A_492 = tpu.memref_squeeze %get3A_491 : memref<1x128x128xf32, #tpu.memory_space<vmem>> -> memref<128x128xf32, #tpu.memory_space<vmem>>
        %get3A_493 = arith.index_cast %add3A_488 : i32 to index
        %get3A_494 = arith.constant 0 : index
        %get3A_495 = tpu.vector_load %get3A_492[%get3A_493, %get3A_494] {strides = array<i32>} : memref<128x128xf32, #tpu.memory_space<vmem>>, vector<1x16xf32>,
        %get3A_496 = vector.shape_cast %get3A_495 : vector<1x16xf32> to vector<16xf32>
        %add3A_497 = arith.constant 2 : i32
        %add3A_498 = arith.addi %mul3A_320, %add3A_497 : i32
        %swap3A_499 = arith.constant 0 : i32
        %swap3A_500 = arith.constant 0 : i32
        %swap3A_501 = tpu.memref_slice %arg7[%scan3A_282, %swap3A_499, %swap3A_500] : memref<2x128x64xf32, #tpu.memory_space<vmem>> -> memref<1x128x64xf32, #tpu.memory_space<vmem>>
        %swap3A_502 = tpu.memref_squeeze %swap3A_501 : memref<1x128x64xf32, #tpu.memory_space<vmem>> -> memref<128x64xf32, #tpu.memory_space<vmem>>
        %swap3A_503 = arith.index_cast %add3A_498 : i32 to index
        %swap3A_504 = arith.constant 0 : index
        %swap3A_505 = tpu.vector_load %swap3A_502[%swap3A_503, %swap3A_504] {strides = array<i32>} : memref<128x64xf32, #tpu.memory_space<vmem>>, vector<1x16xf32>,
        %swap3A_506 = vector.shape_cast %swap3A_505 : vector<1x16xf32> to vector<16xf32>
        %swap3A_507 = vector.shape_cast %get3A_496 : vector<16xf32> to vector<1x16xf32>
        tpu.vector_store %swap3A_502[%swap3A_503, %swap3A_504], %swap3A_507 {strides = array<i32>} : memref<128x64xf32, #tpu.memory_space<vmem>>, vector<1x16xf32>,
        %add3A_508 = arith.constant 2 : i32
        %add3A_509 = arith.addi %mul3A_320, %add3A_508 : i32
        %get3A_510 = arith.constant 0 : i32
        %get3A_511 = arith.constant 0 : i32
        %get3A_512 = tpu.memref_slice %arg6[%scan3A_281, %get3A_510, %get3A_511] : memref<4x128x128xf32, #tpu.memory_space<vmem>> -> memref<1x128x128xf32, #tpu.memory_space<vmem>>
        %get3A_513 = tpu.memref_squeeze %get3A_512 : memref<1x128x128xf32, #tpu.memory_space<vmem>> -> memref<128x128xf32, #tpu.memory_space<vmem>>
        %get3A_514 = arith.index_cast %add3A_509 : i32 to index
        %get3A_515 = arith.constant 16 : index
        %get3A_516 = tpu.vector_load %get3A_513[%get3A_514, %get3A_515] {strides = array<i32>} : memref<128x128xf32, #tpu.memory_space<vmem>>, vector<1x16xf32>,
        %get3A_517 = vector.shape_cast %get3A_516 : vector<1x16xf32> to vector<16xf32>
        %add3A_518 = arith.constant 2 : i32
        %add3A_519 = arith.addi %mul3A_320, %add3A_518 : i32
        %swap3A_520 = arith.constant 0 : i32
        %swap3A_521 = arith.constant 0 : i32
        %swap3A_522 = tpu.memref_slice %arg7[%scan3A_282, %swap3A_520, %swap3A_521] : memref<2x128x64xf32, #tpu.memory_space<vmem>> -> memref<1x128x64xf32, #tpu.memory_space<vmem>>
        %swap3A_523 = tpu.memref_squeeze %swap3A_522 : memref<1x128x64xf32, #tpu.memory_space<vmem>> -> memref<128x64xf32, #tpu.memory_space<vmem>>
        %swap3A_524 = arith.index_cast %add3A_519 : i32 to index
        %swap3A_525 = arith.constant 16 : index
        %swap3A_526 = tpu.vector_load %swap3A_523[%swap3A_524, %swap3A_525] {strides = array<i32>} : memref<128x64xf32, #tpu.memory_space<vmem>>, vector<1x16xf32>,
        %swap3A_527 = vector.shape_cast %swap3A_526 : vector<1x16xf32> to vector<16xf32>
        %swap3A_528 = vector.shape_cast %get3A_517 : vector<16xf32> to vector<1x16xf32>
        tpu.vector_store %swap3A_523[%swap3A_524, %swap3A_525], %swap3A_528 {strides = array<i32>} : memref<128x64xf32, #tpu.memory_space<vmem>>, vector<1x16xf32>,
        %add3A_529 = arith.constant 2 : i32
        %add3A_530 = arith.addi %mul3A_320, %add3A_529 : i32
        %get3A_531 = arith.constant 0 : i32
        %get3A_532 = arith.constant 0 : i32
        %get3A_533 = tpu.memref_slice %arg6[%scan3A_281, %get3A_531, %get3A_532] : memref<4x128x128xf32, #tpu.memory_space<vmem>> -> memref<1x128x128xf32, #tpu.memory_space<vmem>>
        %get3A_534 = tpu.memref_squeeze %get3A_533 : memref<1x128x128xf32, #tpu.memory_space<vmem>> -> memref<128x128xf32, #tpu.memory_space<vmem>>
        %get3A_535 = arith.index_cast %add3A_530 : i32 to index
        %get3A_536 = arith.constant 32 : index
        %get3A_537 = tpu.vector_load %get3A_534[%get3A_535, %get3A_536] {strides = array<i32>} : memref<128x128xf32, #tpu.memory_space<vmem>>, vector<1x16xf32>,
        %get3A_538 = vector.shape_cast %get3A_537 : vector<1x16xf32> to vector<16xf32>
        %add3A_539 = arith.constant 2 : i32
        %add3A_540 = arith.addi %mul3A_320, %add3A_539 : i32
        %swap3A_541 = arith.constant 0 : i32
        %swap3A_542 = arith.constant 0 : i32
        %swap3A_543 = tpu.memref_slice %arg7[%scan3A_282, %swap3A_541, %swap3A_542] : memref<2x128x64xf32, #tpu.memory_space<vmem>> -> memref<1x128x64xf32, #tpu.memory_space<vmem>>
        %swap3A_544 = tpu.memref_squeeze %swap3A_543 : memref<1x128x64xf32, #tpu.memory_space<vmem>> -> memref<128x64xf32, #tpu.memory_space<vmem>>
        %swap3A_545 = arith.index_cast %add3A_540 : i32 to index
        %swap3A_546 = arith.constant 32 : index
        %swap3A_547 = tpu.vector_load %swap3A_544[%swap3A_545, %swap3A_546] {strides = array<i32>} : memref<128x64xf32, #tpu.memory_space<vmem>>, vector<1x16xf32>,
        %swap3A_548 = vector.shape_cast %swap3A_547 : vector<1x16xf32> to vector<16xf32>
        %swap3A_549 = vector.shape_cast %get3A_538 : vector<16xf32> to vector<1x16xf32>
        tpu.vector_store %swap3A_544[%swap3A_545, %swap3A_546], %swap3A_549 {strides = array<i32>} : memref<128x64xf32, #tpu.memory_space<vmem>>, vector<1x16xf32>,
        %add3A_550 = arith.constant 2 : i32
        %add3A_551 = arith.addi %mul3A_320, %add3A_550 : i32
        %get3A_552 = arith.constant 0 : i32
        %get3A_553 = arith.constant 0 : i32
        %get3A_554 = tpu.memref_slice %arg6[%scan3A_281, %get3A_552, %get3A_553] : memref<4x128x128xf32, #tpu.memory_space<vmem>> -> memref<1x128x128xf32, #tpu.memory_space<vmem>>
        %get3A_555 = tpu.memref_squeeze %get3A_554 : memref<1x128x128xf32, #tpu.memory_space<vmem>> -> memref<128x128xf32, #tpu.memory_space<vmem>>
        %get3A_556 = arith.index_cast %add3A_551 : i32 to index
        %get3A_557 = arith.constant 48 : index
        %get3A_558 = tpu.vector_load %get3A_555[%get3A_556, %get3A_557] {strides = array<i32>} : memref<128x128xf32, #tpu.memory_space<vmem>>, vector<1x16xf32>,
        %get3A_559 = vector.shape_cast %get3A_558 : vector<1x16xf32> to vector<16xf32>
        %add3A_560 = arith.constant 2 : i32
        %add3A_561 = arith.addi %mul3A_320, %add3A_560 : i32
        %swap3A_562 = arith.constant 0 : i32
        %swap3A_563 = arith.constant 0 : i32
        %swap3A_564 = tpu.memref_slice %arg7[%scan3A_282, %swap3A_562, %swap3A_563] : memref<2x128x64xf32, #tpu.memory_space<vmem>> -> memref<1x128x64xf32, #tpu.memory_space<vmem>>
        %swap3A_565 = tpu.memref_squeeze %swap3A_564 : memref<1x128x64xf32, #tpu.memory_space<vmem>> -> memref<128x64xf32, #tpu.memory_space<vmem>>
        %swap3A_566 = arith.index_cast %add3A_561 : i32 to index
        %swap3A_567 = arith.constant 48 : index
        %swap3A_568 = tpu.vector_load %swap3A_565[%swap3A_566, %swap3A_567] {strides = array<i32>} : memref<128x64xf32, #tpu.memory_space<vmem>>, vector<1x16xf32>,
        %swap3A_569 = vector.shape_cast %swap3A_568 : vector<1x16xf32> to vector<16xf32>
        %swap3A_570 = vector.shape_cast %get3A_559 : vector<16xf32> to vector<1x16xf32>
        tpu.vector_store %swap3A_565[%swap3A_566, %swap3A_567], %swap3A_570 {strides = array<i32>} : memref<128x64xf32, #tpu.memory_space<vmem>>, vector<1x16xf32>,
        %add3A_571 = arith.constant 3 : i32
        %add3A_572 = arith.addi %mul3A_320, %add3A_571 : i32
        %get3A_573 = arith.constant 0 : i32
        %get3A_574 = arith.constant 0 : i32
        %get3A_575 = tpu.memref_slice %arg6[%scan3A_281, %get3A_573, %get3A_574] : memref<4x128x128xf32, #tpu.memory_space<vmem>> -> memref<1x128x128xf32, #tpu.memory_space<vmem>>
        %get3A_576 = tpu.memref_squeeze %get3A_575 : memref<1x128x128xf32, #tpu.memory_space<vmem>> -> memref<128x128xf32, #tpu.memory_space<vmem>>
        %get3A_577 = arith.index_cast %add3A_572 : i32 to index
        %get3A_578 = arith.constant 0 : index
        %get3A_579 = tpu.vector_load %get3A_576[%get3A_577, %get3A_578] {strides = array<i32>} : memref<128x128xf32, #tpu.memory_space<vmem>>, vector<1x16xf32>,
        %get3A_580 = vector.shape_cast %get3A_579 : vector<1x16xf32> to vector<16xf32>
        %add3A_581 = arith.constant 3 : i32
        %add3A_582 = arith.addi %mul3A_320, %add3A_581 : i32
        %swap3A_583 = arith.constant 0 : i32
        %swap3A_584 = arith.constant 0 : i32
        %swap3A_585 = tpu.memref_slice %arg7[%scan3A_282, %swap3A_583, %swap3A_584] : memref<2x128x64xf32, #tpu.memory_space<vmem>> -> memref<1x128x64xf32, #tpu.memory_space<vmem>>
        %swap3A_586 = tpu.memref_squeeze %swap3A_585 : memref<1x128x64xf32, #tpu.memory_space<vmem>> -> memref<128x64xf32, #tpu.memory_space<vmem>>
        %swap3A_587 = arith.index_cast %add3A_582 : i32 to index
        %swap3A_588 = arith.constant 0 : index
        %swap3A_589 = tpu.vector_load %swap3A_586[%swap3A_587, %swap3A_588] {strides = array<i32>} : memref<128x64xf32, #tpu.memory_space<vmem>>, vector<1x16xf32>,
        %swap3A_590 = vector.shape_cast %swap3A_589 : vector<1x16xf32> to vector<16xf32>
        %swap3A_591 = vector.shape_cast %get3A_580 : vector<16xf32> to vector<1x16xf32>
        tpu.vector_store %swap3A_586[%swap3A_587, %swap3A_588], %swap3A_591 {strides = array<i32>} : memref<128x64xf32, #tpu.memory_space<vmem>>, vector<1x16xf32>,
        %add3A_592 = arith.constant 3 : i32
        %add3A_593 = arith.addi %mul3A_320, %add3A_592 : i32
        %get3A_594 = arith.constant 0 : i32
        %get3A_595 = arith.constant 0 : i32
        %get3A_596 = tpu.memref_slice %arg6[%scan3A_281, %get3A_594, %get3A_595] : memref<4x128x128xf32, #tpu.memory_space<vmem>> -> memref<1x128x128xf32, #tpu.memory_space<vmem>>
        %get3A_597 = tpu.memref_squeeze %get3A_596 : memref<1x128x128xf32, #tpu.memory_space<vmem>> -> memref<128x128xf32, #tpu.memory_space<vmem>>
        %get3A_598 = arith.index_cast %add3A_593 : i32 to index
        %get3A_599 = arith.constant 16 : index
        %get3A_600 = tpu.vector_load %get3A_597[%get3A_598, %get3A_599] {strides = array<i32>} : memref<128x128xf32, #tpu.memory_space<vmem>>, vector<1x16xf32>,
        %get3A_601 = vector.shape_cast %get3A_600 : vector<1x16xf32> to vector<16xf32>
        %add3A_602 = arith.constant 3 : i32
        %add3A_603 = arith.addi %mul3A_320, %add3A_602 : i32
        %swap3A_604 = arith.constant 0 : i32
        %swap3A_605 = arith.constant 0 : i32
        %swap3A_606 = tpu.memref_slice %arg7[%scan3A_282, %swap3A_604, %swap3A_605] : memref<2x128x64xf32, #tpu.memory_space<vmem>> -> memref<1x128x64xf32, #tpu.memory_space<vmem>>
        %swap3A_607 = tpu.memref_squeeze %swap3A_606 : memref<1x128x64xf32, #tpu.memory_space<vmem>> -> memref<128x64xf32, #tpu.memory_space<vmem>>
        %swap3A_608 = arith.index_cast %add3A_603 : i32 to index
        %swap3A_609 = arith.constant 16 : index
        %swap3A_610 = tpu.vector_load %swap3A_607[%swap3A_608, %swap3A_609] {strides = array<i32>} : memref<128x64xf32, #tpu.memory_space<vmem>>, vector<1x16xf32>,
        %swap3A_611 = vector.shape_cast %swap3A_610 : vector<1x16xf32> to vector<16xf32>
        %swap3A_612 = vector.shape_cast %get3A_601 : vector<16xf32> to vector<1x16xf32>
        tpu.vector_store %swap3A_607[%swap3A_608, %swap3A_609], %swap3A_612 {strides = array<i32>} : memref<128x64xf32, #tpu.memory_space<vmem>>, vector<1x16xf32>,
        %add3A_613 = arith.constant 3 : i32
        %add3A_614 = arith.addi %mul3A_320, %add3A_613 : i32
        %get3A_615 = arith.constant 0 : i32
        %get3A_616 = arith.constant 0 : i32
        %get3A_617 = tpu.memref_slice %arg6[%scan3A_281, %get3A_615, %get3A_616] : memref<4x128x128xf32, #tpu.memory_space<vmem>> -> memref<1x128x128xf32, #tpu.memory_space<vmem>>
        %get3A_618 = tpu.memref_squeeze %get3A_617 : memref<1x128x128xf32, #tpu.memory_space<vmem>> -> memref<128x128xf32, #tpu.memory_space<vmem>>
        %get3A_619 = arith.index_cast %add3A_614 : i32 to index
        %get3A_620 = arith.constant 32 : index
        %get3A_621 = tpu.vector_load %get3A_618[%get3A_619, %get3A_620] {strides = array<i32>} : memref<128x128xf32, #tpu.memory_space<vmem>>, vector<1x16xf32>,
        %get3A_622 = vector.shape_cast %get3A_621 : vector<1x16xf32> to vector<16xf32>
        %add3A_623 = arith.constant 3 : i32
        %add3A_624 = arith.addi %mul3A_320, %add3A_623 : i32
        %swap3A_625 = arith.constant 0 : i32
        %swap3A_626 = arith.constant 0 : i32
        %swap3A_627 = tpu.memref_slice %arg7[%scan3A_282, %swap3A_625, %swap3A_626] : memref<2x128x64xf32, #tpu.memory_space<vmem>> -> memref<1x128x64xf32, #tpu.memory_space<vmem>>
        %swap3A_628 = tpu.memref_squeeze %swap3A_627 : memref<1x128x64xf32, #tpu.memory_space<vmem>> -> memref<128x64xf32, #tpu.memory_space<vmem>>
        %swap3A_629 = arith.index_cast %add3A_624 : i32 to index
        %swap3A_630 = arith.constant 32 : index
        %swap3A_631 = tpu.vector_load %swap3A_628[%swap3A_629, %swap3A_630] {strides = array<i32>} : memref<128x64xf32, #tpu.memory_space<vmem>>, vector<1x16xf32>,
        %swap3A_632 = vector.shape_cast %swap3A_631 : vector<1x16xf32> to vector<16xf32>
        %swap3A_633 = vector.shape_cast %get3A_622 : vector<16xf32> to vector<1x16xf32>
        tpu.vector_store %swap3A_628[%swap3A_629, %swap3A_630], %swap3A_633 {strides = array<i32>} : memref<128x64xf32, #tpu.memory_space<vmem>>, vector<1x16xf32>,
        %add3A_634 = arith.constant 3 : i32
        %add3A_635 = arith.addi %mul3A_320, %add3A_634 : i32
        %get3A_636 = arith.constant 0 : i32
        %get3A_637 = arith.constant 0 : i32
        %get3A_638 = tpu.memref_slice %arg6[%scan3A_281, %get3A_636, %get3A_637] : memref<4x128x128xf32, #tpu.memory_space<vmem>> -> memref<1x128x128xf32, #tpu.memory_space<vmem>>
        %get3A_639 = tpu.memref_squeeze %get3A_638 : memref<1x128x128xf32, #tpu.memory_space<vmem>> -> memref<128x128xf32, #tpu.memory_space<vmem>>
        %get3A_640 = arith.index_cast %add3A_635 : i32 to index
        %get3A_641 = arith.constant 48 : index
        %get3A_642 = tpu.vector_load %get3A_639[%get3A_640, %get3A_641] {strides = array<i32>} : memref<128x128xf32, #tpu.memory_space<vmem>>, vector<1x16xf32>,
        %get3A_643 = vector.shape_cast %get3A_642 : vector<1x16xf32> to vector<16xf32>
        %add3A_644 = arith.constant 3 : i32
        %add3A_645 = arith.addi %mul3A_320, %add3A_644 : i32
        %swap3A_646 = arith.constant 0 : i32
        %swap3A_647 = arith.constant 0 : i32
        %swap3A_648 = tpu.memref_slice %arg7[%scan3A_282, %swap3A_646, %swap3A_647] : memref<2x128x64xf32, #tpu.memory_space<vmem>> -> memref<1x128x64xf32, #tpu.memory_space<vmem>>
        %swap3A_649 = tpu.memref_squeeze %swap3A_648 : memref<1x128x64xf32, #tpu.memory_space<vmem>> -> memref<128x64xf32, #tpu.memory_space<vmem>>
        %swap3A_650 = arith.index_cast %add3A_645 : i32 to index
        %swap3A_651 = arith.constant 48 : index
        %swap3A_652 = tpu.vector_load %swap3A_649[%swap3A_650, %swap3A_651] {strides = array<i32>} : memref<128x64xf32, #tpu.memory_space<vmem>>, vector<1x16xf32>,
        %swap3A_653 = vector.shape_cast %swap3A_652 : vector<1x16xf32> to vector<16xf32>
        %swap3A_654 = vector.shape_cast %get3A_643 : vector<16xf32> to vector<1x16xf32>
        tpu.vector_store %swap3A_649[%swap3A_650, %swap3A_651], %swap3A_654 {strides = array<i32>} : memref<128x64xf32, #tpu.memory_space<vmem>>, vector<1x16xf32>,
        %add3A_655 = arith.constant 4 : i32
        %add3A_656 = arith.addi %mul3A_320, %add3A_655 : i32
        %get3A_657 = arith.constant 0 : i32
        %get3A_658 = arith.constant 0 : i32
        %get3A_659 = tpu.memref_slice %arg6[%scan3A_281, %get3A_657, %get3A_658] : memref<4x128x128xf32, #tpu.memory_space<vmem>> -> memref<1x128x128xf32, #tpu.memory_space<vmem>>
        %get3A_660 = tpu.memref_squeeze %get3A_659 : memref<1x128x128xf32, #tpu.memory_space<vmem>> -> memref<128x128xf32, #tpu.memory_space<vmem>>
        %get3A_661 = arith.index_cast %add3A_656 : i32 to index
        %get3A_662 = arith.constant 0 : index
        %get3A_663 = tpu.vector_load %get3A_660[%get3A_661, %get3A_662] {strides = array<i32>} : memref<128x128xf32, #tpu.memory_space<vmem>>, vector<1x16xf32>,
        %get3A_664 = vector.shape_cast %get3A_663 : vector<1x16xf32> to vector<16xf32>
        %add3A_665 = arith.constant 4 : i32
        %add3A_666 = arith.addi %mul3A_320, %add3A_665 : i32
        %swap3A_667 = arith.constant 0 : i32
        %swap3A_668 = arith.constant 0 : i32
        %swap3A_669 = tpu.memref_slice %arg7[%scan3A_282, %swap3A_667, %swap3A_668] : memref<2x128x64xf32, #tpu.memory_space<vmem>> -> memref<1x128x64xf32, #tpu.memory_space<vmem>>
        %swap3A_670 = tpu.memref_squeeze %swap3A_669 : memref<1x128x64xf32, #tpu.memory_space<vmem>> -> memref<128x64xf32, #tpu.memory_space<vmem>>
        %swap3A_671 = arith.index_cast %add3A_666 : i32 to index
        %swap3A_672 = arith.constant 0 : index
        %swap3A_673 = tpu.vector_load %swap3A_670[%swap3A_671, %swap3A_672] {strides = array<i32>} : memref<128x64xf32, #tpu.memory_space<vmem>>, vector<1x16xf32>,
        %swap3A_674 = vector.shape_cast %swap3A_673 : vector<1x16xf32> to vector<16xf32>
        %swap3A_675 = vector.shape_cast %get3A_664 : vector<16xf32> to vector<1x16xf32>
        tpu.vector_store %swap3A_670[%swap3A_671, %swap3A_672], %swap3A_675 {strides = array<i32>} : memref<128x64xf32, #tpu.memory_space<vmem>>, vector<1x16xf32>,
        %add3A_676 = arith.constant 4 : i32
        %add3A_677 = arith.addi %mul3A_320, %add3A_676 : i32
        %get3A_678 = arith.constant 0 : i32
        %get3A_679 = arith.constant 0 : i32
        %get3A_680 = tpu.memref_slice %arg6[%scan3A_281, %get3A_678, %get3A_679] : memref<4x128x128xf32, #tpu.memory_space<vmem>> -> memref<1x128x128xf32, #tpu.memory_space<vmem>>
        %get3A_681 = tpu.memref_squeeze %get3A_680 : memref<1x128x128xf32, #tpu.memory_space<vmem>> -> memref<128x128xf32, #tpu.memory_space<vmem>>
        %get3A_682 = arith.index_cast %add3A_677 : i32 to index
        %get3A_683 = arith.constant 16 : index
        %get3A_684 = tpu.vector_load %get3A_681[%get3A_682, %get3A_683] {strides = array<i32>} : memref<128x128xf32, #tpu.memory_space<vmem>>, vector<1x16xf32>,
        %get3A_685 = vector.shape_cast %get3A_684 : vector<1x16xf32> to vector<16xf32>
        %add3A_686 = arith.constant 4 : i32
        %add3A_687 = arith.addi %mul3A_320, %add3A_686 : i32
        %swap3A_688 = arith.constant 0 : i32
        %swap3A_689 = arith.constant 0 : i32
        %swap3A_690 = tpu.memref_slice %arg7[%scan3A_282, %swap3A_688, %swap3A_689] : memref<2x128x64xf32, #tpu.memory_space<vmem>> -> memref<1x128x64xf32, #tpu.memory_space<vmem>>
        %swap3A_691 = tpu.memref_squeeze %swap3A_690 : memref<1x128x64xf32, #tpu.memory_space<vmem>> -> memref<128x64xf32, #tpu.memory_space<vmem>>
        %swap3A_692 = arith.index_cast %add3A_687 : i32 to index
        %swap3A_693 = arith.constant 16 : index
        %swap3A_694 = tpu.vector_load %swap3A_691[%swap3A_692, %swap3A_693] {strides = array<i32>} : memref<128x64xf32, #tpu.memory_space<vmem>>, vector<1x16xf32>,
        %swap3A_695 = vector.shape_cast %swap3A_694 : vector<1x16xf32> to vector<16xf32>
        %swap3A_696 = vector.shape_cast %get3A_685 : vector<16xf32> to vector<1x16xf32>
        tpu.vector_store %swap3A_691[%swap3A_692, %swap3A_693], %swap3A_696 {strides = array<i32>} : memref<128x64xf32, #tpu.memory_space<vmem>>, vector<1x16xf32>,
        %add3A_697 = arith.constant 4 : i32
        %add3A_698 = arith.addi %mul3A_320, %add3A_697 : i32
        %get3A_699 = arith.constant 0 : i32
        %get3A_700 = arith.constant 0 : i32
        %get3A_701 = tpu.memref_slice %arg6[%scan3A_281, %get3A_699, %get3A_700] : memref<4x128x128xf32, #tpu.memory_space<vmem>> -> memref<1x128x128xf32, #tpu.memory_space<vmem>>
        %get3A_702 = tpu.memref_squeeze %get3A_701 : memref<1x128x128xf32, #tpu.memory_space<vmem>> -> memref<128x128xf32, #tpu.memory_space<vmem>>
        %get3A_703 = arith.index_cast %add3A_698 : i32 to index
        %get3A_704 = arith.constant 32 : index
        %get3A_705 = tpu.vector_load %get3A_702[%get3A_703, %get3A_704] {strides = array<i32>} : memref<128x128xf32, #tpu.memory_space<vmem>>, vector<1x16xf32>,
        %get3A_706 = vector.shape_cast %get3A_705 : vector<1x16xf32> to vector<16xf32>
        %add3A_707 = arith.constant 4 : i32
        %add3A_708 = arith.addi %mul3A_320, %add3A_707 : i32
        %swap3A_709 = arith.constant 0 : i32
        %swap3A_710 = arith.constant 0 : i32
        %swap3A_711 = tpu.memref_slice %arg7[%scan3A_282, %swap3A_709, %swap3A_710] : memref<2x128x64xf32, #tpu.memory_space<vmem>> -> memref<1x128x64xf32, #tpu.memory_space<vmem>>
        %swap3A_712 = tpu.memref_squeeze %swap3A_711 : memref<1x128x64xf32, #tpu.memory_space<vmem>> -> memref<128x64xf32, #tpu.memory_space<vmem>>
        %swap3A_713 = arith.index_cast %add3A_708 : i32 to index
        %swap3A_714 = arith.constant 32 : index
        %swap3A_715 = tpu.vector_load %swap3A_712[%swap3A_713, %swap3A_714] {strides = array<i32>} : memref<128x64xf32, #tpu.memory_space<vmem>>, vector<1x16xf32>,
        %swap3A_716 = vector.shape_cast %swap3A_715 : vector<1x16xf32> to vector<16xf32>
        %swap3A_717 = vector.shape_cast %get3A_706 : vector<16xf32> to vector<1x16xf32>
        tpu.vector_store %swap3A_712[%swap3A_713, %swap3A_714], %swap3A_717 {strides = array<i32>} : memref<128x64xf32, #tpu.memory_space<vmem>>, vector<1x16xf32>,
        %add3A_718 = arith.constant 4 : i32
        %add3A_719 = arith.addi %mul3A_320, %add3A_718 : i32
        %get3A_720 = arith.constant 0 : i32
        %get3A_721 = arith.constant 0 : i32
        %get3A_722 = tpu.memref_slice %arg6[%scan3A_281, %get3A_720, %get3A_721] : memref<4x128x128xf32, #tpu.memory_space<vmem>> -> memref<1x128x128xf32, #tpu.memory_space<vmem>>
        %get3A_723 = tpu.memref_squeeze %get3A_722 : memref<1x128x128xf32, #tpu.memory_space<vmem>> -> memref<128x128xf32, #tpu.memory_space<vmem>>
        %get3A_724 = arith.index_cast %add3A_719 : i32 to index
        %get3A_725 = arith.constant 48 : index
        %get3A_726 = tpu.vector_load %get3A_723[%get3A_724, %get3A_725] {strides = array<i32>} : memref<128x128xf32, #tpu.memory_space<vmem>>, vector<1x16xf32>,
        %get3A_727 = vector.shape_cast %get3A_726 : vector<1x16xf32> to vector<16xf32>
        %add3A_728 = arith.constant 4 : i32
        %add3A_729 = arith.addi %mul3A_320, %add3A_728 : i32
        %swap3A_730 = arith.constant 0 : i32
        %swap3A_731 = arith.constant 0 : i32
        %swap3A_732 = tpu.memref_slice %arg7[%scan3A_282, %swap3A_730, %swap3A_731] : memref<2x128x64xf32, #tpu.memory_space<vmem>> -> memref<1x128x64xf32, #tpu.memory_space<vmem>>
        %swap3A_733 = tpu.memref_squeeze %swap3A_732 : memref<1x128x64xf32, #tpu.memory_space<vmem>> -> memref<128x64xf32, #tpu.memory_space<vmem>>
        %swap3A_734 = arith.index_cast %add3A_729 : i32 to index
        %swap3A_735 = arith.constant 48 : index
        %swap3A_736 = tpu.vector_load %swap3A_733[%swap3A_734, %swap3A_735] {strides = array<i32>} : memref<128x64xf32, #tpu.memory_space<vmem>>, vector<1x16xf32>,
        %swap3A_737 = vector.shape_cast %swap3A_736 : vector<1x16xf32> to vector<16xf32>
        %swap3A_738 = vector.shape_cast %get3A_727 : vector<16xf32> to vector<1x16xf32>
        tpu.vector_store %swap3A_733[%swap3A_734, %swap3A_735], %swap3A_738 {strides = array<i32>} : memref<128x64xf32, #tpu.memory_space<vmem>>, vector<1x16xf32>,
        %add3A_739 = arith.constant 5 : i32
        %add3A_740 = arith.addi %mul3A_320, %add3A_739 : i32
        %get3A_741 = arith.constant 0 : i32
        %get3A_742 = arith.constant 0 : i32
        %get3A_743 = tpu.memref_slice %arg6[%scan3A_281, %get3A_741, %get3A_742] : memref<4x128x128xf32, #tpu.memory_space<vmem>> -> memref<1x128x128xf32, #tpu.memory_space<vmem>>
        %get3A_744 = tpu.memref_squeeze %get3A_743 : memref<1x128x128xf32, #tpu.memory_space<vmem>> -> memref<128x128xf32, #tpu.memory_space<vmem>>
        %get3A_745 = arith.index_cast %add3A_740 : i32 to index
        %get3A_746 = arith.constant 0 : index
        %get3A_747 = tpu.vector_load %get3A_744[%get3A_745, %get3A_746] {strides = array<i32>} : memref<128x128xf32, #tpu.memory_space<vmem>>, vector<1x16xf32>,
        %get3A_748 = vector.shape_cast %get3A_747 : vector<1x16xf32> to vector<16xf32>
        %add3A_749 = arith.constant 5 : i32
        %add3A_750 = arith.addi %mul3A_320, %add3A_749 : i32
        %swap3A_751 = arith.constant 0 : i32
        %swap3A_752 = arith.constant 0 : i32
        %swap3A_753 = tpu.memref_slice %arg7[%scan3A_282, %swap3A_751, %swap3A_752] : memref<2x128x64xf32, #tpu.memory_space<vmem>> -> memref<1x128x64xf32, #tpu.memory_space<vmem>>
        %swap3A_754 = tpu.memref_squeeze %swap3A_753 : memref<1x128x64xf32, #tpu.memory_space<vmem>> -> memref<128x64xf32, #tpu.memory_space<vmem>>
        %swap3A_755 = arith.index_cast %add3A_750 : i32 to index
        %swap3A_756 = arith.constant 0 : index
        %swap3A_757 = tpu.vector_load %swap3A_754[%swap3A_755, %swap3A_756] {strides = array<i32>} : memref<128x64xf32, #tpu.memory_space<vmem>>, vector<1x16xf32>,
        %swap3A_758 = vector.shape_cast %swap3A_757 : vector<1x16xf32> to vector<16xf32>
        %swap3A_759 = vector.shape_cast %get3A_748 : vector<16xf32> to vector<1x16xf32>
        tpu.vector_store %swap3A_754[%swap3A_755, %swap3A_756], %swap3A_759 {strides = array<i32>} : memref<128x64xf32, #tpu.memory_space<vmem>>, vector<1x16xf32>,
        %add3A_760 = arith.constant 5 : i32
        %add3A_761 = arith.addi %mul3A_320, %add3A_760 : i32
        %get3A_762 = arith.constant 0 : i32
        %get3A_763 = arith.constant 0 : i32
        %get3A_764 = tpu.memref_slice %arg6[%scan3A_281, %get3A_762, %get3A_763] : memref<4x128x128xf32, #tpu.memory_space<vmem>> -> memref<1x128x128xf32, #tpu.memory_space<vmem>>
        %get3A_765 = tpu.memref_squeeze %get3A_764 : memref<1x128x128xf32, #tpu.memory_space<vmem>> -> memref<128x128xf32, #tpu.memory_space<vmem>>
        %get3A_766 = arith.index_cast %add3A_761 : i32 to index
        %get3A_767 = arith.constant 16 : index
        %get3A_768 = tpu.vector_load %get3A_765[%get3A_766, %get3A_767] {strides = array<i32>} : memref<128x128xf32, #tpu.memory_space<vmem>>, vector<1x16xf32>,
        %get3A_769 = vector.shape_cast %get3A_768 : vector<1x16xf32> to vector<16xf32>
        %add3A_770 = arith.constant 5 : i32
        %add3A_771 = arith.addi %mul3A_320, %add3A_770 : i32
        %swap3A_772 = arith.constant 0 : i32
        %swap3A_773 = arith.constant 0 : i32
        %swap3A_774 = tpu.memref_slice %arg7[%scan3A_282, %swap3A_772, %swap3A_773] : memref<2x128x64xf32, #tpu.memory_space<vmem>> -> memref<1x128x64xf32, #tpu.memory_space<vmem>>
        %swap3A_775 = tpu.memref_squeeze %swap3A_774 : memref<1x128x64xf32, #tpu.memory_space<vmem>> -> memref<128x64xf32, #tpu.memory_space<vmem>>
        %swap3A_776 = arith.index_cast %add3A_771 : i32 to index
        %swap3A_777 = arith.constant 16 : index
        %swap3A_778 = tpu.vector_load %swap3A_775[%swap3A_776, %swap3A_777] {strides = array<i32>} : memref<128x64xf32, #tpu.memory_space<vmem>>, vector<1x16xf32>,
        %swap3A_779 = vector.shape_cast %swap3A_778 : vector<1x16xf32> to vector<16xf32>
        %swap3A_780 = vector.shape_cast %get3A_769 : vector<16xf32> to vector<1x16xf32>
        tpu.vector_store %swap3A_775[%swap3A_776, %swap3A_777], %swap3A_780 {strides = array<i32>} : memref<128x64xf32, #tpu.memory_space<vmem>>, vector<1x16xf32>,
        %add3A_781 = arith.constant 5 : i32
        %add3A_782 = arith.addi %mul3A_320, %add3A_781 : i32
        %get3A_783 = arith.constant 0 : i32
        %get3A_784 = arith.constant 0 : i32
        %get3A_785 = tpu.memref_slice %arg6[%scan3A_281, %get3A_783, %get3A_784] : memref<4x128x128xf32, #tpu.memory_space<vmem>> -> memref<1x128x128xf32, #tpu.memory_space<vmem>>
        %get3A_786 = tpu.memref_squeeze %get3A_785 : memref<1x128x128xf32, #tpu.memory_space<vmem>> -> memref<128x128xf32, #tpu.memory_space<vmem>>
        %get3A_787 = arith.index_cast %add3A_782 : i32 to index
        %get3A_788 = arith.constant 32 : index
        %get3A_789 = tpu.vector_load %get3A_786[%get3A_787, %get3A_788] {strides = array<i32>} : memref<128x128xf32, #tpu.memory_space<vmem>>, vector<1x16xf32>,
        %get3A_790 = vector.shape_cast %get3A_789 : vector<1x16xf32> to vector<16xf32>
        %add3A_791 = arith.constant 5 : i32
        %add3A_792 = arith.addi %mul3A_320, %add3A_791 : i32
        %swap3A_793 = arith.constant 0 : i32
        %swap3A_794 = arith.constant 0 : i32
        %swap3A_795 = tpu.memref_slice %arg7[%scan3A_282, %swap3A_793, %swap3A_794] : memref<2x128x64xf32, #tpu.memory_space<vmem>> -> memref<1x128x64xf32, #tpu.memory_space<vmem>>
        %swap3A_796 = tpu.memref_squeeze %swap3A_795 : memref<1x128x64xf32, #tpu.memory_space<vmem>> -> memref<128x64xf32, #tpu.memory_space<vmem>>
        %swap3A_797 = arith.index_cast %add3A_792 : i32 to index
        %swap3A_798 = arith.constant 32 : index
        %swap3A_799 = tpu.vector_load %swap3A_796[%swap3A_797, %swap3A_798] {strides = array<i32>} : memref<128x64xf32, #tpu.memory_space<vmem>>, vector<1x16xf32>,
        %swap3A_800 = vector.shape_cast %swap3A_799 : vector<1x16xf32> to vector<16xf32>
        %swap3A_801 = vector.shape_cast %get3A_790 : vector<16xf32> to vector<1x16xf32>
        tpu.vector_store %swap3A_796[%swap3A_797, %swap3A_798], %swap3A_801 {strides = array<i32>} : memref<128x64xf32, #tpu.memory_space<vmem>>, vector<1x16xf32>,
        %add3A_802 = arith.constant 5 : i32
        %add3A_803 = arith.addi %mul3A_320, %add3A_802 : i32
        %get3A_804 = arith.constant 0 : i32
        %get3A_805 = arith.constant 0 : i32
        %get3A_806 = tpu.memref_slice %arg6[%scan3A_281, %get3A_804, %get3A_805] : memref<4x128x128xf32, #tpu.memory_space<vmem>> -> memref<1x128x128xf32, #tpu.memory_space<vmem>>
        %get3A_807 = tpu.memref_squeeze %get3A_806 : memref<1x128x128xf32, #tpu.memory_space<vmem>> -> memref<128x128xf32, #tpu.memory_space<vmem>>
        %get3A_808 = arith.index_cast %add3A_803 : i32 to index
        %get3A_809 = arith.constant 48 : index
        %get3A_810 = tpu.vector_load %get3A_807[%get3A_808, %get3A_809] {strides = array<i32>} : memref<128x128xf32, #tpu.memory_space<vmem>>, vector<1x16xf32>,
        %get3A_811 = vector.shape_cast %get3A_810 : vector<1x16xf32> to vector<16xf32>
        %add3A_812 = arith.constant 5 : i32
        %add3A_813 = arith.addi %mul3A_320, %add3A_812 : i32
        %swap3A_814 = arith.constant 0 : i32
        %swap3A_815 = arith.constant 0 : i32
        %swap3A_816 = tpu.memref_slice %arg7[%scan3A_282, %swap3A_814, %swap3A_815] : memref<2x128x64xf32, #tpu.memory_space<vmem>> -> memref<1x128x64xf32, #tpu.memory_space<vmem>>
        %swap3A_817 = tpu.memref_squeeze %swap3A_816 : memref<1x128x64xf32, #tpu.memory_space<vmem>> -> memref<128x64xf32, #tpu.memory_space<vmem>>
        %swap3A_818 = arith.index_cast %add3A_813 : i32 to index
        %swap3A_819 = arith.constant 48 : index
        %swap3A_820 = tpu.vector_load %swap3A_817[%swap3A_818, %swap3A_819] {strides = array<i32>} : memref<128x64xf32, #tpu.memory_space<vmem>>, vector<1x16xf32>,
        %swap3A_821 = vector.shape_cast %swap3A_820 : vector<1x16xf32> to vector<16xf32>
        %swap3A_822 = vector.shape_cast %get3A_811 : vector<16xf32> to vector<1x16xf32>
        tpu.vector_store %swap3A_817[%swap3A_818, %swap3A_819], %swap3A_822 {strides = array<i32>} : memref<128x64xf32, #tpu.memory_space<vmem>>, vector<1x16xf32>,
        %add3A_823 = arith.constant 6 : i32
        %add3A_824 = arith.addi %mul3A_320, %add3A_823 : i32
        %get3A_825 = arith.constant 0 : i32
        %get3A_826 = arith.constant 0 : i32
        %get3A_827 = tpu.memref_slice %arg6[%scan3A_281, %get3A_825, %get3A_826] : memref<4x128x128xf32, #tpu.memory_space<vmem>> -> memref<1x128x128xf32, #tpu.memory_space<vmem>>
        %get3A_828 = tpu.memref_squeeze %get3A_827 : memref<1x128x128xf32, #tpu.memory_space<vmem>> -> memref<128x128xf32, #tpu.memory_space<vmem>>
        %get3A_829 = arith.index_cast %add3A_824 : i32 to index
        %get3A_830 = arith.constant 0 : index
        %get3A_831 = tpu.vector_load %get3A_828[%get3A_829, %get3A_830] {strides = array<i32>} : memref<128x128xf32, #tpu.memory_space<vmem>>, vector<1x16xf32>,
        %get3A_832 = vector.shape_cast %get3A_831 : vector<1x16xf32> to vector<16xf32>
        %add3A_833 = arith.constant 6 : i32
        %add3A_834 = arith.addi %mul3A_320, %add3A_833 : i32
        %swap3A_835 = arith.constant 0 : i32
        %swap3A_836 = arith.constant 0 : i32
        %swap3A_837 = tpu.memref_slice %arg7[%scan3A_282, %swap3A_835, %swap3A_836] : memref<2x128x64xf32, #tpu.memory_space<vmem>> -> memref<1x128x64xf32, #tpu.memory_space<vmem>>
        %swap3A_838 = tpu.memref_squeeze %swap3A_837 : memref<1x128x64xf32, #tpu.memory_space<vmem>> -> memref<128x64xf32, #tpu.memory_space<vmem>>
        %swap3A_839 = arith.index_cast %add3A_834 : i32 to index
        %swap3A_840 = arith.constant 0 : index
        %swap3A_841 = tpu.vector_load %swap3A_838[%swap3A_839, %swap3A_840] {strides = array<i32>} : memref<128x64xf32, #tpu.memory_space<vmem>>, vector<1x16xf32>,
        %swap3A_842 = vector.shape_cast %swap3A_841 : vector<1x16xf32> to vector<16xf32>
        %swap3A_843 = vector.shape_cast %get3A_832 : vector<16xf32> to vector<1x16xf32>
        tpu.vector_store %swap3A_838[%swap3A_839, %swap3A_840], %swap3A_843 {strides = array<i32>} : memref<128x64xf32, #tpu.memory_space<vmem>>, vector<1x16xf32>,
        %add3A_844 = arith.constant 6 : i32
        %add3A_845 = arith.addi %mul3A_320, %add3A_844 : i32
        %get3A_846 = arith.constant 0 : i32
        %get3A_847 = arith.constant 0 : i32
        %get3A_848 = tpu.memref_slice %arg6[%scan3A_281, %get3A_846, %get3A_847] : memref<4x128x128xf32, #tpu.memory_space<vmem>> -> memref<1x128x128xf32, #tpu.memory_space<vmem>>
        %get3A_849 = tpu.memref_squeeze %get3A_848 : memref<1x128x128xf32, #tpu.memory_space<vmem>> -> memref<128x128xf32, #tpu.memory_space<vmem>>
        %get3A_850 = arith.index_cast %add3A_845 : i32 to index
        %get3A_851 = arith.constant 16 : index
        %get3A_852 = tpu.vector_load %get3A_849[%get3A_850, %get3A_851] {strides = array<i32>} : memref<128x128xf32, #tpu.memory_space<vmem>>, vector<1x16xf32>,
        %get3A_853 = vector.shape_cast %get3A_852 : vector<1x16xf32> to vector<16xf32>
        %add3A_854 = arith.constant 6 : i32
        %add3A_855 = arith.addi %mul3A_320, %add3A_854 : i32
        %swap3A_856 = arith.constant 0 : i32
        %swap3A_857 = arith.constant 0 : i32
        %swap3A_858 = tpu.memref_slice %arg7[%scan3A_282, %swap3A_856, %swap3A_857] : memref<2x128x64xf32, #tpu.memory_space<vmem>> -> memref<1x128x64xf32, #tpu.memory_space<vmem>>
        %swap3A_859 = tpu.memref_squeeze %swap3A_858 : memref<1x128x64xf32, #tpu.memory_space<vmem>> -> memref<128x64xf32, #tpu.memory_space<vmem>>
        %swap3A_860 = arith.index_cast %add3A_855 : i32 to index
        %swap3A_861 = arith.constant 16 : index
        %swap3A_862 = tpu.vector_load %swap3A_859[%swap3A_860, %swap3A_861] {strides = array<i32>} : memref<128x64xf32, #tpu.memory_space<vmem>>, vector<1x16xf32>,
        %swap3A_863 = vector.shape_cast %swap3A_862 : vector<1x16xf32> to vector<16xf32>
        %swap3A_864 = vector.shape_cast %get3A_853 : vector<16xf32> to vector<1x16xf32>
        tpu.vector_store %swap3A_859[%swap3A_860, %swap3A_861], %swap3A_864 {strides = array<i32>} : memref<128x64xf32, #tpu.memory_space<vmem>>, vector<1x16xf32>,
        %add3A_865 = arith.constant 6 : i32
        %add3A_866 = arith.addi %mul3A_320, %add3A_865 : i32
        %get3A_867 = arith.constant 0 : i32
        %get3A_868 = arith.constant 0 : i32
        %get3A_869 = tpu.memref_slice %arg6[%scan3A_281, %get3A_867, %get3A_868] : memref<4x128x128xf32, #tpu.memory_space<vmem>> -> memref<1x128x128xf32, #tpu.memory_space<vmem>>
        %get3A_870 = tpu.memref_squeeze %get3A_869 : memref<1x128x128xf32, #tpu.memory_space<vmem>> -> memref<128x128xf32, #tpu.memory_space<vmem>>
        %get3A_871 = arith.index_cast %add3A_866 : i32 to index
        %get3A_872 = arith.constant 32 : index
        %get3A_873 = tpu.vector_load %get3A_870[%get3A_871, %get3A_872] {strides = array<i32>} : memref<128x128xf32, #tpu.memory_space<vmem>>, vector<1x16xf32>,
        %get3A_874 = vector.shape_cast %get3A_873 : vector<1x16xf32> to vector<16xf32>
        %add3A_875 = arith.constant 6 : i32
        %add3A_876 = arith.addi %mul3A_320, %add3A_875 : i32
        %swap3A_877 = arith.constant 0 : i32
        %swap3A_878 = arith.constant 0 : i32
        %swap3A_879 = tpu.memref_slice %arg7[%scan3A_282, %swap3A_877, %swap3A_878] : memref<2x128x64xf32, #tpu.memory_space<vmem>> -> memref<1x128x64xf32, #tpu.memory_space<vmem>>
        %swap3A_880 = tpu.memref_squeeze %swap3A_879 : memref<1x128x64xf32, #tpu.memory_space<vmem>> -> memref<128x64xf32, #tpu.memory_space<vmem>>
        %swap3A_881 = arith.index_cast %add3A_876 : i32 to index
        %swap3A_882 = arith.constant 32 : index
        %swap3A_883 = tpu.vector_load %swap3A_880[%swap3A_881, %swap3A_882] {strides = array<i32>} : memref<128x64xf32, #tpu.memory_space<vmem>>, vector<1x16xf32>,
        %swap3A_884 = vector.shape_cast %swap3A_883 : vector<1x16xf32> to vector<16xf32>
        %swap3A_885 = vector.shape_cast %get3A_874 : vector<16xf32> to vector<1x16xf32>
        tpu.vector_store %swap3A_880[%swap3A_881, %swap3A_882], %swap3A_885 {strides = array<i32>} : memref<128x64xf32, #tpu.memory_space<vmem>>, vector<1x16xf32>,
        %add3A_886 = arith.constant 6 : i32
        %add3A_887 = arith.addi %mul3A_320, %add3A_886 : i32
        %get3A_888 = arith.constant 0 : i32
        %get3A_889 = arith.constant 0 : i32
        %get3A_890 = tpu.memref_slice %arg6[%scan3A_281, %get3A_888, %get3A_889] : memref<4x128x128xf32, #tpu.memory_space<vmem>> -> memref<1x128x128xf32, #tpu.memory_space<vmem>>
        %get3A_891 = tpu.memref_squeeze %get3A_890 : memref<1x128x128xf32, #tpu.memory_space<vmem>> -> memref<128x128xf32, #tpu.memory_space<vmem>>
        %get3A_892 = arith.index_cast %add3A_887 : i32 to index
        %get3A_893 = arith.constant 48 : index
        %get3A_894 = tpu.vector_load %get3A_891[%get3A_892, %get3A_893] {strides = array<i32>} : memref<128x128xf32, #tpu.memory_space<vmem>>, vector<1x16xf32>,
        %get3A_895 = vector.shape_cast %get3A_894 : vector<1x16xf32> to vector<16xf32>
        %add3A_896 = arith.constant 6 : i32
        %add3A_897 = arith.addi %mul3A_320, %add3A_896 : i32
        %swap3A_898 = arith.constant 0 : i32
        %swap3A_899 = arith.constant 0 : i32
        %swap3A_900 = tpu.memref_slice %arg7[%scan3A_282, %swap3A_898, %swap3A_899] : memref<2x128x64xf32, #tpu.memory_space<vmem>> -> memref<1x128x64xf32, #tpu.memory_space<vmem>>
        %swap3A_901 = tpu.memref_squeeze %swap3A_900 : memref<1x128x64xf32, #tpu.memory_space<vmem>> -> memref<128x64xf32, #tpu.memory_space<vmem>>
        %swap3A_902 = arith.index_cast %add3A_897 : i32 to index
        %swap3A_903 = arith.constant 48 : index
        %swap3A_904 = tpu.vector_load %swap3A_901[%swap3A_902, %swap3A_903] {strides = array<i32>} : memref<128x64xf32, #tpu.memory_space<vmem>>, vector<1x16xf32>,
        %swap3A_905 = vector.shape_cast %swap3A_904 : vector<1x16xf32> to vector<16xf32>
        %swap3A_906 = vector.shape_cast %get3A_895 : vector<16xf32> to vector<1x16xf32>
        tpu.vector_store %swap3A_901[%swap3A_902, %swap3A_903], %swap3A_906 {strides = array<i32>} : memref<128x64xf32, #tpu.memory_space<vmem>>, vector<1x16xf32>,
        %add3A_907 = arith.constant 7 : i32
        %add3A_908 = arith.addi %mul3A_320, %add3A_907 : i32
        %get3A_909 = arith.constant 0 : i32
        %get3A_910 = arith.constant 0 : i32
        %get3A_911 = tpu.memref_slice %arg6[%scan3A_281, %get3A_909, %get3A_910] : memref<4x128x128xf32, #tpu.memory_space<vmem>> -> memref<1x128x128xf32, #tpu.memory_space<vmem>>
        %get3A_912 = tpu.memref_squeeze %get3A_911 : memref<1x128x128xf32, #tpu.memory_space<vmem>> -> memref<128x128xf32, #tpu.memory_space<vmem>>
        %get3A_913 = arith.index_cast %add3A_908 : i32 to index
        %get3A_914 = arith.constant 0 : index
        %get3A_915 = tpu.vector_load %get3A_912[%get3A_913, %get3A_914] {strides = array<i32>} : memref<128x128xf32, #tpu.memory_space<vmem>>, vector<1x16xf32>,
        %get3A_916 = vector.shape_cast %get3A_915 : vector<1x16xf32> to vector<16xf32>
        %add3A_917 = arith.constant 7 : i32
        %add3A_918 = arith.addi %mul3A_320, %add3A_917 : i32
        %swap3A_919 = arith.constant 0 : i32
        %swap3A_920 = arith.constant 0 : i32
        %swap3A_921 = tpu.memref_slice %arg7[%scan3A_282, %swap3A_919, %swap3A_920] : memref<2x128x64xf32, #tpu.memory_space<vmem>> -> memref<1x128x64xf32, #tpu.memory_space<vmem>>
        %swap3A_922 = tpu.memref_squeeze %swap3A_921 : memref<1x128x64xf32, #tpu.memory_space<vmem>> -> memref<128x64xf32, #tpu.memory_space<vmem>>
        %swap3A_923 = arith.index_cast %add3A_918 : i32 to index
        %swap3A_924 = arith.constant 0 : index
        %swap3A_925 = tpu.vector_load %swap3A_922[%swap3A_923, %swap3A_924] {strides = array<i32>} : memref<128x64xf32, #tpu.memory_space<vmem>>, vector<1x16xf32>,
        %swap3A_926 = vector.shape_cast %swap3A_925 : vector<1x16xf32> to vector<16xf32>
        %swap3A_927 = vector.shape_cast %get3A_916 : vector<16xf32> to vector<1x16xf32>
        tpu.vector_store %swap3A_922[%swap3A_923, %swap3A_924], %swap3A_927 {strides = array<i32>} : memref<128x64xf32, #tpu.memory_space<vmem>>, vector<1x16xf32>,
        %add3A_928 = arith.constant 7 : i32
        %add3A_929 = arith.addi %mul3A_320, %add3A_928 : i32
        %get3A_930 = arith.constant 0 : i32
        %get3A_931 = arith.constant 0 : i32
        %get3A_932 = tpu.memref_slice %arg6[%scan3A_281, %get3A_930, %get3A_931] : memref<4x128x128xf32, #tpu.memory_space<vmem>> -> memref<1x128x128xf32, #tpu.memory_space<vmem>>
        %get3A_933 = tpu.memref_squeeze %get3A_932 : memref<1x128x128xf32, #tpu.memory_space<vmem>> -> memref<128x128xf32, #tpu.memory_space<vmem>>
        %get3A_934 = arith.index_cast %add3A_929 : i32 to index
        %get3A_935 = arith.constant 16 : index
        %get3A_936 = tpu.vector_load %get3A_933[%get3A_934, %get3A_935] {strides = array<i32>} : memref<128x128xf32, #tpu.memory_space<vmem>>, vector<1x16xf32>,
        %get3A_937 = vector.shape_cast %get3A_936 : vector<1x16xf32> to vector<16xf32>
        %add3A_938 = arith.constant 7 : i32
        %add3A_939 = arith.addi %mul3A_320, %add3A_938 : i32
        %swap3A_940 = arith.constant 0 : i32
        %swap3A_941 = arith.constant 0 : i32
        %swap3A_942 = tpu.memref_slice %arg7[%scan3A_282, %swap3A_940, %swap3A_941] : memref<2x128x64xf32, #tpu.memory_space<vmem>> -> memref<1x128x64xf32, #tpu.memory_space<vmem>>
        %swap3A_943 = tpu.memref_squeeze %swap3A_942 : memref<1x128x64xf32, #tpu.memory_space<vmem>> -> memref<128x64xf32, #tpu.memory_space<vmem>>
        %swap3A_944 = arith.index_cast %add3A_939 : i32 to index
        %swap3A_945 = arith.constant 16 : index
        %swap3A_946 = tpu.vector_load %swap3A_943[%swap3A_944, %swap3A_945] {strides = array<i32>} : memref<128x64xf32, #tpu.memory_space<vmem>>, vector<1x16xf32>,
        %swap3A_947 = vector.shape_cast %swap3A_946 : vector<1x16xf32> to vector<16xf32>
        %swap3A_948 = vector.shape_cast %get3A_937 : vector<16xf32> to vector<1x16xf32>
        tpu.vector_store %swap3A_943[%swap3A_944, %swap3A_945], %swap3A_948 {strides = array<i32>} : memref<128x64xf32, #tpu.memory_space<vmem>>, vector<1x16xf32>,
        %add3A_949 = arith.constant 7 : i32
        %add3A_950 = arith.addi %mul3A_320, %add3A_949 : i32
        %get3A_951 = arith.constant 0 : i32
        %get3A_952 = arith.constant 0 : i32
        %get3A_953 = tpu.memref_slice %arg6[%scan3A_281, %get3A_951, %get3A_952] : memref<4x128x128xf32, #tpu.memory_space<vmem>> -> memref<1x128x128xf32, #tpu.memory_space<vmem>>
        %get3A_954 = tpu.memref_squeeze %get3A_953 : memref<1x128x128xf32, #tpu.memory_space<vmem>> -> memref<128x128xf32, #tpu.memory_space<vmem>>
        %get3A_955 = arith.index_cast %add3A_950 : i32 to index
        %get3A_956 = arith.constant 32 : index
        %get3A_957 = tpu.vector_load %get3A_954[%get3A_955, %get3A_956] {strides = array<i32>} : memref<128x128xf32, #tpu.memory_space<vmem>>, vector<1x16xf32>,
        %get3A_958 = vector.shape_cast %get3A_957 : vector<1x16xf32> to vector<16xf32>
        %add3A_959 = arith.constant 7 : i32
        %add3A_960 = arith.addi %mul3A_320, %add3A_959 : i32
        %swap3A_961 = arith.constant 0 : i32
        %swap3A_962 = arith.constant 0 : i32
        %swap3A_963 = tpu.memref_slice %arg7[%scan3A_282, %swap3A_961, %swap3A_962] : memref<2x128x64xf32, #tpu.memory_space<vmem>> -> memref<1x128x64xf32, #tpu.memory_space<vmem>>
        %swap3A_964 = tpu.memref_squeeze %swap3A_963 : memref<1x128x64xf32, #tpu.memory_space<vmem>> -> memref<128x64xf32, #tpu.memory_space<vmem>>
        %swap3A_965 = arith.index_cast %add3A_960 : i32 to index
        %swap3A_966 = arith.constant 32 : index
        %swap3A_967 = tpu.vector_load %swap3A_964[%swap3A_965, %swap3A_966] {strides = array<i32>} : memref<128x64xf32, #tpu.memory_space<vmem>>, vector<1x16xf32>,
        %swap3A_968 = vector.shape_cast %swap3A_967 : vector<1x16xf32> to vector<16xf32>
        %swap3A_969 = vector.shape_cast %get3A_958 : vector<16xf32> to vector<1x16xf32>
        tpu.vector_store %swap3A_964[%swap3A_965, %swap3A_966], %swap3A_969 {strides = array<i32>} : memref<128x64xf32, #tpu.memory_space<vmem>>, vector<1x16xf32>,
        %add3A_970 = arith.constant 7 : i32
        %add3A_971 = arith.addi %mul3A_320, %add3A_970 : i32
        %get3A_972 = arith.constant 0 : i32
        %get3A_973 = arith.constant 0 : i32
        %get3A_974 = tpu.memref_slice %arg6[%scan3A_281, %get3A_972, %get3A_973] : memref<4x128x128xf32, #tpu.memory_space<vmem>> -> memref<1x128x128xf32, #tpu.memory_space<vmem>>
        %get3A_975 = tpu.memref_squeeze %get3A_974 : memref<1x128x128xf32, #tpu.memory_space<vmem>> -> memref<128x128xf32, #tpu.memory_space<vmem>>
        %get3A_976 = arith.index_cast %add3A_971 : i32 to index
        %get3A_977 = arith.constant 48 : index
        %get3A_978 = tpu.vector_load %get3A_975[%get3A_976, %get3A_977] {strides = array<i32>} : memref<128x128xf32, #tpu.memory_space<vmem>>, vector<1x16xf32>,
        %get3A_979 = vector.shape_cast %get3A_978 : vector<1x16xf32> to vector<16xf32>
        %add3A_980 = arith.constant 7 : i32
        %add3A_981 = arith.addi %mul3A_320, %add3A_980 : i32
        %swap3A_982 = arith.constant 0 : i32
        %swap3A_983 = arith.constant 0 : i32
        %swap3A_984 = tpu.memref_slice %arg7[%scan3A_282, %swap3A_982, %swap3A_983] : memref<2x128x64xf32, #tpu.memory_space<vmem>> -> memref<1x128x64xf32, #tpu.memory_space<vmem>>
        %swap3A_985 = tpu.memref_squeeze %swap3A_984 : memref<1x128x64xf32, #tpu.memory_space<vmem>> -> memref<128x64xf32, #tpu.memory_space<vmem>>
        %swap3A_986 = arith.index_cast %add3A_981 : i32 to index
        %swap3A_987 = arith.constant 48 : index
        %swap3A_988 = tpu.vector_load %swap3A_985[%swap3A_986, %swap3A_987] {strides = array<i32>} : memref<128x64xf32, #tpu.memory_space<vmem>>, vector<1x16xf32>,
        %swap3A_989 = vector.shape_cast %swap3A_988 : vector<1x16xf32> to vector<16xf32>
        %swap3A_990 = vector.shape_cast %get3A_979 : vector<16xf32> to vector<1x16xf32>
        tpu.vector_store %swap3A_985[%swap3A_986, %swap3A_987], %swap3A_990 {strides = array<i32>} : memref<128x64xf32, #tpu.memory_space<vmem>>, vector<1x16xf32>,
        %scan3A_991 = arith.constant 0 : i32
        scf.yield %scan3A_991 : i32
      }
      %scan3A_289 = arith.constant 16 : i32
      %add3A_290 = arith.addi %mul3A_2, %add3A_261 : i32
      %mul3A_291 = arith.constant 128 : i32
      %mul3A_292 = arith.muli %add3A_290, %mul3A_291 : i32
      %dma_start3A_293 = arith.constant 1 : i32
      %dma_start3A_294 = arith.constant 1 : i32
      %dma_start3A_295 = arith.constant 0 : i32
      %dma_start3A_296 = arith.constant 0 : i32
      %dma_start3A_297 = tpu.memref_slice %arg7[%dma_start3A_293, %dma_start3A_295, %dma_start3A_296] : memref<2x128x64xf32, #tpu.memory_space<vmem>> -> memref<1x128x64xf32, #tpu.memory_space<vmem>>
      %dma_start3A_298 = tpu.memref_squeeze %dma_start3A_297 : memref<1x128x64xf32, #tpu.memory_space<vmem>> -> memref<128x64xf32, #tpu.memory_space<vmem>>
      %dma_start3A_299 = arith.constant 0 : i32
      %dma_start3A_300 = tpu.memref_slice %arg4[%mul3A_292, %dma_start3A_299] : memref<819200x64xf32, #tpu.memory_space<hbm>> -> memref<128x64xf32, #tpu.memory_space<hbm>>
      %dma_start3A_301 = tpu.memref_slice %arg9[%dma_start3A_294] : memref<2x!tpu.dma_semaphore, #tpu.memory_space<semaphore_mem>> -> memref<1x!tpu.dma_semaphore, #tpu.memory_space<semaphore_mem>>
      %dma_start3A_302 = tpu.memref_squeeze %dma_start3A_301 : memref<1x!tpu.dma_semaphore, #tpu.memory_space<semaphore_mem>> -> memref<!tpu.dma_semaphore, #tpu.memory_space<semaphore_mem>>
      %dma_start3A_303 = arith.constant 0 : i32
      %dma_start3A_304 = tpu.memref_slice %arg4[%mul3A_292, %dma_start3A_303] : memref<819200x64xf32, #tpu.memory_space<hbm>> -> memref<128x64xf32, #tpu.memory_space<hbm>>
      %dma_start3A_305 = arith.constant 0 : i32
      %dma_start3A_306 = arith.constant 0 : i32
      %dma_start3A_307 = tpu.memref_slice %arg7[%dma_start3A_293, %dma_start3A_305, %dma_start3A_306] : memref<2x128x64xf32, #tpu.memory_space<vmem>> -> memref<1x128x64xf32, #tpu.memory_space<vmem>>
      %dma_start3A_308 = tpu.memref_squeeze %dma_start3A_307 : memref<1x128x64xf32, #tpu.memory_space<vmem>> -> memref<128x64xf32, #tpu.memory_space<vmem>>
      tpu.enqueue_dma source(%dma_start3A_308 : memref<128x64xf32, #tpu.memory_space<vmem>>) target(%dma_start3A_304 : memref<128x64xf32, #tpu.memory_space<hbm>>) target_semaphore(%dma_start3A_302 : memref<!tpu.dma_semaphore, #tpu.memory_space<semaphore_mem>>)
      %add3A_309 = arith.constant 3 : i32
      %add3A_310 = arith.addi %add3A_261, %add3A_309 : i32
      %lt3A_311 = arith.constant 200 : i32
      %lt3A_312 = arith.cmpi slt, %add3A_310, %lt3A_311 : i32
      %convert_element_type3A_313 = arith.extui %lt3A_312 : i1 to i32
      %cond3A_314 = arith.constant 0 : i32
      %cond3A_315 = arith.cmpi ne, %convert_element_type3A_313, %cond3A_314 : i32
      scf.if %cond3A_315 {
        %add3A_317 = arith.constant 3 : i32
        %add3A_318 = arith.addi %add3A_261, %add3A_317 : i32
        %dma_start3A_319 = arith.constant 2 : i32
        %dma_start3A_320 = arith.constant 2 : i32
        %dma_start3A_321 = arith.constant 0 : i32
        %dma_start3A_322 = arith.constant 0 : i32
        %dma_start3A_323 = tpu.memref_slice %arg6[%dma_start3A_319, %dma_start3A_321, %dma_start3A_322] : memref<4x128x128xf32, #tpu.memory_space<vmem>> -> memref<1x128x128xf32, #tpu.memory_space<vmem>>
        %dma_start3A_324 = tpu.memref_squeeze %dma_start3A_323 : memref<1x128x128xf32, #tpu.memory_space<vmem>> -> memref<128x128xf32, #tpu.memory_space<vmem>>
        %dma_start3A_325 = arith.constant 0 : i32
        %dma_start3A_326 = tpu.memref_slice %arg5[%add3A_318, %dma_start3A_325] : memref<200x128xi32, #tpu.memory_space<vmem>> -> memref<1x128xi32, #tpu.memory_space<vmem>>
        %dma_start3A_327 = tpu.memref_squeeze %dma_start3A_326 : memref<1x128xi32, #tpu.memory_space<vmem>> -> memref<128xi32, #tpu.memory_space<vmem>>
        %dma_start3A_328 = arith.constant 0 : i32
        %dma_start3A_329 = arith.constant 0 : i32
        %dma_start3A_330 = tpu.memref_slice %arg3[%dma_start3A_328, %dma_start3A_329] : memref<1000000x128xf32, #tpu.memory_space<hbm>> -> memref<1000000x128xf32, #tpu.memory_space<hbm>>
        %dma_start3A_331 = tpu.memref_slice %arg8[%dma_start3A_320] : memref<4x!tpu.dma_semaphore, #tpu.memory_space<semaphore_mem>> -> memref<1x!tpu.dma_semaphore, #tpu.memory_space<semaphore_mem>>
        %dma_start3A_332 = tpu.memref_squeeze %dma_start3A_331 : memref<1x!tpu.dma_semaphore, #tpu.memory_space<semaphore_mem>> -> memref<!tpu.dma_semaphore, #tpu.memory_space<semaphore_mem>>
        tpu.enqueue_indirect_dma source(%dma_start3A_330 : memref<1000000x128xf32, #tpu.memory_space<hbm>>) target(%dma_start3A_324 : memref<128x128xf32, #tpu.memory_space<vmem>>) offsets(%dma_start3A_327 : memref<128xi32, #tpu.memory_space<vmem>>) semaphore(%dma_start3A_332 : memref<!tpu.dma_semaphore, #tpu.memory_space<semaphore_mem>>)
      } else {
      }
      %scan3A_316 = arith.constant 0 : i32
      scf.yield %scan3A_316 : i32
    }
    %scan3A_52 = arith.constant 50 : i32
    %add3A_53 = arith.constant 198 : i32
    %add3A_54 = arith.addi %mul3A_2, %add3A_53 : i32
    %mul3A_55 = arith.constant 128 : i32
    %mul3A_56 = arith.muli %add3A_54, %mul3A_55 : i32
    %dma_wait3A = arith.constant 0 : i32
    %dma_wait3A_57 = arith.constant 0 : i32
    %dma_wait3A_58 = arith.constant 0 : i32
    %dma_wait3A_59 = arith.constant 0 : i32
    %dma_wait3A_60 = tpu.memref_slice %arg7[%dma_wait3A, %dma_wait3A_58, %dma_wait3A_59] : memref<2x128x64xf32, #tpu.memory_space<vmem>> -> memref<1x128x64xf32, #tpu.memory_space<vmem>>
    %dma_wait3A_61 = tpu.memref_squeeze %dma_wait3A_60 : memref<1x128x64xf32, #tpu.memory_space<vmem>> -> memref<128x64xf32, #tpu.memory_space<vmem>>
    %dma_wait3A_62 = arith.constant 0 : i32
    %dma_wait3A_63 = tpu.memref_slice %arg4[%mul3A_56, %dma_wait3A_62] : memref<819200x64xf32, #tpu.memory_space<hbm>> -> memref<128x64xf32, #tpu.memory_space<hbm>>
    %dma_wait3A_64 = tpu.memref_slice %arg9[%dma_wait3A_57] : memref<2x!tpu.dma_semaphore, #tpu.memory_space<semaphore_mem>> -> memref<1x!tpu.dma_semaphore, #tpu.memory_space<semaphore_mem>>
    %dma_wait3A_65 = tpu.memref_squeeze %dma_wait3A_64 : memref<1x!tpu.dma_semaphore, #tpu.memory_space<semaphore_mem>> -> memref<!tpu.dma_semaphore, #tpu.memory_space<semaphore_mem>>
    %dma_wait3A_66 = arith.constant 0 : i32
    %dma_wait3A_67 = tpu.memref_slice %arg4[%mul3A_56, %dma_wait3A_66] : memref<819200x64xf32, #tpu.memory_space<hbm>> -> memref<128x64xf32, #tpu.memory_space<hbm>>
    %dma_wait3A_68 = arith.constant 0 : i32
    %dma_wait3A_69 = arith.constant 0 : i32
    %dma_wait3A_70 = tpu.memref_slice %arg7[%dma_wait3A, %dma_wait3A_68, %dma_wait3A_69] : memref<2x128x64xf32, #tpu.memory_space<vmem>> -> memref<1x128x64xf32, #tpu.memory_space<vmem>>
    %dma_wait3A_71 = tpu.memref_squeeze %dma_wait3A_70 : memref<1x128x64xf32, #tpu.memory_space<vmem>> -> memref<128x64xf32, #tpu.memory_space<vmem>>
    tpu.wait_dma2 semaphore(%dma_wait3A_65 : memref<!tpu.dma_semaphore, #tpu.memory_space<semaphore_mem>>) src(%dma_wait3A_71 : memref<128x64xf32, #tpu.memory_space<vmem>>) dst(%dma_wait3A_67 : memref<128x64xf32, #tpu.memory_space<hbm>>)
    %add3A_72 = arith.constant 199 : i32
    %add3A_73 = arith.addi %mul3A_2, %add3A_72 : i32
    %mul3A_74 = arith.constant 128 : i32
    %mul3A_75 = arith.muli %add3A_73, %mul3A_74 : i32
    %dma_wait3A_76 = arith.constant 1 : i32
    %dma_wait3A_77 = arith.constant 1 : i32
    %dma_wait3A_78 = arith.constant 0 : i32
    %dma_wait3A_79 = arith.constant 0 : i32
    %dma_wait3A_80 = tpu.memref_slice %arg7[%dma_wait3A_76, %dma_wait3A_78, %dma_wait3A_79] : memref<2x128x64xf32, #tpu.memory_space<vmem>> -> memref<1x128x64xf32, #tpu.memory_space<vmem>>
    %dma_wait3A_81 = tpu.memref_squeeze %dma_wait3A_80 : memref<1x128x64xf32, #tpu.memory_space<vmem>> -> memref<128x64xf32, #tpu.memory_space<vmem>>
    %dma_wait3A_82 = arith.constant 0 : i32
    %dma_wait3A_83 = tpu.memref_slice %arg4[%mul3A_75, %dma_wait3A_82] : memref<819200x64xf32, #tpu.memory_space<hbm>> -> memref<128x64xf32, #tpu.memory_space<hbm>>
    %dma_wait3A_84 = tpu.memref_slice %arg9[%dma_wait3A_77] : memref<2x!tpu.dma_semaphore, #tpu.memory_space<semaphore_mem>> -> memref<1x!tpu.dma_semaphore, #tpu.memory_space<semaphore_mem>>
    %dma_wait3A_85 = tpu.memref_squeeze %dma_wait3A_84 : memref<1x!tpu.dma_semaphore, #tpu.memory_space<semaphore_mem>> -> memref<!tpu.dma_semaphore, #tpu.memory_space<semaphore_mem>>
    %dma_wait3A_86 = arith.constant 0 : i32
    %dma_wait3A_87 = tpu.memref_slice %arg4[%mul3A_75, %dma_wait3A_86] : memref<819200x64xf32, #tpu.memory_space<hbm>> -> memref<128x64xf32, #tpu.memory_space<hbm>>
    %dma_wait3A_88 = arith.constant 0 : i32
    %dma_wait3A_89 = arith.constant 0 : i32
    %dma_wait3A_90 = tpu.memref_slice %arg7[%dma_wait3A_76, %dma_wait3A_88, %dma_wait3A_89] : memref<2x128x64xf32, #tpu.memory_space<vmem>> -> memref<1x128x64xf32, #tpu.memory_space<vmem>>
    %dma_wait3A_91 = tpu.memref_squeeze %dma_wait3A_90 : memref<1x128x64xf32, #tpu.memory_space<vmem>> -> memref<128x64xf32, #tpu.memory_space<vmem>>
    tpu.wait_dma2 semaphore(%dma_wait3A_85 : memref<!tpu.dma_semaphore, #tpu.memory_space<semaphore_mem>>) src(%dma_wait3A_91 : memref<128x64xf32, #tpu.memory_space<vmem>>) dst(%dma_wait3A_87 : memref<128x64xf32, #tpu.memory_space<hbm>>)
    return
  }
}

</mosaic_0001>

<sc_bundles>
// kernel: _embed.3.cloned.1.call-start
scs
__scs_entry_jumppad:
0x0: {  	(pc) =	sbr.rel $0x88, $3  }
0x1: {  	(tag) =	ssettag $0x0;
	lr =	simm.s32 $0x1  }
0x2: {  	[smem:$0x3F9F] =	sst lr;
	_ =	strace $0xD0000000  }
0x3: {  	_ = 	snop  }
0x4: {  	_ = 	snop  }
0x5: {  	_ = 	snop  }
0x6: {  	_ = 	snop  }
0x7: {  	_ = 	snop  }
__scs_overlays_trampoline_lowered:
0x8: {  	[smem:$0x3FAE] =	sst s0  }
0x9: {  	[smem:$0x3FAF] =	sst s1  }
0xa: {  	[smem:$0x3FB0] =	sst s2  }
0xb: {  	[smem:$0x3FB1] =	sst s3  }
0xc: {  	[smem:$0x3FB2] =	sst s4  }
0xd: {  	[smem:$0x3FB3] =	sst s5  }
0xe: {  	[smem:$0x3FB4] =	sst s6  }
0xf: {  	[smem:$0x3FB5] =	sst s7  }
0x10: {  	[smem:$0x3FB6] =	sst s8  }
0x11: {  	[smem:$0x3FB7] =	sst s9;
	s0 =	simm.s32 @!p0 $0x0  }
0x12: {  	s1 =	sld [smem:$0x3F9D];
	s0 =	simm.s32 @p0 $0x1  }
0x13: {  	[smem:$0x3FB8] =	sst s0;
	s0 =	simm.s32 @!p1 $0x0  }
0x14: {  	s2 =	sld [smem:$0x3F9C];
	s0 =	simm.s32 @p1 $0x1  }
0x15: {  	[smem:$0x3FB9] =	sst s0;
	s0 =	simm.s32 @!p2 $0x0  }
0x16: {  	s3 =	sld [smem:$0x3FDB];
	s0 =	simm.s32 @p2 $0x1  }
0x17: {  	s4 =	simm.s32 $0x1BF5;
	[smem:$0x3FBB] =	sst s0  }
0x18: {  	s0 =	sld [smem:$0x3F9E];
	_ =	swait.ge [sflag:s4], $0x0  }
0x19: {  	s7 =	sld [smem:$0x3F9F]  }
0x1a: {  	s8 =	sadd.s32 $0xFFFFE003, lr  }
0x1b: {  	s9 =	sadd.s32 $0xFFFFFEF7, lr;
	s5 =	simm.s32 $0xFFFFFFFF;
	p2 =	slt.u32 s8, $0xFFFFF086  }
0x1c: {  	p1 =	slt.u32 s9, $0xF7A;
	s5 =	simm.s32 @!p2 $0x0  }
0x1d: {  	s5 =	simm.s32 @p1 $0x1;
	p0 =	seq.s32 s7, s2  }
0x1e: {  	s7 =	smul.u32 @!p0 $0xF7A, s2;
	p2 =	seq.s32 @!p0 s5, $0x0  }
0x1f: {  	s9 =	smul.u32 $0xF7A, s1;
	s8 =	simm.s32 @!p0 $0x1BF5;
	p2 =	por !p2, p0  }
0x20: {  	[sflag:s8] =	ssyncset.s32 @!p0 $0xFFFFF086;
	s6 =	sadd.s32 @!p0 s3, s7;
	s7 =	simm.s32 @!p0 $0x108  }
0x21: {  	s3 =	sadd.s32 s3, s9;
	s6 =	sadd.s32 @!p0 $0x88, s6;
	s7 =	simm.s32 @p2 $0x1082  }
0x22: {  	[simem:s7], [sflag:s8] =	dma.local @!p0 [hbm:s6], $0xF7A  }
0x23: {  	s9 =	sor.u32 $0xD0000000, s2;
	s6 =	simm.s32 $0x108;
	_ =	swait.ge @!p0 [sflag:s8], $0x0  }
0x24: {  	s3 =	sadd.s32 $0x88, s3;
	s6 =	simm.s32 @!p1 $0x1082;
	[sflag:s4] =	ssyncset.s32 $0xFFFFF086  }
0x25: {  	[simem:s6], [sflag:s4] =	dma.local [hbm:s3], $0xF7A  }
0x26: {  	[smem:$0x3F9F] =	sst s1;
	(tag) =	ssettag s2;
	_ =	strace s9  }
0x27: {  	s1 =	sld [smem:$0x3FAF]  }
0x28: {  	s2 =	sld [smem:$0x3FB0]  }
0x29: {  	s4 =	sld [smem:$0x3FB2]  }
0x2a: {  	p0 =	seq.s32 s5, $0x0;
	s5 =	sld [smem:$0x3FB3]  }
0x2b: {  	s6 =	sld [smem:$0x3FB4]  }
0x2c: {  	s7 =	sld [smem:$0x3FB5]  }
0x2d: {  	s3 =	simm.s32 $0x108;
	s8 =	sld [smem:$0x3FB6]  }
0x2e: {  	s3 =	simm.s32 @!p0 $0x1082;
	s9 =	sld [smem:$0x3FB7]  }
0x2f: {  	lr =	sadd.s32 s0, s3;
	s0 =	sld [smem:$0x3FAE]  }
0x30: {  	s3 =	sld [smem:$0x3FB1]  }
0x31: {  	[smem:$0x3FBA] =	sst s10  }
0x32: {  	s10 =	sld [smem:$0x3FB8];
	_ =	sdelay $0x3  }
0x33: {  	p0 =	seq.s32 s10, $0x1;
	s10 =	sld [smem:$0x3FBA];
	_ =	sdelay $0x3  }
0x34: {  	[smem:$0x3FBA] =	sst s10  }
0x35: {  	s10 =	sld [smem:$0x3FB9];
	_ =	sdelay $0x3  }
0x36: {  	p1 =	seq.s32 s10, $0x1;
	s10 =	sld [smem:$0x3FBA];
	_ =	sdelay $0x3  }
0x37: {  	[smem:$0x3FBA] =	sst s10  }
0x38: {  	s10 =	sld [smem:$0x3FBB]  }
0x39: {  	_ = 	snop;
	(pc) =	sbr.ind lr, $3  }
0x3a: {  	_ = 	snop  }
0x3b: {  	_ = 	snop  }
0x3c: {  	p2 =	seq.s32 s10, $0x1;
	s10 =	sld [smem:$0x3FBA]  }
0x3d: {  	_ =	shalt  }
0x3e: {  	_ =	shalt  }
0x3f: {  	_ =	shalt  }
0x40: {  	_ =	shalt  }
0x41: {  	_ =	shalt  }
0x42: {  	_ =	shalt  }
0x43: {  	_ =	shalt  }
0x44: {  	_ =	shalt  }
0x45: {  	_ =	shalt  }
0x46: {  	_ =	shalt  }
0x47: {  	_ =	shalt  }
0x48: {  	_ =	shalt  }
0x49: {  	_ =	shalt  }
0x4a: {  	_ =	shalt  }
0x4b: {  	_ =	shalt  }
0x4c: {  	_ =	shalt  }
0x4d: {  	_ =	shalt  }
0x4e: {  	_ =	shalt  }
0x4f: {  	_ =	shalt  }
0x50: {  	_ =	shalt  }
0x51: {  	_ =	shalt  }
0x52: {  	_ =	shalt  }
0x53: {  	_ =	shalt  }
0x54: {  	_ =	shalt  }
0x55: {  	_ =	shalt  }
0x56: {  	_ =	shalt  }
0x57: {  	_ =	shalt  }
0x58: {  	_ =	shalt  }
0x59: {  	_ =	shalt  }
0x5a: {  	_ =	shalt  }
0x5b: {  	_ =	shalt  }
0x5c: {  	_ =	shalt  }
0x5d: {  	_ =	shalt  }
0x5e: {  	_ =	shalt  }
0x5f: {  	_ =	shalt  }
0x60: {  	_ =	shalt  }
0x61: {  	_ =	shalt  }
0x62: {  	_ =	shalt  }
0x63: {  	_ =	shalt  }
0x64: {  	_ =	shalt  }
0x65: {  	_ =	shalt  }
0x66: {  	_ =	shalt  }
0x67: {  	_ =	shalt  }
0x68: {  	_ =	shalt  }
0x69: {  	_ =	shalt  }
0x6a: {  	_ =	shalt  }
0x6b: {  	_ =	shalt  }
0x6c: {  	_ =	shalt  }
0x6d: {  	_ =	shalt  }
0x6e: {  	_ =	shalt  }
0x6f: {  	_ =	shalt  }
0x70: {  	_ =	shalt  }
0x71: {  	_ =	shalt  }
0x72: {  	_ =	shalt  }
0x73: {  	_ =	shalt  }
0x74: {  	_ =	shalt  }
0x75: {  	_ =	shalt  }
0x76: {  	_ =	shalt  }
0x77: {  	_ =	shalt  }
0x78: {  	_ =	shalt  }
0x79: {  	_ =	shalt  }
0x7a: {  	_ =	shalt  }
0x7b: {  	_ =	shalt  }
0x7c: {  	_ =	shalt  }
0x7d: {  	_ =	shalt  }
0x7e: {  	_ =	shalt  }
0x7f: {  	_ =	shalt  }
0x80: {  	_ =	shalt  }
0x81: {  	_ =	shalt  }
0x82: {  	_ =	shalt  }
0x83: {  	_ =	shalt  }
0x84: {  	_ =	shalt  }
0x85: {  	_ =	shalt  }
0x86: {  	_ =	shalt  }
0x87: {  	_ =	shalt  }
.Lfunc_end0:
.L_simem_size_0:
called_computation.1_lowered:
.L_overlay_start_0:
0x88: {  	s2 =	sld [smem:$0x3FD9]  }
0x89: {  	s3 =	sld [smem:$0x3FFE];
	_ =	sdelay $0x1  }
0x8a: {  	s1 =	srdreg.scid  }
0x8b: {  	s0 =	sand.u32 $0x1, s1  }
0x8c: {  	s17 =	sshll.u32 s0, $0xA;
	s2 =	sadd.s32 s3, s2  }
0x8d: {  	s2 =	sadd.s32 s2, s17  }
0x8e: {  	[smem:$0x3FC6] =	sst s2  }
0x8f: {  	_ = 	snop  }
0x90: {  	s2 =	sld [smem:$0x3FD0];
	(tm) =	ssettm $0x1  }
0x91: {  	s18 =	sld [smem:$0x3FFB];
	_ =	sdelay $0x3  }
0x92: {  	_ =	strace s18  }
0x93: {  	s3 =	sld [smem:$0x3FFC];
	_ =	sdelay $0x3  }
0x94: {  	_ =	strace s3  }
0x95: {  	s3 =	sld [smem:$0x3FFD];
	_ =	sdelay $0x3  }
0x96: {  	_ =	strace s3  }
0x97: {  	_ =	strace $0x8FFFFFFF  }
0x98: {  	s19 =	sld [smem:$0x3FDB];
	_ =	sdelay $0x1  }
0x99: {  	s4 =	simm.s32 $_scs_section_size  }
0x9a: {  	s5 =	simm.s32 $_size__tile_overlayer_lowered;
	s6 =	simm.s32 $_tile_overlayer_lowered  }
0x9b: {  	s22 =	simm.s32 $0x1BFF;
	s21 =	sshll.u32 s6, $0x1;
	s3 =	sadd.s32 s4, s19  }
0x9c: {  	s7 =	simm.s32 $0x0;
	s20 =	sshll.u32 s5, $0x1;
	s5 =	sadd.s32 s21, s3  }
0x9d: {  	[timem:s7], [sflag:s22] =	dma.local [hbm:s5], s20  }
0x9e: {  	_ =	swait.ge [sflag:s22], s20  }
0x9f: {  	s4 =	ssub.s32 $0x0, s20;
	[sflag:s22] =	ssyncset.done $0x0  }
0xa0: {  	[sflag:s22] =	ssyncadd.s32 s4;
	_ =	sdelay $0x1  }
0xa1: {  	s23 =	simm.s32 $0x1B8B  }
0xa2: {  	_ =	swait.ge [sflag:s23], $0x1  }
0xa3: {  	[sflag:s23] =	ssyncset.done $0x0  }
0xa4: {  	s25 =	simm.s32 $0x1B8E;
	s24 =	sld [smem:$0x3FFE];
	[sflag:s23] =	ssyncadd.s32 $0xFFFFFFFF  }
0xa5: {  	s26 =	simm.s32 $execute0_lowered;
	[smem:$0x3FD2] =	sst s25  }
0xa6: {  	s5 =	sshll.u32 s26, $0x1;
	_ =	strace $0x80000046;
	[dreg:$0x1] =	wrdreg $0xFFFFFFFF  }
0xa7: {  	s28 =	simm.s32 $_size_execute0_lowered;
	s3 =	sadd.s32 s3, s5;
	[dreg:$0x0] =	wrdreg $0x0  }
0xa8: {  	s5 =	sshll.u32 s28, $0x1;
	[dreg:$0x2] =	wrdreg s3  }
0xa9: {  	[dreg:$0x3] =	wrdreg s5  }
0xaa: {  	[dreg:$0x4] =	wrdreg $0xC0  }
0xab: {  	_ =	task [dreg:s7], $0x5FFFF  }
0xac: {  	[dreg:$0x1] =	wrdreg $0xFFFFFFFF  }
0xad: {  	[dreg:$0x0] =	wrdreg $0x60  }
0xae: {  	[dreg:$0x2] =	wrdreg s2  }
0xaf: {  	[dreg:$0x3] =	wrdreg s24  }
0xb0: {  	[dreg:$0x4] =	wrdreg $0x9  }
0xb1: {  	_ =	task.clear_ibuf [dreg:s7], $0x5FFFF;
	_ =	strace $0x90000046  }
0xb2: {  	s29 =	simm.s32 $0x9;
	_ =	strace $0x80000048  }
0xb3: {  	_ =	swait.ge [sflag:s29], $0x1  }
0xb4: {  	[sflag:s29] =	ssyncadd.s32 $0xFFFFFFFF  }
0xb5: {  	_ =	strace $0x90000048  }
0xb6: {  	_ =	sfence  }
0xb7: {  	s30 =	sld [smem:$0x0];
	_ =	sdelay $0x2  }
0xb8: {  	s31 =	sshll.u32 s1, $0xD;
	s1 =	sshrl.u32 s1, $0x2  }
0xb9: {  	s3 =	sand.u32 $0x4000, s31;
	s1 =	sadd.s32 s1, s30  }
0xba: {  	s0 =	sor.u32 s3, s0;
	s1 =	sshll.u32 s1, $0x11  }
0xbb: {  	s0 =	sor.u32 s1, s0  }
0xbc: {  	s0 =	sadd.s32 $0x8F2B, s0  }
0xbd: {  	[sflag:s0] =	ssyncadd.remote.s32 $0x1  }
0xbe: {  	_ =	sfence.sel $0xFFFF  }
0xbf: {  	[dreg:$0x0] =	wrdreg $0xFFFFFFFF;
	(pc) =	sbr.abs _section_cstart, $3  }
0xc0: {  	[dreg:$0x1] =	wrdreg $0xFFFFFFFF  }
0xc1: {  	_ =	task.clear_ibuf [dreg:s7], $0x2FFFF;
	_ =	strace $0x9FFFFFFF  }
0xc2: {  	(tm) =	ssettm $0x7FFFFFFF  }
0xc3: {  	_ =	shalt  }
tec
execute0_lowered:
.L_overlay_start_1:
0x0: {  	(tag) =	ssettag $0x1  }
0x1: {  	s0 =	rddreg [dreg:$0x0];
	s1 =	srdreg.scid  }
0x2: {  	s2 =	stileid.u32;
	s5 =	rddreg [dreg:$0x1];
	s10 =	simm.s32 $0x7  }
0x3: {  	s11 =	simm.s32 $0x80;
	s12 =	simm.s32 $0x6400;
	s13 =	simm.s32 $0xA400  }
0x4: {  	s14 =	simm.s32 $0x100;
	s15 =	simm.s32 $0xE400;
	s16 =	simm.s32 $0x1  }
0x5: {  	s17 =	simm.s32 $0x16400;
	s18 =	simm.s32 $0x12400;
	s19 =	simm.s32 $0x2  }
0x6: {  	s20 =	simm.s32 $0x1A400;
	s1 =	sand.u32 $0x1, s1;
	s3 =	sshll.u32 s2, $0x1  }
0x7: {  	s21 =	simm.s32 $0x3;
	s22 =	simm.s32 $0x5;
	s4 =	sor.u32 s1, s3  }
0x8: {  	s23 =	simm.s32 $0x4;
	s24 =	simm.s32 $0x6;
	s3 =	smul.u32 $0xC8, s4  }
.Ltmp0:
0x9: {  	s25 =	simm.s32 $0x0;
	s2 =	simm.s32 $0x0;
	(pc) =	sbr.rel .LBB2_1-.Ltmp0, $4  }
0xa: {  	[smem:$0x7FF] =	sst s2;
	s1 =	ssub.s32 $0x2, s1;
	s6 =	smul.u32 $0xC80, s4  }
0xb: {  	_ =	strace $0x80000047;
	s4 =	sadd.s32 $0xF42E00, s5;
	s7 =	sshrl.u32 s1, $0x1  }
0xc: {  	s5 =	sadd.s32 $0xA00, s5;
	s1 =	ssub.s32 s1, s7;
	s6 =	sadd.s32 s0, s6  }
0xd: {  	s7 =	sor.u32 $0x1, s3;
	s8 =	sor.u32 $0x2, s3;
	s9 =	smax.u32 s1, $0x1  }
.LBB2_12:
0xe: {  	s25 =	sadd.s32 $0x1, s25  }
0xf: {  	_ =	swait.ge [sflag:s22], $0x4000;
	p0 =	sne.s32 s25, s9  }
.Ltmp1:
0x10: {  	[sflag:s22] =	ssyncset.done $0x0;
	(pc) =	sbr.rel @!p0 .LBB2_13-.Ltmp1, $4  }
0x11: {  	[sflag:s22] =	ssyncadd.s32 $0xFFFFC000  }
0x12: {  	_ =	swait.ge [sflag:s24], $0x4000  }
0x13: {  	[sflag:s24] =	ssyncset.done $0x0  }
0x14: {  	[sflag:s24] =	ssyncadd.s32 $0xFFFFC000  }
.LBB2_1:
0x15: {  	[tilespmem:s2], [sflag:$0x7] =	stream.linear.gather [hbm4b:s6+s2], $0x6400, $0x38;
	[tilespmem:$0x1E400] =	vst v63  }
0x16: {  	_ =	swait.ge [sflag:s10], $0x6400  }
0x17: {  	[sflag:s10] =	ssyncset.done $0x0  }
0x18: {  	[sflag:s10] =	ssyncadd.s32 $0xFFFF9C00  }
0x19: {  	[tilespmem:s12], [sflag:$0x1] =	stream.indirect.gather [hbm4b:s4+s11], $0x80, s2, s11, $0xb8;
	[tilespmem:$0x1E400] =	vst v63  }
0x1a: {  	_ = 	snop  }
0x1b: {  	[tilespmem:s13], [sflag:$0x2] =	stream.indirect.gather [hbm4b:s4+s11], $0x80, s11, s11, $0xb8;
	[tilespmem:$0x1E400] =	vst v63  }
0x1c: {  	s26 =	simm.s32 $0x0  }
0x1d: {  	[tilespmem:s15], [sflag:$0x3] =	stream.indirect.gather [hbm4b:s4+s11], $0x80, s14, s11, $0xb8;
	[tilespmem:$0x1E400] =	vst v63  }
.LBB2_2:
0x1e: {  	_ =	swait.ge [sflag:s16], $0x4000  }
0x1f: {  	p0 =	seq.s32 s26, $0x0;
	[sflag:s16] =	ssyncset.done $0x0  }
0x20: {  	s0 =	simm.s32 @!p0 $0x5;
	[sflag:s16] =	ssyncadd.s32 $0xFFFFC000  }
0x21: {  	_ =	swait.ge @!p0 [sflag:s0], $0x4000  }
0x22: {  	[sflag:s0] =	ssyncset.done @!p0 $0x0  }
0x23: {  	s28 =	simm.s32 $0x0;
	[sflag:s0] =	ssyncadd.s32 @!p0 $0xFFFFC000  }
0x24: {  	v0 =	vld [tilespmem:s28+$0x67B0]  }
0x25: {  	v1 =	vld [tilespmem:s28+$0x6400]  }
0x26: {  	v2 =	vld [tilespmem:s28+$0x6410]  }
0x27: {  	v3 =	vld [tilespmem:s28+$0x6420]  }
0x28: {  	v4 =	vld [tilespmem:s28+$0x6430]  }
0x29: {  	v5 =	vld [tilespmem:s28+$0x6480];
	[tilespmem:s28+$0x167B0] =	vst v0  }
0x2a: {  	[tilespmem:s28+$0x16400] =	vst v1;
	v0 =	vld [tilespmem:s28+$0x6490]  }
0x2b: {  	[tilespmem:s28+$0x16410] =	vst v2;
	v1 =	vld [tilespmem:s28+$0x64A0]  }
0x2c: {  	[tilespmem:s28+$0x16420] =	vst v3;
	v2 =	vld [tilespmem:s28+$0x64B0]  }
0x2d: {  	[tilespmem:s28+$0x16430] =	vst v4;
	v3 =	vld [tilespmem:s28+$0x6500]  }
0x2e: {  	[tilespmem:s28+$0x16480] =	vst v5;
	v4 =	vld [tilespmem:s28+$0x6510]  }
0x2f: {  	v5 =	vld [tilespmem:s28+$0x6710];
	[tilespmem:s28+$0x16490] =	vst v0  }
0x30: {  	v0 =	vld [tilespmem:s28+$0x6520];
	[tilespmem:s28+$0x164A0] =	vst v1  }
0x31: {  	v1 =	vld [tilespmem:s28+$0x6530];
	[tilespmem:s28+$0x164B0] =	vst v2  }
0x32: {  	v2 =	vld [tilespmem:s28+$0x6580];
	[tilespmem:s28+$0x16500] =	vst v3  }
0x33: {  	v3 =	vld [tilespmem:s28+$0x6590];
	[tilespmem:s28+$0x16510] =	vst v4  }
0x34: {  	v4 =	vld [tilespmem:s28+$0x65A0];
	[tilespmem:s28+$0x16710] =	vst v5  }
0x35: {  	[tilespmem:s28+$0x16520] =	vst v0;
	v0 =	vld [tilespmem:s28+$0x65B0]  }
0x36: {  	[tilespmem:s28+$0x16530] =	vst v1;
	v1 =	vld [tilespmem:s28+$0x6600]  }
0x37: {  	[tilespmem:s28+$0x16580] =	vst v2;
	v2 =	vld [tilespmem:s28+$0x6610]  }
0x38: {  	[tilespmem:s28+$0x16590] =	vst v3;
	v3 =	vld [tilespmem:s28+$0x6620]  }
0x39: {  	[tilespmem:s28+$0x165A0] =	vst v4;
	v4 =	vld [tilespmem:s28+$0x6630]  }
0x3a: {  	[tilespmem:s28+$0x165B0] =	vst v0;
	v0 =	vld [tilespmem:s28+$0x6680]  }
0x3b: {  	[tilespmem:s28+$0x16600] =	vst v1;
	v1 =	vld [tilespmem:s28+$0x6690]  }
0x3c: {  	[tilespmem:s28+$0x16610] =	vst v2;
	v2 =	vld [tilespmem:s28+$0x66A0]  }
0x3d: {  	[tilespmem:s28+$0x16620] =	vst v3;
	v3 =	vld [tilespmem:s28+$0x66B0]  }
0x3e: {  	[tilespmem:s28+$0x16630] =	vst v4;
	v4 =	vld [tilespmem:s28+$0x6700]  }
0x3f: {  	[tilespmem:s28+$0x16680] =	vst v0;
	v0 =	vld [tilespmem:s28+$0x6720]  }
0x40: {  	[tilespmem:s28+$0x16690] =	vst v1;
	v1 =	vld [tilespmem:s28+$0x6730]  }
0x41: {  	[tilespmem:s28+$0x166A0] =	vst v2;
	v2 =	vld [tilespmem:s28+$0x6780]  }
0x42: {  	[tilespmem:s28+$0x166B0] =	vst v3;
	v3 =	vld [tilespmem:s28+$0x6790]  }
0x43: {  	s29 =	sshll.u32 s26, $0x2;
	s30 =	simm.s32 $0x2000;
	s0 =	simm.s32 $0x400;
	[tilespmem:s28+$0x16700] =	vst v4;
	v4 =	vld [tilespmem:s28+$0x67A0]  }
.LBB2_3:
0x44: {  	p1 =	sne.s32 s30, $0xF000;
	v5 =	vld [tilespmem:s0+$0x67B0];
	[tilespmem:s28+$0x16720] =	vst v0  }
0x45: {  	v0 =	vld [tilespmem:s0+$0x6400];
	[tilespmem:s28+$0x16730] =	vst v1  }
0x46: {  	v1 =	vld [tilespmem:s0+$0x6410];
	[tilespmem:s28+$0x16780] =	vst v2  }
0x47: {  	v2 =	vld [tilespmem:s0+$0x6420];
	[tilespmem:s28+$0x16790] =	vst v3  }
0x48: {  	v3 =	vld [tilespmem:s0+$0x6430];
	[tilespmem:s28+$0x167A0] =	vst v4;
	s28 =	smov.u32 s0  }
0x49: {  	v4 =	vld [tilespmem:s28+$0x6480];
	[tilespmem:s28+$0x167B0] =	vst v5  }
0x4a: {  	[tilespmem:s28+$0x16400] =	vst v0;
	v0 =	vld [tilespmem:s28+$0x6490]  }
0x4b: {  	[tilespmem:s28+$0x16410] =	vst v1;
	v1 =	vld [tilespmem:s28+$0x64A0]  }
0x4c: {  	[tilespmem:s28+$0x16420] =	vst v2;
	v2 =	vld [tilespmem:s28+$0x64B0]  }
0x4d: {  	[tilespmem:s28+$0x16430] =	vst v3;
	v3 =	vld [tilespmem:s28+$0x6500]  }
0x4e: {  	[tilespmem:s28+$0x16480] =	vst v4;
	v4 =	vld [tilespmem:s28+$0x6510]  }
0x4f: {  	[tilespmem:s28+$0x16490] =	vst v0;
	v0 =	vld [tilespmem:s28+$0x6520]  }
0x50: {  	[tilespmem:s28+$0x164A0] =	vst v1;
	v1 =	vld [tilespmem:s28+$0x6530]  }
0x51: {  	[tilespmem:s28+$0x164B0] =	vst v2;
	v2 =	vld [tilespmem:s28+$0x6580]  }
0x52: {  	[tilespmem:s28+$0x16500] =	vst v3;
	v3 =	vld [tilespmem:s28+$0x6590]  }
0x53: {  	[tilespmem:s28+$0x16510] =	vst v4;
	v4 =	vld [tilespmem:s28+$0x65A0]  }
0x54: {  	[tilespmem:s28+$0x16520] =	vst v0;
	v0 =	vld [tilespmem:s28+$0x65B0]  }
0x55: {  	[tilespmem:s28+$0x16530] =	vst v1;
	v1 =	vld [tilespmem:s28+$0x6600]  }
0x56: {  	[tilespmem:s28+$0x16580] =	vst v2;
	v2 =	vld [tilespmem:s28+$0x6610]  }
0x57: {  	[tilespmem:s28+$0x16590] =	vst v3;
	v3 =	vld [tilespmem:s28+$0x6620]  }
0x58: {  	[tilespmem:s28+$0x165A0] =	vst v4;
	v4 =	vld [tilespmem:s28+$0x6630]  }
0x59: {  	[tilespmem:s28+$0x165B0] =	vst v0;
	v0 =	vld [tilespmem:s28+$0x6680]  }
0x5a: {  	[tilespmem:s28+$0x16600] =	vst v1;
	v1 =	vld [tilespmem:s28+$0x6690]  }
0x5b: {  	[tilespmem:s28+$0x16610] =	vst v2;
	v2 =	vld [tilespmem:s28+$0x66A0]  }
0x5c: {  	[tilespmem:s28+$0x16620] =	vst v3;
	v3 =	vld [tilespmem:s28+$0x66B0]  }
0x5d: {  	[tilespmem:s28+$0x16630] =	vst v4;
	v4 =	vld [tilespmem:s28+$0x6700]  }
0x5e: {  	[tilespmem:s28+$0x16680] =	vst v0;
	v5 =	vld [tilespmem:s28+$0x6710]  }
.Ltmp2:
0x5f: {  	[tilespmem:s28+$0x16690] =	vst v1;
	v0 =	vld [tilespmem:s28+$0x6720];
	(pc) =	sbr.rel @p1 .LBB2_3-.Ltmp2, $4  }
0x60: {  	[tilespmem:s28+$0x166A0] =	vst v2;
	v1 =	vld [tilespmem:s28+$0x6730]  }
0x61: {  	[tilespmem:s28+$0x166B0] =	vst v3;
	v2 =	vld [tilespmem:s28+$0x6780]  }
0x62: {  	[tilespmem:s28+$0x16700] =	vst v4;
	v3 =	vld [tilespmem:s28+$0x6790]  }
0x63: {  	s0 =	sshra.s32 s30, $0x2;
	s30 =	sadd.s32 $0x1000, s30;
	[tilespmem:s28+$0x16710] =	vst v5;
	v4 =	vld [tilespmem:s28+$0x67A0]  }
0x64: {  	v5 =	vld [tilespmem:s0+$0x67B0];
	[tilespmem:s28+$0x16720] =	vst v0  }
0x65: {  	v0 =	vld [tilespmem:s0+$0x6400];
	[tilespmem:s28+$0x16730] =	vst v1  }
0x66: {  	v1 =	vld [tilespmem:s0+$0x6410];
	[tilespmem:s28+$0x16780] =	vst v2  }
0x67: {  	v2 =	vld [tilespmem:s0+$0x6420];
	[tilespmem:s28+$0x16790] =	vst v3  }
0x68: {  	v3 =	vld [tilespmem:s0+$0x6430];
	[tilespmem:s28+$0x167A0] =	vst v4  }
0x69: {  	v4 =	vld [tilespmem:s0+$0x6480];
	[tilespmem:s0+$0x167B0] =	vst v5  }
0x6a: {  	[tilespmem:s0+$0x16400] =	vst v0;
	v0 =	vld [tilespmem:s0+$0x6490]  }
0x6b: {  	[tilespmem:s0+$0x16410] =	vst v1;
	v1 =	vld [tilespmem:s0+$0x64A0]  }
0x6c: {  	[tilespmem:s0+$0x16420] =	vst v2;
	v2 =	vld [tilespmem:s0+$0x64B0]  }
0x6d: {  	[tilespmem:s0+$0x16430] =	vst v3;
	v3 =	vld [tilespmem:s0+$0x6500]  }
0x6e: {  	[tilespmem:s0+$0x16480] =	vst v4;
	v4 =	vld [tilespmem:s0+$0x6510]  }
0x6f: {  	[tilespmem:s0+$0x16490] =	vst v0;
	v0 =	vld [tilespmem:s0+$0x6520]  }
0x70: {  	[tilespmem:s0+$0x164A0] =	vst v1;
	v1 =	vld [tilespmem:s0+$0x6530]  }
0x71: {  	[tilespmem:s0+$0x164B0] =	vst v2;
	v2 =	vld [tilespmem:s0+$0x6580]  }
0x72: {  	[tilespmem:s0+$0x16500] =	vst v3;
	v3 =	vld [tilespmem:s0+$0x6590]  }
0x73: {  	[tilespmem:s0+$0x16510] =	vst v4;
	v4 =	vld [tilespmem:s0+$0x65A0]  }
0x74: {  	[tilespmem:s0+$0x16520] =	vst v0;
	v0 =	vld [tilespmem:s0+$0x65B0]  }
0x75: {  	[tilespmem:s0+$0x16530] =	vst v1;
	v1 =	vld [tilespmem:s0+$0x6600]  }
0x76: {  	[tilespmem:s0+$0x16580] =	vst v2;
	v2 =	vld [tilespmem:s0+$0x6610]  }
0x77: {  	[tilespmem:s0+$0x16590] =	vst v3;
	v3 =	vld [tilespmem:s0+$0x6620]  }
0x78: {  	[tilespmem:s0+$0x165A0] =	vst v4;
	v4 =	vld [tilespmem:s0+$0x6630]  }
0x79: {  	[tilespmem:s0+$0x165B0] =	vst v0;
	v0 =	vld [tilespmem:s0+$0x6680]  }
0x7a: {  	[tilespmem:s0+$0x16600] =	vst v1;
	v1 =	vld [tilespmem:s0+$0x6690]  }
0x7b: {  	[tilespmem:s0+$0x16610] =	vst v2;
	v2 =	vld [tilespmem:s0+$0x66A0]  }
0x7c: {  	[tilespmem:s0+$0x16620] =	vst v3;
	v3 =	vld [tilespmem:s0+$0x66B0]  }
0x7d: {  	[tilespmem:s0+$0x16630] =	vst v4;
	v4 =	vld [tilespmem:s0+$0x6700]  }
0x7e: {  	[tilespmem:s0+$0x16680] =	vst v0;
	v0 =	vld [tilespmem:s0+$0x6710]  }
0x7f: {  	[tilespmem:s0+$0x16690] =	vst v1;
	v1 =	vld [tilespmem:s0+$0x6720]  }
0x80: {  	[tilespmem:s0+$0x166A0] =	vst v2;
	v2 =	vld [tilespmem:s0+$0x6730]  }
0x81: {  	[tilespmem:s0+$0x166B0] =	vst v3;
	v3 =	vld [tilespmem:s0+$0x6780]  }
0x82: {  	[tilespmem:s0+$0x16700] =	vst v4;
	v4 =	vld [tilespmem:s0+$0x6790]  }
0x83: {  	[tilespmem:s0+$0x16710] =	vst v0;
	v0 =	vld [tilespmem:s0+$0x67A0]  }
0x84: {  	[tilespmem:s0+$0x16720] =	vst v1  }
0x85: {  	[tilespmem:s0+$0x16730] =	vst v2  }
0x86: {  	s1 =	sadd.s32 s3, s29;
	[tilespmem:s0+$0x16780] =	vst v3  }
0x87: {  	s1 =	sshll.u32 s1, $0xB;
	[tilespmem:s0+$0x16790] =	vst v4  }
0x88: {  	s1 =	sadd.s32 s5, s1;
	s28 =	sor.u32 $0x3, s29;
	[tilespmem:s0+$0x167A0] =	vst v0  }
0x89: {  	[hbm4b:s1+s2] =	stream.linear.scatter [tilespmem:s17], [sflag:$0x5], $0x4000, $0x38;
	[tilespmem:$0x1E400] =	vst v63  }
0x8a: {  	s1 =	sshll.u32 s28, $0x7  }
0x8b: {  	s0 =	sand.u32 $0x3FFFFF80, s1  }
0x8c: {  	[tilespmem:s18], [sflag:$0x4] =	stream.indirect.gather [hbm4b:s4+s11], $0x80, s0, s11, $0xb8;
	[tilespmem:$0x1E400] =	vst v63  }
0x8d: {  	_ =	swait.ge [sflag:s19], $0x4000  }
0x8e: {  	[sflag:s19] =	ssyncset.done $0x0  }
0x8f: {  	s0 =	simm.s32 @!p0 $0x6;
	[sflag:s19] =	ssyncadd.s32 $0xFFFFC000  }
0x90: {  	_ =	swait.ge @!p0 [sflag:s0], $0x4000  }
0x91: {  	[sflag:s0] =	ssyncset.done @!p0 $0x0  }
0x92: {  	s30 =	simm.s32 $0x0;
	[sflag:s0] =	ssyncadd.s32 @!p0 $0xFFFFC000  }
0x93: {  	v0 =	vld [tilespmem:s30+$0xA7B0]  }
0x94: {  	v1 =	vld [tilespmem:s30+$0xA400]  }
0x95: {  	v2 =	vld [tilespmem:s30+$0xA410]  }
0x96: {  	v3 =	vld [tilespmem:s30+$0xA420]  }
0x97: {  	v4 =	vld [tilespmem:s30+$0xA430]  }
0x98: {  	v5 =	vld [tilespmem:s30+$0xA480];
	[tilespmem:s30+$0x1A7B0] =	vst v0  }
0x99: {  	[tilespmem:s30+$0x1A400] =	vst v1;
	v0 =	vld [tilespmem:s30+$0xA490]  }
0x9a: {  	[tilespmem:s30+$0x1A410] =	vst v2;
	v1 =	vld [tilespmem:s30+$0xA4A0]  }
0x9b: {  	[tilespmem:s30+$0x1A420] =	vst v3;
	v2 =	vld [tilespmem:s30+$0xA4B0]  }
0x9c: {  	[tilespmem:s30+$0x1A430] =	vst v4;
	v3 =	vld [tilespmem:s30+$0xA500]  }
0x9d: {  	[tilespmem:s30+$0x1A480] =	vst v5;
	v4 =	vld [tilespmem:s30+$0xA510]  }
0x9e: {  	v5 =	vld [tilespmem:s30+$0xA710];
	[tilespmem:s30+$0x1A490] =	vst v0  }
0x9f: {  	v0 =	vld [tilespmem:s30+$0xA520];
	[tilespmem:s30+$0x1A4A0] =	vst v1  }
0xa0: {  	v1 =	vld [tilespmem:s30+$0xA530];
	[tilespmem:s30+$0x1A4B0] =	vst v2  }
0xa1: {  	v2 =	vld [tilespmem:s30+$0xA580];
	[tilespmem:s30+$0x1A500] =	vst v3  }
0xa2: {  	v3 =	vld [tilespmem:s30+$0xA590];
	[tilespmem:s30+$0x1A510] =	vst v4  }
0xa3: {  	v4 =	vld [tilespmem:s30+$0xA5A0];
	[tilespmem:s30+$0x1A710] =	vst v5  }
0xa4: {  	[tilespmem:s30+$0x1A520] =	vst v0;
	v0 =	vld [tilespmem:s30+$0xA5B0]  }
0xa5: {  	[tilespmem:s30+$0x1A530] =	vst v1;
	v1 =	vld [tilespmem:s30+$0xA600]  }
0xa6: {  	[tilespmem:s30+$0x1A580] =	vst v2;
	v2 =	vld [tilespmem:s30+$0xA610]  }
0xa7: {  	[tilespmem:s30+$0x1A590] =	vst v3;
	v3 =	vld [tilespmem:s30+$0xA620]  }
0xa8: {  	[tilespmem:s30+$0x1A5A0] =	vst v4;
	v4 =	vld [tilespmem:s30+$0xA630]  }
0xa9: {  	[tilespmem:s30+$0x1A5B0] =	vst v0;
	v0 =	vld [tilespmem:s30+$0xA680]  }
0xaa: {  	[tilespmem:s30+$0x1A600] =	vst v1;
	v1 =	vld [tilespmem:s30+$0xA690]  }
0xab: {  	[tilespmem:s30+$0x1A610] =	vst v2;
	v2 =	vld [tilespmem:s30+$0xA6A0]  }
0xac: {  	[tilespmem:s30+$0x1A620] =	vst v3;
	v3 =	vld [tilespmem:s30+$0xA6B0]  }
0xad: {  	[tilespmem:s30+$0x1A630] =	vst v4;
	v4 =	vld [tilespmem:s30+$0xA700]  }
0xae: {  	[tilespmem:s30+$0x1A680] =	vst v0;
	v0 =	vld [tilespmem:s30+$0xA720]  }
0xaf: {  	[tilespmem:s30+$0x1A690] =	vst v1;
	v1 =	vld [tilespmem:s30+$0xA730]  }
0xb0: {  	[tilespmem:s30+$0x1A6A0] =	vst v2;
	v2 =	vld [tilespmem:s30+$0xA780]  }
0xb1: {  	[tilespmem:s30+$0x1A6B0] =	vst v3;
	v3 =	vld [tilespmem:s30+$0xA790]  }
0xb2: {  	s31 =	simm.s32 $0x2000;
	s1 =	simm.s32 $0x400;
	[tilespmem:s30+$0x1A700] =	vst v4;
	v4 =	vld [tilespmem:s30+$0xA7A0]  }
.LBB2_5:
0xb3: {  	p0 =	sne.s32 s31, $0xF000;
	v5 =	vld [tilespmem:s1+$0xA7B0];
	[tilespmem:s30+$0x1A720] =	vst v0  }
0xb4: {  	v0 =	vld [tilespmem:s1+$0xA400];
	[tilespmem:s30+$0x1A730] =	vst v1  }
0xb5: {  	v1 =	vld [tilespmem:s1+$0xA410];
	[tilespmem:s30+$0x1A780] =	vst v2  }
0xb6: {  	v2 =	vld [tilespmem:s1+$0xA420];
	[tilespmem:s30+$0x1A790] =	vst v3  }
0xb7: {  	v3 =	vld [tilespmem:s1+$0xA430];
	[tilespmem:s30+$0x1A7A0] =	vst v4;
	s30 =	smov.u32 s1  }
0xb8: {  	v4 =	vld [tilespmem:s30+$0xA480];
	[tilespmem:s30+$0x1A7B0] =	vst v5  }
0xb9: {  	[tilespmem:s30+$0x1A400] =	vst v0;
	v0 =	vld [tilespmem:s30+$0xA490]  }
0xba: {  	[tilespmem:s30+$0x1A410] =	vst v1;
	v1 =	vld [tilespmem:s30+$0xA4A0]  }
0xbb: {  	[tilespmem:s30+$0x1A420] =	vst v2;
	v2 =	vld [tilespmem:s30+$0xA4B0]  }
0xbc: {  	[tilespmem:s30+$0x1A430] =	vst v3;
	v3 =	vld [tilespmem:s30+$0xA500]  }
0xbd: {  	[tilespmem:s30+$0x1A480] =	vst v4;
	v4 =	vld [tilespmem:s30+$0xA510]  }
0xbe: {  	[tilespmem:s30+$0x1A490] =	vst v0;
	v0 =	vld [tilespmem:s30+$0xA520]  }
0xbf: {  	[tilespmem:s30+$0x1A4A0] =	vst v1;
	v1 =	vld [tilespmem:s30+$0xA530]  }
0xc0: {  	[tilespmem:s30+$0x1A4B0] =	vst v2;
	v2 =	vld [tilespmem:s30+$0xA580]  }
0xc1: {  	[tilespmem:s30+$0x1A500] =	vst v3;
	v3 =	vld [tilespmem:s30+$0xA590]  }
0xc2: {  	[tilespmem:s30+$0x1A510] =	vst v4;
	v4 =	vld [tilespmem:s30+$0xA5A0]  }
0xc3: {  	[tilespmem:s30+$0x1A520] =	vst v0;
	v0 =	vld [tilespmem:s30+$0xA5B0]  }
0xc4: {  	[tilespmem:s30+$0x1A530] =	vst v1;
	v1 =	vld [tilespmem:s30+$0xA600]  }
0xc5: {  	[tilespmem:s30+$0x1A580] =	vst v2;
	v2 =	vld [tilespmem:s30+$0xA610]  }
0xc6: {  	[tilespmem:s30+$0x1A590] =	vst v3;
	v3 =	vld [tilespmem:s30+$0xA620]  }
0xc7: {  	[tilespmem:s30+$0x1A5A0] =	vst v4;
	v4 =	vld [tilespmem:s30+$0xA630]  }
0xc8: {  	[tilespmem:s30+$0x1A5B0] =	vst v0;
	v0 =	vld [tilespmem:s30+$0xA680]  }
0xc9: {  	[tilespmem:s30+$0x1A600] =	vst v1;
	v1 =	vld [tilespmem:s30+$0xA690]  }
0xca: {  	[tilespmem:s30+$0x1A610] =	vst v2;
	v2 =	vld [tilespmem:s30+$0xA6A0]  }
0xcb: {  	[tilespmem:s30+$0x1A620] =	vst v3;
	v3 =	vld [tilespmem:s30+$0xA6B0]  }
0xcc: {  	[tilespmem:s30+$0x1A630] =	vst v4;
	v4 =	vld [tilespmem:s30+$0xA700]  }
0xcd: {  	[tilespmem:s30+$0x1A680] =	vst v0;
	v5 =	vld [tilespmem:s30+$0xA710]  }
.Ltmp3:
0xce: {  	[tilespmem:s30+$0x1A690] =	vst v1;
	v0 =	vld [tilespmem:s30+$0xA720];
	(pc) =	sbr.rel @p0 .LBB2_5-.Ltmp3, $4  }
0xcf: {  	[tilespmem:s30+$0x1A6A0] =	vst v2;
	v1 =	vld [tilespmem:s30+$0xA730]  }
0xd0: {  	[tilespmem:s30+$0x1A6B0] =	vst v3;
	v2 =	vld [tilespmem:s30+$0xA780]  }
0xd1: {  	[tilespmem:s30+$0x1A700] =	vst v4;
	v3 =	vld [tilespmem:s30+$0xA790]  }
0xd2: {  	s1 =	sshra.s32 s31, $0x2;
	s31 =	sadd.s32 $0x1000, s31;
	[tilespmem:s30+$0x1A710] =	vst v5;
	v4 =	vld [tilespmem:s30+$0xA7A0]  }
0xd3: {  	v5 =	vld [tilespmem:s1+$0xA7B0];
	[tilespmem:s30+$0x1A720] =	vst v0  }
0xd4: {  	v0 =	vld [tilespmem:s1+$0xA400];
	[tilespmem:s30+$0x1A730] =	vst v1  }
0xd5: {  	v1 =	vld [tilespmem:s1+$0xA410];
	[tilespmem:s30+$0x1A780] =	vst v2  }
0xd6: {  	v2 =	vld [tilespmem:s1+$0xA420];
	[tilespmem:s30+$0x1A790] =	vst v3  }
0xd7: {  	v3 =	vld [tilespmem:s1+$0xA430];
	[tilespmem:s30+$0x1A7A0] =	vst v4  }
0xd8: {  	v4 =	vld [tilespmem:s1+$0xA480];
	[tilespmem:s1+$0x1A7B0] =	vst v5  }
0xd9: {  	[tilespmem:s1+$0x1A400] =	vst v0;
	v0 =	vld [tilespmem:s1+$0xA490]  }
0xda: {  	[tilespmem:s1+$0x1A410] =	vst v1;
	v1 =	vld [tilespmem:s1+$0xA4A0]  }
0xdb: {  	[tilespmem:s1+$0x1A420] =	vst v2;
	v2 =	vld [tilespmem:s1+$0xA4B0]  }
0xdc: {  	[tilespmem:s1+$0x1A430] =	vst v3;
	v3 =	vld [tilespmem:s1+$0xA500]  }
0xdd: {  	[tilespmem:s1+$0x1A480] =	vst v4;
	v4 =	vld [tilespmem:s1+$0xA510]  }
0xde: {  	[tilespmem:s1+$0x1A490] =	vst v0;
	v0 =	vld [tilespmem:s1+$0xA520]  }
0xdf: {  	[tilespmem:s1+$0x1A4A0] =	vst v1;
	v1 =	vld [tilespmem:s1+$0xA530]  }
0xe0: {  	[tilespmem:s1+$0x1A4B0] =	vst v2;
	v2 =	vld [tilespmem:s1+$0xA580]  }
0xe1: {  	[tilespmem:s1+$0x1A500] =	vst v3;
	v3 =	vld [tilespmem:s1+$0xA590]  }
0xe2: {  	[tilespmem:s1+$0x1A510] =	vst v4;
	v4 =	vld [tilespmem:s1+$0xA5A0]  }
0xe3: {  	[tilespmem:s1+$0x1A520] =	vst v0;
	v0 =	vld [tilespmem:s1+$0xA5B0]  }
0xe4: {  	[tilespmem:s1+$0x1A530] =	vst v1;
	v1 =	vld [tilespmem:s1+$0xA600]  }
0xe5: {  	[tilespmem:s1+$0x1A580] =	vst v2;
	v2 =	vld [tilespmem:s1+$0xA610]  }
0xe6: {  	[tilespmem:s1+$0x1A590] =	vst v3;
	v3 =	vld [tilespmem:s1+$0xA620]  }
0xe7: {  	[tilespmem:s1+$0x1A5A0] =	vst v4;
	v4 =	vld [tilespmem:s1+$0xA630]  }
0xe8: {  	[tilespmem:s1+$0x1A5B0] =	vst v0;
	v0 =	vld [tilespmem:s1+$0xA680]  }
0xe9: {  	[tilespmem:s1+$0x1A600] =	vst v1;
	v1 =	vld [tilespmem:s1+$0xA690]  }
0xea: {  	[tilespmem:s1+$0x1A610] =	vst v2;
	v2 =	vld [tilespmem:s1+$0xA6A0]  }
0xeb: {  	[tilespmem:s1+$0x1A620] =	vst v3;
	v3 =	vld [tilespmem:s1+$0xA6B0]  }
0xec: {  	[tilespmem:s1+$0x1A630] =	vst v4;
	v4 =	vld [tilespmem:s1+$0xA700]  }
0xed: {  	[tilespmem:s1+$0x1A680] =	vst v0;
	v0 =	vld [tilespmem:s1+$0xA710]  }
0xee: {  	[tilespmem:s1+$0x1A690] =	vst v1;
	v1 =	vld [tilespmem:s1+$0xA720]  }
0xef: {  	[tilespmem:s1+$0x1A6A0] =	vst v2;
	v2 =	vld [tilespmem:s1+$0xA730]  }
0xf0: {  	[tilespmem:s1+$0x1A6B0] =	vst v3;
	v3 =	vld [tilespmem:s1+$0xA780]  }
0xf1: {  	[tilespmem:s1+$0x1A700] =	vst v4;
	v4 =	vld [tilespmem:s1+$0xA790]  }
0xf2: {  	[tilespmem:s1+$0x1A710] =	vst v0;
	v0 =	vld [tilespmem:s1+$0xA7A0]  }
0xf3: {  	[tilespmem:s1+$0x1A720] =	vst v1  }
0xf4: {  	s0 =	sadd.s32 s29, s7;
	[tilespmem:s1+$0x1A730] =	vst v2  }
0xf5: {  	s0 =	sshll.u32 s0, $0xB;
	[tilespmem:s1+$0x1A780] =	vst v3  }
0xf6: {  	s0 =	sand.u32 $0x1FFFE800, s0;
	[tilespmem:s1+$0x1A790] =	vst v4  }
0xf7: {  	p0 =	seq.s32 s26, $0x31;
	s0 =	sadd.s32 s5, s0;
	[tilespmem:s1+$0x1A7A0] =	vst v0  }
0xf8: {  	[hbm4b:s0+s2] =	stream.linear.scatter [tilespmem:s20], [sflag:$0x6], $0x4000, $0x38;
	[tilespmem:$0x1E400] =	vst v63  }
0xf9: {  	s0 =	sshll.u32 @!p0 s26, $0x9  }
0xfa: {  	s30 =	sand.u32 @!p0 $0x3FFFFE00, s0  }
0xfb: {  	s31 =	simm.s32 @!p0 $0x6400;
	s1 =	simm.s32 @!p0 $0x80;
	s0 =	sadd.s32 @!p0 $0x200, s30  }
0xfc: {  	[tilespmem:s31], [sflag:$0x1] =	stream.indirect.gather @!p0 [hbm4b:s4+s1], $0x80, s0, s1, $0xb8;
	[tilespmem:$0x1E400] =	vst v63  }
0xfd: {  	_ =	swait.ge [sflag:s21], $0x4000  }
0xfe: {  	[sflag:s21] =	ssyncset.done $0x0  }
0xff: {  	[sflag:s21] =	ssyncadd.s32 $0xFFFFC000  }
0x100: {  	_ =	swait.ge [sflag:s22], $0x4000  }
0x101: {  	[sflag:s22] =	ssyncset.done $0x0  }
0x102: {  	s31 =	simm.s32 $0x0;
	[sflag:s22] =	ssyncadd.s32 $0xFFFFC000  }
0x103: {  	v0 =	vld [tilespmem:s31+$0xE7B0]  }
0x104: {  	v1 =	vld [tilespmem:s31+$0xE400]  }
0x105: {  	v2 =	vld [tilespmem:s31+$0xE410]  }
0x106: {  	v3 =	vld [tilespmem:s31+$0xE420]  }
0x107: {  	v4 =	vld [tilespmem:s31+$0xE430]  }
0x108: {  	v5 =	vld [tilespmem:s31+$0xE480];
	[tilespmem:s31+$0x167B0] =	vst v0  }
0x109: {  	[tilespmem:s31+$0x16400] =	vst v1;
	v0 =	vld [tilespmem:s31+$0xE490]  }
0x10a: {  	[tilespmem:s31+$0x16410] =	vst v2;
	v1 =	vld [tilespmem:s31+$0xE4A0]  }
0x10b: {  	[tilespmem:s31+$0x16420] =	vst v3;
	v2 =	vld [tilespmem:s31+$0xE4B0]  }
0x10c: {  	[tilespmem:s31+$0x16430] =	vst v4;
	v3 =	vld [tilespmem:s31+$0xE500]  }
0x10d: {  	[tilespmem:s31+$0x16480] =	vst v5;
	v4 =	vld [tilespmem:s31+$0xE510]  }
0x10e: {  	v5 =	vld [tilespmem:s31+$0xE710];
	[tilespmem:s31+$0x16490] =	vst v0  }
0x10f: {  	v0 =	vld [tilespmem:s31+$0xE520];
	[tilespmem:s31+$0x164A0] =	vst v1  }
0x110: {  	v1 =	vld [tilespmem:s31+$0xE530];
	[tilespmem:s31+$0x164B0] =	vst v2  }
0x111: {  	v2 =	vld [tilespmem:s31+$0xE580];
	[tilespmem:s31+$0x16500] =	vst v3  }
0x112: {  	v3 =	vld [tilespmem:s31+$0xE590];
	[tilespmem:s31+$0x16510] =	vst v4  }
0x113: {  	v4 =	vld [tilespmem:s31+$0xE5A0];
	[tilespmem:s31+$0x16710] =	vst v5  }
0x114: {  	[tilespmem:s31+$0x16520] =	vst v0;
	v0 =	vld [tilespmem:s31+$0xE5B0]  }
0x115: {  	[tilespmem:s31+$0x16530] =	vst v1;
	v1 =	vld [tilespmem:s31+$0xE600]  }
0x116: {  	[tilespmem:s31+$0x16580] =	vst v2;
	v2 =	vld [tilespmem:s31+$0xE610]  }
0x117: {  	[tilespmem:s31+$0x16590] =	vst v3;
	v3 =	vld [tilespmem:s31+$0xE620]  }
0x118: {  	[tilespmem:s31+$0x165A0] =	vst v4;
	v4 =	vld [tilespmem:s31+$0xE630]  }
0x119: {  	[tilespmem:s31+$0x165B0] =	vst v0;
	v0 =	vld [tilespmem:s31+$0xE680]  }
0x11a: {  	[tilespmem:s31+$0x16600] =	vst v1;
	v1 =	vld [tilespmem:s31+$0xE690]  }
0x11b: {  	[tilespmem:s31+$0x16610] =	vst v2;
	v2 =	vld [tilespmem:s31+$0xE6A0]  }
0x11c: {  	[tilespmem:s31+$0x16620] =	vst v3;
	v3 =	vld [tilespmem:s31+$0xE6B0]  }
0x11d: {  	[tilespmem:s31+$0x16630] =	vst v4;
	v4 =	vld [tilespmem:s31+$0xE700]  }
0x11e: {  	[tilespmem:s31+$0x16680] =	vst v0;
	v0 =	vld [tilespmem:s31+$0xE720]  }
0x11f: {  	[tilespmem:s31+$0x16690] =	vst v1;
	v1 =	vld [tilespmem:s31+$0xE730]  }
0x120: {  	[tilespmem:s31+$0x166A0] =	vst v2;
	v2 =	vld [tilespmem:s31+$0xE780]  }
0x121: {  	[tilespmem:s31+$0x166B0] =	vst v3;
	v3 =	vld [tilespmem:s31+$0xE790]  }
0x122: {  	s0 =	simm.s32 $0x400;
	s1 =	simm.s32 $0x2000;
	[tilespmem:s31+$0x16700] =	vst v4;
	v4 =	vld [tilespmem:s31+$0xE7A0]  }
.LBB2_7:
0x123: {  	p1 =	sne.s32 s1, $0xF000;
	v5 =	vld [tilespmem:s0+$0xE7B0];
	[tilespmem:s31+$0x16720] =	vst v0  }
0x124: {  	v0 =	vld [tilespmem:s0+$0xE400];
	[tilespmem:s31+$0x16730] =	vst v1  }
0x125: {  	v1 =	vld [tilespmem:s0+$0xE410];
	[tilespmem:s31+$0x16780] =	vst v2  }
0x126: {  	v2 =	vld [tilespmem:s0+$0xE420];
	[tilespmem:s31+$0x16790] =	vst v3  }
0x127: {  	v3 =	vld [tilespmem:s0+$0xE430];
	[tilespmem:s31+$0x167A0] =	vst v4;
	s31 =	smov.u32 s0  }
0x128: {  	v4 =	vld [tilespmem:s31+$0xE480];
	[tilespmem:s31+$0x167B0] =	vst v5  }
0x129: {  	[tilespmem:s31+$0x16400] =	vst v0;
	v0 =	vld [tilespmem:s31+$0xE490]  }
0x12a: {  	[tilespmem:s31+$0x16410] =	vst v1;
	v1 =	vld [tilespmem:s31+$0xE4A0]  }
0x12b: {  	[tilespmem:s31+$0x16420] =	vst v2;
	v2 =	vld [tilespmem:s31+$0xE4B0]  }
0x12c: {  	[tilespmem:s31+$0x16430] =	vst v3;
	v3 =	vld [tilespmem:s31+$0xE500]  }
0x12d: {  	[tilespmem:s31+$0x16480] =	vst v4;
	v4 =	vld [tilespmem:s31+$0xE510]  }
0x12e: {  	[tilespmem:s31+$0x16490] =	vst v0;
	v0 =	vld [tilespmem:s31+$0xE520]  }
0x12f: {  	[tilespmem:s31+$0x164A0] =	vst v1;
	v1 =	vld [tilespmem:s31+$0xE530]  }
0x130: {  	[tilespmem:s31+$0x164B0] =	vst v2;
	v2 =	vld [tilespmem:s31+$0xE580]  }
0x131: {  	[tilespmem:s31+$0x16500] =	vst v3;
	v3 =	vld [tilespmem:s31+$0xE590]  }
0x132: {  	[tilespmem:s31+$0x16510] =	vst v4;
	v4 =	vld [tilespmem:s31+$0xE5A0]  }
0x133: {  	[tilespmem:s31+$0x16520] =	vst v0;
	v0 =	vld [tilespmem:s31+$0xE5B0]  }
0x134: {  	[tilespmem:s31+$0x16530] =	vst v1;
	v1 =	vld [tilespmem:s31+$0xE600]  }
0x135: {  	[tilespmem:s31+$0x16580] =	vst v2;
	v2 =	vld [tilespmem:s31+$0xE610]  }
0x136: {  	[tilespmem:s31+$0x16590] =	vst v3;
	v3 =	vld [tilespmem:s31+$0xE620]  }
0x137: {  	[tilespmem:s31+$0x165A0] =	vst v4;
	v4 =	vld [tilespmem:s31+$0xE630]  }
0x138: {  	[tilespmem:s31+$0x165B0] =	vst v0;
	v0 =	vld [tilespmem:s31+$0xE680]  }
0x139: {  	[tilespmem:s31+$0x16600] =	vst v1;
	v1 =	vld [tilespmem:s31+$0xE690]  }
0x13a: {  	[tilespmem:s31+$0x16610] =	vst v2;
	v2 =	vld [tilespmem:s31+$0xE6A0]  }
0x13b: {  	[tilespmem:s31+$0x16620] =	vst v3;
	v3 =	vld [tilespmem:s31+$0xE6B0]  }
0x13c: {  	[tilespmem:s31+$0x16630] =	vst v4;
	v4 =	vld [tilespmem:s31+$0xE700]  }
0x13d: {  	[tilespmem:s31+$0x16680] =	vst v0;
	v5 =	vld [tilespmem:s31+$0xE710]  }
.Ltmp4:
0x13e: {  	[tilespmem:s31+$0x16690] =	vst v1;
	v0 =	vld [tilespmem:s31+$0xE720];
	(pc) =	sbr.rel @p1 .LBB2_7-.Ltmp4, $4  }
0x13f: {  	[tilespmem:s31+$0x166A0] =	vst v2;
	v1 =	vld [tilespmem:s31+$0xE730]  }
0x140: {  	[tilespmem:s31+$0x166B0] =	vst v3;
	v2 =	vld [tilespmem:s31+$0xE780]  }
0x141: {  	[tilespmem:s31+$0x16700] =	vst v4;
	v3 =	vld [tilespmem:s31+$0xE790]  }
0x142: {  	s0 =	sshra.s32 s1, $0x2;
	s1 =	sadd.s32 $0x1000, s1;
	[tilespmem:s31+$0x16710] =	vst v5;
	v4 =	vld [tilespmem:s31+$0xE7A0]  }
0x143: {  	v5 =	vld [tilespmem:s0+$0xE7B0];
	[tilespmem:s31+$0x16720] =	vst v0  }
0x144: {  	v0 =	vld [tilespmem:s0+$0xE400];
	[tilespmem:s31+$0x16730] =	vst v1  }
0x145: {  	v1 =	vld [tilespmem:s0+$0xE410];
	[tilespmem:s31+$0x16780] =	vst v2  }
0x146: {  	v2 =	vld [tilespmem:s0+$0xE420];
	[tilespmem:s31+$0x16790] =	vst v3  }
0x147: {  	v3 =	vld [tilespmem:s0+$0xE430];
	[tilespmem:s31+$0x167A0] =	vst v4  }
0x148: {  	v4 =	vld [tilespmem:s0+$0xE480];
	[tilespmem:s0+$0x167B0] =	vst v5  }
0x149: {  	[tilespmem:s0+$0x16400] =	vst v0;
	v0 =	vld [tilespmem:s0+$0xE490]  }
0x14a: {  	[tilespmem:s0+$0x16410] =	vst v1;
	v1 =	vld [tilespmem:s0+$0xE4A0]  }
0x14b: {  	[tilespmem:s0+$0x16420] =	vst v2;
	v2 =	vld [tilespmem:s0+$0xE4B0]  }
0x14c: {  	[tilespmem:s0+$0x16430] =	vst v3;
	v3 =	vld [tilespmem:s0+$0xE500]  }
0x14d: {  	[tilespmem:s0+$0x16480] =	vst v4;
	v4 =	vld [tilespmem:s0+$0xE510]  }
0x14e: {  	[tilespmem:s0+$0x16490] =	vst v0;
	v0 =	vld [tilespmem:s0+$0xE520]  }
0x14f: {  	[tilespmem:s0+$0x164A0] =	vst v1;
	v1 =	vld [tilespmem:s0+$0xE530]  }
0x150: {  	[tilespmem:s0+$0x164B0] =	vst v2;
	v2 =	vld [tilespmem:s0+$0xE580]  }
0x151: {  	[tilespmem:s0+$0x16500] =	vst v3;
	v3 =	vld [tilespmem:s0+$0xE590]  }
0x152: {  	[tilespmem:s0+$0x16510] =	vst v4;
	v4 =	vld [tilespmem:s0+$0xE5A0]  }
0x153: {  	[tilespmem:s0+$0x16520] =	vst v0;
	v0 =	vld [tilespmem:s0+$0xE5B0]  }
0x154: {  	[tilespmem:s0+$0x16530] =	vst v1;
	v1 =	vld [tilespmem:s0+$0xE600]  }
0x155: {  	[tilespmem:s0+$0x16580] =	vst v2;
	v2 =	vld [tilespmem:s0+$0xE610]  }
0x156: {  	[tilespmem:s0+$0x16590] =	vst v3;
	v3 =	vld [tilespmem:s0+$0xE620]  }
0x157: {  	[tilespmem:s0+$0x165A0] =	vst v4;
	v4 =	vld [tilespmem:s0+$0xE630]  }
0x158: {  	[tilespmem:s0+$0x165B0] =	vst v0;
	v0 =	vld [tilespmem:s0+$0xE680]  }
0x159: {  	[tilespmem:s0+$0x16600] =	vst v1;
	v1 =	vld [tilespmem:s0+$0xE690]  }
0x15a: {  	[tilespmem:s0+$0x16610] =	vst v2;
	v2 =	vld [tilespmem:s0+$0xE6A0]  }
0x15b: {  	[tilespmem:s0+$0x16620] =	vst v3;
	v3 =	vld [tilespmem:s0+$0xE6B0]  }
0x15c: {  	[tilespmem:s0+$0x16630] =	vst v4;
	v4 =	vld [tilespmem:s0+$0xE700]  }
0x15d: {  	[tilespmem:s0+$0x16680] =	vst v0;
	v0 =	vld [tilespmem:s0+$0xE710]  }
0x15e: {  	[tilespmem:s0+$0x16690] =	vst v1;
	v1 =	vld [tilespmem:s0+$0xE720]  }
0x15f: {  	[tilespmem:s0+$0x166A0] =	vst v2;
	v2 =	vld [tilespmem:s0+$0xE730]  }
0x160: {  	[tilespmem:s0+$0x166B0] =	vst v3;
	v3 =	vld [tilespmem:s0+$0xE780]  }
0x161: {  	[tilespmem:s0+$0x16700] =	vst v4;
	v4 =	vld [tilespmem:s0+$0xE790]  }
0x162: {  	[tilespmem:s0+$0x16710] =	vst v0;
	v0 =	vld [tilespmem:s0+$0xE7A0]  }
0x163: {  	[tilespmem:s0+$0x16720] =	vst v1  }
0x164: {  	s1 =	sadd.s32 s29, s8;
	[tilespmem:s0+$0x16730] =	vst v2  }
0x165: {  	s1 =	sshll.u32 s1, $0xB;
	[tilespmem:s0+$0x16780] =	vst v3  }
0x166: {  	s1 =	sand.u32 $0x1FFFF000, s1;
	[tilespmem:s0+$0x16790] =	vst v4  }
0x167: {  	s31 =	sadd.s32 s5, s1;
	[tilespmem:s0+$0x167A0] =	vst v0  }
0x168: {  	[hbm4b:s31+s2] =	stream.linear.scatter [tilespmem:s17], [sflag:$0x5], $0x4000, $0x38;
	[tilespmem:$0x1E400] =	vst v63  }
0x169: {  	s29 =	simm.s32 @!p0 $0xA400;
	s1 =	simm.s32 @!p0 $0x80;
	s0 =	sadd.s32 @!p0 $0x280, s30  }
0x16a: {  	[tilespmem:s29], [sflag:$0x2] =	stream.indirect.gather @!p0 [hbm4b:s4+s1], $0x80, s0, s1, $0xb8;
	[tilespmem:$0x1E400] =	vst v63  }
0x16b: {  	_ =	swait.ge [sflag:s23], $0x4000  }
0x16c: {  	[sflag:s23] =	ssyncset.done $0x0  }
0x16d: {  	[sflag:s23] =	ssyncadd.s32 $0xFFFFC000  }
0x16e: {  	_ =	swait.ge [sflag:s24], $0x4000  }
0x16f: {  	[sflag:s24] =	ssyncset.done $0x0  }
0x170: {  	s29 =	simm.s32 $0x0;
	[sflag:s24] =	ssyncadd.s32 $0xFFFFC000  }
0x171: {  	v0 =	vld [tilespmem:s29+$0x127B0]  }
0x172: {  	v1 =	vld [tilespmem:s29+$0x12400]  }
0x173: {  	v2 =	vld [tilespmem:s29+$0x12410]  }
0x174: {  	v3 =	vld [tilespmem:s29+$0x12420]  }
0x175: {  	v4 =	vld [tilespmem:s29+$0x12430]  }
0x176: {  	v5 =	vld [tilespmem:s29+$0x12480];
	[tilespmem:s29+$0x1A7B0] =	vst v0  }
0x177: {  	[tilespmem:s29+$0x1A400] =	vst v1;
	v0 =	vld [tilespmem:s29+$0x12490]  }
0x178: {  	[tilespmem:s29+$0x1A410] =	vst v2;
	v1 =	vld [tilespmem:s29+$0x124A0]  }
0x179: {  	[tilespmem:s29+$0x1A420] =	vst v3;
	v2 =	vld [tilespmem:s29+$0x124B0]  }
0x17a: {  	[tilespmem:s29+$0x1A430] =	vst v4;
	v3 =	vld [tilespmem:s29+$0x12500]  }
0x17b: {  	[tilespmem:s29+$0x1A480] =	vst v5;
	v4 =	vld [tilespmem:s29+$0x12510]  }
0x17c: {  	v5 =	vld [tilespmem:s29+$0x12710];
	[tilespmem:s29+$0x1A490] =	vst v0  }
0x17d: {  	v0 =	vld [tilespmem:s29+$0x12520];
	[tilespmem:s29+$0x1A4A0] =	vst v1  }
0x17e: {  	v1 =	vld [tilespmem:s29+$0x12530];
	[tilespmem:s29+$0x1A4B0] =	vst v2  }
0x17f: {  	v2 =	vld [tilespmem:s29+$0x12580];
	[tilespmem:s29+$0x1A500] =	vst v3  }
0x180: {  	v3 =	vld [tilespmem:s29+$0x12590];
	[tilespmem:s29+$0x1A510] =	vst v4  }
0x181: {  	v4 =	vld [tilespmem:s29+$0x125A0];
	[tilespmem:s29+$0x1A710] =	vst v5  }
0x182: {  	[tilespmem:s29+$0x1A520] =	vst v0;
	v0 =	vld [tilespmem:s29+$0x125B0]  }
0x183: {  	[tilespmem:s29+$0x1A530] =	vst v1;
	v1 =	vld [tilespmem:s29+$0x12600]  }
0x184: {  	[tilespmem:s29+$0x1A580] =	vst v2;
	v2 =	vld [tilespmem:s29+$0x12610]  }
0x185: {  	[tilespmem:s29+$0x1A590] =	vst v3;
	v3 =	vld [tilespmem:s29+$0x12620]  }
0x186: {  	[tilespmem:s29+$0x1A5A0] =	vst v4;
	v4 =	vld [tilespmem:s29+$0x12630]  }
0x187: {  	[tilespmem:s29+$0x1A5B0] =	vst v0;
	v0 =	vld [tilespmem:s29+$0x12680]  }
0x188: {  	[tilespmem:s29+$0x1A600] =	vst v1;
	v1 =	vld [tilespmem:s29+$0x12690]  }
0x189: {  	[tilespmem:s29+$0x1A610] =	vst v2;
	v2 =	vld [tilespmem:s29+$0x126A0]  }
0x18a: {  	[tilespmem:s29+$0x1A620] =	vst v3;
	v3 =	vld [tilespmem:s29+$0x126B0]  }
0x18b: {  	[tilespmem:s29+$0x1A630] =	vst v4;
	v4 =	vld [tilespmem:s29+$0x12700]  }
0x18c: {  	[tilespmem:s29+$0x1A680] =	vst v0;
	v0 =	vld [tilespmem:s29+$0x12720]  }
0x18d: {  	[tilespmem:s29+$0x1A690] =	vst v1;
	v1 =	vld [tilespmem:s29+$0x12730]  }
0x18e: {  	[tilespmem:s29+$0x1A6A0] =	vst v2;
	v2 =	vld [tilespmem:s29+$0x12780]  }
0x18f: {  	[tilespmem:s29+$0x1A6B0] =	vst v3;
	v3 =	vld [tilespmem:s29+$0x12790]  }
0x190: {  	s0 =	simm.s32 $0x400;
	s1 =	simm.s32 $0x2000;
	[tilespmem:s29+$0x1A700] =	vst v4;
	v4 =	vld [tilespmem:s29+$0x127A0]  }
.LBB2_9:
0x191: {  	p1 =	sne.s32 s1, $0xF000;
	v5 =	vld [tilespmem:s0+$0x127B0];
	[tilespmem:s29+$0x1A720] =	vst v0  }
0x192: {  	v0 =	vld [tilespmem:s0+$0x12400];
	[tilespmem:s29+$0x1A730] =	vst v1  }
0x193: {  	v1 =	vld [tilespmem:s0+$0x12410];
	[tilespmem:s29+$0x1A780] =	vst v2  }
0x194: {  	v2 =	vld [tilespmem:s0+$0x12420];
	[tilespmem:s29+$0x1A790] =	vst v3  }
0x195: {  	v3 =	vld [tilespmem:s0+$0x12430];
	[tilespmem:s29+$0x1A7A0] =	vst v4;
	s29 =	smov.u32 s0  }
0x196: {  	v4 =	vld [tilespmem:s29+$0x12480];
	[tilespmem:s29+$0x1A7B0] =	vst v5  }
0x197: {  	[tilespmem:s29+$0x1A400] =	vst v0;
	v0 =	vld [tilespmem:s29+$0x12490]  }
0x198: {  	[tilespmem:s29+$0x1A410] =	vst v1;
	v1 =	vld [tilespmem:s29+$0x124A0]  }
0x199: {  	[tilespmem:s29+$0x1A420] =	vst v2;
	v2 =	vld [tilespmem:s29+$0x124B0]  }
0x19a: {  	[tilespmem:s29+$0x1A430] =	vst v3;
	v3 =	vld [tilespmem:s29+$0x12500]  }
0x19b: {  	[tilespmem:s29+$0x1A480] =	vst v4;
	v4 =	vld [tilespmem:s29+$0x12510]  }
0x19c: {  	[tilespmem:s29+$0x1A490] =	vst v0;
	v0 =	vld [tilespmem:s29+$0x12520]  }
0x19d: {  	[tilespmem:s29+$0x1A4A0] =	vst v1;
	v1 =	vld [tilespmem:s29+$0x12530]  }
0x19e: {  	[tilespmem:s29+$0x1A4B0] =	vst v2;
	v2 =	vld [tilespmem:s29+$0x12580]  }
0x19f: {  	[tilespmem:s29+$0x1A500] =	vst v3;
	v3 =	vld [tilespmem:s29+$0x12590]  }
0x1a0: {  	[tilespmem:s29+$0x1A510] =	vst v4;
	v4 =	vld [tilespmem:s29+$0x125A0]  }
0x1a1: {  	[tilespmem:s29+$0x1A520] =	vst v0;
	v0 =	vld [tilespmem:s29+$0x125B0]  }
0x1a2: {  	[tilespmem:s29+$0x1A530] =	vst v1;
	v1 =	vld [tilespmem:s29+$0x12600]  }
0x1a3: {  	[tilespmem:s29+$0x1A580] =	vst v2;
	v2 =	vld [tilespmem:s29+$0x12610]  }
0x1a4: {  	[tilespmem:s29+$0x1A590] =	vst v3;
	v3 =	vld [tilespmem:s29+$0x12620]  }
0x1a5: {  	[tilespmem:s29+$0x1A5A0] =	vst v4;
	v4 =	vld [tilespmem:s29+$0x12630]  }
0x1a6: {  	[tilespmem:s29+$0x1A5B0] =	vst v0;
	v0 =	vld [tilespmem:s29+$0x12680]  }
0x1a7: {  	[tilespmem:s29+$0x1A600] =	vst v1;
	v1 =	vld [tilespmem:s29+$0x12690]  }
0x1a8: {  	[tilespmem:s29+$0x1A610] =	vst v2;
	v2 =	vld [tilespmem:s29+$0x126A0]  }
0x1a9: {  	[tilespmem:s29+$0x1A620] =	vst v3;
	v3 =	vld [tilespmem:s29+$0x126B0]  }
0x1aa: {  	[tilespmem:s29+$0x1A630] =	vst v4;
	v4 =	vld [tilespmem:s29+$0x12700]  }
0x1ab: {  	[tilespmem:s29+$0x1A680] =	vst v0;
	v5 =	vld [tilespmem:s29+$0x12710]  }
.Ltmp5:
0x1ac: {  	[tilespmem:s29+$0x1A690] =	vst v1;
	v0 =	vld [tilespmem:s29+$0x12720];
	(pc) =	sbr.rel @p1 .LBB2_9-.Ltmp5, $4  }
0x1ad: {  	[tilespmem:s29+$0x1A6A0] =	vst v2;
	v1 =	vld [tilespmem:s29+$0x12730]  }
0x1ae: {  	[tilespmem:s29+$0x1A6B0] =	vst v3;
	v2 =	vld [tilespmem:s29+$0x12780]  }
0x1af: {  	[tilespmem:s29+$0x1A700] =	vst v4;
	v3 =	vld [tilespmem:s29+$0x12790]  }
0x1b0: {  	s0 =	sshra.s32 s1, $0x2;
	s1 =	sadd.s32 $0x1000, s1;
	[tilespmem:s29+$0x1A710] =	vst v5;
	v4 =	vld [tilespmem:s29+$0x127A0]  }
0x1b1: {  	v5 =	vld [tilespmem:s0+$0x127B0];
	[tilespmem:s29+$0x1A720] =	vst v0  }
0x1b2: {  	v0 =	vld [tilespmem:s0+$0x12400];
	[tilespmem:s29+$0x1A730] =	vst v1  }
0x1b3: {  	v1 =	vld [tilespmem:s0+$0x12410];
	[tilespmem:s29+$0x1A780] =	vst v2  }
0x1b4: {  	v2 =	vld [tilespmem:s0+$0x12420];
	[tilespmem:s29+$0x1A790] =	vst v3  }
0x1b5: {  	v3 =	vld [tilespmem:s0+$0x12430];
	[tilespmem:s29+$0x1A7A0] =	vst v4  }
0x1b6: {  	v4 =	vld [tilespmem:s0+$0x12480];
	[tilespmem:s0+$0x1A7B0] =	vst v5  }
0x1b7: {  	v38 =	vld [tilespmem:s0+$0x12490];
	[tilespmem:s0+$0x1A400] =	vst v0  }
0x1b8: {  	v39 =	vld [tilespmem:s0+$0x124A0];
	[tilespmem:s0+$0x1A410] =	vst v1  }
0x1b9: {  	v40 =	vld [tilespmem:s0+$0x124B0];
	[tilespmem:s0+$0x1A420] =	vst v2  }
0x1ba: {  	v41 =	vld [tilespmem:s0+$0x12500];
	[tilespmem:s0+$0x1A430] =	vst v3  }
0x1bb: {  	v42 =	vld [tilespmem:s0+$0x12510];
	[tilespmem:s0+$0x1A480] =	vst v4  }
0x1bc: {  	v43 =	vld [tilespmem:s0+$0x12520];
	[tilespmem:s0+$0x1A490] =	vst v38  }
0x1bd: {  	v44 =	vld [tilespmem:s0+$0x12530];
	[tilespmem:s0+$0x1A4A0] =	vst v39  }
0x1be: {  	v45 =	vld [tilespmem:s0+$0x12580];
	[tilespmem:s0+$0x1A4B0] =	vst v40  }
0x1bf: {  	v46 =	vld [tilespmem:s0+$0x12590];
	[tilespmem:s0+$0x1A500] =	vst v41  }
0x1c0: {  	v47 =	vld [tilespmem:s0+$0x125A0];
	[tilespmem:s0+$0x1A510] =	vst v42  }
0x1c1: {  	v48 =	vld [tilespmem:s0+$0x125B0];
	[tilespmem:s0+$0x1A520] =	vst v43  }
0x1c2: {  	v49 =	vld [tilespmem:s0+$0x12600];
	[tilespmem:s0+$0x1A530] =	vst v44  }
0x1c3: {  	v50 =	vld [tilespmem:s0+$0x12610];
	[tilespmem:s0+$0x1A580] =	vst v45  }
0x1c4: {  	v51 =	vld [tilespmem:s0+$0x12620];
	[tilespmem:s0+$0x1A590] =	vst v46  }
0x1c5: {  	v52 =	vld [tilespmem:s0+$0x12630];
	[tilespmem:s0+$0x1A5A0] =	vst v47  }
0x1c6: {  	v53 =	vld [tilespmem:s0+$0x12680];
	[tilespmem:s0+$0x1A5B0] =	vst v48  }
0x1c7: {  	v54 =	vld [tilespmem:s0+$0x12690];
	[tilespmem:s0+$0x1A600] =	vst v49  }
0x1c8: {  	v55 =	vld [tilespmem:s0+$0x126A0];
	[tilespmem:s0+$0x1A610] =	vst v50  }
0x1c9: {  	v56 =	vld [tilespmem:s0+$0x126B0];
	[tilespmem:s0+$0x1A620] =	vst v51  }
0x1ca: {  	v57 =	vld [tilespmem:s0+$0x12700];
	[tilespmem:s0+$0x1A630] =	vst v52  }
0x1cb: {  	v58 =	vld [tilespmem:s0+$0x12710];
	[tilespmem:s0+$0x1A680] =	vst v53  }
0x1cc: {  	v59 =	vld [tilespmem:s0+$0x12720];
	[tilespmem:s0+$0x1A690] =	vst v54  }
0x1cd: {  	v60 =	vld [tilespmem:s0+$0x12730];
	[tilespmem:s0+$0x1A6A0] =	vst v55  }
0x1ce: {  	v61 =	vld [tilespmem:s0+$0x12780];
	[tilespmem:s0+$0x1A6B0] =	vst v56  }
0x1cf: {  	v62 =	vld [tilespmem:s0+$0x12790];
	[tilespmem:s0+$0x1A700] =	vst v57  }
0x1d0: {  	v63 =	vld [tilespmem:s0+$0x127A0];
	[tilespmem:s0+$0x1A710] =	vst v58  }
0x1d1: {  	[tilespmem:s0+$0x1A720] =	vst v59  }
.Ltmp6:
0x1d2: {  	s1 =	sadd.s32 s3, s28;
	[tilespmem:s0+$0x1A730] =	vst v60;
	(pc) =	sbr.rel @p0 .LBB2_12-.Ltmp6, $4  }
0x1d3: {  	s1 =	sshll.u32 s1, $0xB;
	[tilespmem:s0+$0x1A780] =	vst v61  }
0x1d4: {  	s1 =	sand.u32 $0x1FFFF800, s1;
	[tilespmem:s0+$0x1A790] =	vst v62  }
0x1d5: {  	s31 =	sadd.s32 s5, s1;
	[tilespmem:s0+$0x1A7A0] =	vst v63  }
0x1d6: {  	[hbm4b:s31+s2] =	stream.linear.scatter [tilespmem:s20], [sflag:$0x6], $0x4000, $0x38;
	[tilespmem:$0x1E400] =	vst v63  }
.Ltmp7:
0x1d7: {  	(pc) =	sbr.rel .LBB2_2-.Ltmp7, $4  }
0x1d8: {  	s0 =	sshll.u32 s26, $0x9  }
0x1d9: {  	s0 =	sand.u32 $0x3FFFFE00, s0  }
0x1da: {  	s26 =	sadd.s32 $0x1, s26;
	s0 =	sadd.s32 $0x300, s0  }
0x1db: {  	[tilespmem:s15], [sflag:$0x3] =	stream.indirect.gather [hbm4b:s4+s11], $0x80, s0, s11, $0xb8;
	[tilespmem:$0x1E400] =	vst v63  }
.LBB2_13:
0x1dc: {  	_ =	sfence.sel $0x180000  }
0x1dd: {  	[bflag:$0x0] =	sbarrier.arrive $0xFFFF  }
0x1de: {  	_ =	strace $0x90000047  }
0x1df: {  	s0 =	stileid.u32;
	[bflag:$0x2] =	sbarrier.arrive $0xFFFF  }
0x1e0: {  	p0 =	sne.s32 s0, $0x0;
	s0 =	rddreg [dreg:$0x2]  }
0x1e1: {  	s0 =	sadd.s32 @!p0 $0x100000, s0  }
0x1e2: {  	[sflag:s0] =	ssyncadd.tile.s32 @!p0 $0x1;
	_ =	shalt  }
.Lfunc_end2:
_tile_overlayer_lowered:
.L_overlay_start_2:
0x1e3: {  	(tag) =	ssettag $0x2  }
0x1e4: {  	s0 =	rddreg [dreg:$0x0];
	s2 =	stileid.u32  }
0x1e5: {  	s1 =	rddreg [dreg:$0x1];
	p0 =	sne.s32 s2, $0x0  }
0x1e6: {  	s3 =	rddreg [dreg:$0x2];
	[bflag:$0x3] =	sbarrier.arrive $0xFFFF;
	s2 =	simm.s32 @!p0 $0x1C07  }
0x1e7: {  	[timem:s3], [sflag:s2] =	dma.local @!p0 [hbm:s0], s1  }
0x1e8: {  	s0 =	simm.s32 @!p0 $0x7  }
0x1e9: {  	_ =	swait.ge @!p0 [sflag:s0], s1  }
0x1ea: {  	s1 =	ssub.s32 @!p0 $0x0, s1;
	[sflag:s0] =	ssyncset.done @!p0 $0x0  }
0x1eb: {  	[sflag:s0] =	ssyncadd.s32 @!p0 s1  }
0x1ec: {  	[bflag:$0x3] =	sbarrier.arrive $0xFFFF  }
0x1ed: {  	_ =	shalt  }

// kernel: sparse-core-data-format-call.cloned.1.call-start
scs
called_computation_lowered:
.L_overlay_start_0:
0x0: {  	s2 =	sld [smem:$0x3FD9]  }
0x1: {  	s3 =	sld [smem:$0x3FFE];
	_ =	sdelay $0x1  }
0x2: {  	s1 =	srdreg.scid  }
0x3: {  	s0 =	sand.u32 $0x1, s1  }
0x4: {  	s18 =	sshll.u32 s0, $0xA;
	s2 =	sadd.s32 s3, s2  }
0x5: {  	s2 =	sadd.s32 s2, s18  }
0x6: {  	[smem:$0x3FC6] =	sst s2  }
0x7: {  	_ = 	snop  }
0x8: {  	s2 =	sld [smem:$0x3FD0];
	(tm) =	ssettm $0x1  }
0x9: {  	s19 =	sld [smem:$0x3FFB];
	_ =	sdelay $0x3  }
0xa: {  	_ =	strace s19  }
0xb: {  	s3 =	sld [smem:$0x3FFC];
	_ =	sdelay $0x3  }
0xc: {  	_ =	strace s3  }
0xd: {  	s3 =	sld [smem:$0x3FFD];
	_ =	sdelay $0x3  }
0xe: {  	_ =	strace s3  }
0xf: {  	_ =	strace $0x8FFFFFFF  }
0x10: {  	s20 =	sld [smem:$0x3FDB];
	_ =	sdelay $0x1  }
0x11: {  	s4 =	simm.s32 $_scs_section_size  }
0x12: {  	s5 =	simm.s32 $_size__tile_overlayer_lowered;
	s6 =	simm.s32 $_tile_overlayer_lowered  }
0x13: {  	s23 =	simm.s32 $0x1BFF;
	s22 =	sshll.u32 s6, $0x1;
	s3 =	sadd.s32 s4, s20  }
0x14: {  	s7 =	simm.s32 $0x0;
	s21 =	sshll.u32 s5, $0x1;
	s5 =	sadd.s32 s22, s3  }
0x15: {  	[timem:s7], [sflag:s23] =	dma.local [hbm:s5], s21  }
0x16: {  	_ =	swait.ge [sflag:s23], s21  }
0x17: {  	s4 =	ssub.s32 $0x0, s21;
	[sflag:s23] =	ssyncset.done $0x0  }
0x18: {  	[sflag:s23] =	ssyncadd.s32 s4;
	_ =	sdelay $0x1  }
0x19: {  	s24 =	simm.s32 $0x1B8B  }
0x1a: {  	_ =	swait.ge [sflag:s24], $0x1  }
0x1b: {  	[sflag:s24] =	ssyncset.done $0x0  }
0x1c: {  	s26 =	simm.s32 $0x1B8E;
	s25 =	sld [smem:$0x3FFE];
	[sflag:s24] =	ssyncadd.s32 $0xFFFFFFFF  }
0x1d: {  	s27 =	simm.s32 $execute0_lowered;
	[smem:$0x3FD2] =	sst s26  }
0x1e: {  	s5 =	sshll.u32 s27, $0x1;
	_ =	strace $0x80000049;
	[dreg:$0x1] =	wrdreg $0xFFFFFFFF  }
0x1f: {  	s28 =	simm.s32 $_size_execute0_lowered;
	s3 =	sadd.s32 s3, s5;
	[dreg:$0x0] =	wrdreg $0x0  }
0x20: {  	s5 =	sshll.u32 s28, $0x1;
	[dreg:$0x2] =	wrdreg s3  }
0x21: {  	[dreg:$0x3] =	wrdreg s5  }
0x22: {  	[dreg:$0x4] =	wrdreg $0xC0  }
0x23: {  	_ =	task [dreg:s7], $0x5FFFF  }
0x24: {  	[dreg:$0x1] =	wrdreg $0xFFFFFFFF  }
0x25: {  	[dreg:$0x0] =	wrdreg $0x60  }
0x26: {  	[dreg:$0x2] =	wrdreg s25  }
0x27: {  	[dreg:$0x3] =	wrdreg s2  }
0x28: {  	[dreg:$0x4] =	wrdreg $0x9  }
0x29: {  	_ =	task.clear_ibuf [dreg:s7], $0x5FFFF;
	_ =	strace $0x90000049  }
0x2a: {  	s29 =	simm.s32 $0x9;
	_ =	strace $0x8000004B  }
0x2b: {  	_ =	swait.ge [sflag:s29], $0x1  }
0x2c: {  	[sflag:s29] =	ssyncadd.s32 $0xFFFFFFFF  }
0x2d: {  	_ =	strace $0x9000004B  }
0x2e: {  	_ =	sfence  }
0x2f: {  	s30 =	sld [smem:$0x0];
	_ =	sdelay $0x2  }
0x30: {  	s31 =	sshll.u32 s1, $0xD;
	s1 =	sshrl.u32 s1, $0x2  }
0x31: {  	s3 =	sand.u32 $0x4000, s31;
	s1 =	sadd.s32 s1, s30  }
0x32: {  	s0 =	sor.u32 s3, s0;
	s1 =	sshll.u32 s1, $0x11  }
0x33: {  	s0 =	sor.u32 s1, s0  }
0x34: {  	s0 =	sadd.s32 $0x8F2B, s0  }
0x35: {  	[sflag:s0] =	ssyncadd.remote.s32 $0x1  }
0x36: {  	_ =	sfence.sel $0xFFFF  }
0x37: {  	[dreg:$0x0] =	wrdreg $0xFFFFFFFF;
	(pc) =	sbr.abs _section_cstart, $3  }
0x38: {  	[dreg:$0x1] =	wrdreg $0xFFFFFFFF  }
0x39: {  	_ =	task.clear_ibuf [dreg:s7], $0x2FFFF;
	_ =	strace $0x9FFFFFFF  }
0x3a: {  	(tm) =	ssettm $0x7FFFFFFF  }
0x3b: {  	_ =	shalt  }
tec
execute0_lowered:
.L_overlay_start_1:
0x0: {  	(tag) =	ssettag $0x1  }
0x1: {  	s0 =	srdreg.scid  }
0x2: {  	s1 =	sshll.u32 s0, $0x4  }
0x3: {  	s0 =	stileid.u32;
	s1 =	sand.u32 $0x10, s1  }
0x4: {  	s1 =	sor.u32 s0, s1  }
0x5: {  	s6 =	rddreg [dreg:$0x0];
	s4 =	simm.s32 $0x1;
	s2 =	sshll.u32 s1, $0x7  }
0x6: {  	s7 =	simm.s32 $0x2;
	s12 =	simm.s32 $0x0;
	s1 =	ssub.s32 $0x1000, s2  }
0x7: {  	s8 =	simm.s32 $0x8000;
	s13 =	simm.s32 $0x0;
	s3 =	sand.u32 $0xF80, s1  }
0x8: {  	s9 =	simm.s32 $0x0;
	s5 =	sshrl.u32 s1, $0xC;
	p0 =	sne.s32 s3, $0x0  }
.Ltmp0:
0x9: {  	s1 =	rddreg [dreg:$0x2];
	s4 =	simm.s32 @!p0 $0x0;
	(pc) =	sbr.rel .LBB1_1-.Ltmp0, $4  }
0xa: {  	s11 =	simm.s32 $0x0;
	s3 =	rddreg [dreg:$0x1];
	s5 =	sadd.s32 s4, s5  }
0xb: {  	_ =	strace $0x8000004A;
	s4 =	simm.s32 $0x1;
	s5 =	smul.u32 $0xC8, s5  }
0xc: {  	s6 =	sadd.s32 $0xA00, s6;
	s10 =	smov.u32 s2;
	[sflag:s4] =	ssyncpa.u1 $0x0  }
0xd: {  	p0 =	por $0x0, $0x0;
	[sflag:s7] =	ssyncpa.u1 $0x0;
	s7 =	sor.u32 $0x1, s5  }
.LBB1_4:
0xe: {  	s16 =	sshll.u32 s13, $0x3;
	s17 =	sand.u32 $0x78, s13  }
0xf: {  	s30 =	sand.u32 $0x7E00, s13;
	s12 =	sshll.u32 s12, $0xF;
	s16 =	sand.u32 $0xC00, s16  }
0x10: {  	[tilespmem:s15+$0x810 ss:$0x81] =	vst.msk $0xffff, v2;
	s31 =	sand.u32 $0x7, s13;
	s16 =	sor.u32 s17, s16;
	s17 =	sadd.s32 s3, s30  }
0x11: {  	[tilespmem:s15+$0x1020 ss:$0x81] =	vst.msk $0xffff, v0;
	s13 =	sshll.u32 s31, $0x12;
	s12 =	sadd.s32 s12, s17;
	s16 =	sshrl.u32 s16, $0x3  }
0x12: {  	[tilespmem:s15+$0x0 ss:$0x81] =	vst.msk $0xffff, v1;
	s13 =	sor.u32 $0x400, s13;
	s12 =	sadd.s32 s16, s12  }
0x13: {  	[hbm4b:s12+s13] =	stream.strided.scatter [tilespmem:s14], [sflag:$0x2], $0x2000, s8, s13, $0x20;
	[tilespmem:$0x8080] =	vst v63  }
.LBB1_5:
0x14: {  	s14 =	sadd.s32 $0x1, s9  }
0x15: {  	s12 =	sadd.s32 $0x1000, s10;
	s16 =	smov.u32 s10;
	p2 =	sgt.s32 s14, $0xC7  }
0x16: {  	s16 =	smov.u32 @p2 s12  }
0x17: {  	s14 =	simm.s32 @p2 $0x0;
	p2 =	sgt.s32 s16, $0xFFF  }
0x18: {  	s16 =	smov.u32 @p2 s2;
	p2 =	sne.s32 s11, s7  }
.Ltmp1:
0x19: {  	p1 =	slt.u32 s11, $0x2;
	(pc) =	sbr.rel @!p2 .LBB1_6-.Ltmp1, $4  }
0x1a: {  	s15 =	simm.s32 @!p1 $0x2  }
0x1b: {  	s13 =	smov.u32 s10;
	p0 =	por !p0, !p0;
	_ =	swait.ge @!p1 [sflag:s15], $0x2000  }
0x1c: {  	s12 =	smov.u32 s9;
	[sflag:s15] =	ssyncset.done @!p1 $0x0;
	s9 =	smov.u32 s14  }
0x1d: {  	s11 =	sadd.s32 $0x1, s11;
	[sflag:s15] =	ssyncadd.s32 @!p1 $0xFFFFE000;
	s10 =	smov.u32 s16  }
.LBB1_1:
0x1e: {  	p1 =	sge.u32 s11, s5  }
0x1f: {  	s14 =	sand.u32 @!p1 $0x1FFFFFF, s9  }
0x20: {  	s15 =	smulhi.u32 @!p1 $0x147AE15, s14;
	_ =	sdelay $0x1  }
0x21: {  	s15 =	smul.u32 @!p1 $0xC8, s15  }
0x22: {  	s16 =	sxor.u32 @!p1 $0xFFFFFFFF, s11;
	s17 =	smul.u32 @!p1 $0xC80, s10  }
0x23: {  	s31 =	sadd.s32 $0xFFFFFFFF, s11;
	s16 =	sshll.u32 @!p1 s16, $0xD;
	s14 =	ssub.s32 @!p1 s14, s15  }
0x24: {  	s15 =	sand.u32 @!p1 $0x2000, s16;
	s16 =	sadd.s32 @!p1 s6, s17;
	s14 =	sshll.u32 @!p1 s14, $0x4  }
0x25: {  	s17 =	simm.s32 @!p1 $0x6400;
	s14 =	sadd.s32 @!p1 s14, s16;
	s16 =	simm.s32 @!p1 $0x40  }
0x26: {  	[tilespmem:s15], [sflag:$0x1] =	stream.strided.gather @!p1 [hbm4b:s14+s16], $0x2000, s17, s16, $0x38;
	[tilespmem:$0x8080] =	vst v63  }
0x27: {  	p1 =	sge.u32 s31, s5  }
.Ltmp2:
0x28: {  	_ = 	snop;
	(pc) =	sbr.rel @p1 .LBB1_5-.Ltmp2, $1  }
0x29: {  	_ =	sdelay $0x3  }
0x2a: {  	s14 =	simm.s32 $0x1  }
0x2b: {  	_ =	swait.ge [sflag:s4], $0x2000;
	s14 =	simm.s32 @!p0 $0x0  }
0x2c: {  	[sflag:s4] =	ssyncset.done $0x0;
	s15 =	sshll.u32 s14, $0xD  }
0x2d: {  	[sflag:s4] =	ssyncadd.s32 $0xFFFFE000;
	s18 =	sor.u32 $0x20, s15  }
0x2e: {  	s14 =	smul.u32 $0x8100, s14;
	v3 =	vld [tilespmem:s18+$0x10]  }
0x2f: {  	s30 =	sand.u32 $0x1, s11;
	v2 =	vld [tilespmem:s18+$0xFFFFFFF0]  }
0x30: {  	s15 =	smul.u32 $0x8100, s30;
	s14 =	sshrl.u32 s14, $0x2;
	v0 =	vld [tilespmem:s18+$0x0]  }
0x31: {  	v1 =	vld [tilespmem:s18+$0xFFFFFFE0];
	s16 =	sor.u32 $0x4000, s14  }
0x32: {  	s31 =	sshrl.u32 s15, $0x2;
	s15 =	sadd.s32 $0x0, s16  }
0x33: {  	s17 =	simm.s32 $0x4;
	s18 =	sadd.s32 $0x40, s18;
	s14 =	sor.u32 $0x4000, s31;
	[tilespmem:s15+$0x1830 ss:$0x81] =	vst.msk $0xffff, v3  }
.LBB1_3:
0x34: {  	v3 =	vld [tilespmem:s18+$0x10];
	p1 =	sne.s32 s17, $0x1FC;
	[tilespmem:s15+$0x810 ss:$0x81] =	vst.msk $0xffff, v2;
	s19 =	smov.u32 s17;
	s17 =	sadd.s32 $0x4, s17  }
.Ltmp3:
0x35: {  	v2 =	vld [tilespmem:s18+$0xFFFFFFF0];
	[tilespmem:s15+$0x1020 ss:$0x81] =	vst.msk $0xffff, v0;
	(pc) =	sbr.rel @p1 .LBB1_3-.Ltmp3, $4  }
0x36: {  	v0 =	vld [tilespmem:s18+$0x0];
	[tilespmem:s15+$0x0 ss:$0x81] =	vst.msk $0xffff, v1  }
0x37: {  	s15 =	sshra.s32 s19, $0x2;
	v1 =	vld [tilespmem:s18+$0xFFFFFFE0]  }
0x38: {  	s15 =	sadd.s32 s15, s16  }
0x39: {  	s18 =	sadd.s32 $0x40, s18;
	[tilespmem:s15+$0x1830 ss:$0x81] =	vst.msk $0xffff, v3  }
.Ltmp4:
0x3a: {  	_ = 	snop;
	(pc) =	sbr.rel .LBB1_4-.Ltmp4, $1  }
0x3b: {  	_ =	sdelay $0x3  }
.LBB1_6:
0x3c: {  	_ =	sfence.sel $0x180000  }
0x3d: {  	s2 =	simm.s32 $0x1;
	[bflag:$0x0] =	sbarrier.arrive $0xFFFF  }
0x3e: {  	s31 =	simm.s32 $0x2;
	[sflag:s2] =	ssyncpa.u1 $0x1  }
0x3f: {  	[sflag:s31] =	ssyncpa.u1 $0x1  }
0x40: {  	p0 =	sne.s32 s0, $0x0;
	_ =	strace $0x9000004A  }
0x41: {  	s0 =	sadd.s32 @!p0 $0x100000, s1;
	[bflag:$0x2] =	sbarrier.arrive $0xFFFF  }
0x42: {  	[sflag:s0] =	ssyncadd.tile.s32 @!p0 $0x1;
	_ =	shalt  }
.Lfunc_end1:
_tile_overlayer_lowered:
.L_overlay_start_2:
0x43: {  	(tag) =	ssettag $0x2  }
0x44: {  	s0 =	rddreg [dreg:$0x0];
	s2 =	stileid.u32  }
0x45: {  	s1 =	rddreg [dreg:$0x1];
	p0 =	sne.s32 s2, $0x0  }
0x46: {  	s3 =	rddreg [dreg:$0x2];
	[bflag:$0x3] =	sbarrier.arrive $0xFFFF;
	s2 =	simm.s32 @!p0 $0x1C01  }
0x47: {  	[timem:s3], [sflag:s2] =	dma.local @!p0 [hbm:s0], s1  }
0x48: {  	s0 =	simm.s32 @!p0 $0x1  }
0x49: {  	_ =	swait.ge @!p0 [sflag:s0], s1  }
0x4a: {  	s1 =	ssub.s32 @!p0 $0x0, s1;
	[sflag:s0] =	ssyncset.done @!p0 $0x0  }
0x4b: {  	[sflag:s0] =	ssyncadd.s32 @!p0 s1  }
0x4c: {  	[bflag:$0x3] =	sbarrier.arrive $0xFFFF  }
0x4d: {  	_ =	shalt  }

</sc_bundles>
